<compile_context>
chip_gen: v7x
topology: tpu7x:2x2x1
jax: 0.10.2.dev20260603
libtpu: 0.0.44.dev20260713+nightly
codegen_flags: <defaults>
</compile_context>

<pallas_src>
import functools

import jax
import jax.numpy as jnp
from jax import lax
from jax.experimental import pallas as pl
from jax.experimental.pallas import tpu as pltpu
from jax.experimental.pallas import tpu_sc as plsc

_N = 10000
_E = 320000
_F = 128
_K = 128
_NC = 2
_NS = 16
_NW = _NC * _NS
_DCPB = 4
_DNBLK = _E // (_K * _DCPB)
_DBPT = _DNBLK // _NW
_DXTRA = _DNBLK - _DBPT * _NW
_ACPB = 2
_ANBLK = _E // (_K * _ACPB)
_ABPT = _ANBLK // _NW
_AXTRA = _ANBLK - _ABPT * _NW
_NP = 10240
_ROWS = _NP // _NS



@functools.cache
def _deg_call():
    return pl.kernel(
        _deg_body,
        mesh=plsc.VectorSubcoreMesh(core_axis_name="c", subcore_axis_name="s"),
        out_type=jax.ShapeDtypeStruct((_NC, _NP), jnp.float32),
        scratch_types=[
            pltpu.VMEM((_DCPB, _K), jnp.int32),
            pltpu.VMEM((_DCPB, _K), jnp.int32),
            pltpu.VMEM((_K,), jnp.float32),
            pltpu.VMEM_SHARED((_NP,), jnp.float32),
            pltpu.SemaphoreType.DMA,
            pltpu.SemaphoreType.DMA,
            pltpu.SemaphoreType.DMA,
            pltpu.SemaphoreType.DMA,
        ],
    )


def _deg_body(dst3_hbm, z1_hbm, ones1_hbm, out_hbm,
              dA, dB, ones_v, deg_sh, s0, s1, s2, s3):
    c = lax.axis_index("c")
    s = lax.axis_index("s")
    wid = s * _NC + c
    ssems = (s0, s1, s2, s3)
    pltpu.sync_copy(ones1_hbm, ones_v)
    pltpu.sync_copy(z1_hbm.at[pl.ds(s * _ROWS, _ROWS)],
                    deg_sh.at[pl.ds(s * _ROWS, _ROWS)])
    plsc.subcore_barrier()
    npairs = jnp.where(wid < _DXTRA, (_DBPT + 1) // 2, (_DBPT + 1) // 2 - 1)

    def blkid(i):
        return wid + i * _NW

    def fire(ebuf, j):
        pltpu.async_copy(ones_v, deg_sh.at[ebuf.at[j]], ssems[j], add=True)

    def drain(ebuf, j):
        pltpu.make_async_copy(ones_v, deg_sh.at[ebuf.at[j]], ssems[j]).wait()

    pltpu.sync_copy(dst3_hbm.at[blkid(0)], dA)

    def pair_body(p, carry):
        @pl.when(p > 0)
        def _():
            for j in range(_DCPB):
                drain(dB, j)
        for j in range(_DCPB):
            fire(dA, j)
        pltpu.sync_copy(dst3_hbm.at[blkid(2 * p + 1)], dB)
        for j in range(_DCPB):
            drain(dA, j)
            fire(dB, j)

        @pl.when(p + 1 < npairs)
        def _():
            pltpu.sync_copy(dst3_hbm.at[blkid(2 * p + 2)], dA)
        return carry

    lax.fori_loop(0, npairs, pair_body, 0)
    for j in range(_DCPB):
        drain(dB, j)

    @pl.when(wid >= _DXTRA)
    def _():
        pltpu.sync_copy(dst3_hbm.at[blkid(_DBPT - 1)], dA)
        for j in range(_DCPB):
            fire(dA, j)
        for j in range(_DCPB):
            drain(dA, j)

    plsc.subcore_barrier()
    pltpu.sync_copy(deg_sh.at[pl.ds(s * _ROWS, _ROWS)],
                    out_hbm.at[c, pl.ds(s * _ROWS, _ROWS)])


@functools.cache
def _agg_call():
    return pl.kernel(
        _agg_body,
        mesh=plsc.VectorSubcoreMesh(core_axis_name="c", subcore_axis_name="s"),
        out_type=jax.ShapeDtypeStruct((_NC, _NP, _F), jnp.float32),
        scratch_types=[
            pltpu.VMEM((2 * _ACPB, _K), jnp.int32),
            pltpu.VMEM((2 * _ACPB, _K), jnp.int32),
            pltpu.VMEM((_ACPB, _K, _F), jnp.float32),
            pltpu.VMEM_SHARED((_NP, _F), jnp.float32),
            pltpu.SemaphoreType.DMA,
            pltpu.SemaphoreType.DMA,
            pltpu.SemaphoreType.DMA,
            pltpu.SemaphoreType.DMA,
        ],
    )


def _agg_body(hs_hbm, eidx_hbm, z128_hbm, out_hbm,
              eA, eB, msg_v, agg_sh, g0, g1, s0, s1):
    c = lax.axis_index("c")
    s = lax.axis_index("s")
    wid = s * _NC + c
    gsems = (g0, g1)
    ssems = (s0, s1)
    pltpu.sync_copy(z128_hbm.at[pl.ds(s * _ROWS, _ROWS)],
                    agg_sh.at[pl.ds(s * _ROWS, _ROWS)])
    plsc.subcore_barrier()
    npairs = jnp.where(wid < _AXTRA, (_ABPT + 1) // 2, (_ABPT + 1) // 2 - 1)

    def blkid(i):
        return wid + i * _NW

    def gfire(ebuf, j):
        pltpu.async_copy(hs_hbm.at[ebuf.at[2 * j]], msg_v.at[j], gsems[j])

    def gdrain(ebuf, j):
        pltpu.make_async_copy(hs_hbm.at[ebuf.at[2 * j]], msg_v.at[j],
                              gsems[j]).wait()

    def sfire(ebuf, j):
        pltpu.async_copy(msg_v.at[j], agg_sh.at[ebuf.at[2 * j + 1]],
                         ssems[j], add=True)

    def sdrain(ebuf, j):
        pltpu.make_async_copy(msg_v.at[j], agg_sh.at[ebuf.at[2 * j + 1]],
                              ssems[j]).wait()

    pltpu.sync_copy(eidx_hbm.at[blkid(0)], eA)

    def pair_body(p, carry):
        @pl.when(p > 0)
        def _():
            for j in range(_ACPB):
                sdrain(eB, j)
        for j in range(_ACPB):
            gfire(eA, j)
        pltpu.sync_copy(eidx_hbm.at[blkid(2 * p + 1)], eB)
        for j in range(_ACPB):
            gdrain(eA, j)
            sfire(eA, j)
        for j in range(_ACPB):
            sdrain(eA, j)
            gfire(eB, j)

        @pl.when(p + 1 < npairs)
        def _():
            pltpu.sync_copy(eidx_hbm.at[blkid(2 * p + 2)], eA)
        for j in range(_ACPB):
            gdrain(eB, j)
            sfire(eB, j)
        return carry

    lax.fori_loop(0, npairs, pair_body, 0)
    for j in range(_ACPB):
        sdrain(eB, j)

    @pl.when(wid >= _AXTRA)
    def _():
        pltpu.sync_copy(eidx_hbm.at[blkid(_ABPT - 1)], eA)
        for j in range(_ACPB):
            gfire(eA, j)
        for j in range(_ACPB):
            gdrain(eA, j)
            sfire(eA, j)
        for j in range(_ACPB):
            sdrain(eA, j)

    plsc.subcore_barrier()
    pltpu.sync_copy(agg_sh.at[pl.ds(s * _ROWS, _ROWS)],
                    out_hbm.at[c, pl.ds(s * _ROWS, _ROWS)])



_B = 1000


def _mm_body(x_ref, w_ref, h_ref):
    h_ref[...] = jnp.dot(x_ref[...], w_ref[...],
                         preferred_element_type=jnp.float32,
                         precision=lax.Precision.HIGHEST)


def _scale_body(h_ref, d0_ref, d1_ref, hs_ref, hsel_ref, dinv_ref):
    dinv = lax.rsqrt(d0_ref[0] + d1_ref[0] + 1.0)
    h = h_ref[...]
    hs_ref[...] = h * dinv
    hsel_ref[...] = h * dinv * dinv
    dinv_ref[...] = dinv


def _mid_body(a0_ref, a1_ref, hsel_ref, dinv_ref, b_ref, w_ref,
              hs_ref, hselo_ref):
    dinv = dinv_ref[...]
    y = jnp.maximum(dinv * (a0_ref[0] + a1_ref[0]) + hsel_ref[...]
                    + b_ref[...], 0.0)
    h = jnp.dot(y, w_ref[...],
                preferred_element_type=jnp.float32,
                precision=lax.Precision.HIGHEST)
    hs_ref[...] = h * dinv
    hselo_ref[...] = h * dinv * dinv


def _final_body(a0_ref, a1_ref, hsel_ref, dinv_ref, b_ref, out_ref):
    z = (dinv_ref[...] * (a0_ref[0] + a1_ref[0]) + hsel_ref[...]
         + b_ref[...])
    m = jnp.max(z, axis=-1, keepdims=True)
    lse = jnp.log(jnp.sum(jnp.exp(z - m), axis=-1, keepdims=True)) + m
    out_ref[...] = z - lse


def _row_spec(width):
    return pl.BlockSpec((_B, width), lambda i: (i, 0))


def _part_spec(width, part):
    return pl.BlockSpec((1, _B, width), lambda i, _p=part: (_p, i, 0))


def _full_spec(shape):
    return pl.BlockSpec(shape, lambda i: (0,) * len(shape))


_mm_call = pl.pallas_call(
    _mm_body,
    grid=(_N // _B,),
    in_specs=[_row_spec(_F), _full_spec((_F, _F))],
    out_specs=_row_spec(_F),
    out_shape=jax.ShapeDtypeStruct((_N, _F), jnp.float32),
)

_scale_call = pl.pallas_call(
    _scale_body,
    grid=(_N // _B,),
    in_specs=[_row_spec(_F), _part_spec(1, 0), _part_spec(1, 1)],
    out_specs=[_row_spec(_F), _row_spec(_F), _row_spec(1)],
    out_shape=[
        jax.ShapeDtypeStruct((_N, _F), jnp.float32),
        jax.ShapeDtypeStruct((_N, _F), jnp.float32),
        jax.ShapeDtypeStruct((_N, 1), jnp.float32),
    ],
)

_mid_call = pl.pallas_call(
    _mid_body,
    grid=(_N // _B,),
    in_specs=[_part_spec(_F, 0), _part_spec(_F, 1), _row_spec(_F),
              _row_spec(1), _full_spec((1, _F)), _full_spec((_F, _F))],
    out_specs=[_row_spec(_F), _row_spec(_F)],
    out_shape=[
        jax.ShapeDtypeStruct((_N, _F), jnp.float32),
        jax.ShapeDtypeStruct((_N, _F), jnp.float32),
    ],
)

_final_call = pl.pallas_call(
    _final_body,
    grid=(_N // _B,),
    in_specs=[_part_spec(_F, 0), _part_spec(_F, 1), _row_spec(_F),
              _row_spec(1), _full_spec((1, _F))],
    out_specs=_row_spec(_F),
    out_shape=jax.ShapeDtypeStruct((_N, _F), jnp.float32),
)



def kernel(x, edge_index, W1, b1, W2, b2, W3, b3):
    src = edge_index[0]
    dst = edge_index[1]
    srcm = src.reshape(_E // _K, _K)
    dstm = dst.reshape(_E // _K, _K)
    eidx3 = jnp.stack([srcm, dstm], axis=1).reshape(_ANBLK, 2 * _ACPB, _K)
    dst3 = dstm.reshape(_DNBLK, _DCPB, _K)
    z1 = jnp.zeros((_NP,), jnp.float32)
    z128 = jnp.zeros((_NP, _F), jnp.float32)
    ones1 = jnp.ones((_K,), jnp.float32)

    degp = _deg_call()(dst3, z1, ones1)
    h1 = _mm_call(x, W1)
    degp3 = degp[:, :, None]
    hs, hsel, dinv = _scale_call(h1, degp3, degp3)

    aggp = _agg_call()(hs, eidx3, z128)
    hs, hsel = _mid_call(aggp, aggp, hsel, dinv, b1.reshape(1, _F), W2)
    aggp = _agg_call()(hs, eidx3, z128)
    hs, hsel = _mid_call(aggp, aggp, hsel, dinv, b2.reshape(1, _F), W3)
    aggp = _agg_call()(hs, eidx3, z128)
    return _final_call(aggp, aggp, hsel, dinv, b3.reshape(1, _F))

# --- scband reference (transcript-rebuilt; emitter-appended) ---
"""Pipeline reference for scband-gcn-bnln-32238024523885 (READ-ONLY COPY).

The authoritative reference and input builder live on the scoring server;
editing this copy changes nothing except your own understanding.
"""

import jax, jax.numpy as jnp
import numpy as np

N = 10000
E = 320000
D = 128
H = 128
O = 128


def setup_inputs(seed: int = 0):
    key = jax.random.key(seed)
    ks = jax.random.split(key, 8)
    x = jax.random.normal(ks[0], (N, D), dtype=jnp.float32)
    edge_index = jax.random.randint(ks[1], (2, E), 0, N, dtype=jnp.int32)
    W1 = jax.random.normal(ks[2], (D, H), dtype=jnp.float32) / np.sqrt(D)
    b1 = jnp.zeros((H,), dtype=jnp.float32)
    W2 = jax.random.normal(ks[3], (H, H), dtype=jnp.float32) / np.sqrt(H)
    b2 = jnp.zeros((H,), dtype=jnp.float32)
    W3 = jax.random.normal(ks[4], (H, O), dtype=jnp.float32) / np.sqrt(H)
    b3 = jnp.zeros((O,), dtype=jnp.float32)
    return {"x": x, "edge_index": edge_index, "W1": W1, "b1": b1, "W2": W2, "b2": b2, "W3": W3, "b3": b3}


def gcn_conv(x, edge_index, W, b):
    # GCNConv: x' = D^{-1/2} (A + I) D^{-1/2} (x W) + b, with self loops included in degree
    src = edge_index[0]
    dst = edge_index[1]
    h = x @ W
    deg = jnp.zeros((N,), dtype=h.dtype).at[dst].add(1.0) + 1.0  # +1 for self loop
    dinv = jnp.where(deg > 0, 1.0 / jnp.sqrt(deg), 0.0)
    norm = dinv[src] * dinv[dst]
    agg = jnp.zeros_like(h).at[dst].add(h[src] * norm[:, None])
    agg = agg + h * (dinv * dinv)[:, None]  # self-loop messages
    return agg + b


def reference(x, edge_index, W1, b1, W2, b2, W3, b3):
    # layer 1 (conv -> relu -> dropout[eval=identity])
    h = jax.nn.relu(gcn_conv(x, edge_index, W1, b1))
    # layer 2
    h = jax.nn.relu(gcn_conv(h, edge_index, W2, b2))
    # final conv + log_softmax
    h = gcn_conv(h, edge_index, W3, b3)
    return jax.nn.log_softmax(h, axis=-1)

if __name__ == "__main__":
    import jax
    _d = setup_inputs()
    print(jax.jit(kernel)(*tuple(_d.values())))

</pallas_src>

<mosaic_0001>
#map = affine_map<(d0, d1) -> (0, 0)>
#map1 = affine_map<(d0, d1) -> (0, 0, 0)>
module attributes {stable_mosaic.version = 14 : i64} {
  func.func @_agg_body(%arg0: i32, %arg1: i32, %arg2: memref<10000x128xf32, #tpu.memory_space<hbm>>, %arg3: memref<1250x4x128xi32, #tpu.memory_space<hbm>>, %arg4: memref<10240x128xf32, #tpu.memory_space<hbm>>, %arg5: memref<2x10240x128xf32, #tpu.memory_space<hbm>>, %arg6: memref<4x128xi32, #tpu.memory_space<vmem>>, %arg7: memref<4x128xi32, #tpu.memory_space<vmem>>, %arg8: memref<2x128x128xf32, #tpu.memory_space<vmem>>, %arg9: memref<10240x128xf32, #tpu.memory_space<vmem_shared>>, %arg10: memref<!tpu.dma_semaphore, #tpu.memory_space<semaphore_mem>>, %arg11: memref<!tpu.dma_semaphore, #tpu.memory_space<semaphore_mem>>, %arg12: memref<!tpu.dma_semaphore, #tpu.memory_space<semaphore_mem>>, %arg13: memref<!tpu.dma_semaphore, #tpu.memory_space<semaphore_mem>>) attributes {dimension_semantics = [#tpu.dimension_semantics<core_parallel>, #tpu.dimension_semantics<subcore_parallel>], iteration_bounds = array<i64: 2, 16>, scalar_prefetch = 0 : i64, scratch_operands = 8 : i64, tpu.core_type = #tpu.core_type<sc_vector_subcore>, window_params = [{transform_indices = #map}, {transform_indices = #map1}, {transform_indices = #map}, {transform_indices = #map1}]} {
    %mul3A = arith.constant 2 : i32
    %mul3A_0 = arith.muli %arg1, %mul3A : i32
    %add3A = arith.addi %mul3A_0, %arg0 : i32
    %mul3A_1 = arith.constant 640 : i32
    %mul3A_2 = arith.muli %arg1, %mul3A_1 : i32
    %mul3A_3 = arith.constant 640 : i32
    %mul3A_4 = arith.muli %arg1, %mul3A_3 : i32
    "tpu.region"() ({
      %run_scoped3A = tpu.sem_alloc : memref<!tpu.dma_semaphore, #tpu.memory_space<semaphore_mem>>
      %dma_start3A = arith.constant 0 : i32
      %dma_start3A_48 = tpu.memref_slice %arg9[%mul3A_4, %dma_start3A] : memref<10240x128xf32, #tpu.memory_space<vmem_shared>> -> memref<640x128xf32, #tpu.memory_space<vmem_shared>>
      %dma_start3A_49 = arith.constant 0 : i32
      %dma_start3A_50 = tpu.memref_slice %arg4[%mul3A_2, %dma_start3A_49] : memref<10240x128xf32, #tpu.memory_space<hbm>> -> memref<640x128xf32, #tpu.memory_space<hbm>>
      tpu.enqueue_dma source(%dma_start3A_50 : memref<640x128xf32, #tpu.memory_space<hbm>>) target(%dma_start3A_48 : memref<640x128xf32, #tpu.memory_space<vmem_shared>>) target_semaphore(%run_scoped3A : memref<!tpu.dma_semaphore, #tpu.memory_space<semaphore_mem>>)
      %dma_wait3A_51 = arith.constant 0 : i32
      %dma_wait3A_52 = tpu.memref_slice %arg9[%mul3A_4, %dma_wait3A_51] : memref<10240x128xf32, #tpu.memory_space<vmem_shared>> -> memref<640x128xf32, #tpu.memory_space<vmem_shared>>
      %dma_wait3A_53 = arith.constant 0 : i32
      %dma_wait3A_54 = tpu.memref_slice %arg4[%mul3A_2, %dma_wait3A_53] : memref<10240x128xf32, #tpu.memory_space<hbm>> -> memref<640x128xf32, #tpu.memory_space<hbm>>
      tpu.wait_dma2 semaphore(%run_scoped3A : memref<!tpu.dma_semaphore, #tpu.memory_space<semaphore_mem>>) src(%dma_wait3A_54 : memref<640x128xf32, #tpu.memory_space<hbm>>) dst(%dma_wait3A_52 : memref<640x128xf32, #tpu.memory_space<vmem_shared>>)
      tpu.yield
    }) : () -> ()
    %barrier3A = arith.constant 0 : index
    tpu.barrier barrier_id(%barrier3A)
    %lt3A = arith.constant 2 : i32
    %lt3A_5 = arith.cmpi slt, %add3A, %lt3A : i32
    %jit3A = arith.constant 20 : i32
    %jit3A_6 = arith.constant 19 : i32
    %select_n3A = arith.select %lt3A_5, %jit3A, %jit3A_6 : i32
    %add3A_7 = arith.constant 0 : i32
    %add3A_8 = arith.addi %add3A, %add3A_7 : i32
    "tpu.region"() ({
      %run_scoped3A = tpu.sem_alloc : memref<!tpu.dma_semaphore, #tpu.memory_space<semaphore_mem>>
      %dma_start3A = arith.constant 0 : i32
      %dma_start3A_48 = arith.constant 0 : i32
      %dma_start3A_49 = tpu.memref_slice %arg3[%add3A_8, %dma_start3A, %dma_start3A_48] : memref<1250x4x128xi32, #tpu.memory_space<hbm>> -> memref<1x4x128xi32, #tpu.memory_space<hbm>>
      %dma_start3A_50 = tpu.memref_squeeze %dma_start3A_49 : memref<1x4x128xi32, #tpu.memory_space<hbm>> -> memref<4x128xi32, #tpu.memory_space<hbm>>
      %dma_start3A_51 = arith.constant 0 : i32
      %dma_start3A_52 = arith.constant 0 : i32
      %dma_start3A_53 = tpu.memref_slice %arg3[%add3A_8, %dma_start3A_51, %dma_start3A_52] : memref<1250x4x128xi32, #tpu.memory_space<hbm>> -> memref<1x4x128xi32, #tpu.memory_space<hbm>>
      %dma_start3A_54 = tpu.memref_squeeze %dma_start3A_53 : memref<1x4x128xi32, #tpu.memory_space<hbm>> -> memref<4x128xi32, #tpu.memory_space<hbm>>
      tpu.enqueue_dma source(%dma_start3A_54 : memref<4x128xi32, #tpu.memory_space<hbm>>) target(%arg6 : memref<4x128xi32, #tpu.memory_space<vmem>>) target_semaphore(%run_scoped3A : memref<!tpu.dma_semaphore, #tpu.memory_space<semaphore_mem>>)
      %dma_wait3A_55 = arith.constant 0 : i32
      %dma_wait3A_56 = arith.constant 0 : i32
      %dma_wait3A_57 = tpu.memref_slice %arg3[%add3A_8, %dma_wait3A_55, %dma_wait3A_56] : memref<1250x4x128xi32, #tpu.memory_space<hbm>> -> memref<1x4x128xi32, #tpu.memory_space<hbm>>
      %dma_wait3A_58 = tpu.memref_squeeze %dma_wait3A_57 : memref<1x4x128xi32, #tpu.memory_space<hbm>> -> memref<4x128xi32, #tpu.memory_space<hbm>>
      %dma_wait3A_59 = arith.constant 0 : i32
      %dma_wait3A_60 = arith.constant 0 : i32
      %dma_wait3A_61 = tpu.memref_slice %arg3[%add3A_8, %dma_wait3A_59, %dma_wait3A_60] : memref<1250x4x128xi32, #tpu.memory_space<hbm>> -> memref<1x4x128xi32, #tpu.memory_space<hbm>>
      %dma_wait3A_62 = tpu.memref_squeeze %dma_wait3A_61 : memref<1x4x128xi32, #tpu.memory_space<hbm>> -> memref<4x128xi32, #tpu.memory_space<hbm>>
      tpu.wait_dma2 semaphore(%run_scoped3A : memref<!tpu.dma_semaphore, #tpu.memory_space<semaphore_mem>>) src(%dma_wait3A_62 : memref<4x128xi32, #tpu.memory_space<hbm>>) dst(%arg6 : memref<4x128xi32, #tpu.memory_space<vmem>>)
      tpu.yield
    }) : () -> ()
    %while3A = arith.constant 0 : i32
    %while3A_9 = arith.constant 0 : i32
    %while3A_10 = arith.subi %select_n3A, %while3A_9 : i32
    %while3A_11 = arith.addi %while3A_9, %while3A_10 : i32
    %while3A_12 = arith.constant 1 : i32
    %while3A_13 = arith.divsi %while3A_10, %while3A_12 : i32
    %while3A_14 = arith.muli %while3A_13, %while3A_12 : i32
    %while3A_15 = arith.addi %while3A_9, %while3A_14 : i32
    %while3A_16 = arith.constant 1 : i32
    scf.for %while3A_48 = %while3A_9 to %while3A_15 step %while3A_16  : i32 {
      %gt3A = arith.constant 0 : i32
      %gt3A_49 = arith.cmpi sgt, %while3A_48, %gt3A : i32
      %convert_element_type3A_50 = arith.extui %gt3A_49 : i1 to i32
      %cond3A_51 = arith.constant 0 : i32
      %cond3A_52 = arith.cmpi ne, %convert_element_type3A_50, %cond3A_51 : i32
      scf.if %cond3A_52 {
        %dma_wait3A_233 = arith.constant 0 : i32
        %dma_wait3A_234 = arith.constant 1 : i32
        %dma_wait3A_235 = arith.constant 0 : i32
        %dma_wait3A_236 = arith.constant 0 : i32
        %dma_wait3A_237 = tpu.memref_slice %arg8[%dma_wait3A_233, %dma_wait3A_235, %dma_wait3A_236] : memref<2x128x128xf32, #tpu.memory_space<vmem>> -> memref<1x128x128xf32, #tpu.memory_space<vmem>>
        %dma_wait3A_238 = tpu.memref_squeeze %dma_wait3A_237 : memref<1x128x128xf32, #tpu.memory_space<vmem>> -> memref<128x128xf32, #tpu.memory_space<vmem>>
        %dma_wait3A_239 = arith.constant 0 : i32
        %dma_wait3A_240 = tpu.memref_slice %arg7[%dma_wait3A_234, %dma_wait3A_239] : memref<4x128xi32, #tpu.memory_space<vmem>> -> memref<1x128xi32, #tpu.memory_space<vmem>>
        %dma_wait3A_241 = tpu.memref_squeeze %dma_wait3A_240 : memref<1x128xi32, #tpu.memory_space<vmem>> -> memref<128xi32, #tpu.memory_space<vmem>>
        %dma_wait3A_242 = arith.constant 0 : i32
        %dma_wait3A_243 = arith.constant 0 : i32
        %dma_wait3A_244 = tpu.memref_slice %arg9[%dma_wait3A_242, %dma_wait3A_243] : memref<10240x128xf32, #tpu.memory_space<vmem_shared>> -> memref<10240x128xf32, #tpu.memory_space<vmem_shared>>
        tpu.wait_indirect_dma semaphore(%arg12 : memref<!tpu.dma_semaphore, #tpu.memory_space<semaphore_mem>>) src(%dma_wait3A_238 : memref<128x128xf32, #tpu.memory_space<vmem>>) dst(%dma_wait3A_244 : memref<10240x128xf32, #tpu.memory_space<vmem_shared>>)
        %dma_wait3A_245 = arith.constant 1 : i32
        %dma_wait3A_246 = arith.constant 3 : i32
        %dma_wait3A_247 = arith.constant 0 : i32
        %dma_wait3A_248 = arith.constant 0 : i32
        %dma_wait3A_249 = tpu.memref_slice %arg8[%dma_wait3A_245, %dma_wait3A_247, %dma_wait3A_248] : memref<2x128x128xf32, #tpu.memory_space<vmem>> -> memref<1x128x128xf32, #tpu.memory_space<vmem>>
        %dma_wait3A_250 = tpu.memref_squeeze %dma_wait3A_249 : memref<1x128x128xf32, #tpu.memory_space<vmem>> -> memref<128x128xf32, #tpu.memory_space<vmem>>
        %dma_wait3A_251 = arith.constant 0 : i32
        %dma_wait3A_252 = tpu.memref_slice %arg7[%dma_wait3A_246, %dma_wait3A_251] : memref<4x128xi32, #tpu.memory_space<vmem>> -> memref<1x128xi32, #tpu.memory_space<vmem>>
        %dma_wait3A_253 = tpu.memref_squeeze %dma_wait3A_252 : memref<1x128xi32, #tpu.memory_space<vmem>> -> memref<128xi32, #tpu.memory_space<vmem>>
        %dma_wait3A_254 = arith.constant 0 : i32
        %dma_wait3A_255 = arith.constant 0 : i32
        %dma_wait3A_256 = tpu.memref_slice %arg9[%dma_wait3A_254, %dma_wait3A_255] : memref<10240x128xf32, #tpu.memory_space<vmem_shared>> -> memref<10240x128xf32, #tpu.memory_space<vmem_shared>>
        tpu.wait_indirect_dma semaphore(%arg13 : memref<!tpu.dma_semaphore, #tpu.memory_space<semaphore_mem>>) src(%dma_wait3A_250 : memref<128x128xf32, #tpu.memory_space<vmem>>) dst(%dma_wait3A_256 : memref<10240x128xf32, #tpu.memory_space<vmem_shared>>)
      } else {
      }
      %dma_start3A = arith.constant 0 : i32
      %dma_start3A_53 = arith.constant 0 : i32
      %dma_start3A_54 = arith.constant 0 : i32
      %dma_start3A_55 = arith.constant 0 : i32
      %dma_start3A_56 = tpu.memref_slice %arg8[%dma_start3A_53, %dma_start3A_54, %dma_start3A_55] : memref<2x128x128xf32, #tpu.memory_space<vmem>> -> memref<1x128x128xf32, #tpu.memory_space<vmem>>
      %dma_start3A_57 = tpu.memref_squeeze %dma_start3A_56 : memref<1x128x128xf32, #tpu.memory_space<vmem>> -> memref<128x128xf32, #tpu.memory_space<vmem>>
      %dma_start3A_58 = arith.constant 0 : i32
      %dma_start3A_59 = tpu.memref_slice %arg6[%dma_start3A, %dma_start3A_58] : memref<4x128xi32, #tpu.memory_space<vmem>> -> memref<1x128xi32, #tpu.memory_space<vmem>>
      %dma_start3A_60 = tpu.memref_squeeze %dma_start3A_59 : memref<1x128xi32, #tpu.memory_space<vmem>> -> memref<128xi32, #tpu.memory_space<vmem>>
      %dma_start3A_61 = arith.constant 0 : i32
      %dma_start3A_62 = arith.constant 0 : i32
      %dma_start3A_63 = tpu.memref_slice %arg2[%dma_start3A_61, %dma_start3A_62] : memref<10000x128xf32, #tpu.memory_space<hbm>> -> memref<10000x128xf32, #tpu.memory_space<hbm>>
      tpu.enqueue_indirect_dma source(%dma_start3A_63 : memref<10000x128xf32, #tpu.memory_space<hbm>>) target(%dma_start3A_57 : memref<128x128xf32, #tpu.memory_space<vmem>>) offsets(%dma_start3A_60 : memref<128xi32, #tpu.memory_space<vmem>>) semaphore(%arg10 : memref<!tpu.dma_semaphore, #tpu.memory_space<semaphore_mem>>)
      %dma_start3A_64 = arith.constant 2 : i32
      %dma_start3A_65 = arith.constant 1 : i32
      %dma_start3A_66 = arith.constant 0 : i32
      %dma_start3A_67 = arith.constant 0 : i32
      %dma_start3A_68 = tpu.memref_slice %arg8[%dma_start3A_65, %dma_start3A_66, %dma_start3A_67] : memref<2x128x128xf32, #tpu.memory_space<vmem>> -> memref<1x128x128xf32, #tpu.memory_space<vmem>>
      %dma_start3A_69 = tpu.memref_squeeze %dma_start3A_68 : memref<1x128x128xf32, #tpu.memory_space<vmem>> -> memref<128x128xf32, #tpu.memory_space<vmem>>
      %dma_start3A_70 = arith.constant 0 : i32
      %dma_start3A_71 = tpu.memref_slice %arg6[%dma_start3A_64, %dma_start3A_70] : memref<4x128xi32, #tpu.memory_space<vmem>> -> memref<1x128xi32, #tpu.memory_space<vmem>>
      %dma_start3A_72 = tpu.memref_squeeze %dma_start3A_71 : memref<1x128xi32, #tpu.memory_space<vmem>> -> memref<128xi32, #tpu.memory_space<vmem>>
      %dma_start3A_73 = arith.constant 0 : i32
      %dma_start3A_74 = arith.constant 0 : i32
      %dma_start3A_75 = tpu.memref_slice %arg2[%dma_start3A_73, %dma_start3A_74] : memref<10000x128xf32, #tpu.memory_space<hbm>> -> memref<10000x128xf32, #tpu.memory_space<hbm>>
      tpu.enqueue_indirect_dma source(%dma_start3A_75 : memref<10000x128xf32, #tpu.memory_space<hbm>>) target(%dma_start3A_69 : memref<128x128xf32, #tpu.memory_space<vmem>>) offsets(%dma_start3A_72 : memref<128xi32, #tpu.memory_space<vmem>>) semaphore(%arg11 : memref<!tpu.dma_semaphore, #tpu.memory_space<semaphore_mem>>)
      %mul3A_76 = arith.constant 2 : i32
      %mul3A_77 = arith.muli %mul3A_76, %while3A_48 : i32
      %add3A_78 = arith.constant 1 : i32
      %add3A_79 = arith.addi %mul3A_77, %add3A_78 : i32
      %mul3A_80 = arith.constant 32 : i32
      %mul3A_81 = arith.muli %add3A_79, %mul3A_80 : i32
      %add3A_82 = arith.addi %add3A, %mul3A_81 : i32
      "tpu.region"() ({
        %run_scoped3A = tpu.sem_alloc : memref<!tpu.dma_semaphore, #tpu.memory_space<semaphore_mem>>
        %dma_start3A_233 = arith.constant 0 : i32
        %dma_start3A_234 = arith.constant 0 : i32
        %dma_start3A_235 = tpu.memref_slice %arg3[%add3A_82, %dma_start3A_233, %dma_start3A_234] : memref<1250x4x128xi32, #tpu.memory_space<hbm>> -> memref<1x4x128xi32, #tpu.memory_space<hbm>>
        %dma_start3A_236 = tpu.memref_squeeze %dma_start3A_235 : memref<1x4x128xi32, #tpu.memory_space<hbm>> -> memref<4x128xi32, #tpu.memory_space<hbm>>
        %dma_start3A_237 = arith.constant 0 : i32
        %dma_start3A_238 = arith.constant 0 : i32
        %dma_start3A_239 = tpu.memref_slice %arg3[%add3A_82, %dma_start3A_237, %dma_start3A_238] : memref<1250x4x128xi32, #tpu.memory_space<hbm>> -> memref<1x4x128xi32, #tpu.memory_space<hbm>>
        %dma_start3A_240 = tpu.memref_squeeze %dma_start3A_239 : memref<1x4x128xi32, #tpu.memory_space<hbm>> -> memref<4x128xi32, #tpu.memory_space<hbm>>
        tpu.enqueue_dma source(%dma_start3A_240 : memref<4x128xi32, #tpu.memory_space<hbm>>) target(%arg7 : memref<4x128xi32, #tpu.memory_space<vmem>>) target_semaphore(%run_scoped3A : memref<!tpu.dma_semaphore, #tpu.memory_space<semaphore_mem>>)
        %dma_wait3A_241 = arith.constant 0 : i32
        %dma_wait3A_242 = arith.constant 0 : i32
        %dma_wait3A_243 = tpu.memref_slice %arg3[%add3A_82, %dma_wait3A_241, %dma_wait3A_242] : memref<1250x4x128xi32, #tpu.memory_space<hbm>> -> memref<1x4x128xi32, #tpu.memory_space<hbm>>
        %dma_wait3A_244 = tpu.memref_squeeze %dma_wait3A_243 : memref<1x4x128xi32, #tpu.memory_space<hbm>> -> memref<4x128xi32, #tpu.memory_space<hbm>>
        %dma_wait3A_245 = arith.constant 0 : i32
        %dma_wait3A_246 = arith.constant 0 : i32
        %dma_wait3A_247 = tpu.memref_slice %arg3[%add3A_82, %dma_wait3A_245, %dma_wait3A_246] : memref<1250x4x128xi32, #tpu.memory_space<hbm>> -> memref<1x4x128xi32, #tpu.memory_space<hbm>>
        %dma_wait3A_248 = tpu.memref_squeeze %dma_wait3A_247 : memref<1x4x128xi32, #tpu.memory_space<hbm>> -> memref<4x128xi32, #tpu.memory_space<hbm>>
        tpu.wait_dma2 semaphore(%run_scoped3A : memref<!tpu.dma_semaphore, #tpu.memory_space<semaphore_mem>>) src(%dma_wait3A_248 : memref<4x128xi32, #tpu.memory_space<hbm>>) dst(%arg7 : memref<4x128xi32, #tpu.memory_space<vmem>>)
        tpu.yield
      }) : () -> ()
      %dma_wait3A_83 = arith.constant 0 : i32
      %dma_wait3A_84 = arith.constant 0 : i32
      %dma_wait3A_85 = arith.constant 0 : i32
      %dma_wait3A_86 = arith.constant 0 : i32
      %dma_wait3A_87 = tpu.memref_slice %arg8[%dma_wait3A_84, %dma_wait3A_85, %dma_wait3A_86] : memref<2x128x128xf32, #tpu.memory_space<vmem>> -> memref<1x128x128xf32, #tpu.memory_space<vmem>>
      %dma_wait3A_88 = tpu.memref_squeeze %dma_wait3A_87 : memref<1x128x128xf32, #tpu.memory_space<vmem>> -> memref<128x128xf32, #tpu.memory_space<vmem>>
      %dma_wait3A_89 = arith.constant 0 : i32
      %dma_wait3A_90 = tpu.memref_slice %arg6[%dma_wait3A_83, %dma_wait3A_89] : memref<4x128xi32, #tpu.memory_space<vmem>> -> memref<1x128xi32, #tpu.memory_space<vmem>>
      %dma_wait3A_91 = tpu.memref_squeeze %dma_wait3A_90 : memref<1x128xi32, #tpu.memory_space<vmem>> -> memref<128xi32, #tpu.memory_space<vmem>>
      %dma_wait3A_92 = arith.constant 0 : i32
      %dma_wait3A_93 = arith.constant 0 : i32
      %dma_wait3A_94 = tpu.memref_slice %arg2[%dma_wait3A_92, %dma_wait3A_93] : memref<10000x128xf32, #tpu.memory_space<hbm>> -> memref<10000x128xf32, #tpu.memory_space<hbm>>
      tpu.wait_indirect_dma semaphore(%arg10 : memref<!tpu.dma_semaphore, #tpu.memory_space<semaphore_mem>>) src(%dma_wait3A_94 : memref<10000x128xf32, #tpu.memory_space<hbm>>) dst(%dma_wait3A_88 : memref<128x128xf32, #tpu.memory_space<vmem>>)
      %dma_start3A_95 = arith.constant 0 : i32
      %dma_start3A_96 = arith.constant 1 : i32
      %dma_start3A_97 = arith.constant 0 : i32
      %dma_start3A_98 = arith.constant 0 : i32
      %dma_start3A_99 = tpu.memref_slice %arg8[%dma_start3A_95, %dma_start3A_97, %dma_start3A_98] : memref<2x128x128xf32, #tpu.memory_space<vmem>> -> memref<1x128x128xf32, #tpu.memory_space<vmem>>
      %dma_start3A_100 = tpu.memref_squeeze %dma_start3A_99 : memref<1x128x128xf32, #tpu.memory_space<vmem>> -> memref<128x128xf32, #tpu.memory_space<vmem>>
      %dma_start3A_101 = arith.constant 0 : i32
      %dma_start3A_102 = tpu.memref_slice %arg6[%dma_start3A_96, %dma_start3A_101] : memref<4x128xi32, #tpu.memory_space<vmem>> -> memref<1x128xi32, #tpu.memory_space<vmem>>
      %dma_start3A_103 = tpu.memref_squeeze %dma_start3A_102 : memref<1x128xi32, #tpu.memory_space<vmem>> -> memref<128xi32, #tpu.memory_space<vmem>>
      %dma_start3A_104 = arith.constant 0 : i32
      %dma_start3A_105 = arith.constant 0 : i32
      %dma_start3A_106 = tpu.memref_slice %arg9[%dma_start3A_104, %dma_start3A_105] : memref<10240x128xf32, #tpu.memory_space<vmem_shared>> -> memref<10240x128xf32, #tpu.memory_space<vmem_shared>>
      tpu.enqueue_indirect_dma source(%dma_start3A_100 : memref<128x128xf32, #tpu.memory_space<vmem>>) target(%dma_start3A_106 : memref<10240x128xf32, #tpu.memory_space<vmem_shared>>) offsets(%dma_start3A_103 : memref<128xi32, #tpu.memory_space<vmem>>) semaphore(%arg12 : memref<!tpu.dma_semaphore, #tpu.memory_space<semaphore_mem>>) {add = true}
      %dma_wait3A_107 = arith.constant 2 : i32
      %dma_wait3A_108 = arith.constant 1 : i32
      %dma_wait3A_109 = arith.constant 0 : i32
      %dma_wait3A_110 = arith.constant 0 : i32
      %dma_wait3A_111 = tpu.memref_slice %arg8[%dma_wait3A_108, %dma_wait3A_109, %dma_wait3A_110] : memref<2x128x128xf32, #tpu.memory_space<vmem>> -> memref<1x128x128xf32, #tpu.memory_space<vmem>>
      %dma_wait3A_112 = tpu.memref_squeeze %dma_wait3A_111 : memref<1x128x128xf32, #tpu.memory_space<vmem>> -> memref<128x128xf32, #tpu.memory_space<vmem>>
      %dma_wait3A_113 = arith.constant 0 : i32
      %dma_wait3A_114 = tpu.memref_slice %arg6[%dma_wait3A_107, %dma_wait3A_113] : memref<4x128xi32, #tpu.memory_space<vmem>> -> memref<1x128xi32, #tpu.memory_space<vmem>>
      %dma_wait3A_115 = tpu.memref_squeeze %dma_wait3A_114 : memref<1x128xi32, #tpu.memory_space<vmem>> -> memref<128xi32, #tpu.memory_space<vmem>>
      %dma_wait3A_116 = arith.constant 0 : i32
      %dma_wait3A_117 = arith.constant 0 : i32
      %dma_wait3A_118 = tpu.memref_slice %arg2[%dma_wait3A_116, %dma_wait3A_117] : memref<10000x128xf32, #tpu.memory_space<hbm>> -> memref<10000x128xf32, #tpu.memory_space<hbm>>
      tpu.wait_indirect_dma semaphore(%arg11 : memref<!tpu.dma_semaphore, #tpu.memory_space<semaphore_mem>>) src(%dma_wait3A_118 : memref<10000x128xf32, #tpu.memory_space<hbm>>) dst(%dma_wait3A_112 : memref<128x128xf32, #tpu.memory_space<vmem>>)
      %dma_start3A_119 = arith.constant 1 : i32
      %dma_start3A_120 = arith.constant 3 : i32
      %dma_start3A_121 = arith.constant 0 : i32
      %dma_start3A_122 = arith.constant 0 : i32
      %dma_start3A_123 = tpu.memref_slice %arg8[%dma_start3A_119, %dma_start3A_121, %dma_start3A_122] : memref<2x128x128xf32, #tpu.memory_space<vmem>> -> memref<1x128x128xf32, #tpu.memory_space<vmem>>
      %dma_start3A_124 = tpu.memref_squeeze %dma_start3A_123 : memref<1x128x128xf32, #tpu.memory_space<vmem>> -> memref<128x128xf32, #tpu.memory_space<vmem>>
      %dma_start3A_125 = arith.constant 0 : i32
      %dma_start3A_126 = tpu.memref_slice %arg6[%dma_start3A_120, %dma_start3A_125] : memref<4x128xi32, #tpu.memory_space<vmem>> -> memref<1x128xi32, #tpu.memory_space<vmem>>
      %dma_start3A_127 = tpu.memref_squeeze %dma_start3A_126 : memref<1x128xi32, #tpu.memory_space<vmem>> -> memref<128xi32, #tpu.memory_space<vmem>>
      %dma_start3A_128 = arith.constant 0 : i32
      %dma_start3A_129 = arith.constant 0 : i32
      %dma_start3A_130 = tpu.memref_slice %arg9[%dma_start3A_128, %dma_start3A_129] : memref<10240x128xf32, #tpu.memory_space<vmem_shared>> -> memref<10240x128xf32, #tpu.memory_space<vmem_shared>>
      tpu.enqueue_indirect_dma source(%dma_start3A_124 : memref<128x128xf32, #tpu.memory_space<vmem>>) target(%dma_start3A_130 : memref<10240x128xf32, #tpu.memory_space<vmem_shared>>) offsets(%dma_start3A_127 : memref<128xi32, #tpu.memory_space<vmem>>) semaphore(%arg13 : memref<!tpu.dma_semaphore, #tpu.memory_space<semaphore_mem>>) {add = true}
      %dma_wait3A_131 = arith.constant 0 : i32
      %dma_wait3A_132 = arith.constant 1 : i32
      %dma_wait3A_133 = arith.constant 0 : i32
      %dma_wait3A_134 = arith.constant 0 : i32
      %dma_wait3A_135 = tpu.memref_slice %arg8[%dma_wait3A_131, %dma_wait3A_133, %dma_wait3A_134] : memref<2x128x128xf32, #tpu.memory_space<vmem>> -> memref<1x128x128xf32, #tpu.memory_space<vmem>>
      %dma_wait3A_136 = tpu.memref_squeeze %dma_wait3A_135 : memref<1x128x128xf32, #tpu.memory_space<vmem>> -> memref<128x128xf32, #tpu.memory_space<vmem>>
      %dma_wait3A_137 = arith.constant 0 : i32
      %dma_wait3A_138 = tpu.memref_slice %arg6[%dma_wait3A_132, %dma_wait3A_137] : memref<4x128xi32, #tpu.memory_space<vmem>> -> memref<1x128xi32, #tpu.memory_space<vmem>>
      %dma_wait3A_139 = tpu.memref_squeeze %dma_wait3A_138 : memref<1x128xi32, #tpu.memory_space<vmem>> -> memref<128xi32, #tpu.memory_space<vmem>>
      %dma_wait3A_140 = arith.constant 0 : i32
      %dma_wait3A_141 = arith.constant 0 : i32
      %dma_wait3A_142 = tpu.memref_slice %arg9[%dma_wait3A_140, %dma_wait3A_141] : memref<10240x128xf32, #tpu.memory_space<vmem_shared>> -> memref<10240x128xf32, #tpu.memory_space<vmem_shared>>
      tpu.wait_indirect_dma semaphore(%arg12 : memref<!tpu.dma_semaphore, #tpu.memory_space<semaphore_mem>>) src(%dma_wait3A_136 : memref<128x128xf32, #tpu.memory_space<vmem>>) dst(%dma_wait3A_142 : memref<10240x128xf32, #tpu.memory_space<vmem_shared>>)
      %dma_start3A_143 = arith.constant 0 : i32
      %dma_start3A_144 = arith.constant 0 : i32
      %dma_start3A_145 = arith.constant 0 : i32
      %dma_start3A_146 = arith.constant 0 : i32
      %dma_start3A_147 = tpu.memref_slice %arg8[%dma_start3A_144, %dma_start3A_145, %dma_start3A_146] : memref<2x128x128xf32, #tpu.memory_space<vmem>> -> memref<1x128x128xf32, #tpu.memory_space<vmem>>
      %dma_start3A_148 = tpu.memref_squeeze %dma_start3A_147 : memref<1x128x128xf32, #tpu.memory_space<vmem>> -> memref<128x128xf32, #tpu.memory_space<vmem>>
      %dma_start3A_149 = arith.constant 0 : i32
      %dma_start3A_150 = tpu.memref_slice %arg7[%dma_start3A_143, %dma_start3A_149] : memref<4x128xi32, #tpu.memory_space<vmem>> -> memref<1x128xi32, #tpu.memory_space<vmem>>
      %dma_start3A_151 = tpu.memref_squeeze %dma_start3A_150 : memref<1x128xi32, #tpu.memory_space<vmem>> -> memref<128xi32, #tpu.memory_space<vmem>>
      %dma_start3A_152 = arith.constant 0 : i32
      %dma_start3A_153 = arith.constant 0 : i32
      %dma_start3A_154 = tpu.memref_slice %arg2[%dma_start3A_152, %dma_start3A_153] : memref<10000x128xf32, #tpu.memory_space<hbm>> -> memref<10000x128xf32, #tpu.memory_space<hbm>>
      tpu.enqueue_indirect_dma source(%dma_start3A_154 : memref<10000x128xf32, #tpu.memory_space<hbm>>) target(%dma_start3A_148 : memref<128x128xf32, #tpu.memory_space<vmem>>) offsets(%dma_start3A_151 : memref<128xi32, #tpu.memory_space<vmem>>) semaphore(%arg10 : memref<!tpu.dma_semaphore, #tpu.memory_space<semaphore_mem>>)
      %dma_wait3A_155 = arith.constant 1 : i32
      %dma_wait3A_156 = arith.constant 3 : i32
      %dma_wait3A_157 = arith.constant 0 : i32
      %dma_wait3A_158 = arith.constant 0 : i32
      %dma_wait3A_159 = tpu.memref_slice %arg8[%dma_wait3A_155, %dma_wait3A_157, %dma_wait3A_158] : memref<2x128x128xf32, #tpu.memory_space<vmem>> -> memref<1x128x128xf32, #tpu.memory_space<vmem>>
      %dma_wait3A_160 = tpu.memref_squeeze %dma_wait3A_159 : memref<1x128x128xf32, #tpu.memory_space<vmem>> -> memref<128x128xf32, #tpu.memory_space<vmem>>
      %dma_wait3A_161 = arith.constant 0 : i32
      %dma_wait3A_162 = tpu.memref_slice %arg6[%dma_wait3A_156, %dma_wait3A_161] : memref<4x128xi32, #tpu.memory_space<vmem>> -> memref<1x128xi32, #tpu.memory_space<vmem>>
      %dma_wait3A_163 = tpu.memref_squeeze %dma_wait3A_162 : memref<1x128xi32, #tpu.memory_space<vmem>> -> memref<128xi32, #tpu.memory_space<vmem>>
      %dma_wait3A_164 = arith.constant 0 : i32
      %dma_wait3A_165 = arith.constant 0 : i32
      %dma_wait3A_166 = tpu.memref_slice %arg9[%dma_wait3A_164, %dma_wait3A_165] : memref<10240x128xf32, #tpu.memory_space<vmem_shared>> -> memref<10240x128xf32, #tpu.memory_space<vmem_shared>>
      tpu.wait_indirect_dma semaphore(%arg13 : memref<!tpu.dma_semaphore, #tpu.memory_space<semaphore_mem>>) src(%dma_wait3A_160 : memref<128x128xf32, #tpu.memory_space<vmem>>) dst(%dma_wait3A_166 : memref<10240x128xf32, #tpu.memory_space<vmem_shared>>)
      %dma_start3A_167 = arith.constant 2 : i32
      %dma_start3A_168 = arith.constant 1 : i32
      %dma_start3A_169 = arith.constant 0 : i32
      %dma_start3A_170 = arith.constant 0 : i32
      %dma_start3A_171 = tpu.memref_slice %arg8[%dma_start3A_168, %dma_start3A_169, %dma_start3A_170] : memref<2x128x128xf32, #tpu.memory_space<vmem>> -> memref<1x128x128xf32, #tpu.memory_space<vmem>>
      %dma_start3A_172 = tpu.memref_squeeze %dma_start3A_171 : memref<1x128x128xf32, #tpu.memory_space<vmem>> -> memref<128x128xf32, #tpu.memory_space<vmem>>
      %dma_start3A_173 = arith.constant 0 : i32
      %dma_start3A_174 = tpu.memref_slice %arg7[%dma_start3A_167, %dma_start3A_173] : memref<4x128xi32, #tpu.memory_space<vmem>> -> memref<1x128xi32, #tpu.memory_space<vmem>>
      %dma_start3A_175 = tpu.memref_squeeze %dma_start3A_174 : memref<1x128xi32, #tpu.memory_space<vmem>> -> memref<128xi32, #tpu.memory_space<vmem>>
      %dma_start3A_176 = arith.constant 0 : i32
      %dma_start3A_177 = arith.constant 0 : i32
      %dma_start3A_178 = tpu.memref_slice %arg2[%dma_start3A_176, %dma_start3A_177] : memref<10000x128xf32, #tpu.memory_space<hbm>> -> memref<10000x128xf32, #tpu.memory_space<hbm>>
      tpu.enqueue_indirect_dma source(%dma_start3A_178 : memref<10000x128xf32, #tpu.memory_space<hbm>>) target(%dma_start3A_172 : memref<128x128xf32, #tpu.memory_space<vmem>>) offsets(%dma_start3A_175 : memref<128xi32, #tpu.memory_space<vmem>>) semaphore(%arg11 : memref<!tpu.dma_semaphore, #tpu.memory_space<semaphore_mem>>)
      %add3A_179 = arith.constant 1 : i32
      %add3A_180 = arith.addi %while3A_48, %add3A_179 : i32
      %lt3A_181 = arith.cmpi slt, %add3A_180, %select_n3A : i32
      %convert_element_type3A_182 = arith.extui %lt3A_181 : i1 to i32
      %cond3A_183 = arith.constant 0 : i32
      %cond3A_184 = arith.cmpi ne, %convert_element_type3A_182, %cond3A_183 : i32
      scf.if %cond3A_184 {
        %mul3A_233 = arith.constant 2 : i32
        %mul3A_234 = arith.muli %mul3A_233, %while3A_48 : i32
        %add3A_235 = arith.constant 2 : i32
        %add3A_236 = arith.addi %mul3A_234, %add3A_235 : i32
        %mul3A_237 = arith.constant 32 : i32
        %mul3A_238 = arith.muli %add3A_236, %mul3A_237 : i32
        %add3A_239 = arith.addi %add3A, %mul3A_238 : i32
        "tpu.region"() ({
          %run_scoped3A = tpu.sem_alloc : memref<!tpu.dma_semaphore, #tpu.memory_space<semaphore_mem>>
          %dma_start3A_240 = arith.constant 0 : i32
          %dma_start3A_241 = arith.constant 0 : i32
          %dma_start3A_242 = tpu.memref_slice %arg3[%add3A_239, %dma_start3A_240, %dma_start3A_241] : memref<1250x4x128xi32, #tpu.memory_space<hbm>> -> memref<1x4x128xi32, #tpu.memory_space<hbm>>
          %dma_start3A_243 = tpu.memref_squeeze %dma_start3A_242 : memref<1x4x128xi32, #tpu.memory_space<hbm>> -> memref<4x128xi32, #tpu.memory_space<hbm>>
          %dma_start3A_244 = arith.constant 0 : i32
          %dma_start3A_245 = arith.constant 0 : i32
          %dma_start3A_246 = tpu.memref_slice %arg3[%add3A_239, %dma_start3A_244, %dma_start3A_245] : memref<1250x4x128xi32, #tpu.memory_space<hbm>> -> memref<1x4x128xi32, #tpu.memory_space<hbm>>
          %dma_start3A_247 = tpu.memref_squeeze %dma_start3A_246 : memref<1x4x128xi32, #tpu.memory_space<hbm>> -> memref<4x128xi32, #tpu.memory_space<hbm>>
          tpu.enqueue_dma source(%dma_start3A_247 : memref<4x128xi32, #tpu.memory_space<hbm>>) target(%arg6 : memref<4x128xi32, #tpu.memory_space<vmem>>) target_semaphore(%run_scoped3A : memref<!tpu.dma_semaphore, #tpu.memory_space<semaphore_mem>>)
          %dma_wait3A_248 = arith.constant 0 : i32
          %dma_wait3A_249 = arith.constant 0 : i32
          %dma_wait3A_250 = tpu.memref_slice %arg3[%add3A_239, %dma_wait3A_248, %dma_wait3A_249] : memref<1250x4x128xi32, #tpu.memory_space<hbm>> -> memref<1x4x128xi32, #tpu.memory_space<hbm>>
          %dma_wait3A_251 = tpu.memref_squeeze %dma_wait3A_250 : memref<1x4x128xi32, #tpu.memory_space<hbm>> -> memref<4x128xi32, #tpu.memory_space<hbm>>
          %dma_wait3A_252 = arith.constant 0 : i32
          %dma_wait3A_253 = arith.constant 0 : i32
          %dma_wait3A_254 = tpu.memref_slice %arg3[%add3A_239, %dma_wait3A_252, %dma_wait3A_253] : memref<1250x4x128xi32, #tpu.memory_space<hbm>> -> memref<1x4x128xi32, #tpu.memory_space<hbm>>
          %dma_wait3A_255 = tpu.memref_squeeze %dma_wait3A_254 : memref<1x4x128xi32, #tpu.memory_space<hbm>> -> memref<4x128xi32, #tpu.memory_space<hbm>>
          tpu.wait_dma2 semaphore(%run_scoped3A : memref<!tpu.dma_semaphore, #tpu.memory_space<semaphore_mem>>) src(%dma_wait3A_255 : memref<4x128xi32, #tpu.memory_space<hbm>>) dst(%arg6 : memref<4x128xi32, #tpu.memory_space<vmem>>)
          tpu.yield
        }) : () -> ()
      } else {
      }
      %dma_wait3A_185 = arith.constant 0 : i32
      %dma_wait3A_186 = arith.constant 0 : i32
      %dma_wait3A_187 = arith.constant 0 : i32
      %dma_wait3A_188 = arith.constant 0 : i32
      %dma_wait3A_189 = tpu.memref_slice %arg8[%dma_wait3A_186, %dma_wait3A_187, %dma_wait3A_188] : memref<2x128x128xf32, #tpu.memory_space<vmem>> -> memref<1x128x128xf32, #tpu.memory_space<vmem>>
      %dma_wait3A_190 = tpu.memref_squeeze %dma_wait3A_189 : memref<1x128x128xf32, #tpu.memory_space<vmem>> -> memref<128x128xf32, #tpu.memory_space<vmem>>
      %dma_wait3A_191 = arith.constant 0 : i32
      %dma_wait3A_192 = tpu.memref_slice %arg7[%dma_wait3A_185, %dma_wait3A_191] : memref<4x128xi32, #tpu.memory_space<vmem>> -> memref<1x128xi32, #tpu.memory_space<vmem>>
      %dma_wait3A_193 = tpu.memref_squeeze %dma_wait3A_192 : memref<1x128xi32, #tpu.memory_space<vmem>> -> memref<128xi32, #tpu.memory_space<vmem>>
      %dma_wait3A_194 = arith.constant 0 : i32
      %dma_wait3A_195 = arith.constant 0 : i32
      %dma_wait3A_196 = tpu.memref_slice %arg2[%dma_wait3A_194, %dma_wait3A_195] : memref<10000x128xf32, #tpu.memory_space<hbm>> -> memref<10000x128xf32, #tpu.memory_space<hbm>>
      tpu.wait_indirect_dma semaphore(%arg10 : memref<!tpu.dma_semaphore, #tpu.memory_space<semaphore_mem>>) src(%dma_wait3A_196 : memref<10000x128xf32, #tpu.memory_space<hbm>>) dst(%dma_wait3A_190 : memref<128x128xf32, #tpu.memory_space<vmem>>)
      %dma_start3A_197 = arith.constant 0 : i32
      %dma_start3A_198 = arith.constant 1 : i32
      %dma_start3A_199 = arith.constant 0 : i32
      %dma_start3A_200 = arith.constant 0 : i32
      %dma_start3A_201 = tpu.memref_slice %arg8[%dma_start3A_197, %dma_start3A_199, %dma_start3A_200] : memref<2x128x128xf32, #tpu.memory_space<vmem>> -> memref<1x128x128xf32, #tpu.memory_space<vmem>>
      %dma_start3A_202 = tpu.memref_squeeze %dma_start3A_201 : memref<1x128x128xf32, #tpu.memory_space<vmem>> -> memref<128x128xf32, #tpu.memory_space<vmem>>
      %dma_start3A_203 = arith.constant 0 : i32
      %dma_start3A_204 = tpu.memref_slice %arg7[%dma_start3A_198, %dma_start3A_203] : memref<4x128xi32, #tpu.memory_space<vmem>> -> memref<1x128xi32, #tpu.memory_space<vmem>>
      %dma_start3A_205 = tpu.memref_squeeze %dma_start3A_204 : memref<1x128xi32, #tpu.memory_space<vmem>> -> memref<128xi32, #tpu.memory_space<vmem>>
      %dma_start3A_206 = arith.constant 0 : i32
      %dma_start3A_207 = arith.constant 0 : i32
      %dma_start3A_208 = tpu.memref_slice %arg9[%dma_start3A_206, %dma_start3A_207] : memref<10240x128xf32, #tpu.memory_space<vmem_shared>> -> memref<10240x128xf32, #tpu.memory_space<vmem_shared>>
      tpu.enqueue_indirect_dma source(%dma_start3A_202 : memref<128x128xf32, #tpu.memory_space<vmem>>) target(%dma_start3A_208 : memref<10240x128xf32, #tpu.memory_space<vmem_shared>>) offsets(%dma_start3A_205 : memref<128xi32, #tpu.memory_space<vmem>>) semaphore(%arg12 : memref<!tpu.dma_semaphore, #tpu.memory_space<semaphore_mem>>) {add = true}
      %dma_wait3A_209 = arith.constant 2 : i32
      %dma_wait3A_210 = arith.constant 1 : i32
      %dma_wait3A_211 = arith.constant 0 : i32
      %dma_wait3A_212 = arith.constant 0 : i32
      %dma_wait3A_213 = tpu.memref_slice %arg8[%dma_wait3A_210, %dma_wait3A_211, %dma_wait3A_212] : memref<2x128x128xf32, #tpu.memory_space<vmem>> -> memref<1x128x128xf32, #tpu.memory_space<vmem>>
      %dma_wait3A_214 = tpu.memref_squeeze %dma_wait3A_213 : memref<1x128x128xf32, #tpu.memory_space<vmem>> -> memref<128x128xf32, #tpu.memory_space<vmem>>
      %dma_wait3A_215 = arith.constant 0 : i32
      %dma_wait3A_216 = tpu.memref_slice %arg7[%dma_wait3A_209, %dma_wait3A_215] : memref<4x128xi32, #tpu.memory_space<vmem>> -> memref<1x128xi32, #tpu.memory_space<vmem>>
      %dma_wait3A_217 = tpu.memref_squeeze %dma_wait3A_216 : memref<1x128xi32, #tpu.memory_space<vmem>> -> memref<128xi32, #tpu.memory_space<vmem>>
      %dma_wait3A_218 = arith.constant 0 : i32
      %dma_wait3A_219 = arith.constant 0 : i32
      %dma_wait3A_220 = tpu.memref_slice %arg2[%dma_wait3A_218, %dma_wait3A_219] : memref<10000x128xf32, #tpu.memory_space<hbm>> -> memref<10000x128xf32, #tpu.memory_space<hbm>>
      tpu.wait_indirect_dma semaphore(%arg11 : memref<!tpu.dma_semaphore, #tpu.memory_space<semaphore_mem>>) src(%dma_wait3A_220 : memref<10000x128xf32, #tpu.memory_space<hbm>>) dst(%dma_wait3A_214 : memref<128x128xf32, #tpu.memory_space<vmem>>)
      %dma_start3A_221 = arith.constant 1 : i32
      %dma_start3A_222 = arith.constant 3 : i32
      %dma_start3A_223 = arith.constant 0 : i32
      %dma_start3A_224 = arith.constant 0 : i32
      %dma_start3A_225 = tpu.memref_slice %arg8[%dma_start3A_221, %dma_start3A_223, %dma_start3A_224] : memref<2x128x128xf32, #tpu.memory_space<vmem>> -> memref<1x128x128xf32, #tpu.memory_space<vmem>>
      %dma_start3A_226 = tpu.memref_squeeze %dma_start3A_225 : memref<1x128x128xf32, #tpu.memory_space<vmem>> -> memref<128x128xf32, #tpu.memory_space<vmem>>
      %dma_start3A_227 = arith.constant 0 : i32
      %dma_start3A_228 = tpu.memref_slice %arg7[%dma_start3A_222, %dma_start3A_227] : memref<4x128xi32, #tpu.memory_space<vmem>> -> memref<1x128xi32, #tpu.memory_space<vmem>>
      %dma_start3A_229 = tpu.memref_squeeze %dma_start3A_228 : memref<1x128xi32, #tpu.memory_space<vmem>> -> memref<128xi32, #tpu.memory_space<vmem>>
      %dma_start3A_230 = arith.constant 0 : i32
      %dma_start3A_231 = arith.constant 0 : i32
      %dma_start3A_232 = tpu.memref_slice %arg9[%dma_start3A_230, %dma_start3A_231] : memref<10240x128xf32, #tpu.memory_space<vmem_shared>> -> memref<10240x128xf32, #tpu.memory_space<vmem_shared>>
      tpu.enqueue_indirect_dma source(%dma_start3A_226 : memref<128x128xf32, #tpu.memory_space<vmem>>) target(%dma_start3A_232 : memref<10240x128xf32, #tpu.memory_space<vmem_shared>>) offsets(%dma_start3A_229 : memref<128xi32, #tpu.memory_space<vmem>>) semaphore(%arg13 : memref<!tpu.dma_semaphore, #tpu.memory_space<semaphore_mem>>) {add = true}
    }
    %while3A_17 = arith.constant 1 : i32
    scf.for %while3A_48 = %while3A_15 to %while3A_11 step %while3A_17  : i32 {
      %gt3A = arith.constant 0 : i32
      %gt3A_49 = arith.cmpi sgt, %while3A_48, %gt3A : i32
      %convert_element_type3A_50 = arith.extui %gt3A_49 : i1 to i32
      %cond3A_51 = arith.constant 0 : i32
      %cond3A_52 = arith.cmpi ne, %convert_element_type3A_50, %cond3A_51 : i32
      scf.if %cond3A_52 {
        %dma_wait3A_233 = arith.constant 0 : i32
        %dma_wait3A_234 = arith.constant 1 : i32
        %dma_wait3A_235 = arith.constant 0 : i32
        %dma_wait3A_236 = arith.constant 0 : i32
        %dma_wait3A_237 = tpu.memref_slice %arg8[%dma_wait3A_233, %dma_wait3A_235, %dma_wait3A_236] : memref<2x128x128xf32, #tpu.memory_space<vmem>> -> memref<1x128x128xf32, #tpu.memory_space<vmem>>
        %dma_wait3A_238 = tpu.memref_squeeze %dma_wait3A_237 : memref<1x128x128xf32, #tpu.memory_space<vmem>> -> memref<128x128xf32, #tpu.memory_space<vmem>>
        %dma_wait3A_239 = arith.constant 0 : i32
        %dma_wait3A_240 = tpu.memref_slice %arg7[%dma_wait3A_234, %dma_wait3A_239] : memref<4x128xi32, #tpu.memory_space<vmem>> -> memref<1x128xi32, #tpu.memory_space<vmem>>
        %dma_wait3A_241 = tpu.memref_squeeze %dma_wait3A_240 : memref<1x128xi32, #tpu.memory_space<vmem>> -> memref<128xi32, #tpu.memory_space<vmem>>
        %dma_wait3A_242 = arith.constant 0 : i32
        %dma_wait3A_243 = arith.constant 0 : i32
        %dma_wait3A_244 = tpu.memref_slice %arg9[%dma_wait3A_242, %dma_wait3A_243] : memref<10240x128xf32, #tpu.memory_space<vmem_shared>> -> memref<10240x128xf32, #tpu.memory_space<vmem_shared>>
        tpu.wait_indirect_dma semaphore(%arg12 : memref<!tpu.dma_semaphore, #tpu.memory_space<semaphore_mem>>) src(%dma_wait3A_238 : memref<128x128xf32, #tpu.memory_space<vmem>>) dst(%dma_wait3A_244 : memref<10240x128xf32, #tpu.memory_space<vmem_shared>>)
        %dma_wait3A_245 = arith.constant 1 : i32
        %dma_wait3A_246 = arith.constant 3 : i32
        %dma_wait3A_247 = arith.constant 0 : i32
        %dma_wait3A_248 = arith.constant 0 : i32
        %dma_wait3A_249 = tpu.memref_slice %arg8[%dma_wait3A_245, %dma_wait3A_247, %dma_wait3A_248] : memref<2x128x128xf32, #tpu.memory_space<vmem>> -> memref<1x128x128xf32, #tpu.memory_space<vmem>>
        %dma_wait3A_250 = tpu.memref_squeeze %dma_wait3A_249 : memref<1x128x128xf32, #tpu.memory_space<vmem>> -> memref<128x128xf32, #tpu.memory_space<vmem>>
        %dma_wait3A_251 = arith.constant 0 : i32
        %dma_wait3A_252 = tpu.memref_slice %arg7[%dma_wait3A_246, %dma_wait3A_251] : memref<4x128xi32, #tpu.memory_space<vmem>> -> memref<1x128xi32, #tpu.memory_space<vmem>>
        %dma_wait3A_253 = tpu.memref_squeeze %dma_wait3A_252 : memref<1x128xi32, #tpu.memory_space<vmem>> -> memref<128xi32, #tpu.memory_space<vmem>>
        %dma_wait3A_254 = arith.constant 0 : i32
        %dma_wait3A_255 = arith.constant 0 : i32
        %dma_wait3A_256 = tpu.memref_slice %arg9[%dma_wait3A_254, %dma_wait3A_255] : memref<10240x128xf32, #tpu.memory_space<vmem_shared>> -> memref<10240x128xf32, #tpu.memory_space<vmem_shared>>
        tpu.wait_indirect_dma semaphore(%arg13 : memref<!tpu.dma_semaphore, #tpu.memory_space<semaphore_mem>>) src(%dma_wait3A_250 : memref<128x128xf32, #tpu.memory_space<vmem>>) dst(%dma_wait3A_256 : memref<10240x128xf32, #tpu.memory_space<vmem_shared>>)
      } else {
      }
      %dma_start3A = arith.constant 0 : i32
      %dma_start3A_53 = arith.constant 0 : i32
      %dma_start3A_54 = arith.constant 0 : i32
      %dma_start3A_55 = arith.constant 0 : i32
      %dma_start3A_56 = tpu.memref_slice %arg8[%dma_start3A_53, %dma_start3A_54, %dma_start3A_55] : memref<2x128x128xf32, #tpu.memory_space<vmem>> -> memref<1x128x128xf32, #tpu.memory_space<vmem>>
      %dma_start3A_57 = tpu.memref_squeeze %dma_start3A_56 : memref<1x128x128xf32, #tpu.memory_space<vmem>> -> memref<128x128xf32, #tpu.memory_space<vmem>>
      %dma_start3A_58 = arith.constant 0 : i32
      %dma_start3A_59 = tpu.memref_slice %arg6[%dma_start3A, %dma_start3A_58] : memref<4x128xi32, #tpu.memory_space<vmem>> -> memref<1x128xi32, #tpu.memory_space<vmem>>
      %dma_start3A_60 = tpu.memref_squeeze %dma_start3A_59 : memref<1x128xi32, #tpu.memory_space<vmem>> -> memref<128xi32, #tpu.memory_space<vmem>>
      %dma_start3A_61 = arith.constant 0 : i32
      %dma_start3A_62 = arith.constant 0 : i32
      %dma_start3A_63 = tpu.memref_slice %arg2[%dma_start3A_61, %dma_start3A_62] : memref<10000x128xf32, #tpu.memory_space<hbm>> -> memref<10000x128xf32, #tpu.memory_space<hbm>>
      tpu.enqueue_indirect_dma source(%dma_start3A_63 : memref<10000x128xf32, #tpu.memory_space<hbm>>) target(%dma_start3A_57 : memref<128x128xf32, #tpu.memory_space<vmem>>) offsets(%dma_start3A_60 : memref<128xi32, #tpu.memory_space<vmem>>) semaphore(%arg10 : memref<!tpu.dma_semaphore, #tpu.memory_space<semaphore_mem>>)
      %dma_start3A_64 = arith.constant 2 : i32
      %dma_start3A_65 = arith.constant 1 : i32
      %dma_start3A_66 = arith.constant 0 : i32
      %dma_start3A_67 = arith.constant 0 : i32
      %dma_start3A_68 = tpu.memref_slice %arg8[%dma_start3A_65, %dma_start3A_66, %dma_start3A_67] : memref<2x128x128xf32, #tpu.memory_space<vmem>> -> memref<1x128x128xf32, #tpu.memory_space<vmem>>
      %dma_start3A_69 = tpu.memref_squeeze %dma_start3A_68 : memref<1x128x128xf32, #tpu.memory_space<vmem>> -> memref<128x128xf32, #tpu.memory_space<vmem>>
      %dma_start3A_70 = arith.constant 0 : i32
      %dma_start3A_71 = tpu.memref_slice %arg6[%dma_start3A_64, %dma_start3A_70] : memref<4x128xi32, #tpu.memory_space<vmem>> -> memref<1x128xi32, #tpu.memory_space<vmem>>
      %dma_start3A_72 = tpu.memref_squeeze %dma_start3A_71 : memref<1x128xi32, #tpu.memory_space<vmem>> -> memref<128xi32, #tpu.memory_space<vmem>>
      %dma_start3A_73 = arith.constant 0 : i32
      %dma_start3A_74 = arith.constant 0 : i32
      %dma_start3A_75 = tpu.memref_slice %arg2[%dma_start3A_73, %dma_start3A_74] : memref<10000x128xf32, #tpu.memory_space<hbm>> -> memref<10000x128xf32, #tpu.memory_space<hbm>>
      tpu.enqueue_indirect_dma source(%dma_start3A_75 : memref<10000x128xf32, #tpu.memory_space<hbm>>) target(%dma_start3A_69 : memref<128x128xf32, #tpu.memory_space<vmem>>) offsets(%dma_start3A_72 : memref<128xi32, #tpu.memory_space<vmem>>) semaphore(%arg11 : memref<!tpu.dma_semaphore, #tpu.memory_space<semaphore_mem>>)
      %mul3A_76 = arith.constant 2 : i32
      %mul3A_77 = arith.muli %mul3A_76, %while3A_48 : i32
      %add3A_78 = arith.constant 1 : i32
      %add3A_79 = arith.addi %mul3A_77, %add3A_78 : i32
      %mul3A_80 = arith.constant 32 : i32
      %mul3A_81 = arith.muli %add3A_79, %mul3A_80 : i32
      %add3A_82 = arith.addi %add3A, %mul3A_81 : i32
      "tpu.region"() ({
        %run_scoped3A = tpu.sem_alloc : memref<!tpu.dma_semaphore, #tpu.memory_space<semaphore_mem>>
        %dma_start3A_233 = arith.constant 0 : i32
        %dma_start3A_234 = arith.constant 0 : i32
        %dma_start3A_235 = tpu.memref_slice %arg3[%add3A_82, %dma_start3A_233, %dma_start3A_234] : memref<1250x4x128xi32, #tpu.memory_space<hbm>> -> memref<1x4x128xi32, #tpu.memory_space<hbm>>
        %dma_start3A_236 = tpu.memref_squeeze %dma_start3A_235 : memref<1x4x128xi32, #tpu.memory_space<hbm>> -> memref<4x128xi32, #tpu.memory_space<hbm>>
        %dma_start3A_237 = arith.constant 0 : i32
        %dma_start3A_238 = arith.constant 0 : i32
        %dma_start3A_239 = tpu.memref_slice %arg3[%add3A_82, %dma_start3A_237, %dma_start3A_238] : memref<1250x4x128xi32, #tpu.memory_space<hbm>> -> memref<1x4x128xi32, #tpu.memory_space<hbm>>
        %dma_start3A_240 = tpu.memref_squeeze %dma_start3A_239 : memref<1x4x128xi32, #tpu.memory_space<hbm>> -> memref<4x128xi32, #tpu.memory_space<hbm>>
        tpu.enqueue_dma source(%dma_start3A_240 : memref<4x128xi32, #tpu.memory_space<hbm>>) target(%arg7 : memref<4x128xi32, #tpu.memory_space<vmem>>) target_semaphore(%run_scoped3A : memref<!tpu.dma_semaphore, #tpu.memory_space<semaphore_mem>>)
        %dma_wait3A_241 = arith.constant 0 : i32
        %dma_wait3A_242 = arith.constant 0 : i32
        %dma_wait3A_243 = tpu.memref_slice %arg3[%add3A_82, %dma_wait3A_241, %dma_wait3A_242] : memref<1250x4x128xi32, #tpu.memory_space<hbm>> -> memref<1x4x128xi32, #tpu.memory_space<hbm>>
        %dma_wait3A_244 = tpu.memref_squeeze %dma_wait3A_243 : memref<1x4x128xi32, #tpu.memory_space<hbm>> -> memref<4x128xi32, #tpu.memory_space<hbm>>
        %dma_wait3A_245 = arith.constant 0 : i32
        %dma_wait3A_246 = arith.constant 0 : i32
        %dma_wait3A_247 = tpu.memref_slice %arg3[%add3A_82, %dma_wait3A_245, %dma_wait3A_246] : memref<1250x4x128xi32, #tpu.memory_space<hbm>> -> memref<1x4x128xi32, #tpu.memory_space<hbm>>
        %dma_wait3A_248 = tpu.memref_squeeze %dma_wait3A_247 : memref<1x4x128xi32, #tpu.memory_space<hbm>> -> memref<4x128xi32, #tpu.memory_space<hbm>>
        tpu.wait_dma2 semaphore(%run_scoped3A : memref<!tpu.dma_semaphore, #tpu.memory_space<semaphore_mem>>) src(%dma_wait3A_248 : memref<4x128xi32, #tpu.memory_space<hbm>>) dst(%arg7 : memref<4x128xi32, #tpu.memory_space<vmem>>)
        tpu.yield
      }) : () -> ()
      %dma_wait3A_83 = arith.constant 0 : i32
      %dma_wait3A_84 = arith.constant 0 : i32
      %dma_wait3A_85 = arith.constant 0 : i32
      %dma_wait3A_86 = arith.constant 0 : i32
      %dma_wait3A_87 = tpu.memref_slice %arg8[%dma_wait3A_84, %dma_wait3A_85, %dma_wait3A_86] : memref<2x128x128xf32, #tpu.memory_space<vmem>> -> memref<1x128x128xf32, #tpu.memory_space<vmem>>
      %dma_wait3A_88 = tpu.memref_squeeze %dma_wait3A_87 : memref<1x128x128xf32, #tpu.memory_space<vmem>> -> memref<128x128xf32, #tpu.memory_space<vmem>>
      %dma_wait3A_89 = arith.constant 0 : i32
      %dma_wait3A_90 = tpu.memref_slice %arg6[%dma_wait3A_83, %dma_wait3A_89] : memref<4x128xi32, #tpu.memory_space<vmem>> -> memref<1x128xi32, #tpu.memory_space<vmem>>
      %dma_wait3A_91 = tpu.memref_squeeze %dma_wait3A_90 : memref<1x128xi32, #tpu.memory_space<vmem>> -> memref<128xi32, #tpu.memory_space<vmem>>
      %dma_wait3A_92 = arith.constant 0 : i32
      %dma_wait3A_93 = arith.constant 0 : i32
      %dma_wait3A_94 = tpu.memref_slice %arg2[%dma_wait3A_92, %dma_wait3A_93] : memref<10000x128xf32, #tpu.memory_space<hbm>> -> memref<10000x128xf32, #tpu.memory_space<hbm>>
      tpu.wait_indirect_dma semaphore(%arg10 : memref<!tpu.dma_semaphore, #tpu.memory_space<semaphore_mem>>) src(%dma_wait3A_94 : memref<10000x128xf32, #tpu.memory_space<hbm>>) dst(%dma_wait3A_88 : memref<128x128xf32, #tpu.memory_space<vmem>>)
      %dma_start3A_95 = arith.constant 0 : i32
      %dma_start3A_96 = arith.constant 1 : i32
      %dma_start3A_97 = arith.constant 0 : i32
      %dma_start3A_98 = arith.constant 0 : i32
      %dma_start3A_99 = tpu.memref_slice %arg8[%dma_start3A_95, %dma_start3A_97, %dma_start3A_98] : memref<2x128x128xf32, #tpu.memory_space<vmem>> -> memref<1x128x128xf32, #tpu.memory_space<vmem>>
      %dma_start3A_100 = tpu.memref_squeeze %dma_start3A_99 : memref<1x128x128xf32, #tpu.memory_space<vmem>> -> memref<128x128xf32, #tpu.memory_space<vmem>>
      %dma_start3A_101 = arith.constant 0 : i32
      %dma_start3A_102 = tpu.memref_slice %arg6[%dma_start3A_96, %dma_start3A_101] : memref<4x128xi32, #tpu.memory_space<vmem>> -> memref<1x128xi32, #tpu.memory_space<vmem>>
      %dma_start3A_103 = tpu.memref_squeeze %dma_start3A_102 : memref<1x128xi32, #tpu.memory_space<vmem>> -> memref<128xi32, #tpu.memory_space<vmem>>
      %dma_start3A_104 = arith.constant 0 : i32
      %dma_start3A_105 = arith.constant 0 : i32
      %dma_start3A_106 = tpu.memref_slice %arg9[%dma_start3A_104, %dma_start3A_105] : memref<10240x128xf32, #tpu.memory_space<vmem_shared>> -> memref<10240x128xf32, #tpu.memory_space<vmem_shared>>
      tpu.enqueue_indirect_dma source(%dma_start3A_100 : memref<128x128xf32, #tpu.memory_space<vmem>>) target(%dma_start3A_106 : memref<10240x128xf32, #tpu.memory_space<vmem_shared>>) offsets(%dma_start3A_103 : memref<128xi32, #tpu.memory_space<vmem>>) semaphore(%arg12 : memref<!tpu.dma_semaphore, #tpu.memory_space<semaphore_mem>>) {add = true}
      %dma_wait3A_107 = arith.constant 2 : i32
      %dma_wait3A_108 = arith.constant 1 : i32
      %dma_wait3A_109 = arith.constant 0 : i32
      %dma_wait3A_110 = arith.constant 0 : i32
      %dma_wait3A_111 = tpu.memref_slice %arg8[%dma_wait3A_108, %dma_wait3A_109, %dma_wait3A_110] : memref<2x128x128xf32, #tpu.memory_space<vmem>> -> memref<1x128x128xf32, #tpu.memory_space<vmem>>
      %dma_wait3A_112 = tpu.memref_squeeze %dma_wait3A_111 : memref<1x128x128xf32, #tpu.memory_space<vmem>> -> memref<128x128xf32, #tpu.memory_space<vmem>>
      %dma_wait3A_113 = arith.constant 0 : i32
      %dma_wait3A_114 = tpu.memref_slice %arg6[%dma_wait3A_107, %dma_wait3A_113] : memref<4x128xi32, #tpu.memory_space<vmem>> -> memref<1x128xi32, #tpu.memory_space<vmem>>
      %dma_wait3A_115 = tpu.memref_squeeze %dma_wait3A_114 : memref<1x128xi32, #tpu.memory_space<vmem>> -> memref<128xi32, #tpu.memory_space<vmem>>
      %dma_wait3A_116 = arith.constant 0 : i32
      %dma_wait3A_117 = arith.constant 0 : i32
      %dma_wait3A_118 = tpu.memref_slice %arg2[%dma_wait3A_116, %dma_wait3A_117] : memref<10000x128xf32, #tpu.memory_space<hbm>> -> memref<10000x128xf32, #tpu.memory_space<hbm>>
      tpu.wait_indirect_dma semaphore(%arg11 : memref<!tpu.dma_semaphore, #tpu.memory_space<semaphore_mem>>) src(%dma_wait3A_118 : memref<10000x128xf32, #tpu.memory_space<hbm>>) dst(%dma_wait3A_112 : memref<128x128xf32, #tpu.memory_space<vmem>>)
      %dma_start3A_119 = arith.constant 1 : i32
      %dma_start3A_120 = arith.constant 3 : i32
      %dma_start3A_121 = arith.constant 0 : i32
      %dma_start3A_122 = arith.constant 0 : i32
      %dma_start3A_123 = tpu.memref_slice %arg8[%dma_start3A_119, %dma_start3A_121, %dma_start3A_122] : memref<2x128x128xf32, #tpu.memory_space<vmem>> -> memref<1x128x128xf32, #tpu.memory_space<vmem>>
      %dma_start3A_124 = tpu.memref_squeeze %dma_start3A_123 : memref<1x128x128xf32, #tpu.memory_space<vmem>> -> memref<128x128xf32, #tpu.memory_space<vmem>>
      %dma_start3A_125 = arith.constant 0 : i32
      %dma_start3A_126 = tpu.memref_slice %arg6[%dma_start3A_120, %dma_start3A_125] : memref<4x128xi32, #tpu.memory_space<vmem>> -> memref<1x128xi32, #tpu.memory_space<vmem>>
      %dma_start3A_127 = tpu.memref_squeeze %dma_start3A_126 : memref<1x128xi32, #tpu.memory_space<vmem>> -> memref<128xi32, #tpu.memory_space<vmem>>
      %dma_start3A_128 = arith.constant 0 : i32
      %dma_start3A_129 = arith.constant 0 : i32
      %dma_start3A_130 = tpu.memref_slice %arg9[%dma_start3A_128, %dma_start3A_129] : memref<10240x128xf32, #tpu.memory_space<vmem_shared>> -> memref<10240x128xf32, #tpu.memory_space<vmem_shared>>
      tpu.enqueue_indirect_dma source(%dma_start3A_124 : memref<128x128xf32, #tpu.memory_space<vmem>>) target(%dma_start3A_130 : memref<10240x128xf32, #tpu.memory_space<vmem_shared>>) offsets(%dma_start3A_127 : memref<128xi32, #tpu.memory_space<vmem>>) semaphore(%arg13 : memref<!tpu.dma_semaphore, #tpu.memory_space<semaphore_mem>>) {add = true}
      %dma_wait3A_131 = arith.constant 0 : i32
      %dma_wait3A_132 = arith.constant 1 : i32
      %dma_wait3A_133 = arith.constant 0 : i32
      %dma_wait3A_134 = arith.constant 0 : i32
      %dma_wait3A_135 = tpu.memref_slice %arg8[%dma_wait3A_131, %dma_wait3A_133, %dma_wait3A_134] : memref<2x128x128xf32, #tpu.memory_space<vmem>> -> memref<1x128x128xf32, #tpu.memory_space<vmem>>
      %dma_wait3A_136 = tpu.memref_squeeze %dma_wait3A_135 : memref<1x128x128xf32, #tpu.memory_space<vmem>> -> memref<128x128xf32, #tpu.memory_space<vmem>>
      %dma_wait3A_137 = arith.constant 0 : i32
      %dma_wait3A_138 = tpu.memref_slice %arg6[%dma_wait3A_132, %dma_wait3A_137] : memref<4x128xi32, #tpu.memory_space<vmem>> -> memref<1x128xi32, #tpu.memory_space<vmem>>
      %dma_wait3A_139 = tpu.memref_squeeze %dma_wait3A_138 : memref<1x128xi32, #tpu.memory_space<vmem>> -> memref<128xi32, #tpu.memory_space<vmem>>
      %dma_wait3A_140 = arith.constant 0 : i32
      %dma_wait3A_141 = arith.constant 0 : i32
      %dma_wait3A_142 = tpu.memref_slice %arg9[%dma_wait3A_140, %dma_wait3A_141] : memref<10240x128xf32, #tpu.memory_space<vmem_shared>> -> memref<10240x128xf32, #tpu.memory_space<vmem_shared>>
      tpu.wait_indirect_dma semaphore(%arg12 : memref<!tpu.dma_semaphore, #tpu.memory_space<semaphore_mem>>) src(%dma_wait3A_136 : memref<128x128xf32, #tpu.memory_space<vmem>>) dst(%dma_wait3A_142 : memref<10240x128xf32, #tpu.memory_space<vmem_shared>>)
      %dma_start3A_143 = arith.constant 0 : i32
      %dma_start3A_144 = arith.constant 0 : i32
      %dma_start3A_145 = arith.constant 0 : i32
      %dma_start3A_146 = arith.constant 0 : i32
      %dma_start3A_147 = tpu.memref_slice %arg8[%dma_start3A_144, %dma_start3A_145, %dma_start3A_146] : memref<2x128x128xf32, #tpu.memory_space<vmem>> -> memref<1x128x128xf32, #tpu.memory_space<vmem>>
      %dma_start3A_148 = tpu.memref_squeeze %dma_start3A_147 : memref<1x128x128xf32, #tpu.memory_space<vmem>> -> memref<128x128xf32, #tpu.memory_space<vmem>>
      %dma_start3A_149 = arith.constant 0 : i32
      %dma_start3A_150 = tpu.memref_slice %arg7[%dma_start3A_143, %dma_start3A_149] : memref<4x128xi32, #tpu.memory_space<vmem>> -> memref<1x128xi32, #tpu.memory_space<vmem>>
      %dma_start3A_151 = tpu.memref_squeeze %dma_start3A_150 : memref<1x128xi32, #tpu.memory_space<vmem>> -> memref<128xi32, #tpu.memory_space<vmem>>
      %dma_start3A_152 = arith.constant 0 : i32
      %dma_start3A_153 = arith.constant 0 : i32
      %dma_start3A_154 = tpu.memref_slice %arg2[%dma_start3A_152, %dma_start3A_153] : memref<10000x128xf32, #tpu.memory_space<hbm>> -> memref<10000x128xf32, #tpu.memory_space<hbm>>
      tpu.enqueue_indirect_dma source(%dma_start3A_154 : memref<10000x128xf32, #tpu.memory_space<hbm>>) target(%dma_start3A_148 : memref<128x128xf32, #tpu.memory_space<vmem>>) offsets(%dma_start3A_151 : memref<128xi32, #tpu.memory_space<vmem>>) semaphore(%arg10 : memref<!tpu.dma_semaphore, #tpu.memory_space<semaphore_mem>>)
      %dma_wait3A_155 = arith.constant 1 : i32
      %dma_wait3A_156 = arith.constant 3 : i32
      %dma_wait3A_157 = arith.constant 0 : i32
      %dma_wait3A_158 = arith.constant 0 : i32
      %dma_wait3A_159 = tpu.memref_slice %arg8[%dma_wait3A_155, %dma_wait3A_157, %dma_wait3A_158] : memref<2x128x128xf32, #tpu.memory_space<vmem>> -> memref<1x128x128xf32, #tpu.memory_space<vmem>>
      %dma_wait3A_160 = tpu.memref_squeeze %dma_wait3A_159 : memref<1x128x128xf32, #tpu.memory_space<vmem>> -> memref<128x128xf32, #tpu.memory_space<vmem>>
      %dma_wait3A_161 = arith.constant 0 : i32
      %dma_wait3A_162 = tpu.memref_slice %arg6[%dma_wait3A_156, %dma_wait3A_161] : memref<4x128xi32, #tpu.memory_space<vmem>> -> memref<1x128xi32, #tpu.memory_space<vmem>>
      %dma_wait3A_163 = tpu.memref_squeeze %dma_wait3A_162 : memref<1x128xi32, #tpu.memory_space<vmem>> -> memref<128xi32, #tpu.memory_space<vmem>>
      %dma_wait3A_164 = arith.constant 0 : i32
      %dma_wait3A_165 = arith.constant 0 : i32
      %dma_wait3A_166 = tpu.memref_slice %arg9[%dma_wait3A_164, %dma_wait3A_165] : memref<10240x128xf32, #tpu.memory_space<vmem_shared>> -> memref<10240x128xf32, #tpu.memory_space<vmem_shared>>
      tpu.wait_indirect_dma semaphore(%arg13 : memref<!tpu.dma_semaphore, #tpu.memory_space<semaphore_mem>>) src(%dma_wait3A_160 : memref<128x128xf32, #tpu.memory_space<vmem>>) dst(%dma_wait3A_166 : memref<10240x128xf32, #tpu.memory_space<vmem_shared>>)
      %dma_start3A_167 = arith.constant 2 : i32
      %dma_start3A_168 = arith.constant 1 : i32
      %dma_start3A_169 = arith.constant 0 : i32
      %dma_start3A_170 = arith.constant 0 : i32
      %dma_start3A_171 = tpu.memref_slice %arg8[%dma_start3A_168, %dma_start3A_169, %dma_start3A_170] : memref<2x128x128xf32, #tpu.memory_space<vmem>> -> memref<1x128x128xf32, #tpu.memory_space<vmem>>
      %dma_start3A_172 = tpu.memref_squeeze %dma_start3A_171 : memref<1x128x128xf32, #tpu.memory_space<vmem>> -> memref<128x128xf32, #tpu.memory_space<vmem>>
      %dma_start3A_173 = arith.constant 0 : i32
      %dma_start3A_174 = tpu.memref_slice %arg7[%dma_start3A_167, %dma_start3A_173] : memref<4x128xi32, #tpu.memory_space<vmem>> -> memref<1x128xi32, #tpu.memory_space<vmem>>
      %dma_start3A_175 = tpu.memref_squeeze %dma_start3A_174 : memref<1x128xi32, #tpu.memory_space<vmem>> -> memref<128xi32, #tpu.memory_space<vmem>>
      %dma_start3A_176 = arith.constant 0 : i32
      %dma_start3A_177 = arith.constant 0 : i32
      %dma_start3A_178 = tpu.memref_slice %arg2[%dma_start3A_176, %dma_start3A_177] : memref<10000x128xf32, #tpu.memory_space<hbm>> -> memref<10000x128xf32, #tpu.memory_space<hbm>>
      tpu.enqueue_indirect_dma source(%dma_start3A_178 : memref<10000x128xf32, #tpu.memory_space<hbm>>) target(%dma_start3A_172 : memref<128x128xf32, #tpu.memory_space<vmem>>) offsets(%dma_start3A_175 : memref<128xi32, #tpu.memory_space<vmem>>) semaphore(%arg11 : memref<!tpu.dma_semaphore, #tpu.memory_space<semaphore_mem>>)
      %add3A_179 = arith.constant 1 : i32
      %add3A_180 = arith.addi %while3A_48, %add3A_179 : i32
      %lt3A_181 = arith.cmpi slt, %add3A_180, %select_n3A : i32
      %convert_element_type3A_182 = arith.extui %lt3A_181 : i1 to i32
      %cond3A_183 = arith.constant 0 : i32
      %cond3A_184 = arith.cmpi ne, %convert_element_type3A_182, %cond3A_183 : i32
      scf.if %cond3A_184 {
        %mul3A_233 = arith.constant 2 : i32
        %mul3A_234 = arith.muli %mul3A_233, %while3A_48 : i32
        %add3A_235 = arith.constant 2 : i32
        %add3A_236 = arith.addi %mul3A_234, %add3A_235 : i32
        %mul3A_237 = arith.constant 32 : i32
        %mul3A_238 = arith.muli %add3A_236, %mul3A_237 : i32
        %add3A_239 = arith.addi %add3A, %mul3A_238 : i32
        "tpu.region"() ({
          %run_scoped3A = tpu.sem_alloc : memref<!tpu.dma_semaphore, #tpu.memory_space<semaphore_mem>>
          %dma_start3A_240 = arith.constant 0 : i32
          %dma_start3A_241 = arith.constant 0 : i32
          %dma_start3A_242 = tpu.memref_slice %arg3[%add3A_239, %dma_start3A_240, %dma_start3A_241] : memref<1250x4x128xi32, #tpu.memory_space<hbm>> -> memref<1x4x128xi32, #tpu.memory_space<hbm>>
          %dma_start3A_243 = tpu.memref_squeeze %dma_start3A_242 : memref<1x4x128xi32, #tpu.memory_space<hbm>> -> memref<4x128xi32, #tpu.memory_space<hbm>>
          %dma_start3A_244 = arith.constant 0 : i32
          %dma_start3A_245 = arith.constant 0 : i32
          %dma_start3A_246 = tpu.memref_slice %arg3[%add3A_239, %dma_start3A_244, %dma_start3A_245] : memref<1250x4x128xi32, #tpu.memory_space<hbm>> -> memref<1x4x128xi32, #tpu.memory_space<hbm>>
          %dma_start3A_247 = tpu.memref_squeeze %dma_start3A_246 : memref<1x4x128xi32, #tpu.memory_space<hbm>> -> memref<4x128xi32, #tpu.memory_space<hbm>>
          tpu.enqueue_dma source(%dma_start3A_247 : memref<4x128xi32, #tpu.memory_space<hbm>>) target(%arg6 : memref<4x128xi32, #tpu.memory_space<vmem>>) target_semaphore(%run_scoped3A : memref<!tpu.dma_semaphore, #tpu.memory_space<semaphore_mem>>)
          %dma_wait3A_248 = arith.constant 0 : i32
          %dma_wait3A_249 = arith.constant 0 : i32
          %dma_wait3A_250 = tpu.memref_slice %arg3[%add3A_239, %dma_wait3A_248, %dma_wait3A_249] : memref<1250x4x128xi32, #tpu.memory_space<hbm>> -> memref<1x4x128xi32, #tpu.memory_space<hbm>>
          %dma_wait3A_251 = tpu.memref_squeeze %dma_wait3A_250 : memref<1x4x128xi32, #tpu.memory_space<hbm>> -> memref<4x128xi32, #tpu.memory_space<hbm>>
          %dma_wait3A_252 = arith.constant 0 : i32
          %dma_wait3A_253 = arith.constant 0 : i32
          %dma_wait3A_254 = tpu.memref_slice %arg3[%add3A_239, %dma_wait3A_252, %dma_wait3A_253] : memref<1250x4x128xi32, #tpu.memory_space<hbm>> -> memref<1x4x128xi32, #tpu.memory_space<hbm>>
          %dma_wait3A_255 = tpu.memref_squeeze %dma_wait3A_254 : memref<1x4x128xi32, #tpu.memory_space<hbm>> -> memref<4x128xi32, #tpu.memory_space<hbm>>
          tpu.wait_dma2 semaphore(%run_scoped3A : memref<!tpu.dma_semaphore, #tpu.memory_space<semaphore_mem>>) src(%dma_wait3A_255 : memref<4x128xi32, #tpu.memory_space<hbm>>) dst(%arg6 : memref<4x128xi32, #tpu.memory_space<vmem>>)
          tpu.yield
        }) : () -> ()
      } else {
      }
      %dma_wait3A_185 = arith.constant 0 : i32
      %dma_wait3A_186 = arith.constant 0 : i32
      %dma_wait3A_187 = arith.constant 0 : i32
      %dma_wait3A_188 = arith.constant 0 : i32
      %dma_wait3A_189 = tpu.memref_slice %arg8[%dma_wait3A_186, %dma_wait3A_187, %dma_wait3A_188] : memref<2x128x128xf32, #tpu.memory_space<vmem>> -> memref<1x128x128xf32, #tpu.memory_space<vmem>>
      %dma_wait3A_190 = tpu.memref_squeeze %dma_wait3A_189 : memref<1x128x128xf32, #tpu.memory_space<vmem>> -> memref<128x128xf32, #tpu.memory_space<vmem>>
      %dma_wait3A_191 = arith.constant 0 : i32
      %dma_wait3A_192 = tpu.memref_slice %arg7[%dma_wait3A_185, %dma_wait3A_191] : memref<4x128xi32, #tpu.memory_space<vmem>> -> memref<1x128xi32, #tpu.memory_space<vmem>>
      %dma_wait3A_193 = tpu.memref_squeeze %dma_wait3A_192 : memref<1x128xi32, #tpu.memory_space<vmem>> -> memref<128xi32, #tpu.memory_space<vmem>>
      %dma_wait3A_194 = arith.constant 0 : i32
      %dma_wait3A_195 = arith.constant 0 : i32
      %dma_wait3A_196 = tpu.memref_slice %arg2[%dma_wait3A_194, %dma_wait3A_195] : memref<10000x128xf32, #tpu.memory_space<hbm>> -> memref<10000x128xf32, #tpu.memory_space<hbm>>
      tpu.wait_indirect_dma semaphore(%arg10 : memref<!tpu.dma_semaphore, #tpu.memory_space<semaphore_mem>>) src(%dma_wait3A_196 : memref<10000x128xf32, #tpu.memory_space<hbm>>) dst(%dma_wait3A_190 : memref<128x128xf32, #tpu.memory_space<vmem>>)
      %dma_start3A_197 = arith.constant 0 : i32
      %dma_start3A_198 = arith.constant 1 : i32
      %dma_start3A_199 = arith.constant 0 : i32
      %dma_start3A_200 = arith.constant 0 : i32
      %dma_start3A_201 = tpu.memref_slice %arg8[%dma_start3A_197, %dma_start3A_199, %dma_start3A_200] : memref<2x128x128xf32, #tpu.memory_space<vmem>> -> memref<1x128x128xf32, #tpu.memory_space<vmem>>
      %dma_start3A_202 = tpu.memref_squeeze %dma_start3A_201 : memref<1x128x128xf32, #tpu.memory_space<vmem>> -> memref<128x128xf32, #tpu.memory_space<vmem>>
      %dma_start3A_203 = arith.constant 0 : i32
      %dma_start3A_204 = tpu.memref_slice %arg7[%dma_start3A_198, %dma_start3A_203] : memref<4x128xi32, #tpu.memory_space<vmem>> -> memref<1x128xi32, #tpu.memory_space<vmem>>
      %dma_start3A_205 = tpu.memref_squeeze %dma_start3A_204 : memref<1x128xi32, #tpu.memory_space<vmem>> -> memref<128xi32, #tpu.memory_space<vmem>>
      %dma_start3A_206 = arith.constant 0 : i32
      %dma_start3A_207 = arith.constant 0 : i32
      %dma_start3A_208 = tpu.memref_slice %arg9[%dma_start3A_206, %dma_start3A_207] : memref<10240x128xf32, #tpu.memory_space<vmem_shared>> -> memref<10240x128xf32, #tpu.memory_space<vmem_shared>>
      tpu.enqueue_indirect_dma source(%dma_start3A_202 : memref<128x128xf32, #tpu.memory_space<vmem>>) target(%dma_start3A_208 : memref<10240x128xf32, #tpu.memory_space<vmem_shared>>) offsets(%dma_start3A_205 : memref<128xi32, #tpu.memory_space<vmem>>) semaphore(%arg12 : memref<!tpu.dma_semaphore, #tpu.memory_space<semaphore_mem>>) {add = true}
      %dma_wait3A_209 = arith.constant 2 : i32
      %dma_wait3A_210 = arith.constant 1 : i32
      %dma_wait3A_211 = arith.constant 0 : i32
      %dma_wait3A_212 = arith.constant 0 : i32
      %dma_wait3A_213 = tpu.memref_slice %arg8[%dma_wait3A_210, %dma_wait3A_211, %dma_wait3A_212] : memref<2x128x128xf32, #tpu.memory_space<vmem>> -> memref<1x128x128xf32, #tpu.memory_space<vmem>>
      %dma_wait3A_214 = tpu.memref_squeeze %dma_wait3A_213 : memref<1x128x128xf32, #tpu.memory_space<vmem>> -> memref<128x128xf32, #tpu.memory_space<vmem>>
      %dma_wait3A_215 = arith.constant 0 : i32
      %dma_wait3A_216 = tpu.memref_slice %arg7[%dma_wait3A_209, %dma_wait3A_215] : memref<4x128xi32, #tpu.memory_space<vmem>> -> memref<1x128xi32, #tpu.memory_space<vmem>>
      %dma_wait3A_217 = tpu.memref_squeeze %dma_wait3A_216 : memref<1x128xi32, #tpu.memory_space<vmem>> -> memref<128xi32, #tpu.memory_space<vmem>>
      %dma_wait3A_218 = arith.constant 0 : i32
      %dma_wait3A_219 = arith.constant 0 : i32
      %dma_wait3A_220 = tpu.memref_slice %arg2[%dma_wait3A_218, %dma_wait3A_219] : memref<10000x128xf32, #tpu.memory_space<hbm>> -> memref<10000x128xf32, #tpu.memory_space<hbm>>
      tpu.wait_indirect_dma semaphore(%arg11 : memref<!tpu.dma_semaphore, #tpu.memory_space<semaphore_mem>>) src(%dma_wait3A_220 : memref<10000x128xf32, #tpu.memory_space<hbm>>) dst(%dma_wait3A_214 : memref<128x128xf32, #tpu.memory_space<vmem>>)
      %dma_start3A_221 = arith.constant 1 : i32
      %dma_start3A_222 = arith.constant 3 : i32
      %dma_start3A_223 = arith.constant 0 : i32
      %dma_start3A_224 = arith.constant 0 : i32
      %dma_start3A_225 = tpu.memref_slice %arg8[%dma_start3A_221, %dma_start3A_223, %dma_start3A_224] : memref<2x128x128xf32, #tpu.memory_space<vmem>> -> memref<1x128x128xf32, #tpu.memory_space<vmem>>
      %dma_start3A_226 = tpu.memref_squeeze %dma_start3A_225 : memref<1x128x128xf32, #tpu.memory_space<vmem>> -> memref<128x128xf32, #tpu.memory_space<vmem>>
      %dma_start3A_227 = arith.constant 0 : i32
      %dma_start3A_228 = tpu.memref_slice %arg7[%dma_start3A_222, %dma_start3A_227] : memref<4x128xi32, #tpu.memory_space<vmem>> -> memref<1x128xi32, #tpu.memory_space<vmem>>
      %dma_start3A_229 = tpu.memref_squeeze %dma_start3A_228 : memref<1x128xi32, #tpu.memory_space<vmem>> -> memref<128xi32, #tpu.memory_space<vmem>>
      %dma_start3A_230 = arith.constant 0 : i32
      %dma_start3A_231 = arith.constant 0 : i32
      %dma_start3A_232 = tpu.memref_slice %arg9[%dma_start3A_230, %dma_start3A_231] : memref<10240x128xf32, #tpu.memory_space<vmem_shared>> -> memref<10240x128xf32, #tpu.memory_space<vmem_shared>>
      tpu.enqueue_indirect_dma source(%dma_start3A_226 : memref<128x128xf32, #tpu.memory_space<vmem>>) target(%dma_start3A_232 : memref<10240x128xf32, #tpu.memory_space<vmem_shared>>) offsets(%dma_start3A_229 : memref<128xi32, #tpu.memory_space<vmem>>) semaphore(%arg13 : memref<!tpu.dma_semaphore, #tpu.memory_space<semaphore_mem>>) {add = true}
    }
    %dma_wait3A = arith.constant 0 : i32
    %dma_wait3A_18 = arith.constant 1 : i32
    %dma_wait3A_19 = arith.constant 0 : i32
    %dma_wait3A_20 = arith.constant 0 : i32
    %dma_wait3A_21 = tpu.memref_slice %arg8[%dma_wait3A, %dma_wait3A_19, %dma_wait3A_20] : memref<2x128x128xf32, #tpu.memory_space<vmem>> -> memref<1x128x128xf32, #tpu.memory_space<vmem>>
    %dma_wait3A_22 = tpu.memref_squeeze %dma_wait3A_21 : memref<1x128x128xf32, #tpu.memory_space<vmem>> -> memref<128x128xf32, #tpu.memory_space<vmem>>
    %dma_wait3A_23 = arith.constant 0 : i32
    %dma_wait3A_24 = tpu.memref_slice %arg7[%dma_wait3A_18, %dma_wait3A_23] : memref<4x128xi32, #tpu.memory_space<vmem>> -> memref<1x128xi32, #tpu.memory_space<vmem>>
    %dma_wait3A_25 = tpu.memref_squeeze %dma_wait3A_24 : memref<1x128xi32, #tpu.memory_space<vmem>> -> memref<128xi32, #tpu.memory_space<vmem>>
    %dma_wait3A_26 = arith.constant 0 : i32
    %dma_wait3A_27 = arith.constant 0 : i32
    %dma_wait3A_28 = tpu.memref_slice %arg9[%dma_wait3A_26, %dma_wait3A_27] : memref<10240x128xf32, #tpu.memory_space<vmem_shared>> -> memref<10240x128xf32, #tpu.memory_space<vmem_shared>>
    tpu.wait_indirect_dma semaphore(%arg12 : memref<!tpu.dma_semaphore, #tpu.memory_space<semaphore_mem>>) src(%dma_wait3A_22 : memref<128x128xf32, #tpu.memory_space<vmem>>) dst(%dma_wait3A_28 : memref<10240x128xf32, #tpu.memory_space<vmem_shared>>)
    %dma_wait3A_29 = arith.constant 1 : i32
    %dma_wait3A_30 = arith.constant 3 : i32
    %dma_wait3A_31 = arith.constant 0 : i32
    %dma_wait3A_32 = arith.constant 0 : i32
    %dma_wait3A_33 = tpu.memref_slice %arg8[%dma_wait3A_29, %dma_wait3A_31, %dma_wait3A_32] : memref<2x128x128xf32, #tpu.memory_space<vmem>> -> memref<1x128x128xf32, #tpu.memory_space<vmem>>
    %dma_wait3A_34 = tpu.memref_squeeze %dma_wait3A_33 : memref<1x128x128xf32, #tpu.memory_space<vmem>> -> memref<128x128xf32, #tpu.memory_space<vmem>>
    %dma_wait3A_35 = arith.constant 0 : i32
    %dma_wait3A_36 = tpu.memref_slice %arg7[%dma_wait3A_30, %dma_wait3A_35] : memref<4x128xi32, #tpu.memory_space<vmem>> -> memref<1x128xi32, #tpu.memory_space<vmem>>
    %dma_wait3A_37 = tpu.memref_squeeze %dma_wait3A_36 : memref<1x128xi32, #tpu.memory_space<vmem>> -> memref<128xi32, #tpu.memory_space<vmem>>
    %dma_wait3A_38 = arith.constant 0 : i32
    %dma_wait3A_39 = arith.constant 0 : i32
    %dma_wait3A_40 = tpu.memref_slice %arg9[%dma_wait3A_38, %dma_wait3A_39] : memref<10240x128xf32, #tpu.memory_space<vmem_shared>> -> memref<10240x128xf32, #tpu.memory_space<vmem_shared>>
    tpu.wait_indirect_dma semaphore(%arg13 : memref<!tpu.dma_semaphore, #tpu.memory_space<semaphore_mem>>) src(%dma_wait3A_34 : memref<128x128xf32, #tpu.memory_space<vmem>>) dst(%dma_wait3A_40 : memref<10240x128xf32, #tpu.memory_space<vmem_shared>>)
    %ge3A = arith.constant 2 : i32
    %ge3A_41 = arith.cmpi sge, %add3A, %ge3A : i32
    %convert_element_type3A = arith.extui %ge3A_41 : i1 to i32
    %cond3A = arith.constant 0 : i32
    %cond3A_42 = arith.cmpi ne, %convert_element_type3A, %cond3A : i32
    scf.if %cond3A_42 {
      %add3A_48 = arith.constant 1216 : i32
      %add3A_49 = arith.addi %add3A, %add3A_48 : i32
      "tpu.region"() ({
        %run_scoped3A = tpu.sem_alloc : memref<!tpu.dma_semaphore, #tpu.memory_space<semaphore_mem>>
        %dma_start3A_145 = arith.constant 0 : i32
        %dma_start3A_146 = arith.constant 0 : i32
        %dma_start3A_147 = tpu.memref_slice %arg3[%add3A_49, %dma_start3A_145, %dma_start3A_146] : memref<1250x4x128xi32, #tpu.memory_space<hbm>> -> memref<1x4x128xi32, #tpu.memory_space<hbm>>
        %dma_start3A_148 = tpu.memref_squeeze %dma_start3A_147 : memref<1x4x128xi32, #tpu.memory_space<hbm>> -> memref<4x128xi32, #tpu.memory_space<hbm>>
        %dma_start3A_149 = arith.constant 0 : i32
        %dma_start3A_150 = arith.constant 0 : i32
        %dma_start3A_151 = tpu.memref_slice %arg3[%add3A_49, %dma_start3A_149, %dma_start3A_150] : memref<1250x4x128xi32, #tpu.memory_space<hbm>> -> memref<1x4x128xi32, #tpu.memory_space<hbm>>
        %dma_start3A_152 = tpu.memref_squeeze %dma_start3A_151 : memref<1x4x128xi32, #tpu.memory_space<hbm>> -> memref<4x128xi32, #tpu.memory_space<hbm>>
        tpu.enqueue_dma source(%dma_start3A_152 : memref<4x128xi32, #tpu.memory_space<hbm>>) target(%arg6 : memref<4x128xi32, #tpu.memory_space<vmem>>) target_semaphore(%run_scoped3A : memref<!tpu.dma_semaphore, #tpu.memory_space<semaphore_mem>>)
        %dma_wait3A_153 = arith.constant 0 : i32
        %dma_wait3A_154 = arith.constant 0 : i32
        %dma_wait3A_155 = tpu.memref_slice %arg3[%add3A_49, %dma_wait3A_153, %dma_wait3A_154] : memref<1250x4x128xi32, #tpu.memory_space<hbm>> -> memref<1x4x128xi32, #tpu.memory_space<hbm>>
        %dma_wait3A_156 = tpu.memref_squeeze %dma_wait3A_155 : memref<1x4x128xi32, #tpu.memory_space<hbm>> -> memref<4x128xi32, #tpu.memory_space<hbm>>
        %dma_wait3A_157 = arith.constant 0 : i32
        %dma_wait3A_158 = arith.constant 0 : i32
        %dma_wait3A_159 = tpu.memref_slice %arg3[%add3A_49, %dma_wait3A_157, %dma_wait3A_158] : memref<1250x4x128xi32, #tpu.memory_space<hbm>> -> memref<1x4x128xi32, #tpu.memory_space<hbm>>
        %dma_wait3A_160 = tpu.memref_squeeze %dma_wait3A_159 : memref<1x4x128xi32, #tpu.memory_space<hbm>> -> memref<4x128xi32, #tpu.memory_space<hbm>>
        tpu.wait_dma2 semaphore(%run_scoped3A : memref<!tpu.dma_semaphore, #tpu.memory_space<semaphore_mem>>) src(%dma_wait3A_160 : memref<4x128xi32, #tpu.memory_space<hbm>>) dst(%arg6 : memref<4x128xi32, #tpu.memory_space<vmem>>)
        tpu.yield
      }) : () -> ()
      %dma_start3A = arith.constant 0 : i32
      %dma_start3A_50 = arith.constant 0 : i32
      %dma_start3A_51 = arith.constant 0 : i32
      %dma_start3A_52 = arith.constant 0 : i32
      %dma_start3A_53 = tpu.memref_slice %arg8[%dma_start3A_50, %dma_start3A_51, %dma_start3A_52] : memref<2x128x128xf32, #tpu.memory_space<vmem>> -> memref<1x128x128xf32, #tpu.memory_space<vmem>>
      %dma_start3A_54 = tpu.memref_squeeze %dma_start3A_53 : memref<1x128x128xf32, #tpu.memory_space<vmem>> -> memref<128x128xf32, #tpu.memory_space<vmem>>
      %dma_start3A_55 = arith.constant 0 : i32
      %dma_start3A_56 = tpu.memref_slice %arg6[%dma_start3A, %dma_start3A_55] : memref<4x128xi32, #tpu.memory_space<vmem>> -> memref<1x128xi32, #tpu.memory_space<vmem>>
      %dma_start3A_57 = tpu.memref_squeeze %dma_start3A_56 : memref<1x128xi32, #tpu.memory_space<vmem>> -> memref<128xi32, #tpu.memory_space<vmem>>
      %dma_start3A_58 = arith.constant 0 : i32
      %dma_start3A_59 = arith.constant 0 : i32
      %dma_start3A_60 = tpu.memref_slice %arg2[%dma_start3A_58, %dma_start3A_59] : memref<10000x128xf32, #tpu.memory_space<hbm>> -> memref<10000x128xf32, #tpu.memory_space<hbm>>
      tpu.enqueue_indirect_dma source(%dma_start3A_60 : memref<10000x128xf32, #tpu.memory_space<hbm>>) target(%dma_start3A_54 : memref<128x128xf32, #tpu.memory_space<vmem>>) offsets(%dma_start3A_57 : memref<128xi32, #tpu.memory_space<vmem>>) semaphore(%arg10 : memref<!tpu.dma_semaphore, #tpu.memory_space<semaphore_mem>>)
      %dma_start3A_61 = arith.constant 2 : i32
      %dma_start3A_62 = arith.constant 1 : i32
      %dma_start3A_63 = arith.constant 0 : i32
      %dma_start3A_64 = arith.constant 0 : i32
      %dma_start3A_65 = tpu.memref_slice %arg8[%dma_start3A_62, %dma_start3A_63, %dma_start3A_64] : memref<2x128x128xf32, #tpu.memory_space<vmem>> -> memref<1x128x128xf32, #tpu.memory_space<vmem>>
      %dma_start3A_66 = tpu.memref_squeeze %dma_start3A_65 : memref<1x128x128xf32, #tpu.memory_space<vmem>> -> memref<128x128xf32, #tpu.memory_space<vmem>>
      %dma_start3A_67 = arith.constant 0 : i32
      %dma_start3A_68 = tpu.memref_slice %arg6[%dma_start3A_61, %dma_start3A_67] : memref<4x128xi32, #tpu.memory_space<vmem>> -> memref<1x128xi32, #tpu.memory_space<vmem>>
      %dma_start3A_69 = tpu.memref_squeeze %dma_start3A_68 : memref<1x128xi32, #tpu.memory_space<vmem>> -> memref<128xi32, #tpu.memory_space<vmem>>
      %dma_start3A_70 = arith.constant 0 : i32
      %dma_start3A_71 = arith.constant 0 : i32
      %dma_start3A_72 = tpu.memref_slice %arg2[%dma_start3A_70, %dma_start3A_71] : memref<10000x128xf32, #tpu.memory_space<hbm>> -> memref<10000x128xf32, #tpu.memory_space<hbm>>
      tpu.enqueue_indirect_dma source(%dma_start3A_72 : memref<10000x128xf32, #tpu.memory_space<hbm>>) target(%dma_start3A_66 : memref<128x128xf32, #tpu.memory_space<vmem>>) offsets(%dma_start3A_69 : memref<128xi32, #tpu.memory_space<vmem>>) semaphore(%arg11 : memref<!tpu.dma_semaphore, #tpu.memory_space<semaphore_mem>>)
      %dma_wait3A_73 = arith.constant 0 : i32
      %dma_wait3A_74 = arith.constant 0 : i32
      %dma_wait3A_75 = arith.constant 0 : i32
      %dma_wait3A_76 = arith.constant 0 : i32
      %dma_wait3A_77 = tpu.memref_slice %arg8[%dma_wait3A_74, %dma_wait3A_75, %dma_wait3A_76] : memref<2x128x128xf32, #tpu.memory_space<vmem>> -> memref<1x128x128xf32, #tpu.memory_space<vmem>>
      %dma_wait3A_78 = tpu.memref_squeeze %dma_wait3A_77 : memref<1x128x128xf32, #tpu.memory_space<vmem>> -> memref<128x128xf32, #tpu.memory_space<vmem>>
      %dma_wait3A_79 = arith.constant 0 : i32
      %dma_wait3A_80 = tpu.memref_slice %arg6[%dma_wait3A_73, %dma_wait3A_79] : memref<4x128xi32, #tpu.memory_space<vmem>> -> memref<1x128xi32, #tpu.memory_space<vmem>>
      %dma_wait3A_81 = tpu.memref_squeeze %dma_wait3A_80 : memref<1x128xi32, #tpu.memory_space<vmem>> -> memref<128xi32, #tpu.memory_space<vmem>>
      %dma_wait3A_82 = arith.constant 0 : i32
      %dma_wait3A_83 = arith.constant 0 : i32
      %dma_wait3A_84 = tpu.memref_slice %arg2[%dma_wait3A_82, %dma_wait3A_83] : memref<10000x128xf32, #tpu.memory_space<hbm>> -> memref<10000x128xf32, #tpu.memory_space<hbm>>
      tpu.wait_indirect_dma semaphore(%arg10 : memref<!tpu.dma_semaphore, #tpu.memory_space<semaphore_mem>>) src(%dma_wait3A_84 : memref<10000x128xf32, #tpu.memory_space<hbm>>) dst(%dma_wait3A_78 : memref<128x128xf32, #tpu.memory_space<vmem>>)
      %dma_start3A_85 = arith.constant 0 : i32
      %dma_start3A_86 = arith.constant 1 : i32
      %dma_start3A_87 = arith.constant 0 : i32
      %dma_start3A_88 = arith.constant 0 : i32
      %dma_start3A_89 = tpu.memref_slice %arg8[%dma_start3A_85, %dma_start3A_87, %dma_start3A_88] : memref<2x128x128xf32, #tpu.memory_space<vmem>> -> memref<1x128x128xf32, #tpu.memory_space<vmem>>
      %dma_start3A_90 = tpu.memref_squeeze %dma_start3A_89 : memref<1x128x128xf32, #tpu.memory_space<vmem>> -> memref<128x128xf32, #tpu.memory_space<vmem>>
      %dma_start3A_91 = arith.constant 0 : i32
      %dma_start3A_92 = tpu.memref_slice %arg6[%dma_start3A_86, %dma_start3A_91] : memref<4x128xi32, #tpu.memory_space<vmem>> -> memref<1x128xi32, #tpu.memory_space<vmem>>
      %dma_start3A_93 = tpu.memref_squeeze %dma_start3A_92 : memref<1x128xi32, #tpu.memory_space<vmem>> -> memref<128xi32, #tpu.memory_space<vmem>>
      %dma_start3A_94 = arith.constant 0 : i32
      %dma_start3A_95 = arith.constant 0 : i32
      %dma_start3A_96 = tpu.memref_slice %arg9[%dma_start3A_94, %dma_start3A_95] : memref<10240x128xf32, #tpu.memory_space<vmem_shared>> -> memref<10240x128xf32, #tpu.memory_space<vmem_shared>>
      tpu.enqueue_indirect_dma source(%dma_start3A_90 : memref<128x128xf32, #tpu.memory_space<vmem>>) target(%dma_start3A_96 : memref<10240x128xf32, #tpu.memory_space<vmem_shared>>) offsets(%dma_start3A_93 : memref<128xi32, #tpu.memory_space<vmem>>) semaphore(%arg12 : memref<!tpu.dma_semaphore, #tpu.memory_space<semaphore_mem>>) {add = true}
      %dma_wait3A_97 = arith.constant 2 : i32
      %dma_wait3A_98 = arith.constant 1 : i32
      %dma_wait3A_99 = arith.constant 0 : i32
      %dma_wait3A_100 = arith.constant 0 : i32
      %dma_wait3A_101 = tpu.memref_slice %arg8[%dma_wait3A_98, %dma_wait3A_99, %dma_wait3A_100] : memref<2x128x128xf32, #tpu.memory_space<vmem>> -> memref<1x128x128xf32, #tpu.memory_space<vmem>>
      %dma_wait3A_102 = tpu.memref_squeeze %dma_wait3A_101 : memref<1x128x128xf32, #tpu.memory_space<vmem>> -> memref<128x128xf32, #tpu.memory_space<vmem>>
      %dma_wait3A_103 = arith.constant 0 : i32
      %dma_wait3A_104 = tpu.memref_slice %arg6[%dma_wait3A_97, %dma_wait3A_103] : memref<4x128xi32, #tpu.memory_space<vmem>> -> memref<1x128xi32, #tpu.memory_space<vmem>>
      %dma_wait3A_105 = tpu.memref_squeeze %dma_wait3A_104 : memref<1x128xi32, #tpu.memory_space<vmem>> -> memref<128xi32, #tpu.memory_space<vmem>>
      %dma_wait3A_106 = arith.constant 0 : i32
      %dma_wait3A_107 = arith.constant 0 : i32
      %dma_wait3A_108 = tpu.memref_slice %arg2[%dma_wait3A_106, %dma_wait3A_107] : memref<10000x128xf32, #tpu.memory_space<hbm>> -> memref<10000x128xf32, #tpu.memory_space<hbm>>
      tpu.wait_indirect_dma semaphore(%arg11 : memref<!tpu.dma_semaphore, #tpu.memory_space<semaphore_mem>>) src(%dma_wait3A_108 : memref<10000x128xf32, #tpu.memory_space<hbm>>) dst(%dma_wait3A_102 : memref<128x128xf32, #tpu.memory_space<vmem>>)
      %dma_start3A_109 = arith.constant 1 : i32
      %dma_start3A_110 = arith.constant 3 : i32
      %dma_start3A_111 = arith.constant 0 : i32
      %dma_start3A_112 = arith.constant 0 : i32
      %dma_start3A_113 = tpu.memref_slice %arg8[%dma_start3A_109, %dma_start3A_111, %dma_start3A_112] : memref<2x128x128xf32, #tpu.memory_space<vmem>> -> memref<1x128x128xf32, #tpu.memory_space<vmem>>
      %dma_start3A_114 = tpu.memref_squeeze %dma_start3A_113 : memref<1x128x128xf32, #tpu.memory_space<vmem>> -> memref<128x128xf32, #tpu.memory_space<vmem>>
      %dma_start3A_115 = arith.constant 0 : i32
      %dma_start3A_116 = tpu.memref_slice %arg6[%dma_start3A_110, %dma_start3A_115] : memref<4x128xi32, #tpu.memory_space<vmem>> -> memref<1x128xi32, #tpu.memory_space<vmem>>
      %dma_start3A_117 = tpu.memref_squeeze %dma_start3A_116 : memref<1x128xi32, #tpu.memory_space<vmem>> -> memref<128xi32, #tpu.memory_space<vmem>>
      %dma_start3A_118 = arith.constant 0 : i32
      %dma_start3A_119 = arith.constant 0 : i32
      %dma_start3A_120 = tpu.memref_slice %arg9[%dma_start3A_118, %dma_start3A_119] : memref<10240x128xf32, #tpu.memory_space<vmem_shared>> -> memref<10240x128xf32, #tpu.memory_space<vmem_shared>>
      tpu.enqueue_indirect_dma source(%dma_start3A_114 : memref<128x128xf32, #tpu.memory_space<vmem>>) target(%dma_start3A_120 : memref<10240x128xf32, #tpu.memory_space<vmem_shared>>) offsets(%dma_start3A_117 : memref<128xi32, #tpu.memory_space<vmem>>) semaphore(%arg13 : memref<!tpu.dma_semaphore, #tpu.memory_space<semaphore_mem>>) {add = true}
      %dma_wait3A_121 = arith.constant 0 : i32
      %dma_wait3A_122 = arith.constant 1 : i32
      %dma_wait3A_123 = arith.constant 0 : i32
      %dma_wait3A_124 = arith.constant 0 : i32
      %dma_wait3A_125 = tpu.memref_slice %arg8[%dma_wait3A_121, %dma_wait3A_123, %dma_wait3A_124] : memref<2x128x128xf32, #tpu.memory_space<vmem>> -> memref<1x128x128xf32, #tpu.memory_space<vmem>>
      %dma_wait3A_126 = tpu.memref_squeeze %dma_wait3A_125 : memref<1x128x128xf32, #tpu.memory_space<vmem>> -> memref<128x128xf32, #tpu.memory_space<vmem>>
      %dma_wait3A_127 = arith.constant 0 : i32
      %dma_wait3A_128 = tpu.memref_slice %arg6[%dma_wait3A_122, %dma_wait3A_127] : memref<4x128xi32, #tpu.memory_space<vmem>> -> memref<1x128xi32, #tpu.memory_space<vmem>>
      %dma_wait3A_129 = tpu.memref_squeeze %dma_wait3A_128 : memref<1x128xi32, #tpu.memory_space<vmem>> -> memref<128xi32, #tpu.memory_space<vmem>>
      %dma_wait3A_130 = arith.constant 0 : i32
      %dma_wait3A_131 = arith.constant 0 : i32
      %dma_wait3A_132 = tpu.memref_slice %arg9[%dma_wait3A_130, %dma_wait3A_131] : memref<10240x128xf32, #tpu.memory_space<vmem_shared>> -> memref<10240x128xf32, #tpu.memory_space<vmem_shared>>
      tpu.wait_indirect_dma semaphore(%arg12 : memref<!tpu.dma_semaphore, #tpu.memory_space<semaphore_mem>>) src(%dma_wait3A_126 : memref<128x128xf32, #tpu.memory_space<vmem>>) dst(%dma_wait3A_132 : memref<10240x128xf32, #tpu.memory_space<vmem_shared>>)
      %dma_wait3A_133 = arith.constant 1 : i32
      %dma_wait3A_134 = arith.constant 3 : i32
      %dma_wait3A_135 = arith.constant 0 : i32
      %dma_wait3A_136 = arith.constant 0 : i32
      %dma_wait3A_137 = tpu.memref_slice %arg8[%dma_wait3A_133, %dma_wait3A_135, %dma_wait3A_136] : memref<2x128x128xf32, #tpu.memory_space<vmem>> -> memref<1x128x128xf32, #tpu.memory_space<vmem>>
      %dma_wait3A_138 = tpu.memref_squeeze %dma_wait3A_137 : memref<1x128x128xf32, #tpu.memory_space<vmem>> -> memref<128x128xf32, #tpu.memory_space<vmem>>
      %dma_wait3A_139 = arith.constant 0 : i32
      %dma_wait3A_140 = tpu.memref_slice %arg6[%dma_wait3A_134, %dma_wait3A_139] : memref<4x128xi32, #tpu.memory_space<vmem>> -> memref<1x128xi32, #tpu.memory_space<vmem>>
      %dma_wait3A_141 = tpu.memref_squeeze %dma_wait3A_140 : memref<1x128xi32, #tpu.memory_space<vmem>> -> memref<128xi32, #tpu.memory_space<vmem>>
      %dma_wait3A_142 = arith.constant 0 : i32
      %dma_wait3A_143 = arith.constant 0 : i32
      %dma_wait3A_144 = tpu.memref_slice %arg9[%dma_wait3A_142, %dma_wait3A_143] : memref<10240x128xf32, #tpu.memory_space<vmem_shared>> -> memref<10240x128xf32, #tpu.memory_space<vmem_shared>>
      tpu.wait_indirect_dma semaphore(%arg13 : memref<!tpu.dma_semaphore, #tpu.memory_space<semaphore_mem>>) src(%dma_wait3A_138 : memref<128x128xf32, #tpu.memory_space<vmem>>) dst(%dma_wait3A_144 : memref<10240x128xf32, #tpu.memory_space<vmem_shared>>)
    } else {
    }
    %barrier3A_43 = arith.constant 0 : index
    tpu.barrier barrier_id(%barrier3A_43)
    %mul3A_44 = arith.constant 640 : i32
    %mul3A_45 = arith.muli %arg1, %mul3A_44 : i32
    %mul3A_46 = arith.constant 640 : i32
    %mul3A_47 = arith.muli %arg1, %mul3A_46 : i32
    "tpu.region"() ({
      %run_scoped3A = tpu.sem_alloc : memref<!tpu.dma_semaphore, #tpu.memory_space<semaphore_mem>>
      %dma_start3A = arith.constant 0 : i32
      %dma_start3A_48 = tpu.memref_slice %arg5[%arg0, %mul3A_47, %dma_start3A] : memref<2x10240x128xf32, #tpu.memory_space<hbm>> -> memref<1x640x128xf32, #tpu.memory_space<hbm>>
      %dma_start3A_49 = tpu.memref_squeeze %dma_start3A_48 : memref<1x640x128xf32, #tpu.memory_space<hbm>> -> memref<640x128xf32, #tpu.memory_space<hbm>>
      %dma_start3A_50 = arith.constant 0 : i32
      %dma_start3A_51 = tpu.memref_slice %arg9[%mul3A_45, %dma_start3A_50] : memref<10240x128xf32, #tpu.memory_space<vmem_shared>> -> memref<640x128xf32, #tpu.memory_space<vmem_shared>>
      tpu.enqueue_dma source(%dma_start3A_51 : memref<640x128xf32, #tpu.memory_space<vmem_shared>>) target(%dma_start3A_49 : memref<640x128xf32, #tpu.memory_space<hbm>>) target_semaphore(%run_scoped3A : memref<!tpu.dma_semaphore, #tpu.memory_space<semaphore_mem>>)
      %dma_wait3A_52 = arith.constant 0 : i32
      %dma_wait3A_53 = tpu.memref_slice %arg5[%arg0, %mul3A_47, %dma_wait3A_52] : memref<2x10240x128xf32, #tpu.memory_space<hbm>> -> memref<1x640x128xf32, #tpu.memory_space<hbm>>
      %dma_wait3A_54 = tpu.memref_squeeze %dma_wait3A_53 : memref<1x640x128xf32, #tpu.memory_space<hbm>> -> memref<640x128xf32, #tpu.memory_space<hbm>>
      %dma_wait3A_55 = arith.constant 0 : i32
      %dma_wait3A_56 = tpu.memref_slice %arg9[%mul3A_45, %dma_wait3A_55] : memref<10240x128xf32, #tpu.memory_space<vmem_shared>> -> memref<640x128xf32, #tpu.memory_space<vmem_shared>>
      tpu.wait_dma2 semaphore(%run_scoped3A : memref<!tpu.dma_semaphore, #tpu.memory_space<semaphore_mem>>) src(%dma_wait3A_56 : memref<640x128xf32, #tpu.memory_space<vmem_shared>>) dst(%dma_wait3A_54 : memref<640x128xf32, #tpu.memory_space<hbm>>)
      tpu.yield
    }) : () -> ()
    return
  }
}

#map = affine_map<(d0, d1) -> (0, 0)>
#map1 = affine_map<(d0, d1) -> (0, 0, 0)>
module attributes {stable_mosaic.version = 14 : i64} {
  func.func @_agg_body(%arg0: i32, %arg1: i32, %arg2: memref<10000x128xf32, #tpu.memory_space<hbm>>, %arg3: memref<1250x4x128xi32, #tpu.memory_space<hbm>>, %arg4: memref<10240x128xf32, #tpu.memory_space<hbm>>, %arg5: memref<2x10240x128xf32, #tpu.memory_space<hbm>>, %arg6: memref<4x128xi32, #tpu.memory_space<vmem>>, %arg7: memref<4x128xi32, #tpu.memory_space<vmem>>, %arg8: memref<2x128x128xf32, #tpu.memory_space<vmem>>, %arg9: memref<10240x128xf32, #tpu.memory_space<vmem_shared>>, %arg10: memref<!tpu.dma_semaphore, #tpu.memory_space<semaphore_mem>>, %arg11: memref<!tpu.dma_semaphore, #tpu.memory_space<semaphore_mem>>, %arg12: memref<!tpu.dma_semaphore, #tpu.memory_space<semaphore_mem>>, %arg13: memref<!tpu.dma_semaphore, #tpu.memory_space<semaphore_mem>>) attributes {dimension_semantics = [#tpu.dimension_semantics<core_parallel>, #tpu.dimension_semantics<subcore_parallel>], iteration_bounds = array<i64: 2, 16>, scalar_prefetch = 0 : i64, scratch_operands = 8 : i64, tpu.core_type = #tpu.core_type<sc_vector_subcore>, window_params = [{transform_indices = #map}, {transform_indices = #map1}, {transform_indices = #map}, {transform_indices = #map1}]} {
    %mul3A = arith.constant 2 : i32
    %mul3A_0 = arith.muli %arg1, %mul3A : i32
    %add3A = arith.addi %mul3A_0, %arg0 : i32
    %mul3A_1 = arith.constant 640 : i32
    %mul3A_2 = arith.muli %arg1, %mul3A_1 : i32
    %mul3A_3 = arith.constant 640 : i32
    %mul3A_4 = arith.muli %arg1, %mul3A_3 : i32
    "tpu.region"() ({
      %run_scoped3A = tpu.sem_alloc : memref<!tpu.dma_semaphore, #tpu.memory_space<semaphore_mem>>
      %dma_start3A = arith.constant 0 : i32
      %dma_start3A_48 = tpu.memref_slice %arg9[%mul3A_4, %dma_start3A] : memref<10240x128xf32, #tpu.memory_space<vmem_shared>> -> memref<640x128xf32, #tpu.memory_space<vmem_shared>>
      %dma_start3A_49 = arith.constant 0 : i32
      %dma_start3A_50 = tpu.memref_slice %arg4[%mul3A_2, %dma_start3A_49] : memref<10240x128xf32, #tpu.memory_space<hbm>> -> memref<640x128xf32, #tpu.memory_space<hbm>>
      tpu.enqueue_dma source(%dma_start3A_50 : memref<640x128xf32, #tpu.memory_space<hbm>>) target(%dma_start3A_48 : memref<640x128xf32, #tpu.memory_space<vmem_shared>>) target_semaphore(%run_scoped3A : memref<!tpu.dma_semaphore, #tpu.memory_space<semaphore_mem>>)
      %dma_wait3A_51 = arith.constant 0 : i32
      %dma_wait3A_52 = tpu.memref_slice %arg9[%mul3A_4, %dma_wait3A_51] : memref<10240x128xf32, #tpu.memory_space<vmem_shared>> -> memref<640x128xf32, #tpu.memory_space<vmem_shared>>
      %dma_wait3A_53 = arith.constant 0 : i32
      %dma_wait3A_54 = tpu.memref_slice %arg4[%mul3A_2, %dma_wait3A_53] : memref<10240x128xf32, #tpu.memory_space<hbm>> -> memref<640x128xf32, #tpu.memory_space<hbm>>
      tpu.wait_dma2 semaphore(%run_scoped3A : memref<!tpu.dma_semaphore, #tpu.memory_space<semaphore_mem>>) src(%dma_wait3A_54 : memref<640x128xf32, #tpu.memory_space<hbm>>) dst(%dma_wait3A_52 : memref<640x128xf32, #tpu.memory_space<vmem_shared>>)
      tpu.yield
    }) : () -> ()
    %barrier3A = arith.constant 0 : index
    tpu.barrier barrier_id(%barrier3A)
    %lt3A = arith.constant 2 : i32
    %lt3A_5 = arith.cmpi slt, %add3A, %lt3A : i32
    %jit3A = arith.constant 20 : i32
    %jit3A_6 = arith.constant 19 : i32
    %select_n3A = arith.select %lt3A_5, %jit3A, %jit3A_6 : i32
    %add3A_7 = arith.constant 0 : i32
    %add3A_8 = arith.addi %add3A, %add3A_7 : i32
    "tpu.region"() ({
      %run_scoped3A = tpu.sem_alloc : memref<!tpu.dma_semaphore, #tpu.memory_space<semaphore_mem>>
      %dma_start3A = arith.constant 0 : i32
      %dma_start3A_48 = arith.constant 0 : i32
      %dma_start3A_49 = tpu.memref_slice %arg3[%add3A_8, %dma_start3A, %dma_start3A_48] : memref<1250x4x128xi32, #tpu.memory_space<hbm>> -> memref<1x4x128xi32, #tpu.memory_space<hbm>>
      %dma_start3A_50 = tpu.memref_squeeze %dma_start3A_49 : memref<1x4x128xi32, #tpu.memory_space<hbm>> -> memref<4x128xi32, #tpu.memory_space<hbm>>
      %dma_start3A_51 = arith.constant 0 : i32
      %dma_start3A_52 = arith.constant 0 : i32
      %dma_start3A_53 = tpu.memref_slice %arg3[%add3A_8, %dma_start3A_51, %dma_start3A_52] : memref<1250x4x128xi32, #tpu.memory_space<hbm>> -> memref<1x4x128xi32, #tpu.memory_space<hbm>>
      %dma_start3A_54 = tpu.memref_squeeze %dma_start3A_53 : memref<1x4x128xi32, #tpu.memory_space<hbm>> -> memref<4x128xi32, #tpu.memory_space<hbm>>
      tpu.enqueue_dma source(%dma_start3A_54 : memref<4x128xi32, #tpu.memory_space<hbm>>) target(%arg6 : memref<4x128xi32, #tpu.memory_space<vmem>>) target_semaphore(%run_scoped3A : memref<!tpu.dma_semaphore, #tpu.memory_space<semaphore_mem>>)
      %dma_wait3A_55 = arith.constant 0 : i32
      %dma_wait3A_56 = arith.constant 0 : i32
      %dma_wait3A_57 = tpu.memref_slice %arg3[%add3A_8, %dma_wait3A_55, %dma_wait3A_56] : memref<1250x4x128xi32, #tpu.memory_space<hbm>> -> memref<1x4x128xi32, #tpu.memory_space<hbm>>
      %dma_wait3A_58 = tpu.memref_squeeze %dma_wait3A_57 : memref<1x4x128xi32, #tpu.memory_space<hbm>> -> memref<4x128xi32, #tpu.memory_space<hbm>>
      %dma_wait3A_59 = arith.constant 0 : i32
      %dma_wait3A_60 = arith.constant 0 : i32
      %dma_wait3A_61 = tpu.memref_slice %arg3[%add3A_8, %dma_wait3A_59, %dma_wait3A_60] : memref<1250x4x128xi32, #tpu.memory_space<hbm>> -> memref<1x4x128xi32, #tpu.memory_space<hbm>>
      %dma_wait3A_62 = tpu.memref_squeeze %dma_wait3A_61 : memref<1x4x128xi32, #tpu.memory_space<hbm>> -> memref<4x128xi32, #tpu.memory_space<hbm>>
      tpu.wait_dma2 semaphore(%run_scoped3A : memref<!tpu.dma_semaphore, #tpu.memory_space<semaphore_mem>>) src(%dma_wait3A_62 : memref<4x128xi32, #tpu.memory_space<hbm>>) dst(%arg6 : memref<4x128xi32, #tpu.memory_space<vmem>>)
      tpu.yield
    }) : () -> ()
    %while3A = arith.constant 0 : i32
    %while3A_9 = arith.constant 0 : i32
    %while3A_10 = arith.subi %select_n3A, %while3A_9 : i32
    %while3A_11 = arith.addi %while3A_9, %while3A_10 : i32
    %while3A_12 = arith.constant 1 : i32
    %while3A_13 = arith.divsi %while3A_10, %while3A_12 : i32
    %while3A_14 = arith.muli %while3A_13, %while3A_12 : i32
    %while3A_15 = arith.addi %while3A_9, %while3A_14 : i32
    %while3A_16 = arith.constant 1 : i32
    scf.for %while3A_48 = %while3A_9 to %while3A_15 step %while3A_16  : i32 {
      %gt3A = arith.constant 0 : i32
      %gt3A_49 = arith.cmpi sgt, %while3A_48, %gt3A : i32
      %convert_element_type3A_50 = arith.extui %gt3A_49 : i1 to i32
      %cond3A_51 = arith.constant 0 : i32
      %cond3A_52 = arith.cmpi ne, %convert_element_type3A_50, %cond3A_51 : i32
      scf.if %cond3A_52 {
        %dma_wait3A_233 = arith.constant 0 : i32
        %dma_wait3A_234 = arith.constant 1 : i32
        %dma_wait3A_235 = arith.constant 0 : i32
        %dma_wait3A_236 = arith.constant 0 : i32
        %dma_wait3A_237 = tpu.memref_slice %arg8[%dma_wait3A_233, %dma_wait3A_235, %dma_wait3A_236] : memref<2x128x128xf32, #tpu.memory_space<vmem>> -> memref<1x128x128xf32, #tpu.memory_space<vmem>>
        %dma_wait3A_238 = tpu.memref_squeeze %dma_wait3A_237 : memref<1x128x128xf32, #tpu.memory_space<vmem>> -> memref<128x128xf32, #tpu.memory_space<vmem>>
        %dma_wait3A_239 = arith.constant 0 : i32
        %dma_wait3A_240 = tpu.memref_slice %arg7[%dma_wait3A_234, %dma_wait3A_239] : memref<4x128xi32, #tpu.memory_space<vmem>> -> memref<1x128xi32, #tpu.memory_space<vmem>>
        %dma_wait3A_241 = tpu.memref_squeeze %dma_wait3A_240 : memref<1x128xi32, #tpu.memory_space<vmem>> -> memref<128xi32, #tpu.memory_space<vmem>>
        %dma_wait3A_242 = arith.constant 0 : i32
        %dma_wait3A_243 = arith.constant 0 : i32
        %dma_wait3A_244 = tpu.memref_slice %arg9[%dma_wait3A_242, %dma_wait3A_243] : memref<10240x128xf32, #tpu.memory_space<vmem_shared>> -> memref<10240x128xf32, #tpu.memory_space<vmem_shared>>
        tpu.wait_indirect_dma semaphore(%arg12 : memref<!tpu.dma_semaphore, #tpu.memory_space<semaphore_mem>>) src(%dma_wait3A_238 : memref<128x128xf32, #tpu.memory_space<vmem>>) dst(%dma_wait3A_244 : memref<10240x128xf32, #tpu.memory_space<vmem_shared>>)
        %dma_wait3A_245 = arith.constant 1 : i32
        %dma_wait3A_246 = arith.constant 3 : i32
        %dma_wait3A_247 = arith.constant 0 : i32
        %dma_wait3A_248 = arith.constant 0 : i32
        %dma_wait3A_249 = tpu.memref_slice %arg8[%dma_wait3A_245, %dma_wait3A_247, %dma_wait3A_248] : memref<2x128x128xf32, #tpu.memory_space<vmem>> -> memref<1x128x128xf32, #tpu.memory_space<vmem>>
        %dma_wait3A_250 = tpu.memref_squeeze %dma_wait3A_249 : memref<1x128x128xf32, #tpu.memory_space<vmem>> -> memref<128x128xf32, #tpu.memory_space<vmem>>
        %dma_wait3A_251 = arith.constant 0 : i32
        %dma_wait3A_252 = tpu.memref_slice %arg7[%dma_wait3A_246, %dma_wait3A_251] : memref<4x128xi32, #tpu.memory_space<vmem>> -> memref<1x128xi32, #tpu.memory_space<vmem>>
        %dma_wait3A_253 = tpu.memref_squeeze %dma_wait3A_252 : memref<1x128xi32, #tpu.memory_space<vmem>> -> memref<128xi32, #tpu.memory_space<vmem>>
        %dma_wait3A_254 = arith.constant 0 : i32
        %dma_wait3A_255 = arith.constant 0 : i32
        %dma_wait3A_256 = tpu.memref_slice %arg9[%dma_wait3A_254, %dma_wait3A_255] : memref<10240x128xf32, #tpu.memory_space<vmem_shared>> -> memref<10240x128xf32, #tpu.memory_space<vmem_shared>>
        tpu.wait_indirect_dma semaphore(%arg13 : memref<!tpu.dma_semaphore, #tpu.memory_space<semaphore_mem>>) src(%dma_wait3A_250 : memref<128x128xf32, #tpu.memory_space<vmem>>) dst(%dma_wait3A_256 : memref<10240x128xf32, #tpu.memory_space<vmem_shared>>)
      } else {
      }
      %dma_start3A = arith.constant 0 : i32
      %dma_start3A_53 = arith.constant 0 : i32
      %dma_start3A_54 = arith.constant 0 : i32
      %dma_start3A_55 = arith.constant 0 : i32
      %dma_start3A_56 = tpu.memref_slice %arg8[%dma_start3A_53, %dma_start3A_54, %dma_start3A_55] : memref<2x128x128xf32, #tpu.memory_space<vmem>> -> memref<1x128x128xf32, #tpu.memory_space<vmem>>
      %dma_start3A_57 = tpu.memref_squeeze %dma_start3A_56 : memref<1x128x128xf32, #tpu.memory_space<vmem>> -> memref<128x128xf32, #tpu.memory_space<vmem>>
      %dma_start3A_58 = arith.constant 0 : i32
      %dma_start3A_59 = tpu.memref_slice %arg6[%dma_start3A, %dma_start3A_58] : memref<4x128xi32, #tpu.memory_space<vmem>> -> memref<1x128xi32, #tpu.memory_space<vmem>>
      %dma_start3A_60 = tpu.memref_squeeze %dma_start3A_59 : memref<1x128xi32, #tpu.memory_space<vmem>> -> memref<128xi32, #tpu.memory_space<vmem>>
      %dma_start3A_61 = arith.constant 0 : i32
      %dma_start3A_62 = arith.constant 0 : i32
      %dma_start3A_63 = tpu.memref_slice %arg2[%dma_start3A_61, %dma_start3A_62] : memref<10000x128xf32, #tpu.memory_space<hbm>> -> memref<10000x128xf32, #tpu.memory_space<hbm>>
      tpu.enqueue_indirect_dma source(%dma_start3A_63 : memref<10000x128xf32, #tpu.memory_space<hbm>>) target(%dma_start3A_57 : memref<128x128xf32, #tpu.memory_space<vmem>>) offsets(%dma_start3A_60 : memref<128xi32, #tpu.memory_space<vmem>>) semaphore(%arg10 : memref<!tpu.dma_semaphore, #tpu.memory_space<semaphore_mem>>)
      %dma_start3A_64 = arith.constant 2 : i32
      %dma_start3A_65 = arith.constant 1 : i32
      %dma_start3A_66 = arith.constant 0 : i32
      %dma_start3A_67 = arith.constant 0 : i32
      %dma_start3A_68 = tpu.memref_slice %arg8[%dma_start3A_65, %dma_start3A_66, %dma_start3A_67] : memref<2x128x128xf32, #tpu.memory_space<vmem>> -> memref<1x128x128xf32, #tpu.memory_space<vmem>>
      %dma_start3A_69 = tpu.memref_squeeze %dma_start3A_68 : memref<1x128x128xf32, #tpu.memory_space<vmem>> -> memref<128x128xf32, #tpu.memory_space<vmem>>
      %dma_start3A_70 = arith.constant 0 : i32
      %dma_start3A_71 = tpu.memref_slice %arg6[%dma_start3A_64, %dma_start3A_70] : memref<4x128xi32, #tpu.memory_space<vmem>> -> memref<1x128xi32, #tpu.memory_space<vmem>>
      %dma_start3A_72 = tpu.memref_squeeze %dma_start3A_71 : memref<1x128xi32, #tpu.memory_space<vmem>> -> memref<128xi32, #tpu.memory_space<vmem>>
      %dma_start3A_73 = arith.constant 0 : i32
      %dma_start3A_74 = arith.constant 0 : i32
      %dma_start3A_75 = tpu.memref_slice %arg2[%dma_start3A_73, %dma_start3A_74] : memref<10000x128xf32, #tpu.memory_space<hbm>> -> memref<10000x128xf32, #tpu.memory_space<hbm>>
      tpu.enqueue_indirect_dma source(%dma_start3A_75 : memref<10000x128xf32, #tpu.memory_space<hbm>>) target(%dma_start3A_69 : memref<128x128xf32, #tpu.memory_space<vmem>>) offsets(%dma_start3A_72 : memref<128xi32, #tpu.memory_space<vmem>>) semaphore(%arg11 : memref<!tpu.dma_semaphore, #tpu.memory_space<semaphore_mem>>)
      %mul3A_76 = arith.constant 2 : i32
      %mul3A_77 = arith.muli %mul3A_76, %while3A_48 : i32
      %add3A_78 = arith.constant 1 : i32
      %add3A_79 = arith.addi %mul3A_77, %add3A_78 : i32
      %mul3A_80 = arith.constant 32 : i32
      %mul3A_81 = arith.muli %add3A_79, %mul3A_80 : i32
      %add3A_82 = arith.addi %add3A, %mul3A_81 : i32
      "tpu.region"() ({
        %run_scoped3A = tpu.sem_alloc : memref<!tpu.dma_semaphore, #tpu.memory_space<semaphore_mem>>
        %dma_start3A_233 = arith.constant 0 : i32
        %dma_start3A_234 = arith.constant 0 : i32
        %dma_start3A_235 = tpu.memref_slice %arg3[%add3A_82, %dma_start3A_233, %dma_start3A_234] : memref<1250x4x128xi32, #tpu.memory_space<hbm>> -> memref<1x4x128xi32, #tpu.memory_space<hbm>>
        %dma_start3A_236 = tpu.memref_squeeze %dma_start3A_235 : memref<1x4x128xi32, #tpu.memory_space<hbm>> -> memref<4x128xi32, #tpu.memory_space<hbm>>
        %dma_start3A_237 = arith.constant 0 : i32
        %dma_start3A_238 = arith.constant 0 : i32
        %dma_start3A_239 = tpu.memref_slice %arg3[%add3A_82, %dma_start3A_237, %dma_start3A_238] : memref<1250x4x128xi32, #tpu.memory_space<hbm>> -> memref<1x4x128xi32, #tpu.memory_space<hbm>>
        %dma_start3A_240 = tpu.memref_squeeze %dma_start3A_239 : memref<1x4x128xi32, #tpu.memory_space<hbm>> -> memref<4x128xi32, #tpu.memory_space<hbm>>
        tpu.enqueue_dma source(%dma_start3A_240 : memref<4x128xi32, #tpu.memory_space<hbm>>) target(%arg7 : memref<4x128xi32, #tpu.memory_space<vmem>>) target_semaphore(%run_scoped3A : memref<!tpu.dma_semaphore, #tpu.memory_space<semaphore_mem>>)
        %dma_wait3A_241 = arith.constant 0 : i32
        %dma_wait3A_242 = arith.constant 0 : i32
        %dma_wait3A_243 = tpu.memref_slice %arg3[%add3A_82, %dma_wait3A_241, %dma_wait3A_242] : memref<1250x4x128xi32, #tpu.memory_space<hbm>> -> memref<1x4x128xi32, #tpu.memory_space<hbm>>
        %dma_wait3A_244 = tpu.memref_squeeze %dma_wait3A_243 : memref<1x4x128xi32, #tpu.memory_space<hbm>> -> memref<4x128xi32, #tpu.memory_space<hbm>>
        %dma_wait3A_245 = arith.constant 0 : i32
        %dma_wait3A_246 = arith.constant 0 : i32
        %dma_wait3A_247 = tpu.memref_slice %arg3[%add3A_82, %dma_wait3A_245, %dma_wait3A_246] : memref<1250x4x128xi32, #tpu.memory_space<hbm>> -> memref<1x4x128xi32, #tpu.memory_space<hbm>>
        %dma_wait3A_248 = tpu.memref_squeeze %dma_wait3A_247 : memref<1x4x128xi32, #tpu.memory_space<hbm>> -> memref<4x128xi32, #tpu.memory_space<hbm>>
        tpu.wait_dma2 semaphore(%run_scoped3A : memref<!tpu.dma_semaphore, #tpu.memory_space<semaphore_mem>>) src(%dma_wait3A_248 : memref<4x128xi32, #tpu.memory_space<hbm>>) dst(%arg7 : memref<4x128xi32, #tpu.memory_space<vmem>>)
        tpu.yield
      }) : () -> ()
      %dma_wait3A_83 = arith.constant 0 : i32
      %dma_wait3A_84 = arith.constant 0 : i32
      %dma_wait3A_85 = arith.constant 0 : i32
      %dma_wait3A_86 = arith.constant 0 : i32
      %dma_wait3A_87 = tpu.memref_slice %arg8[%dma_wait3A_84, %dma_wait3A_85, %dma_wait3A_86] : memref<2x128x128xf32, #tpu.memory_space<vmem>> -> memref<1x128x128xf32, #tpu.memory_space<vmem>>
      %dma_wait3A_88 = tpu.memref_squeeze %dma_wait3A_87 : memref<1x128x128xf32, #tpu.memory_space<vmem>> -> memref<128x128xf32, #tpu.memory_space<vmem>>
      %dma_wait3A_89 = arith.constant 0 : i32
      %dma_wait3A_90 = tpu.memref_slice %arg6[%dma_wait3A_83, %dma_wait3A_89] : memref<4x128xi32, #tpu.memory_space<vmem>> -> memref<1x128xi32, #tpu.memory_space<vmem>>
      %dma_wait3A_91 = tpu.memref_squeeze %dma_wait3A_90 : memref<1x128xi32, #tpu.memory_space<vmem>> -> memref<128xi32, #tpu.memory_space<vmem>>
      %dma_wait3A_92 = arith.constant 0 : i32
      %dma_wait3A_93 = arith.constant 0 : i32
      %dma_wait3A_94 = tpu.memref_slice %arg2[%dma_wait3A_92, %dma_wait3A_93] : memref<10000x128xf32, #tpu.memory_space<hbm>> -> memref<10000x128xf32, #tpu.memory_space<hbm>>
      tpu.wait_indirect_dma semaphore(%arg10 : memref<!tpu.dma_semaphore, #tpu.memory_space<semaphore_mem>>) src(%dma_wait3A_94 : memref<10000x128xf32, #tpu.memory_space<hbm>>) dst(%dma_wait3A_88 : memref<128x128xf32, #tpu.memory_space<vmem>>)
      %dma_start3A_95 = arith.constant 0 : i32
      %dma_start3A_96 = arith.constant 1 : i32
      %dma_start3A_97 = arith.constant 0 : i32
      %dma_start3A_98 = arith.constant 0 : i32
      %dma_start3A_99 = tpu.memref_slice %arg8[%dma_start3A_95, %dma_start3A_97, %dma_start3A_98] : memref<2x128x128xf32, #tpu.memory_space<vmem>> -> memref<1x128x128xf32, #tpu.memory_space<vmem>>
      %dma_start3A_100 = tpu.memref_squeeze %dma_start3A_99 : memref<1x128x128xf32, #tpu.memory_space<vmem>> -> memref<128x128xf32, #tpu.memory_space<vmem>>
      %dma_start3A_101 = arith.constant 0 : i32
      %dma_start3A_102 = tpu.memref_slice %arg6[%dma_start3A_96, %dma_start3A_101] : memref<4x128xi32, #tpu.memory_space<vmem>> -> memref<1x128xi32, #tpu.memory_space<vmem>>
      %dma_start3A_103 = tpu.memref_squeeze %dma_start3A_102 : memref<1x128xi32, #tpu.memory_space<vmem>> -> memref<128xi32, #tpu.memory_space<vmem>>
      %dma_start3A_104 = arith.constant 0 : i32
      %dma_start3A_105 = arith.constant 0 : i32
      %dma_start3A_106 = tpu.memref_slice %arg9[%dma_start3A_104, %dma_start3A_105] : memref<10240x128xf32, #tpu.memory_space<vmem_shared>> -> memref<10240x128xf32, #tpu.memory_space<vmem_shared>>
      tpu.enqueue_indirect_dma source(%dma_start3A_100 : memref<128x128xf32, #tpu.memory_space<vmem>>) target(%dma_start3A_106 : memref<10240x128xf32, #tpu.memory_space<vmem_shared>>) offsets(%dma_start3A_103 : memref<128xi32, #tpu.memory_space<vmem>>) semaphore(%arg12 : memref<!tpu.dma_semaphore, #tpu.memory_space<semaphore_mem>>) {add = true}
      %dma_wait3A_107 = arith.constant 2 : i32
      %dma_wait3A_108 = arith.constant 1 : i32
      %dma_wait3A_109 = arith.constant 0 : i32
      %dma_wait3A_110 = arith.constant 0 : i32
      %dma_wait3A_111 = tpu.memref_slice %arg8[%dma_wait3A_108, %dma_wait3A_109, %dma_wait3A_110] : memref<2x128x128xf32, #tpu.memory_space<vmem>> -> memref<1x128x128xf32, #tpu.memory_space<vmem>>
      %dma_wait3A_112 = tpu.memref_squeeze %dma_wait3A_111 : memref<1x128x128xf32, #tpu.memory_space<vmem>> -> memref<128x128xf32, #tpu.memory_space<vmem>>
      %dma_wait3A_113 = arith.constant 0 : i32
      %dma_wait3A_114 = tpu.memref_slice %arg6[%dma_wait3A_107, %dma_wait3A_113] : memref<4x128xi32, #tpu.memory_space<vmem>> -> memref<1x128xi32, #tpu.memory_space<vmem>>
      %dma_wait3A_115 = tpu.memref_squeeze %dma_wait3A_114 : memref<1x128xi32, #tpu.memory_space<vmem>> -> memref<128xi32, #tpu.memory_space<vmem>>
      %dma_wait3A_116 = arith.constant 0 : i32
      %dma_wait3A_117 = arith.constant 0 : i32
      %dma_wait3A_118 = tpu.memref_slice %arg2[%dma_wait3A_116, %dma_wait3A_117] : memref<10000x128xf32, #tpu.memory_space<hbm>> -> memref<10000x128xf32, #tpu.memory_space<hbm>>
      tpu.wait_indirect_dma semaphore(%arg11 : memref<!tpu.dma_semaphore, #tpu.memory_space<semaphore_mem>>) src(%dma_wait3A_118 : memref<10000x128xf32, #tpu.memory_space<hbm>>) dst(%dma_wait3A_112 : memref<128x128xf32, #tpu.memory_space<vmem>>)
      %dma_start3A_119 = arith.constant 1 : i32
      %dma_start3A_120 = arith.constant 3 : i32
      %dma_start3A_121 = arith.constant 0 : i32
      %dma_start3A_122 = arith.constant 0 : i32
      %dma_start3A_123 = tpu.memref_slice %arg8[%dma_start3A_119, %dma_start3A_121, %dma_start3A_122] : memref<2x128x128xf32, #tpu.memory_space<vmem>> -> memref<1x128x128xf32, #tpu.memory_space<vmem>>
      %dma_start3A_124 = tpu.memref_squeeze %dma_start3A_123 : memref<1x128x128xf32, #tpu.memory_space<vmem>> -> memref<128x128xf32, #tpu.memory_space<vmem>>
      %dma_start3A_125 = arith.constant 0 : i32
      %dma_start3A_126 = tpu.memref_slice %arg6[%dma_start3A_120, %dma_start3A_125] : memref<4x128xi32, #tpu.memory_space<vmem>> -> memref<1x128xi32, #tpu.memory_space<vmem>>
      %dma_start3A_127 = tpu.memref_squeeze %dma_start3A_126 : memref<1x128xi32, #tpu.memory_space<vmem>> -> memref<128xi32, #tpu.memory_space<vmem>>
      %dma_start3A_128 = arith.constant 0 : i32
      %dma_start3A_129 = arith.constant 0 : i32
      %dma_start3A_130 = tpu.memref_slice %arg9[%dma_start3A_128, %dma_start3A_129] : memref<10240x128xf32, #tpu.memory_space<vmem_shared>> -> memref<10240x128xf32, #tpu.memory_space<vmem_shared>>
      tpu.enqueue_indirect_dma source(%dma_start3A_124 : memref<128x128xf32, #tpu.memory_space<vmem>>) target(%dma_start3A_130 : memref<10240x128xf32, #tpu.memory_space<vmem_shared>>) offsets(%dma_start3A_127 : memref<128xi32, #tpu.memory_space<vmem>>) semaphore(%arg13 : memref<!tpu.dma_semaphore, #tpu.memory_space<semaphore_mem>>) {add = true}
      %dma_wait3A_131 = arith.constant 0 : i32
      %dma_wait3A_132 = arith.constant 1 : i32
      %dma_wait3A_133 = arith.constant 0 : i32
      %dma_wait3A_134 = arith.constant 0 : i32
      %dma_wait3A_135 = tpu.memref_slice %arg8[%dma_wait3A_131, %dma_wait3A_133, %dma_wait3A_134] : memref<2x128x128xf32, #tpu.memory_space<vmem>> -> memref<1x128x128xf32, #tpu.memory_space<vmem>>
      %dma_wait3A_136 = tpu.memref_squeeze %dma_wait3A_135 : memref<1x128x128xf32, #tpu.memory_space<vmem>> -> memref<128x128xf32, #tpu.memory_space<vmem>>
      %dma_wait3A_137 = arith.constant 0 : i32
      %dma_wait3A_138 = tpu.memref_slice %arg6[%dma_wait3A_132, %dma_wait3A_137] : memref<4x128xi32, #tpu.memory_space<vmem>> -> memref<1x128xi32, #tpu.memory_space<vmem>>
      %dma_wait3A_139 = tpu.memref_squeeze %dma_wait3A_138 : memref<1x128xi32, #tpu.memory_space<vmem>> -> memref<128xi32, #tpu.memory_space<vmem>>
      %dma_wait3A_140 = arith.constant 0 : i32
      %dma_wait3A_141 = arith.constant 0 : i32
      %dma_wait3A_142 = tpu.memref_slice %arg9[%dma_wait3A_140, %dma_wait3A_141] : memref<10240x128xf32, #tpu.memory_space<vmem_shared>> -> memref<10240x128xf32, #tpu.memory_space<vmem_shared>>
      tpu.wait_indirect_dma semaphore(%arg12 : memref<!tpu.dma_semaphore, #tpu.memory_space<semaphore_mem>>) src(%dma_wait3A_136 : memref<128x128xf32, #tpu.memory_space<vmem>>) dst(%dma_wait3A_142 : memref<10240x128xf32, #tpu.memory_space<vmem_shared>>)
      %dma_start3A_143 = arith.constant 0 : i32
      %dma_start3A_144 = arith.constant 0 : i32
      %dma_start3A_145 = arith.constant 0 : i32
      %dma_start3A_146 = arith.constant 0 : i32
      %dma_start3A_147 = tpu.memref_slice %arg8[%dma_start3A_144, %dma_start3A_145, %dma_start3A_146] : memref<2x128x128xf32, #tpu.memory_space<vmem>> -> memref<1x128x128xf32, #tpu.memory_space<vmem>>
      %dma_start3A_148 = tpu.memref_squeeze %dma_start3A_147 : memref<1x128x128xf32, #tpu.memory_space<vmem>> -> memref<128x128xf32, #tpu.memory_space<vmem>>
      %dma_start3A_149 = arith.constant 0 : i32
      %dma_start3A_150 = tpu.memref_slice %arg7[%dma_start3A_143, %dma_start3A_149] : memref<4x128xi32, #tpu.memory_space<vmem>> -> memref<1x128xi32, #tpu.memory_space<vmem>>
      %dma_start3A_151 = tpu.memref_squeeze %dma_start3A_150 : memref<1x128xi32, #tpu.memory_space<vmem>> -> memref<128xi32, #tpu.memory_space<vmem>>
      %dma_start3A_152 = arith.constant 0 : i32
      %dma_start3A_153 = arith.constant 0 : i32
      %dma_start3A_154 = tpu.memref_slice %arg2[%dma_start3A_152, %dma_start3A_153] : memref<10000x128xf32, #tpu.memory_space<hbm>> -> memref<10000x128xf32, #tpu.memory_space<hbm>>
      tpu.enqueue_indirect_dma source(%dma_start3A_154 : memref<10000x128xf32, #tpu.memory_space<hbm>>) target(%dma_start3A_148 : memref<128x128xf32, #tpu.memory_space<vmem>>) offsets(%dma_start3A_151 : memref<128xi32, #tpu.memory_space<vmem>>) semaphore(%arg10 : memref<!tpu.dma_semaphore, #tpu.memory_space<semaphore_mem>>)
      %dma_wait3A_155 = arith.constant 1 : i32
      %dma_wait3A_156 = arith.constant 3 : i32
      %dma_wait3A_157 = arith.constant 0 : i32
      %dma_wait3A_158 = arith.constant 0 : i32
      %dma_wait3A_159 = tpu.memref_slice %arg8[%dma_wait3A_155, %dma_wait3A_157, %dma_wait3A_158] : memref<2x128x128xf32, #tpu.memory_space<vmem>> -> memref<1x128x128xf32, #tpu.memory_space<vmem>>
      %dma_wait3A_160 = tpu.memref_squeeze %dma_wait3A_159 : memref<1x128x128xf32, #tpu.memory_space<vmem>> -> memref<128x128xf32, #tpu.memory_space<vmem>>
      %dma_wait3A_161 = arith.constant 0 : i32
      %dma_wait3A_162 = tpu.memref_slice %arg6[%dma_wait3A_156, %dma_wait3A_161] : memref<4x128xi32, #tpu.memory_space<vmem>> -> memref<1x128xi32, #tpu.memory_space<vmem>>
      %dma_wait3A_163 = tpu.memref_squeeze %dma_wait3A_162 : memref<1x128xi32, #tpu.memory_space<vmem>> -> memref<128xi32, #tpu.memory_space<vmem>>
      %dma_wait3A_164 = arith.constant 0 : i32
      %dma_wait3A_165 = arith.constant 0 : i32
      %dma_wait3A_166 = tpu.memref_slice %arg9[%dma_wait3A_164, %dma_wait3A_165] : memref<10240x128xf32, #tpu.memory_space<vmem_shared>> -> memref<10240x128xf32, #tpu.memory_space<vmem_shared>>
      tpu.wait_indirect_dma semaphore(%arg13 : memref<!tpu.dma_semaphore, #tpu.memory_space<semaphore_mem>>) src(%dma_wait3A_160 : memref<128x128xf32, #tpu.memory_space<vmem>>) dst(%dma_wait3A_166 : memref<10240x128xf32, #tpu.memory_space<vmem_shared>>)
      %dma_start3A_167 = arith.constant 2 : i32
      %dma_start3A_168 = arith.constant 1 : i32
      %dma_start3A_169 = arith.constant 0 : i32
      %dma_start3A_170 = arith.constant 0 : i32
      %dma_start3A_171 = tpu.memref_slice %arg8[%dma_start3A_168, %dma_start3A_169, %dma_start3A_170] : memref<2x128x128xf32, #tpu.memory_space<vmem>> -> memref<1x128x128xf32, #tpu.memory_space<vmem>>
      %dma_start3A_172 = tpu.memref_squeeze %dma_start3A_171 : memref<1x128x128xf32, #tpu.memory_space<vmem>> -> memref<128x128xf32, #tpu.memory_space<vmem>>
      %dma_start3A_173 = arith.constant 0 : i32
      %dma_start3A_174 = tpu.memref_slice %arg7[%dma_start3A_167, %dma_start3A_173] : memref<4x128xi32, #tpu.memory_space<vmem>> -> memref<1x128xi32, #tpu.memory_space<vmem>>
      %dma_start3A_175 = tpu.memref_squeeze %dma_start3A_174 : memref<1x128xi32, #tpu.memory_space<vmem>> -> memref<128xi32, #tpu.memory_space<vmem>>
      %dma_start3A_176 = arith.constant 0 : i32
      %dma_start3A_177 = arith.constant 0 : i32
      %dma_start3A_178 = tpu.memref_slice %arg2[%dma_start3A_176, %dma_start3A_177] : memref<10000x128xf32, #tpu.memory_space<hbm>> -> memref<10000x128xf32, #tpu.memory_space<hbm>>
      tpu.enqueue_indirect_dma source(%dma_start3A_178 : memref<10000x128xf32, #tpu.memory_space<hbm>>) target(%dma_start3A_172 : memref<128x128xf32, #tpu.memory_space<vmem>>) offsets(%dma_start3A_175 : memref<128xi32, #tpu.memory_space<vmem>>) semaphore(%arg11 : memref<!tpu.dma_semaphore, #tpu.memory_space<semaphore_mem>>)
      %add3A_179 = arith.constant 1 : i32
      %add3A_180 = arith.addi %while3A_48, %add3A_179 : i32
      %lt3A_181 = arith.cmpi slt, %add3A_180, %select_n3A : i32
      %convert_element_type3A_182 = arith.extui %lt3A_181 : i1 to i32
      %cond3A_183 = arith.constant 0 : i32
      %cond3A_184 = arith.cmpi ne, %convert_element_type3A_182, %cond3A_183 : i32
      scf.if %cond3A_184 {
        %mul3A_233 = arith.constant 2 : i32
        %mul3A_234 = arith.muli %mul3A_233, %while3A_48 : i32
        %add3A_235 = arith.constant 2 : i32
        %add3A_236 = arith.addi %mul3A_234, %add3A_235 : i32
        %mul3A_237 = arith.constant 32 : i32
        %mul3A_238 = arith.muli %add3A_236, %mul3A_237 : i32
        %add3A_239 = arith.addi %add3A, %mul3A_238 : i32
        "tpu.region"() ({
          %run_scoped3A = tpu.sem_alloc : memref<!tpu.dma_semaphore, #tpu.memory_space<semaphore_mem>>
          %dma_start3A_240 = arith.constant 0 : i32
          %dma_start3A_241 = arith.constant 0 : i32
          %dma_start3A_242 = tpu.memref_slice %arg3[%add3A_239, %dma_start3A_240, %dma_start3A_241] : memref<1250x4x128xi32, #tpu.memory_space<hbm>> -> memref<1x4x128xi32, #tpu.memory_space<hbm>>
          %dma_start3A_243 = tpu.memref_squeeze %dma_start3A_242 : memref<1x4x128xi32, #tpu.memory_space<hbm>> -> memref<4x128xi32, #tpu.memory_space<hbm>>
          %dma_start3A_244 = arith.constant 0 : i32
          %dma_start3A_245 = arith.constant 0 : i32
          %dma_start3A_246 = tpu.memref_slice %arg3[%add3A_239, %dma_start3A_244, %dma_start3A_245] : memref<1250x4x128xi32, #tpu.memory_space<hbm>> -> memref<1x4x128xi32, #tpu.memory_space<hbm>>
          %dma_start3A_247 = tpu.memref_squeeze %dma_start3A_246 : memref<1x4x128xi32, #tpu.memory_space<hbm>> -> memref<4x128xi32, #tpu.memory_space<hbm>>
          tpu.enqueue_dma source(%dma_start3A_247 : memref<4x128xi32, #tpu.memory_space<hbm>>) target(%arg6 : memref<4x128xi32, #tpu.memory_space<vmem>>) target_semaphore(%run_scoped3A : memref<!tpu.dma_semaphore, #tpu.memory_space<semaphore_mem>>)
          %dma_wait3A_248 = arith.constant 0 : i32
          %dma_wait3A_249 = arith.constant 0 : i32
          %dma_wait3A_250 = tpu.memref_slice %arg3[%add3A_239, %dma_wait3A_248, %dma_wait3A_249] : memref<1250x4x128xi32, #tpu.memory_space<hbm>> -> memref<1x4x128xi32, #tpu.memory_space<hbm>>
          %dma_wait3A_251 = tpu.memref_squeeze %dma_wait3A_250 : memref<1x4x128xi32, #tpu.memory_space<hbm>> -> memref<4x128xi32, #tpu.memory_space<hbm>>
          %dma_wait3A_252 = arith.constant 0 : i32
          %dma_wait3A_253 = arith.constant 0 : i32
          %dma_wait3A_254 = tpu.memref_slice %arg3[%add3A_239, %dma_wait3A_252, %dma_wait3A_253] : memref<1250x4x128xi32, #tpu.memory_space<hbm>> -> memref<1x4x128xi32, #tpu.memory_space<hbm>>
          %dma_wait3A_255 = tpu.memref_squeeze %dma_wait3A_254 : memref<1x4x128xi32, #tpu.memory_space<hbm>> -> memref<4x128xi32, #tpu.memory_space<hbm>>
          tpu.wait_dma2 semaphore(%run_scoped3A : memref<!tpu.dma_semaphore, #tpu.memory_space<semaphore_mem>>) src(%dma_wait3A_255 : memref<4x128xi32, #tpu.memory_space<hbm>>) dst(%arg6 : memref<4x128xi32, #tpu.memory_space<vmem>>)
          tpu.yield
        }) : () -> ()
      } else {
      }
      %dma_wait3A_185 = arith.constant 0 : i32
      %dma_wait3A_186 = arith.constant 0 : i32
      %dma_wait3A_187 = arith.constant 0 : i32
      %dma_wait3A_188 = arith.constant 0 : i32
      %dma_wait3A_189 = tpu.memref_slice %arg8[%dma_wait3A_186, %dma_wait3A_187, %dma_wait3A_188] : memref<2x128x128xf32, #tpu.memory_space<vmem>> -> memref<1x128x128xf32, #tpu.memory_space<vmem>>
      %dma_wait3A_190 = tpu.memref_squeeze %dma_wait3A_189 : memref<1x128x128xf32, #tpu.memory_space<vmem>> -> memref<128x128xf32, #tpu.memory_space<vmem>>
      %dma_wait3A_191 = arith.constant 0 : i32
      %dma_wait3A_192 = tpu.memref_slice %arg7[%dma_wait3A_185, %dma_wait3A_191] : memref<4x128xi32, #tpu.memory_space<vmem>> -> memref<1x128xi32, #tpu.memory_space<vmem>>
      %dma_wait3A_193 = tpu.memref_squeeze %dma_wait3A_192 : memref<1x128xi32, #tpu.memory_space<vmem>> -> memref<128xi32, #tpu.memory_space<vmem>>
      %dma_wait3A_194 = arith.constant 0 : i32
      %dma_wait3A_195 = arith.constant 0 : i32
      %dma_wait3A_196 = tpu.memref_slice %arg2[%dma_wait3A_194, %dma_wait3A_195] : memref<10000x128xf32, #tpu.memory_space<hbm>> -> memref<10000x128xf32, #tpu.memory_space<hbm>>
      tpu.wait_indirect_dma semaphore(%arg10 : memref<!tpu.dma_semaphore, #tpu.memory_space<semaphore_mem>>) src(%dma_wait3A_196 : memref<10000x128xf32, #tpu.memory_space<hbm>>) dst(%dma_wait3A_190 : memref<128x128xf32, #tpu.memory_space<vmem>>)
      %dma_start3A_197 = arith.constant 0 : i32
      %dma_start3A_198 = arith.constant 1 : i32
      %dma_start3A_199 = arith.constant 0 : i32
      %dma_start3A_200 = arith.constant 0 : i32
      %dma_start3A_201 = tpu.memref_slice %arg8[%dma_start3A_197, %dma_start3A_199, %dma_start3A_200] : memref<2x128x128xf32, #tpu.memory_space<vmem>> -> memref<1x128x128xf32, #tpu.memory_space<vmem>>
      %dma_start3A_202 = tpu.memref_squeeze %dma_start3A_201 : memref<1x128x128xf32, #tpu.memory_space<vmem>> -> memref<128x128xf32, #tpu.memory_space<vmem>>
      %dma_start3A_203 = arith.constant 0 : i32
      %dma_start3A_204 = tpu.memref_slice %arg7[%dma_start3A_198, %dma_start3A_203] : memref<4x128xi32, #tpu.memory_space<vmem>> -> memref<1x128xi32, #tpu.memory_space<vmem>>
      %dma_start3A_205 = tpu.memref_squeeze %dma_start3A_204 : memref<1x128xi32, #tpu.memory_space<vmem>> -> memref<128xi32, #tpu.memory_space<vmem>>
      %dma_start3A_206 = arith.constant 0 : i32
      %dma_start3A_207 = arith.constant 0 : i32
      %dma_start3A_208 = tpu.memref_slice %arg9[%dma_start3A_206, %dma_start3A_207] : memref<10240x128xf32, #tpu.memory_space<vmem_shared>> -> memref<10240x128xf32, #tpu.memory_space<vmem_shared>>
      tpu.enqueue_indirect_dma source(%dma_start3A_202 : memref<128x128xf32, #tpu.memory_space<vmem>>) target(%dma_start3A_208 : memref<10240x128xf32, #tpu.memory_space<vmem_shared>>) offsets(%dma_start3A_205 : memref<128xi32, #tpu.memory_space<vmem>>) semaphore(%arg12 : memref<!tpu.dma_semaphore, #tpu.memory_space<semaphore_mem>>) {add = true}
      %dma_wait3A_209 = arith.constant 2 : i32
      %dma_wait3A_210 = arith.constant 1 : i32
      %dma_wait3A_211 = arith.constant 0 : i32
      %dma_wait3A_212 = arith.constant 0 : i32
      %dma_wait3A_213 = tpu.memref_slice %arg8[%dma_wait3A_210, %dma_wait3A_211, %dma_wait3A_212] : memref<2x128x128xf32, #tpu.memory_space<vmem>> -> memref<1x128x128xf32, #tpu.memory_space<vmem>>
      %dma_wait3A_214 = tpu.memref_squeeze %dma_wait3A_213 : memref<1x128x128xf32, #tpu.memory_space<vmem>> -> memref<128x128xf32, #tpu.memory_space<vmem>>
      %dma_wait3A_215 = arith.constant 0 : i32
      %dma_wait3A_216 = tpu.memref_slice %arg7[%dma_wait3A_209, %dma_wait3A_215] : memref<4x128xi32, #tpu.memory_space<vmem>> -> memref<1x128xi32, #tpu.memory_space<vmem>>
      %dma_wait3A_217 = tpu.memref_squeeze %dma_wait3A_216 : memref<1x128xi32, #tpu.memory_space<vmem>> -> memref<128xi32, #tpu.memory_space<vmem>>
      %dma_wait3A_218 = arith.constant 0 : i32
      %dma_wait3A_219 = arith.constant 0 : i32
      %dma_wait3A_220 = tpu.memref_slice %arg2[%dma_wait3A_218, %dma_wait3A_219] : memref<10000x128xf32, #tpu.memory_space<hbm>> -> memref<10000x128xf32, #tpu.memory_space<hbm>>
      tpu.wait_indirect_dma semaphore(%arg11 : memref<!tpu.dma_semaphore, #tpu.memory_space<semaphore_mem>>) src(%dma_wait3A_220 : memref<10000x128xf32, #tpu.memory_space<hbm>>) dst(%dma_wait3A_214 : memref<128x128xf32, #tpu.memory_space<vmem>>)
      %dma_start3A_221 = arith.constant 1 : i32
      %dma_start3A_222 = arith.constant 3 : i32
      %dma_start3A_223 = arith.constant 0 : i32
      %dma_start3A_224 = arith.constant 0 : i32
      %dma_start3A_225 = tpu.memref_slice %arg8[%dma_start3A_221, %dma_start3A_223, %dma_start3A_224] : memref<2x128x128xf32, #tpu.memory_space<vmem>> -> memref<1x128x128xf32, #tpu.memory_space<vmem>>
      %dma_start3A_226 = tpu.memref_squeeze %dma_start3A_225 : memref<1x128x128xf32, #tpu.memory_space<vmem>> -> memref<128x128xf32, #tpu.memory_space<vmem>>
      %dma_start3A_227 = arith.constant 0 : i32
      %dma_start3A_228 = tpu.memref_slice %arg7[%dma_start3A_222, %dma_start3A_227] : memref<4x128xi32, #tpu.memory_space<vmem>> -> memref<1x128xi32, #tpu.memory_space<vmem>>
      %dma_start3A_229 = tpu.memref_squeeze %dma_start3A_228 : memref<1x128xi32, #tpu.memory_space<vmem>> -> memref<128xi32, #tpu.memory_space<vmem>>
      %dma_start3A_230 = arith.constant 0 : i32
      %dma_start3A_231 = arith.constant 0 : i32
      %dma_start3A_232 = tpu.memref_slice %arg9[%dma_start3A_230, %dma_start3A_231] : memref<10240x128xf32, #tpu.memory_space<vmem_shared>> -> memref<10240x128xf32, #tpu.memory_space<vmem_shared>>
      tpu.enqueue_indirect_dma source(%dma_start3A_226 : memref<128x128xf32, #tpu.memory_space<vmem>>) target(%dma_start3A_232 : memref<10240x128xf32, #tpu.memory_space<vmem_shared>>) offsets(%dma_start3A_229 : memref<128xi32, #tpu.memory_space<vmem>>) semaphore(%arg13 : memref<!tpu.dma_semaphore, #tpu.memory_space<semaphore_mem>>) {add = true}
    }
    %while3A_17 = arith.constant 1 : i32
    scf.for %while3A_48 = %while3A_15 to %while3A_11 step %while3A_17  : i32 {
      %gt3A = arith.constant 0 : i32
      %gt3A_49 = arith.cmpi sgt, %while3A_48, %gt3A : i32
      %convert_element_type3A_50 = arith.extui %gt3A_49 : i1 to i32
      %cond3A_51 = arith.constant 0 : i32
      %cond3A_52 = arith.cmpi ne, %convert_element_type3A_50, %cond3A_51 : i32
      scf.if %cond3A_52 {
        %dma_wait3A_233 = arith.constant 0 : i32
        %dma_wait3A_234 = arith.constant 1 : i32
        %dma_wait3A_235 = arith.constant 0 : i32
        %dma_wait3A_236 = arith.constant 0 : i32
        %dma_wait3A_237 = tpu.memref_slice %arg8[%dma_wait3A_233, %dma_wait3A_235, %dma_wait3A_236] : memref<2x128x128xf32, #tpu.memory_space<vmem>> -> memref<1x128x128xf32, #tpu.memory_space<vmem>>
        %dma_wait3A_238 = tpu.memref_squeeze %dma_wait3A_237 : memref<1x128x128xf32, #tpu.memory_space<vmem>> -> memref<128x128xf32, #tpu.memory_space<vmem>>
        %dma_wait3A_239 = arith.constant 0 : i32
        %dma_wait3A_240 = tpu.memref_slice %arg7[%dma_wait3A_234, %dma_wait3A_239] : memref<4x128xi32, #tpu.memory_space<vmem>> -> memref<1x128xi32, #tpu.memory_space<vmem>>
        %dma_wait3A_241 = tpu.memref_squeeze %dma_wait3A_240 : memref<1x128xi32, #tpu.memory_space<vmem>> -> memref<128xi32, #tpu.memory_space<vmem>>
        %dma_wait3A_242 = arith.constant 0 : i32
        %dma_wait3A_243 = arith.constant 0 : i32
        %dma_wait3A_244 = tpu.memref_slice %arg9[%dma_wait3A_242, %dma_wait3A_243] : memref<10240x128xf32, #tpu.memory_space<vmem_shared>> -> memref<10240x128xf32, #tpu.memory_space<vmem_shared>>
        tpu.wait_indirect_dma semaphore(%arg12 : memref<!tpu.dma_semaphore, #tpu.memory_space<semaphore_mem>>) src(%dma_wait3A_238 : memref<128x128xf32, #tpu.memory_space<vmem>>) dst(%dma_wait3A_244 : memref<10240x128xf32, #tpu.memory_space<vmem_shared>>)
        %dma_wait3A_245 = arith.constant 1 : i32
        %dma_wait3A_246 = arith.constant 3 : i32
        %dma_wait3A_247 = arith.constant 0 : i32
        %dma_wait3A_248 = arith.constant 0 : i32
        %dma_wait3A_249 = tpu.memref_slice %arg8[%dma_wait3A_245, %dma_wait3A_247, %dma_wait3A_248] : memref<2x128x128xf32, #tpu.memory_space<vmem>> -> memref<1x128x128xf32, #tpu.memory_space<vmem>>
        %dma_wait3A_250 = tpu.memref_squeeze %dma_wait3A_249 : memref<1x128x128xf32, #tpu.memory_space<vmem>> -> memref<128x128xf32, #tpu.memory_space<vmem>>
        %dma_wait3A_251 = arith.constant 0 : i32
        %dma_wait3A_252 = tpu.memref_slice %arg7[%dma_wait3A_246, %dma_wait3A_251] : memref<4x128xi32, #tpu.memory_space<vmem>> -> memref<1x128xi32, #tpu.memory_space<vmem>>
        %dma_wait3A_253 = tpu.memref_squeeze %dma_wait3A_252 : memref<1x128xi32, #tpu.memory_space<vmem>> -> memref<128xi32, #tpu.memory_space<vmem>>
        %dma_wait3A_254 = arith.constant 0 : i32
        %dma_wait3A_255 = arith.constant 0 : i32
        %dma_wait3A_256 = tpu.memref_slice %arg9[%dma_wait3A_254, %dma_wait3A_255] : memref<10240x128xf32, #tpu.memory_space<vmem_shared>> -> memref<10240x128xf32, #tpu.memory_space<vmem_shared>>
        tpu.wait_indirect_dma semaphore(%arg13 : memref<!tpu.dma_semaphore, #tpu.memory_space<semaphore_mem>>) src(%dma_wait3A_250 : memref<128x128xf32, #tpu.memory_space<vmem>>) dst(%dma_wait3A_256 : memref<10240x128xf32, #tpu.memory_space<vmem_shared>>)
      } else {
      }
      %dma_start3A = arith.constant 0 : i32
      %dma_start3A_53 = arith.constant 0 : i32
      %dma_start3A_54 = arith.constant 0 : i32
      %dma_start3A_55 = arith.constant 0 : i32
      %dma_start3A_56 = tpu.memref_slice %arg8[%dma_start3A_53, %dma_start3A_54, %dma_start3A_55] : memref<2x128x128xf32, #tpu.memory_space<vmem>> -> memref<1x128x128xf32, #tpu.memory_space<vmem>>
      %dma_start3A_57 = tpu.memref_squeeze %dma_start3A_56 : memref<1x128x128xf32, #tpu.memory_space<vmem>> -> memref<128x128xf32, #tpu.memory_space<vmem>>
      %dma_start3A_58 = arith.constant 0 : i32
      %dma_start3A_59 = tpu.memref_slice %arg6[%dma_start3A, %dma_start3A_58] : memref<4x128xi32, #tpu.memory_space<vmem>> -> memref<1x128xi32, #tpu.memory_space<vmem>>
      %dma_start3A_60 = tpu.memref_squeeze %dma_start3A_59 : memref<1x128xi32, #tpu.memory_space<vmem>> -> memref<128xi32, #tpu.memory_space<vmem>>
      %dma_start3A_61 = arith.constant 0 : i32
      %dma_start3A_62 = arith.constant 0 : i32
      %dma_start3A_63 = tpu.memref_slice %arg2[%dma_start3A_61, %dma_start3A_62] : memref<10000x128xf32, #tpu.memory_space<hbm>> -> memref<10000x128xf32, #tpu.memory_space<hbm>>
      tpu.enqueue_indirect_dma source(%dma_start3A_63 : memref<10000x128xf32, #tpu.memory_space<hbm>>) target(%dma_start3A_57 : memref<128x128xf32, #tpu.memory_space<vmem>>) offsets(%dma_start3A_60 : memref<128xi32, #tpu.memory_space<vmem>>) semaphore(%arg10 : memref<!tpu.dma_semaphore, #tpu.memory_space<semaphore_mem>>)
      %dma_start3A_64 = arith.constant 2 : i32
      %dma_start3A_65 = arith.constant 1 : i32
      %dma_start3A_66 = arith.constant 0 : i32
      %dma_start3A_67 = arith.constant 0 : i32
      %dma_start3A_68 = tpu.memref_slice %arg8[%dma_start3A_65, %dma_start3A_66, %dma_start3A_67] : memref<2x128x128xf32, #tpu.memory_space<vmem>> -> memref<1x128x128xf32, #tpu.memory_space<vmem>>
      %dma_start3A_69 = tpu.memref_squeeze %dma_start3A_68 : memref<1x128x128xf32, #tpu.memory_space<vmem>> -> memref<128x128xf32, #tpu.memory_space<vmem>>
      %dma_start3A_70 = arith.constant 0 : i32
      %dma_start3A_71 = tpu.memref_slice %arg6[%dma_start3A_64, %dma_start3A_70] : memref<4x128xi32, #tpu.memory_space<vmem>> -> memref<1x128xi32, #tpu.memory_space<vmem>>
      %dma_start3A_72 = tpu.memref_squeeze %dma_start3A_71 : memref<1x128xi32, #tpu.memory_space<vmem>> -> memref<128xi32, #tpu.memory_space<vmem>>
      %dma_start3A_73 = arith.constant 0 : i32
      %dma_start3A_74 = arith.constant 0 : i32
      %dma_start3A_75 = tpu.memref_slice %arg2[%dma_start3A_73, %dma_start3A_74] : memref<10000x128xf32, #tpu.memory_space<hbm>> -> memref<10000x128xf32, #tpu.memory_space<hbm>>
      tpu.enqueue_indirect_dma source(%dma_start3A_75 : memref<10000x128xf32, #tpu.memory_space<hbm>>) target(%dma_start3A_69 : memref<128x128xf32, #tpu.memory_space<vmem>>) offsets(%dma_start3A_72 : memref<128xi32, #tpu.memory_space<vmem>>) semaphore(%arg11 : memref<!tpu.dma_semaphore, #tpu.memory_space<semaphore_mem>>)
      %mul3A_76 = arith.constant 2 : i32
      %mul3A_77 = arith.muli %mul3A_76, %while3A_48 : i32
      %add3A_78 = arith.constant 1 : i32
      %add3A_79 = arith.addi %mul3A_77, %add3A_78 : i32
      %mul3A_80 = arith.constant 32 : i32
      %mul3A_81 = arith.muli %add3A_79, %mul3A_80 : i32
      %add3A_82 = arith.addi %add3A, %mul3A_81 : i32
      "tpu.region"() ({
        %run_scoped3A = tpu.sem_alloc : memref<!tpu.dma_semaphore, #tpu.memory_space<semaphore_mem>>
        %dma_start3A_233 = arith.constant 0 : i32
        %dma_start3A_234 = arith.constant 0 : i32
        %dma_start3A_235 = tpu.memref_slice %arg3[%add3A_82, %dma_start3A_233, %dma_start3A_234] : memref<1250x4x128xi32, #tpu.memory_space<hbm>> -> memref<1x4x128xi32, #tpu.memory_space<hbm>>
        %dma_start3A_236 = tpu.memref_squeeze %dma_start3A_235 : memref<1x4x128xi32, #tpu.memory_space<hbm>> -> memref<4x128xi32, #tpu.memory_space<hbm>>
        %dma_start3A_237 = arith.constant 0 : i32
        %dma_start3A_238 = arith.constant 0 : i32
        %dma_start3A_239 = tpu.memref_slice %arg3[%add3A_82, %dma_start3A_237, %dma_start3A_238] : memref<1250x4x128xi32, #tpu.memory_space<hbm>> -> memref<1x4x128xi32, #tpu.memory_space<hbm>>
        %dma_start3A_240 = tpu.memref_squeeze %dma_start3A_239 : memref<1x4x128xi32, #tpu.memory_space<hbm>> -> memref<4x128xi32, #tpu.memory_space<hbm>>
        tpu.enqueue_dma source(%dma_start3A_240 : memref<4x128xi32, #tpu.memory_space<hbm>>) target(%arg7 : memref<4x128xi32, #tpu.memory_space<vmem>>) target_semaphore(%run_scoped3A : memref<!tpu.dma_semaphore, #tpu.memory_space<semaphore_mem>>)
        %dma_wait3A_241 = arith.constant 0 : i32
        %dma_wait3A_242 = arith.constant 0 : i32
        %dma_wait3A_243 = tpu.memref_slice %arg3[%add3A_82, %dma_wait3A_241, %dma_wait3A_242] : memref<1250x4x128xi32, #tpu.memory_space<hbm>> -> memref<1x4x128xi32, #tpu.memory_space<hbm>>
        %dma_wait3A_244 = tpu.memref_squeeze %dma_wait3A_243 : memref<1x4x128xi32, #tpu.memory_space<hbm>> -> memref<4x128xi32, #tpu.memory_space<hbm>>
        %dma_wait3A_245 = arith.constant 0 : i32
        %dma_wait3A_246 = arith.constant 0 : i32
        %dma_wait3A_247 = tpu.memref_slice %arg3[%add3A_82, %dma_wait3A_245, %dma_wait3A_246] : memref<1250x4x128xi32, #tpu.memory_space<hbm>> -> memref<1x4x128xi32, #tpu.memory_space<hbm>>
        %dma_wait3A_248 = tpu.memref_squeeze %dma_wait3A_247 : memref<1x4x128xi32, #tpu.memory_space<hbm>> -> memref<4x128xi32, #tpu.memory_space<hbm>>
        tpu.wait_dma2 semaphore(%run_scoped3A : memref<!tpu.dma_semaphore, #tpu.memory_space<semaphore_mem>>) src(%dma_wait3A_248 : memref<4x128xi32, #tpu.memory_space<hbm>>) dst(%arg7 : memref<4x128xi32, #tpu.memory_space<vmem>>)
        tpu.yield
      }) : () -> ()
      %dma_wait3A_83 = arith.constant 0 : i32
      %dma_wait3A_84 = arith.constant 0 : i32
      %dma_wait3A_85 = arith.constant 0 : i32
      %dma_wait3A_86 = arith.constant 0 : i32
      %dma_wait3A_87 = tpu.memref_slice %arg8[%dma_wait3A_84, %dma_wait3A_85, %dma_wait3A_86] : memref<2x128x128xf32, #tpu.memory_space<vmem>> -> memref<1x128x128xf32, #tpu.memory_space<vmem>>
      %dma_wait3A_88 = tpu.memref_squeeze %dma_wait3A_87 : memref<1x128x128xf32, #tpu.memory_space<vmem>> -> memref<128x128xf32, #tpu.memory_space<vmem>>
      %dma_wait3A_89 = arith.constant 0 : i32
      %dma_wait3A_90 = tpu.memref_slice %arg6[%dma_wait3A_83, %dma_wait3A_89] : memref<4x128xi32, #tpu.memory_space<vmem>> -> memref<1x128xi32, #tpu.memory_space<vmem>>
      %dma_wait3A_91 = tpu.memref_squeeze %dma_wait3A_90 : memref<1x128xi32, #tpu.memory_space<vmem>> -> memref<128xi32, #tpu.memory_space<vmem>>
      %dma_wait3A_92 = arith.constant 0 : i32
      %dma_wait3A_93 = arith.constant 0 : i32
      %dma_wait3A_94 = tpu.memref_slice %arg2[%dma_wait3A_92, %dma_wait3A_93] : memref<10000x128xf32, #tpu.memory_space<hbm>> -> memref<10000x128xf32, #tpu.memory_space<hbm>>
      tpu.wait_indirect_dma semaphore(%arg10 : memref<!tpu.dma_semaphore, #tpu.memory_space<semaphore_mem>>) src(%dma_wait3A_94 : memref<10000x128xf32, #tpu.memory_space<hbm>>) dst(%dma_wait3A_88 : memref<128x128xf32, #tpu.memory_space<vmem>>)
      %dma_start3A_95 = arith.constant 0 : i32
      %dma_start3A_96 = arith.constant 1 : i32
      %dma_start3A_97 = arith.constant 0 : i32
      %dma_start3A_98 = arith.constant 0 : i32
      %dma_start3A_99 = tpu.memref_slice %arg8[%dma_start3A_95, %dma_start3A_97, %dma_start3A_98] : memref<2x128x128xf32, #tpu.memory_space<vmem>> -> memref<1x128x128xf32, #tpu.memory_space<vmem>>
      %dma_start3A_100 = tpu.memref_squeeze %dma_start3A_99 : memref<1x128x128xf32, #tpu.memory_space<vmem>> -> memref<128x128xf32, #tpu.memory_space<vmem>>
      %dma_start3A_101 = arith.constant 0 : i32
      %dma_start3A_102 = tpu.memref_slice %arg6[%dma_start3A_96, %dma_start3A_101] : memref<4x128xi32, #tpu.memory_space<vmem>> -> memref<1x128xi32, #tpu.memory_space<vmem>>
      %dma_start3A_103 = tpu.memref_squeeze %dma_start3A_102 : memref<1x128xi32, #tpu.memory_space<vmem>> -> memref<128xi32, #tpu.memory_space<vmem>>
      %dma_start3A_104 = arith.constant 0 : i32
      %dma_start3A_105 = arith.constant 0 : i32
      %dma_start3A_106 = tpu.memref_slice %arg9[%dma_start3A_104, %dma_start3A_105] : memref<10240x128xf32, #tpu.memory_space<vmem_shared>> -> memref<10240x128xf32, #tpu.memory_space<vmem_shared>>
      tpu.enqueue_indirect_dma source(%dma_start3A_100 : memref<128x128xf32, #tpu.memory_space<vmem>>) target(%dma_start3A_106 : memref<10240x128xf32, #tpu.memory_space<vmem_shared>>) offsets(%dma_start3A_103 : memref<128xi32, #tpu.memory_space<vmem>>) semaphore(%arg12 : memref<!tpu.dma_semaphore, #tpu.memory_space<semaphore_mem>>) {add = true}
      %dma_wait3A_107 = arith.constant 2 : i32
      %dma_wait3A_108 = arith.constant 1 : i32
      %dma_wait3A_109 = arith.constant 0 : i32
      %dma_wait3A_110 = arith.constant 0 : i32
      %dma_wait3A_111 = tpu.memref_slice %arg8[%dma_wait3A_108, %dma_wait3A_109, %dma_wait3A_110] : memref<2x128x128xf32, #tpu.memory_space<vmem>> -> memref<1x128x128xf32, #tpu.memory_space<vmem>>
      %dma_wait3A_112 = tpu.memref_squeeze %dma_wait3A_111 : memref<1x128x128xf32, #tpu.memory_space<vmem>> -> memref<128x128xf32, #tpu.memory_space<vmem>>
      %dma_wait3A_113 = arith.constant 0 : i32
      %dma_wait3A_114 = tpu.memref_slice %arg6[%dma_wait3A_107, %dma_wait3A_113] : memref<4x128xi32, #tpu.memory_space<vmem>> -> memref<1x128xi32, #tpu.memory_space<vmem>>
      %dma_wait3A_115 = tpu.memref_squeeze %dma_wait3A_114 : memref<1x128xi32, #tpu.memory_space<vmem>> -> memref<128xi32, #tpu.memory_space<vmem>>
      %dma_wait3A_116 = arith.constant 0 : i32
      %dma_wait3A_117 = arith.constant 0 : i32
      %dma_wait3A_118 = tpu.memref_slice %arg2[%dma_wait3A_116, %dma_wait3A_117] : memref<10000x128xf32, #tpu.memory_space<hbm>> -> memref<10000x128xf32, #tpu.memory_space<hbm>>
      tpu.wait_indirect_dma semaphore(%arg11 : memref<!tpu.dma_semaphore, #tpu.memory_space<semaphore_mem>>) src(%dma_wait3A_118 : memref<10000x128xf32, #tpu.memory_space<hbm>>) dst(%dma_wait3A_112 : memref<128x128xf32, #tpu.memory_space<vmem>>)
      %dma_start3A_119 = arith.constant 1 : i32
      %dma_start3A_120 = arith.constant 3 : i32
      %dma_start3A_121 = arith.constant 0 : i32
      %dma_start3A_122 = arith.constant 0 : i32
      %dma_start3A_123 = tpu.memref_slice %arg8[%dma_start3A_119, %dma_start3A_121, %dma_start3A_122] : memref<2x128x128xf32, #tpu.memory_space<vmem>> -> memref<1x128x128xf32, #tpu.memory_space<vmem>>
      %dma_start3A_124 = tpu.memref_squeeze %dma_start3A_123 : memref<1x128x128xf32, #tpu.memory_space<vmem>> -> memref<128x128xf32, #tpu.memory_space<vmem>>
      %dma_start3A_125 = arith.constant 0 : i32
      %dma_start3A_126 = tpu.memref_slice %arg6[%dma_start3A_120, %dma_start3A_125] : memref<4x128xi32, #tpu.memory_space<vmem>> -> memref<1x128xi32, #tpu.memory_space<vmem>>
      %dma_start3A_127 = tpu.memref_squeeze %dma_start3A_126 : memref<1x128xi32, #tpu.memory_space<vmem>> -> memref<128xi32, #tpu.memory_space<vmem>>
      %dma_start3A_128 = arith.constant 0 : i32
      %dma_start3A_129 = arith.constant 0 : i32
      %dma_start3A_130 = tpu.memref_slice %arg9[%dma_start3A_128, %dma_start3A_129] : memref<10240x128xf32, #tpu.memory_space<vmem_shared>> -> memref<10240x128xf32, #tpu.memory_space<vmem_shared>>
      tpu.enqueue_indirect_dma source(%dma_start3A_124 : memref<128x128xf32, #tpu.memory_space<vmem>>) target(%dma_start3A_130 : memref<10240x128xf32, #tpu.memory_space<vmem_shared>>) offsets(%dma_start3A_127 : memref<128xi32, #tpu.memory_space<vmem>>) semaphore(%arg13 : memref<!tpu.dma_semaphore, #tpu.memory_space<semaphore_mem>>) {add = true}
      %dma_wait3A_131 = arith.constant 0 : i32
      %dma_wait3A_132 = arith.constant 1 : i32
      %dma_wait3A_133 = arith.constant 0 : i32
      %dma_wait3A_134 = arith.constant 0 : i32
      %dma_wait3A_135 = tpu.memref_slice %arg8[%dma_wait3A_131, %dma_wait3A_133, %dma_wait3A_134] : memref<2x128x128xf32, #tpu.memory_space<vmem>> -> memref<1x128x128xf32, #tpu.memory_space<vmem>>
      %dma_wait3A_136 = tpu.memref_squeeze %dma_wait3A_135 : memref<1x128x128xf32, #tpu.memory_space<vmem>> -> memref<128x128xf32, #tpu.memory_space<vmem>>
      %dma_wait3A_137 = arith.constant 0 : i32
      %dma_wait3A_138 = tpu.memref_slice %arg6[%dma_wait3A_132, %dma_wait3A_137] : memref<4x128xi32, #tpu.memory_space<vmem>> -> memref<1x128xi32, #tpu.memory_space<vmem>>
      %dma_wait3A_139 = tpu.memref_squeeze %dma_wait3A_138 : memref<1x128xi32, #tpu.memory_space<vmem>> -> memref<128xi32, #tpu.memory_space<vmem>>
      %dma_wait3A_140 = arith.constant 0 : i32
      %dma_wait3A_141 = arith.constant 0 : i32
      %dma_wait3A_142 = tpu.memref_slice %arg9[%dma_wait3A_140, %dma_wait3A_141] : memref<10240x128xf32, #tpu.memory_space<vmem_shared>> -> memref<10240x128xf32, #tpu.memory_space<vmem_shared>>
      tpu.wait_indirect_dma semaphore(%arg12 : memref<!tpu.dma_semaphore, #tpu.memory_space<semaphore_mem>>) src(%dma_wait3A_136 : memref<128x128xf32, #tpu.memory_space<vmem>>) dst(%dma_wait3A_142 : memref<10240x128xf32, #tpu.memory_space<vmem_shared>>)
      %dma_start3A_143 = arith.constant 0 : i32
      %dma_start3A_144 = arith.constant 0 : i32
      %dma_start3A_145 = arith.constant 0 : i32
      %dma_start3A_146 = arith.constant 0 : i32
      %dma_start3A_147 = tpu.memref_slice %arg8[%dma_start3A_144, %dma_start3A_145, %dma_start3A_146] : memref<2x128x128xf32, #tpu.memory_space<vmem>> -> memref<1x128x128xf32, #tpu.memory_space<vmem>>
      %dma_start3A_148 = tpu.memref_squeeze %dma_start3A_147 : memref<1x128x128xf32, #tpu.memory_space<vmem>> -> memref<128x128xf32, #tpu.memory_space<vmem>>
      %dma_start3A_149 = arith.constant 0 : i32
      %dma_start3A_150 = tpu.memref_slice %arg7[%dma_start3A_143, %dma_start3A_149] : memref<4x128xi32, #tpu.memory_space<vmem>> -> memref<1x128xi32, #tpu.memory_space<vmem>>
      %dma_start3A_151 = tpu.memref_squeeze %dma_start3A_150 : memref<1x128xi32, #tpu.memory_space<vmem>> -> memref<128xi32, #tpu.memory_space<vmem>>
      %dma_start3A_152 = arith.constant 0 : i32
      %dma_start3A_153 = arith.constant 0 : i32
      %dma_start3A_154 = tpu.memref_slice %arg2[%dma_start3A_152, %dma_start3A_153] : memref<10000x128xf32, #tpu.memory_space<hbm>> -> memref<10000x128xf32, #tpu.memory_space<hbm>>
      tpu.enqueue_indirect_dma source(%dma_start3A_154 : memref<10000x128xf32, #tpu.memory_space<hbm>>) target(%dma_start3A_148 : memref<128x128xf32, #tpu.memory_space<vmem>>) offsets(%dma_start3A_151 : memref<128xi32, #tpu.memory_space<vmem>>) semaphore(%arg10 : memref<!tpu.dma_semaphore, #tpu.memory_space<semaphore_mem>>)
      %dma_wait3A_155 = arith.constant 1 : i32
      %dma_wait3A_156 = arith.constant 3 : i32
      %dma_wait3A_157 = arith.constant 0 : i32
      %dma_wait3A_158 = arith.constant 0 : i32
      %dma_wait3A_159 = tpu.memref_slice %arg8[%dma_wait3A_155, %dma_wait3A_157, %dma_wait3A_158] : memref<2x128x128xf32, #tpu.memory_space<vmem>> -> memref<1x128x128xf32, #tpu.memory_space<vmem>>
      %dma_wait3A_160 = tpu.memref_squeeze %dma_wait3A_159 : memref<1x128x128xf32, #tpu.memory_space<vmem>> -> memref<128x128xf32, #tpu.memory_space<vmem>>
      %dma_wait3A_161 = arith.constant 0 : i32
      %dma_wait3A_162 = tpu.memref_slice %arg6[%dma_wait3A_156, %dma_wait3A_161] : memref<4x128xi32, #tpu.memory_space<vmem>> -> memref<1x128xi32, #tpu.memory_space<vmem>>
      %dma_wait3A_163 = tpu.memref_squeeze %dma_wait3A_162 : memref<1x128xi32, #tpu.memory_space<vmem>> -> memref<128xi32, #tpu.memory_space<vmem>>
      %dma_wait3A_164 = arith.constant 0 : i32
      %dma_wait3A_165 = arith.constant 0 : i32
      %dma_wait3A_166 = tpu.memref_slice %arg9[%dma_wait3A_164, %dma_wait3A_165] : memref<10240x128xf32, #tpu.memory_space<vmem_shared>> -> memref<10240x128xf32, #tpu.memory_space<vmem_shared>>
      tpu.wait_indirect_dma semaphore(%arg13 : memref<!tpu.dma_semaphore, #tpu.memory_space<semaphore_mem>>) src(%dma_wait3A_160 : memref<128x128xf32, #tpu.memory_space<vmem>>) dst(%dma_wait3A_166 : memref<10240x128xf32, #tpu.memory_space<vmem_shared>>)
      %dma_start3A_167 = arith.constant 2 : i32
      %dma_start3A_168 = arith.constant 1 : i32
      %dma_start3A_169 = arith.constant 0 : i32
      %dma_start3A_170 = arith.constant 0 : i32
      %dma_start3A_171 = tpu.memref_slice %arg8[%dma_start3A_168, %dma_start3A_169, %dma_start3A_170] : memref<2x128x128xf32, #tpu.memory_space<vmem>> -> memref<1x128x128xf32, #tpu.memory_space<vmem>>
      %dma_start3A_172 = tpu.memref_squeeze %dma_start3A_171 : memref<1x128x128xf32, #tpu.memory_space<vmem>> -> memref<128x128xf32, #tpu.memory_space<vmem>>
      %dma_start3A_173 = arith.constant 0 : i32
      %dma_start3A_174 = tpu.memref_slice %arg7[%dma_start3A_167, %dma_start3A_173] : memref<4x128xi32, #tpu.memory_space<vmem>> -> memref<1x128xi32, #tpu.memory_space<vmem>>
      %dma_start3A_175 = tpu.memref_squeeze %dma_start3A_174 : memref<1x128xi32, #tpu.memory_space<vmem>> -> memref<128xi32, #tpu.memory_space<vmem>>
      %dma_start3A_176 = arith.constant 0 : i32
      %dma_start3A_177 = arith.constant 0 : i32
      %dma_start3A_178 = tpu.memref_slice %arg2[%dma_start3A_176, %dma_start3A_177] : memref<10000x128xf32, #tpu.memory_space<hbm>> -> memref<10000x128xf32, #tpu.memory_space<hbm>>
      tpu.enqueue_indirect_dma source(%dma_start3A_178 : memref<10000x128xf32, #tpu.memory_space<hbm>>) target(%dma_start3A_172 : memref<128x128xf32, #tpu.memory_space<vmem>>) offsets(%dma_start3A_175 : memref<128xi32, #tpu.memory_space<vmem>>) semaphore(%arg11 : memref<!tpu.dma_semaphore, #tpu.memory_space<semaphore_mem>>)
      %add3A_179 = arith.constant 1 : i32
      %add3A_180 = arith.addi %while3A_48, %add3A_179 : i32
      %lt3A_181 = arith.cmpi slt, %add3A_180, %select_n3A : i32
      %convert_element_type3A_182 = arith.extui %lt3A_181 : i1 to i32
      %cond3A_183 = arith.constant 0 : i32
      %cond3A_184 = arith.cmpi ne, %convert_element_type3A_182, %cond3A_183 : i32
      scf.if %cond3A_184 {
        %mul3A_233 = arith.constant 2 : i32
        %mul3A_234 = arith.muli %mul3A_233, %while3A_48 : i32
        %add3A_235 = arith.constant 2 : i32
        %add3A_236 = arith.addi %mul3A_234, %add3A_235 : i32
        %mul3A_237 = arith.constant 32 : i32
        %mul3A_238 = arith.muli %add3A_236, %mul3A_237 : i32
        %add3A_239 = arith.addi %add3A, %mul3A_238 : i32
        "tpu.region"() ({
          %run_scoped3A = tpu.sem_alloc : memref<!tpu.dma_semaphore, #tpu.memory_space<semaphore_mem>>
          %dma_start3A_240 = arith.constant 0 : i32
          %dma_start3A_241 = arith.constant 0 : i32
          %dma_start3A_242 = tpu.memref_slice %arg3[%add3A_239, %dma_start3A_240, %dma_start3A_241] : memref<1250x4x128xi32, #tpu.memory_space<hbm>> -> memref<1x4x128xi32, #tpu.memory_space<hbm>>
          %dma_start3A_243 = tpu.memref_squeeze %dma_start3A_242 : memref<1x4x128xi32, #tpu.memory_space<hbm>> -> memref<4x128xi32, #tpu.memory_space<hbm>>
          %dma_start3A_244 = arith.constant 0 : i32
          %dma_start3A_245 = arith.constant 0 : i32
          %dma_start3A_246 = tpu.memref_slice %arg3[%add3A_239, %dma_start3A_244, %dma_start3A_245] : memref<1250x4x128xi32, #tpu.memory_space<hbm>> -> memref<1x4x128xi32, #tpu.memory_space<hbm>>
          %dma_start3A_247 = tpu.memref_squeeze %dma_start3A_246 : memref<1x4x128xi32, #tpu.memory_space<hbm>> -> memref<4x128xi32, #tpu.memory_space<hbm>>
          tpu.enqueue_dma source(%dma_start3A_247 : memref<4x128xi32, #tpu.memory_space<hbm>>) target(%arg6 : memref<4x128xi32, #tpu.memory_space<vmem>>) target_semaphore(%run_scoped3A : memref<!tpu.dma_semaphore, #tpu.memory_space<semaphore_mem>>)
          %dma_wait3A_248 = arith.constant 0 : i32
          %dma_wait3A_249 = arith.constant 0 : i32
          %dma_wait3A_250 = tpu.memref_slice %arg3[%add3A_239, %dma_wait3A_248, %dma_wait3A_249] : memref<1250x4x128xi32, #tpu.memory_space<hbm>> -> memref<1x4x128xi32, #tpu.memory_space<hbm>>
          %dma_wait3A_251 = tpu.memref_squeeze %dma_wait3A_250 : memref<1x4x128xi32, #tpu.memory_space<hbm>> -> memref<4x128xi32, #tpu.memory_space<hbm>>
          %dma_wait3A_252 = arith.constant 0 : i32
          %dma_wait3A_253 = arith.constant 0 : i32
          %dma_wait3A_254 = tpu.memref_slice %arg3[%add3A_239, %dma_wait3A_252, %dma_wait3A_253] : memref<1250x4x128xi32, #tpu.memory_space<hbm>> -> memref<1x4x128xi32, #tpu.memory_space<hbm>>
          %dma_wait3A_255 = tpu.memref_squeeze %dma_wait3A_254 : memref<1x4x128xi32, #tpu.memory_space<hbm>> -> memref<4x128xi32, #tpu.memory_space<hbm>>
          tpu.wait_dma2 semaphore(%run_scoped3A : memref<!tpu.dma_semaphore, #tpu.memory_space<semaphore_mem>>) src(%dma_wait3A_255 : memref<4x128xi32, #tpu.memory_space<hbm>>) dst(%arg6 : memref<4x128xi32, #tpu.memory_space<vmem>>)
          tpu.yield
        }) : () -> ()
      } else {
      }
      %dma_wait3A_185 = arith.constant 0 : i32
      %dma_wait3A_186 = arith.constant 0 : i32
      %dma_wait3A_187 = arith.constant 0 : i32
      %dma_wait3A_188 = arith.constant 0 : i32
      %dma_wait3A_189 = tpu.memref_slice %arg8[%dma_wait3A_186, %dma_wait3A_187, %dma_wait3A_188] : memref<2x128x128xf32, #tpu.memory_space<vmem>> -> memref<1x128x128xf32, #tpu.memory_space<vmem>>
      %dma_wait3A_190 = tpu.memref_squeeze %dma_wait3A_189 : memref<1x128x128xf32, #tpu.memory_space<vmem>> -> memref<128x128xf32, #tpu.memory_space<vmem>>
      %dma_wait3A_191 = arith.constant 0 : i32
      %dma_wait3A_192 = tpu.memref_slice %arg7[%dma_wait3A_185, %dma_wait3A_191] : memref<4x128xi32, #tpu.memory_space<vmem>> -> memref<1x128xi32, #tpu.memory_space<vmem>>
      %dma_wait3A_193 = tpu.memref_squeeze %dma_wait3A_192 : memref<1x128xi32, #tpu.memory_space<vmem>> -> memref<128xi32, #tpu.memory_space<vmem>>
      %dma_wait3A_194 = arith.constant 0 : i32
      %dma_wait3A_195 = arith.constant 0 : i32
      %dma_wait3A_196 = tpu.memref_slice %arg2[%dma_wait3A_194, %dma_wait3A_195] : memref<10000x128xf32, #tpu.memory_space<hbm>> -> memref<10000x128xf32, #tpu.memory_space<hbm>>
      tpu.wait_indirect_dma semaphore(%arg10 : memref<!tpu.dma_semaphore, #tpu.memory_space<semaphore_mem>>) src(%dma_wait3A_196 : memref<10000x128xf32, #tpu.memory_space<hbm>>) dst(%dma_wait3A_190 : memref<128x128xf32, #tpu.memory_space<vmem>>)
      %dma_start3A_197 = arith.constant 0 : i32
      %dma_start3A_198 = arith.constant 1 : i32
      %dma_start3A_199 = arith.constant 0 : i32
      %dma_start3A_200 = arith.constant 0 : i32
      %dma_start3A_201 = tpu.memref_slice %arg8[%dma_start3A_197, %dma_start3A_199, %dma_start3A_200] : memref<2x128x128xf32, #tpu.memory_space<vmem>> -> memref<1x128x128xf32, #tpu.memory_space<vmem>>
      %dma_start3A_202 = tpu.memref_squeeze %dma_start3A_201 : memref<1x128x128xf32, #tpu.memory_space<vmem>> -> memref<128x128xf32, #tpu.memory_space<vmem>>
      %dma_start3A_203 = arith.constant 0 : i32
      %dma_start3A_204 = tpu.memref_slice %arg7[%dma_start3A_198, %dma_start3A_203] : memref<4x128xi32, #tpu.memory_space<vmem>> -> memref<1x128xi32, #tpu.memory_space<vmem>>
      %dma_start3A_205 = tpu.memref_squeeze %dma_start3A_204 : memref<1x128xi32, #tpu.memory_space<vmem>> -> memref<128xi32, #tpu.memory_space<vmem>>
      %dma_start3A_206 = arith.constant 0 : i32
      %dma_start3A_207 = arith.constant 0 : i32
      %dma_start3A_208 = tpu.memref_slice %arg9[%dma_start3A_206, %dma_start3A_207] : memref<10240x128xf32, #tpu.memory_space<vmem_shared>> -> memref<10240x128xf32, #tpu.memory_space<vmem_shared>>
      tpu.enqueue_indirect_dma source(%dma_start3A_202 : memref<128x128xf32, #tpu.memory_space<vmem>>) target(%dma_start3A_208 : memref<10240x128xf32, #tpu.memory_space<vmem_shared>>) offsets(%dma_start3A_205 : memref<128xi32, #tpu.memory_space<vmem>>) semaphore(%arg12 : memref<!tpu.dma_semaphore, #tpu.memory_space<semaphore_mem>>) {add = true}
      %dma_wait3A_209 = arith.constant 2 : i32
      %dma_wait3A_210 = arith.constant 1 : i32
      %dma_wait3A_211 = arith.constant 0 : i32
      %dma_wait3A_212 = arith.constant 0 : i32
      %dma_wait3A_213 = tpu.memref_slice %arg8[%dma_wait3A_210, %dma_wait3A_211, %dma_wait3A_212] : memref<2x128x128xf32, #tpu.memory_space<vmem>> -> memref<1x128x128xf32, #tpu.memory_space<vmem>>
      %dma_wait3A_214 = tpu.memref_squeeze %dma_wait3A_213 : memref<1x128x128xf32, #tpu.memory_space<vmem>> -> memref<128x128xf32, #tpu.memory_space<vmem>>
      %dma_wait3A_215 = arith.constant 0 : i32
      %dma_wait3A_216 = tpu.memref_slice %arg7[%dma_wait3A_209, %dma_wait3A_215] : memref<4x128xi32, #tpu.memory_space<vmem>> -> memref<1x128xi32, #tpu.memory_space<vmem>>
      %dma_wait3A_217 = tpu.memref_squeeze %dma_wait3A_216 : memref<1x128xi32, #tpu.memory_space<vmem>> -> memref<128xi32, #tpu.memory_space<vmem>>
      %dma_wait3A_218 = arith.constant 0 : i32
      %dma_wait3A_219 = arith.constant 0 : i32
      %dma_wait3A_220 = tpu.memref_slice %arg2[%dma_wait3A_218, %dma_wait3A_219] : memref<10000x128xf32, #tpu.memory_space<hbm>> -> memref<10000x128xf32, #tpu.memory_space<hbm>>
      tpu.wait_indirect_dma semaphore(%arg11 : memref<!tpu.dma_semaphore, #tpu.memory_space<semaphore_mem>>) src(%dma_wait3A_220 : memref<10000x128xf32, #tpu.memory_space<hbm>>) dst(%dma_wait3A_214 : memref<128x128xf32, #tpu.memory_space<vmem>>)
      %dma_start3A_221 = arith.constant 1 : i32
      %dma_start3A_222 = arith.constant 3 : i32
      %dma_start3A_223 = arith.constant 0 : i32
      %dma_start3A_224 = arith.constant 0 : i32
      %dma_start3A_225 = tpu.memref_slice %arg8[%dma_start3A_221, %dma_start3A_223, %dma_start3A_224] : memref<2x128x128xf32, #tpu.memory_space<vmem>> -> memref<1x128x128xf32, #tpu.memory_space<vmem>>
      %dma_start3A_226 = tpu.memref_squeeze %dma_start3A_225 : memref<1x128x128xf32, #tpu.memory_space<vmem>> -> memref<128x128xf32, #tpu.memory_space<vmem>>
      %dma_start3A_227 = arith.constant 0 : i32
      %dma_start3A_228 = tpu.memref_slice %arg7[%dma_start3A_222, %dma_start3A_227] : memref<4x128xi32, #tpu.memory_space<vmem>> -> memref<1x128xi32, #tpu.memory_space<vmem>>
      %dma_start3A_229 = tpu.memref_squeeze %dma_start3A_228 : memref<1x128xi32, #tpu.memory_space<vmem>> -> memref<128xi32, #tpu.memory_space<vmem>>
      %dma_start3A_230 = arith.constant 0 : i32
      %dma_start3A_231 = arith.constant 0 : i32
      %dma_start3A_232 = tpu.memref_slice %arg9[%dma_start3A_230, %dma_start3A_231] : memref<10240x128xf32, #tpu.memory_space<vmem_shared>> -> memref<10240x128xf32, #tpu.memory_space<vmem_shared>>
      tpu.enqueue_indirect_dma source(%dma_start3A_226 : memref<128x128xf32, #tpu.memory_space<vmem>>) target(%dma_start3A_232 : memref<10240x128xf32, #tpu.memory_space<vmem_shared>>) offsets(%dma_start3A_229 : memref<128xi32, #tpu.memory_space<vmem>>) semaphore(%arg13 : memref<!tpu.dma_semaphore, #tpu.memory_space<semaphore_mem>>) {add = true}
    }
    %dma_wait3A = arith.constant 0 : i32
    %dma_wait3A_18 = arith.constant 1 : i32
    %dma_wait3A_19 = arith.constant 0 : i32
    %dma_wait3A_20 = arith.constant 0 : i32
    %dma_wait3A_21 = tpu.memref_slice %arg8[%dma_wait3A, %dma_wait3A_19, %dma_wait3A_20] : memref<2x128x128xf32, #tpu.memory_space<vmem>> -> memref<1x128x128xf32, #tpu.memory_space<vmem>>
    %dma_wait3A_22 = tpu.memref_squeeze %dma_wait3A_21 : memref<1x128x128xf32, #tpu.memory_space<vmem>> -> memref<128x128xf32, #tpu.memory_space<vmem>>
    %dma_wait3A_23 = arith.constant 0 : i32
    %dma_wait3A_24 = tpu.memref_slice %arg7[%dma_wait3A_18, %dma_wait3A_23] : memref<4x128xi32, #tpu.memory_space<vmem>> -> memref<1x128xi32, #tpu.memory_space<vmem>>
    %dma_wait3A_25 = tpu.memref_squeeze %dma_wait3A_24 : memref<1x128xi32, #tpu.memory_space<vmem>> -> memref<128xi32, #tpu.memory_space<vmem>>
    %dma_wait3A_26 = arith.constant 0 : i32
    %dma_wait3A_27 = arith.constant 0 : i32
    %dma_wait3A_28 = tpu.memref_slice %arg9[%dma_wait3A_26, %dma_wait3A_27] : memref<10240x128xf32, #tpu.memory_space<vmem_shared>> -> memref<10240x128xf32, #tpu.memory_space<vmem_shared>>
    tpu.wait_indirect_dma semaphore(%arg12 : memref<!tpu.dma_semaphore, #tpu.memory_space<semaphore_mem>>) src(%dma_wait3A_22 : memref<128x128xf32, #tpu.memory_space<vmem>>) dst(%dma_wait3A_28 : memref<10240x128xf32, #tpu.memory_space<vmem_shared>>)
    %dma_wait3A_29 = arith.constant 1 : i32
    %dma_wait3A_30 = arith.constant 3 : i32
    %dma_wait3A_31 = arith.constant 0 : i32
    %dma_wait3A_32 = arith.constant 0 : i32
    %dma_wait3A_33 = tpu.memref_slice %arg8[%dma_wait3A_29, %dma_wait3A_31, %dma_wait3A_32] : memref<2x128x128xf32, #tpu.memory_space<vmem>> -> memref<1x128x128xf32, #tpu.memory_space<vmem>>
    %dma_wait3A_34 = tpu.memref_squeeze %dma_wait3A_33 : memref<1x128x128xf32, #tpu.memory_space<vmem>> -> memref<128x128xf32, #tpu.memory_space<vmem>>
    %dma_wait3A_35 = arith.constant 0 : i32
    %dma_wait3A_36 = tpu.memref_slice %arg7[%dma_wait3A_30, %dma_wait3A_35] : memref<4x128xi32, #tpu.memory_space<vmem>> -> memref<1x128xi32, #tpu.memory_space<vmem>>
    %dma_wait3A_37 = tpu.memref_squeeze %dma_wait3A_36 : memref<1x128xi32, #tpu.memory_space<vmem>> -> memref<128xi32, #tpu.memory_space<vmem>>
    %dma_wait3A_38 = arith.constant 0 : i32
    %dma_wait3A_39 = arith.constant 0 : i32
    %dma_wait3A_40 = tpu.memref_slice %arg9[%dma_wait3A_38, %dma_wait3A_39] : memref<10240x128xf32, #tpu.memory_space<vmem_shared>> -> memref<10240x128xf32, #tpu.memory_space<vmem_shared>>
    tpu.wait_indirect_dma semaphore(%arg13 : memref<!tpu.dma_semaphore, #tpu.memory_space<semaphore_mem>>) src(%dma_wait3A_34 : memref<128x128xf32, #tpu.memory_space<vmem>>) dst(%dma_wait3A_40 : memref<10240x128xf32, #tpu.memory_space<vmem_shared>>)
    %ge3A = arith.constant 2 : i32
    %ge3A_41 = arith.cmpi sge, %add3A, %ge3A : i32
    %convert_element_type3A = arith.extui %ge3A_41 : i1 to i32
    %cond3A = arith.constant 0 : i32
    %cond3A_42 = arith.cmpi ne, %convert_element_type3A, %cond3A : i32
    scf.if %cond3A_42 {
      %add3A_48 = arith.constant 1216 : i32
      %add3A_49 = arith.addi %add3A, %add3A_48 : i32
      "tpu.region"() ({
        %run_scoped3A = tpu.sem_alloc : memref<!tpu.dma_semaphore, #tpu.memory_space<semaphore_mem>>
        %dma_start3A_145 = arith.constant 0 : i32
        %dma_start3A_146 = arith.constant 0 : i32
        %dma_start3A_147 = tpu.memref_slice %arg3[%add3A_49, %dma_start3A_145, %dma_start3A_146] : memref<1250x4x128xi32, #tpu.memory_space<hbm>> -> memref<1x4x128xi32, #tpu.memory_space<hbm>>
        %dma_start3A_148 = tpu.memref_squeeze %dma_start3A_147 : memref<1x4x128xi32, #tpu.memory_space<hbm>> -> memref<4x128xi32, #tpu.memory_space<hbm>>
        %dma_start3A_149 = arith.constant 0 : i32
        %dma_start3A_150 = arith.constant 0 : i32
        %dma_start3A_151 = tpu.memref_slice %arg3[%add3A_49, %dma_start3A_149, %dma_start3A_150] : memref<1250x4x128xi32, #tpu.memory_space<hbm>> -> memref<1x4x128xi32, #tpu.memory_space<hbm>>
        %dma_start3A_152 = tpu.memref_squeeze %dma_start3A_151 : memref<1x4x128xi32, #tpu.memory_space<hbm>> -> memref<4x128xi32, #tpu.memory_space<hbm>>
        tpu.enqueue_dma source(%dma_start3A_152 : memref<4x128xi32, #tpu.memory_space<hbm>>) target(%arg6 : memref<4x128xi32, #tpu.memory_space<vmem>>) target_semaphore(%run_scoped3A : memref<!tpu.dma_semaphore, #tpu.memory_space<semaphore_mem>>)
        %dma_wait3A_153 = arith.constant 0 : i32
        %dma_wait3A_154 = arith.constant 0 : i32
        %dma_wait3A_155 = tpu.memref_slice %arg3[%add3A_49, %dma_wait3A_153, %dma_wait3A_154] : memref<1250x4x128xi32, #tpu.memory_space<hbm>> -> memref<1x4x128xi32, #tpu.memory_space<hbm>>
        %dma_wait3A_156 = tpu.memref_squeeze %dma_wait3A_155 : memref<1x4x128xi32, #tpu.memory_space<hbm>> -> memref<4x128xi32, #tpu.memory_space<hbm>>
        %dma_wait3A_157 = arith.constant 0 : i32
        %dma_wait3A_158 = arith.constant 0 : i32
        %dma_wait3A_159 = tpu.memref_slice %arg3[%add3A_49, %dma_wait3A_157, %dma_wait3A_158] : memref<1250x4x128xi32, #tpu.memory_space<hbm>> -> memref<1x4x128xi32, #tpu.memory_space<hbm>>
        %dma_wait3A_160 = tpu.memref_squeeze %dma_wait3A_159 : memref<1x4x128xi32, #tpu.memory_space<hbm>> -> memref<4x128xi32, #tpu.memory_space<hbm>>
        tpu.wait_dma2 semaphore(%run_scoped3A : memref<!tpu.dma_semaphore, #tpu.memory_space<semaphore_mem>>) src(%dma_wait3A_160 : memref<4x128xi32, #tpu.memory_space<hbm>>) dst(%arg6 : memref<4x128xi32, #tpu.memory_space<vmem>>)
        tpu.yield
      }) : () -> ()
      %dma_start3A = arith.constant 0 : i32
      %dma_start3A_50 = arith.constant 0 : i32
      %dma_start3A_51 = arith.constant 0 : i32
      %dma_start3A_52 = arith.constant 0 : i32
      %dma_start3A_53 = tpu.memref_slice %arg8[%dma_start3A_50, %dma_start3A_51, %dma_start3A_52] : memref<2x128x128xf32, #tpu.memory_space<vmem>> -> memref<1x128x128xf32, #tpu.memory_space<vmem>>
      %dma_start3A_54 = tpu.memref_squeeze %dma_start3A_53 : memref<1x128x128xf32, #tpu.memory_space<vmem>> -> memref<128x128xf32, #tpu.memory_space<vmem>>
      %dma_start3A_55 = arith.constant 0 : i32
      %dma_start3A_56 = tpu.memref_slice %arg6[%dma_start3A, %dma_start3A_55] : memref<4x128xi32, #tpu.memory_space<vmem>> -> memref<1x128xi32, #tpu.memory_space<vmem>>
      %dma_start3A_57 = tpu.memref_squeeze %dma_start3A_56 : memref<1x128xi32, #tpu.memory_space<vmem>> -> memref<128xi32, #tpu.memory_space<vmem>>
      %dma_start3A_58 = arith.constant 0 : i32
      %dma_start3A_59 = arith.constant 0 : i32
      %dma_start3A_60 = tpu.memref_slice %arg2[%dma_start3A_58, %dma_start3A_59] : memref<10000x128xf32, #tpu.memory_space<hbm>> -> memref<10000x128xf32, #tpu.memory_space<hbm>>
      tpu.enqueue_indirect_dma source(%dma_start3A_60 : memref<10000x128xf32, #tpu.memory_space<hbm>>) target(%dma_start3A_54 : memref<128x128xf32, #tpu.memory_space<vmem>>) offsets(%dma_start3A_57 : memref<128xi32, #tpu.memory_space<vmem>>) semaphore(%arg10 : memref<!tpu.dma_semaphore, #tpu.memory_space<semaphore_mem>>)
      %dma_start3A_61 = arith.constant 2 : i32
      %dma_start3A_62 = arith.constant 1 : i32
      %dma_start3A_63 = arith.constant 0 : i32
      %dma_start3A_64 = arith.constant 0 : i32
      %dma_start3A_65 = tpu.memref_slice %arg8[%dma_start3A_62, %dma_start3A_63, %dma_start3A_64] : memref<2x128x128xf32, #tpu.memory_space<vmem>> -> memref<1x128x128xf32, #tpu.memory_space<vmem>>
      %dma_start3A_66 = tpu.memref_squeeze %dma_start3A_65 : memref<1x128x128xf32, #tpu.memory_space<vmem>> -> memref<128x128xf32, #tpu.memory_space<vmem>>
      %dma_start3A_67 = arith.constant 0 : i32
      %dma_start3A_68 = tpu.memref_slice %arg6[%dma_start3A_61, %dma_start3A_67] : memref<4x128xi32, #tpu.memory_space<vmem>> -> memref<1x128xi32, #tpu.memory_space<vmem>>
      %dma_start3A_69 = tpu.memref_squeeze %dma_start3A_68 : memref<1x128xi32, #tpu.memory_space<vmem>> -> memref<128xi32, #tpu.memory_space<vmem>>
      %dma_start3A_70 = arith.constant 0 : i32
      %dma_start3A_71 = arith.constant 0 : i32
      %dma_start3A_72 = tpu.memref_slice %arg2[%dma_start3A_70, %dma_start3A_71] : memref<10000x128xf32, #tpu.memory_space<hbm>> -> memref<10000x128xf32, #tpu.memory_space<hbm>>
      tpu.enqueue_indirect_dma source(%dma_start3A_72 : memref<10000x128xf32, #tpu.memory_space<hbm>>) target(%dma_start3A_66 : memref<128x128xf32, #tpu.memory_space<vmem>>) offsets(%dma_start3A_69 : memref<128xi32, #tpu.memory_space<vmem>>) semaphore(%arg11 : memref<!tpu.dma_semaphore, #tpu.memory_space<semaphore_mem>>)
      %dma_wait3A_73 = arith.constant 0 : i32
      %dma_wait3A_74 = arith.constant 0 : i32
      %dma_wait3A_75 = arith.constant 0 : i32
      %dma_wait3A_76 = arith.constant 0 : i32
      %dma_wait3A_77 = tpu.memref_slice %arg8[%dma_wait3A_74, %dma_wait3A_75, %dma_wait3A_76] : memref<2x128x128xf32, #tpu.memory_space<vmem>> -> memref<1x128x128xf32, #tpu.memory_space<vmem>>
      %dma_wait3A_78 = tpu.memref_squeeze %dma_wait3A_77 : memref<1x128x128xf32, #tpu.memory_space<vmem>> -> memref<128x128xf32, #tpu.memory_space<vmem>>
      %dma_wait3A_79 = arith.constant 0 : i32
      %dma_wait3A_80 = tpu.memref_slice %arg6[%dma_wait3A_73, %dma_wait3A_79] : memref<4x128xi32, #tpu.memory_space<vmem>> -> memref<1x128xi32, #tpu.memory_space<vmem>>
      %dma_wait3A_81 = tpu.memref_squeeze %dma_wait3A_80 : memref<1x128xi32, #tpu.memory_space<vmem>> -> memref<128xi32, #tpu.memory_space<vmem>>
      %dma_wait3A_82 = arith.constant 0 : i32
      %dma_wait3A_83 = arith.constant 0 : i32
      %dma_wait3A_84 = tpu.memref_slice %arg2[%dma_wait3A_82, %dma_wait3A_83] : memref<10000x128xf32, #tpu.memory_space<hbm>> -> memref<10000x128xf32, #tpu.memory_space<hbm>>
      tpu.wait_indirect_dma semaphore(%arg10 : memref<!tpu.dma_semaphore, #tpu.memory_space<semaphore_mem>>) src(%dma_wait3A_84 : memref<10000x128xf32, #tpu.memory_space<hbm>>) dst(%dma_wait3A_78 : memref<128x128xf32, #tpu.memory_space<vmem>>)
      %dma_start3A_85 = arith.constant 0 : i32
      %dma_start3A_86 = arith.constant 1 : i32
      %dma_start3A_87 = arith.constant 0 : i32
      %dma_start3A_88 = arith.constant 0 : i32
      %dma_start3A_89 = tpu.memref_slice %arg8[%dma_start3A_85, %dma_start3A_87, %dma_start3A_88] : memref<2x128x128xf32, #tpu.memory_space<vmem>> -> memref<1x128x128xf32, #tpu.memory_space<vmem>>
      %dma_start3A_90 = tpu.memref_squeeze %dma_start3A_89 : memref<1x128x128xf32, #tpu.memory_space<vmem>> -> memref<128x128xf32, #tpu.memory_space<vmem>>
      %dma_start3A_91 = arith.constant 0 : i32
      %dma_start3A_92 = tpu.memref_slice %arg6[%dma_start3A_86, %dma_start3A_91] : memref<4x128xi32, #tpu.memory_space<vmem>> -> memref<1x128xi32, #tpu.memory_space<vmem>>
      %dma_start3A_93 = tpu.memref_squeeze %dma_start3A_92 : memref<1x128xi32, #tpu.memory_space<vmem>> -> memref<128xi32, #tpu.memory_space<vmem>>
      %dma_start3A_94 = arith.constant 0 : i32
      %dma_start3A_95 = arith.constant 0 : i32
      %dma_start3A_96 = tpu.memref_slice %arg9[%dma_start3A_94, %dma_start3A_95] : memref<10240x128xf32, #tpu.memory_space<vmem_shared>> -> memref<10240x128xf32, #tpu.memory_space<vmem_shared>>
      tpu.enqueue_indirect_dma source(%dma_start3A_90 : memref<128x128xf32, #tpu.memory_space<vmem>>) target(%dma_start3A_96 : memref<10240x128xf32, #tpu.memory_space<vmem_shared>>) offsets(%dma_start3A_93 : memref<128xi32, #tpu.memory_space<vmem>>) semaphore(%arg12 : memref<!tpu.dma_semaphore, #tpu.memory_space<semaphore_mem>>) {add = true}
      %dma_wait3A_97 = arith.constant 2 : i32
      %dma_wait3A_98 = arith.constant 1 : i32
      %dma_wait3A_99 = arith.constant 0 : i32
      %dma_wait3A_100 = arith.constant 0 : i32
      %dma_wait3A_101 = tpu.memref_slice %arg8[%dma_wait3A_98, %dma_wait3A_99, %dma_wait3A_100] : memref<2x128x128xf32, #tpu.memory_space<vmem>> -> memref<1x128x128xf32, #tpu.memory_space<vmem>>
      %dma_wait3A_102 = tpu.memref_squeeze %dma_wait3A_101 : memref<1x128x128xf32, #tpu.memory_space<vmem>> -> memref<128x128xf32, #tpu.memory_space<vmem>>
      %dma_wait3A_103 = arith.constant 0 : i32
      %dma_wait3A_104 = tpu.memref_slice %arg6[%dma_wait3A_97, %dma_wait3A_103] : memref<4x128xi32, #tpu.memory_space<vmem>> -> memref<1x128xi32, #tpu.memory_space<vmem>>
      %dma_wait3A_105 = tpu.memref_squeeze %dma_wait3A_104 : memref<1x128xi32, #tpu.memory_space<vmem>> -> memref<128xi32, #tpu.memory_space<vmem>>
      %dma_wait3A_106 = arith.constant 0 : i32
      %dma_wait3A_107 = arith.constant 0 : i32
      %dma_wait3A_108 = tpu.memref_slice %arg2[%dma_wait3A_106, %dma_wait3A_107] : memref<10000x128xf32, #tpu.memory_space<hbm>> -> memref<10000x128xf32, #tpu.memory_space<hbm>>
      tpu.wait_indirect_dma semaphore(%arg11 : memref<!tpu.dma_semaphore, #tpu.memory_space<semaphore_mem>>) src(%dma_wait3A_108 : memref<10000x128xf32, #tpu.memory_space<hbm>>) dst(%dma_wait3A_102 : memref<128x128xf32, #tpu.memory_space<vmem>>)
      %dma_start3A_109 = arith.constant 1 : i32
      %dma_start3A_110 = arith.constant 3 : i32
      %dma_start3A_111 = arith.constant 0 : i32
      %dma_start3A_112 = arith.constant 0 : i32
      %dma_start3A_113 = tpu.memref_slice %arg8[%dma_start3A_109, %dma_start3A_111, %dma_start3A_112] : memref<2x128x128xf32, #tpu.memory_space<vmem>> -> memref<1x128x128xf32, #tpu.memory_space<vmem>>
      %dma_start3A_114 = tpu.memref_squeeze %dma_start3A_113 : memref<1x128x128xf32, #tpu.memory_space<vmem>> -> memref<128x128xf32, #tpu.memory_space<vmem>>
      %dma_start3A_115 = arith.constant 0 : i32
      %dma_start3A_116 = tpu.memref_slice %arg6[%dma_start3A_110, %dma_start3A_115] : memref<4x128xi32, #tpu.memory_space<vmem>> -> memref<1x128xi32, #tpu.memory_space<vmem>>
      %dma_start3A_117 = tpu.memref_squeeze %dma_start3A_116 : memref<1x128xi32, #tpu.memory_space<vmem>> -> memref<128xi32, #tpu.memory_space<vmem>>
      %dma_start3A_118 = arith.constant 0 : i32
      %dma_start3A_119 = arith.constant 0 : i32
      %dma_start3A_120 = tpu.memref_slice %arg9[%dma_start3A_118, %dma_start3A_119] : memref<10240x128xf32, #tpu.memory_space<vmem_shared>> -> memref<10240x128xf32, #tpu.memory_space<vmem_shared>>
      tpu.enqueue_indirect_dma source(%dma_start3A_114 : memref<128x128xf32, #tpu.memory_space<vmem>>) target(%dma_start3A_120 : memref<10240x128xf32, #tpu.memory_space<vmem_shared>>) offsets(%dma_start3A_117 : memref<128xi32, #tpu.memory_space<vmem>>) semaphore(%arg13 : memref<!tpu.dma_semaphore, #tpu.memory_space<semaphore_mem>>) {add = true}
      %dma_wait3A_121 = arith.constant 0 : i32
      %dma_wait3A_122 = arith.constant 1 : i32
      %dma_wait3A_123 = arith.constant 0 : i32
      %dma_wait3A_124 = arith.constant 0 : i32
      %dma_wait3A_125 = tpu.memref_slice %arg8[%dma_wait3A_121, %dma_wait3A_123, %dma_wait3A_124] : memref<2x128x128xf32, #tpu.memory_space<vmem>> -> memref<1x128x128xf32, #tpu.memory_space<vmem>>
      %dma_wait3A_126 = tpu.memref_squeeze %dma_wait3A_125 : memref<1x128x128xf32, #tpu.memory_space<vmem>> -> memref<128x128xf32, #tpu.memory_space<vmem>>
      %dma_wait3A_127 = arith.constant 0 : i32
      %dma_wait3A_128 = tpu.memref_slice %arg6[%dma_wait3A_122, %dma_wait3A_127] : memref<4x128xi32, #tpu.memory_space<vmem>> -> memref<1x128xi32, #tpu.memory_space<vmem>>
      %dma_wait3A_129 = tpu.memref_squeeze %dma_wait3A_128 : memref<1x128xi32, #tpu.memory_space<vmem>> -> memref<128xi32, #tpu.memory_space<vmem>>
      %dma_wait3A_130 = arith.constant 0 : i32
      %dma_wait3A_131 = arith.constant 0 : i32
      %dma_wait3A_132 = tpu.memref_slice %arg9[%dma_wait3A_130, %dma_wait3A_131] : memref<10240x128xf32, #tpu.memory_space<vmem_shared>> -> memref<10240x128xf32, #tpu.memory_space<vmem_shared>>
      tpu.wait_indirect_dma semaphore(%arg12 : memref<!tpu.dma_semaphore, #tpu.memory_space<semaphore_mem>>) src(%dma_wait3A_126 : memref<128x128xf32, #tpu.memory_space<vmem>>) dst(%dma_wait3A_132 : memref<10240x128xf32, #tpu.memory_space<vmem_shared>>)
      %dma_wait3A_133 = arith.constant 1 : i32
      %dma_wait3A_134 = arith.constant 3 : i32
      %dma_wait3A_135 = arith.constant 0 : i32
      %dma_wait3A_136 = arith.constant 0 : i32
      %dma_wait3A_137 = tpu.memref_slice %arg8[%dma_wait3A_133, %dma_wait3A_135, %dma_wait3A_136] : memref<2x128x128xf32, #tpu.memory_space<vmem>> -> memref<1x128x128xf32, #tpu.memory_space<vmem>>
      %dma_wait3A_138 = tpu.memref_squeeze %dma_wait3A_137 : memref<1x128x128xf32, #tpu.memory_space<vmem>> -> memref<128x128xf32, #tpu.memory_space<vmem>>
      %dma_wait3A_139 = arith.constant 0 : i32
      %dma_wait3A_140 = tpu.memref_slice %arg6[%dma_wait3A_134, %dma_wait3A_139] : memref<4x128xi32, #tpu.memory_space<vmem>> -> memref<1x128xi32, #tpu.memory_space<vmem>>
      %dma_wait3A_141 = tpu.memref_squeeze %dma_wait3A_140 : memref<1x128xi32, #tpu.memory_space<vmem>> -> memref<128xi32, #tpu.memory_space<vmem>>
      %dma_wait3A_142 = arith.constant 0 : i32
      %dma_wait3A_143 = arith.constant 0 : i32
      %dma_wait3A_144 = tpu.memref_slice %arg9[%dma_wait3A_142, %dma_wait3A_143] : memref<10240x128xf32, #tpu.memory_space<vmem_shared>> -> memref<10240x128xf32, #tpu.memory_space<vmem_shared>>
      tpu.wait_indirect_dma semaphore(%arg13 : memref<!tpu.dma_semaphore, #tpu.memory_space<semaphore_mem>>) src(%dma_wait3A_138 : memref<128x128xf32, #tpu.memory_space<vmem>>) dst(%dma_wait3A_144 : memref<10240x128xf32, #tpu.memory_space<vmem_shared>>)
    } else {
    }
    %barrier3A_43 = arith.constant 0 : index
    tpu.barrier barrier_id(%barrier3A_43)
    %mul3A_44 = arith.constant 640 : i32
    %mul3A_45 = arith.muli %arg1, %mul3A_44 : i32
    %mul3A_46 = arith.constant 640 : i32
    %mul3A_47 = arith.muli %arg1, %mul3A_46 : i32
    "tpu.region"() ({
      %run_scoped3A = tpu.sem_alloc : memref<!tpu.dma_semaphore, #tpu.memory_space<semaphore_mem>>
      %dma_start3A = arith.constant 0 : i32
      %dma_start3A_48 = tpu.memref_slice %arg5[%arg0, %mul3A_47, %dma_start3A] : memref<2x10240x128xf32, #tpu.memory_space<hbm>> -> memref<1x640x128xf32, #tpu.memory_space<hbm>>
      %dma_start3A_49 = tpu.memref_squeeze %dma_start3A_48 : memref<1x640x128xf32, #tpu.memory_space<hbm>> -> memref<640x128xf32, #tpu.memory_space<hbm>>
      %dma_start3A_50 = arith.constant 0 : i32
      %dma_start3A_51 = tpu.memref_slice %arg9[%mul3A_45, %dma_start3A_50] : memref<10240x128xf32, #tpu.memory_space<vmem_shared>> -> memref<640x128xf32, #tpu.memory_space<vmem_shared>>
      tpu.enqueue_dma source(%dma_start3A_51 : memref<640x128xf32, #tpu.memory_space<vmem_shared>>) target(%dma_start3A_49 : memref<640x128xf32, #tpu.memory_space<hbm>>) target_semaphore(%run_scoped3A : memref<!tpu.dma_semaphore, #tpu.memory_space<semaphore_mem>>)
      %dma_wait3A_52 = arith.constant 0 : i32
      %dma_wait3A_53 = tpu.memref_slice %arg5[%arg0, %mul3A_47, %dma_wait3A_52] : memref<2x10240x128xf32, #tpu.memory_space<hbm>> -> memref<1x640x128xf32, #tpu.memory_space<hbm>>
      %dma_wait3A_54 = tpu.memref_squeeze %dma_wait3A_53 : memref<1x640x128xf32, #tpu.memory_space<hbm>> -> memref<640x128xf32, #tpu.memory_space<hbm>>
      %dma_wait3A_55 = arith.constant 0 : i32
      %dma_wait3A_56 = tpu.memref_slice %arg9[%mul3A_45, %dma_wait3A_55] : memref<10240x128xf32, #tpu.memory_space<vmem_shared>> -> memref<640x128xf32, #tpu.memory_space<vmem_shared>>
      tpu.wait_dma2 semaphore(%run_scoped3A : memref<!tpu.dma_semaphore, #tpu.memory_space<semaphore_mem>>) src(%dma_wait3A_56 : memref<640x128xf32, #tpu.memory_space<vmem_shared>>) dst(%dma_wait3A_54 : memref<640x128xf32, #tpu.memory_space<hbm>>)
      tpu.yield
    }) : () -> ()
    return
  }
}

#map = affine_map<(d0, d1) -> (0, 0, 0)>
#map1 = affine_map<(d0, d1) -> (0)>
#map2 = affine_map<(d0, d1) -> (0, 0)>
module attributes {stable_mosaic.version = 14 : i64} {
  func.func @_deg_body(%arg0: i32, %arg1: i32, %arg2: memref<625x4x128xi32, #tpu.memory_space<hbm>>, %arg3: memref<10240xf32, #tpu.memory_space<hbm>>, %arg4: memref<128xf32, #tpu.memory_space<hbm>>, %arg5: memref<2x10240xf32, #tpu.memory_space<hbm>>, %arg6: memref<4x128xi32, #tpu.memory_space<vmem>>, %arg7: memref<4x128xi32, #tpu.memory_space<vmem>>, %arg8: memref<128xf32, #tpu.memory_space<vmem>>, %arg9: memref<10240xf32, #tpu.memory_space<vmem_shared>>, %arg10: memref<!tpu.dma_semaphore, #tpu.memory_space<semaphore_mem>>, %arg11: memref<!tpu.dma_semaphore, #tpu.memory_space<semaphore_mem>>, %arg12: memref<!tpu.dma_semaphore, #tpu.memory_space<semaphore_mem>>, %arg13: memref<!tpu.dma_semaphore, #tpu.memory_space<semaphore_mem>>) attributes {dimension_semantics = [#tpu.dimension_semantics<core_parallel>, #tpu.dimension_semantics<subcore_parallel>], iteration_bounds = array<i64: 2, 16>, scalar_prefetch = 0 : i64, scratch_operands = 8 : i64, tpu.core_type = #tpu.core_type<sc_vector_subcore>, window_params = [{transform_indices = #map}, {transform_indices = #map1}, {transform_indices = #map1}, {transform_indices = #map2}]} {
    %mul3A = arith.constant 2 : i32
    %mul3A_0 = arith.muli %arg1, %mul3A : i32
    %add3A = arith.addi %mul3A_0, %arg0 : i32
    "tpu.region"() ({
      %run_scoped3A = tpu.sem_alloc : memref<!tpu.dma_semaphore, #tpu.memory_space<semaphore_mem>>
      tpu.enqueue_dma source(%arg4 : memref<128xf32, #tpu.memory_space<hbm>>) target(%arg8 : memref<128xf32, #tpu.memory_space<vmem>>) target_semaphore(%run_scoped3A : memref<!tpu.dma_semaphore, #tpu.memory_space<semaphore_mem>>)
      tpu.wait_dma2 semaphore(%run_scoped3A : memref<!tpu.dma_semaphore, #tpu.memory_space<semaphore_mem>>) src(%arg4 : memref<128xf32, #tpu.memory_space<hbm>>) dst(%arg8 : memref<128xf32, #tpu.memory_space<vmem>>)
      tpu.yield
    }) : () -> ()
    %mul3A_1 = arith.constant 640 : i32
    %mul3A_2 = arith.muli %arg1, %mul3A_1 : i32
    %mul3A_3 = arith.constant 640 : i32
    %mul3A_4 = arith.muli %arg1, %mul3A_3 : i32
    "tpu.region"() ({
      %run_scoped3A = tpu.sem_alloc : memref<!tpu.dma_semaphore, #tpu.memory_space<semaphore_mem>>
      %dma_start3A = tpu.memref_slice %arg9[%mul3A_4] : memref<10240xf32, #tpu.memory_space<vmem_shared>> -> memref<640xf32, #tpu.memory_space<vmem_shared>>
      %dma_start3A_48 = tpu.memref_slice %arg3[%mul3A_2] : memref<10240xf32, #tpu.memory_space<hbm>> -> memref<640xf32, #tpu.memory_space<hbm>>
      tpu.enqueue_dma source(%dma_start3A_48 : memref<640xf32, #tpu.memory_space<hbm>>) target(%dma_start3A : memref<640xf32, #tpu.memory_space<vmem_shared>>) target_semaphore(%run_scoped3A : memref<!tpu.dma_semaphore, #tpu.memory_space<semaphore_mem>>)
      %dma_wait3A_49 = tpu.memref_slice %arg9[%mul3A_4] : memref<10240xf32, #tpu.memory_space<vmem_shared>> -> memref<640xf32, #tpu.memory_space<vmem_shared>>
      %dma_wait3A_50 = tpu.memref_slice %arg3[%mul3A_2] : memref<10240xf32, #tpu.memory_space<hbm>> -> memref<640xf32, #tpu.memory_space<hbm>>
      tpu.wait_dma2 semaphore(%run_scoped3A : memref<!tpu.dma_semaphore, #tpu.memory_space<semaphore_mem>>) src(%dma_wait3A_50 : memref<640xf32, #tpu.memory_space<hbm>>) dst(%dma_wait3A_49 : memref<640xf32, #tpu.memory_space<vmem_shared>>)
      tpu.yield
    }) : () -> ()
    %barrier3A = arith.constant 0 : index
    tpu.barrier barrier_id(%barrier3A)
    %lt3A = arith.constant 17 : i32
    %lt3A_5 = arith.cmpi slt, %add3A, %lt3A : i32
    %jit3A = arith.constant 10 : i32
    %jit3A_6 = arith.constant 9 : i32
    %select_n3A = arith.select %lt3A_5, %jit3A, %jit3A_6 : i32
    %add3A_7 = arith.constant 0 : i32
    %add3A_8 = arith.addi %add3A, %add3A_7 : i32
    "tpu.region"() ({
      %run_scoped3A = tpu.sem_alloc : memref<!tpu.dma_semaphore, #tpu.memory_space<semaphore_mem>>
      %dma_start3A = arith.constant 0 : i32
      %dma_start3A_48 = arith.constant 0 : i32
      %dma_start3A_49 = tpu.memref_slice %arg2[%add3A_8, %dma_start3A, %dma_start3A_48] : memref<625x4x128xi32, #tpu.memory_space<hbm>> -> memref<1x4x128xi32, #tpu.memory_space<hbm>>
      %dma_start3A_50 = tpu.memref_squeeze %dma_start3A_49 : memref<1x4x128xi32, #tpu.memory_space<hbm>> -> memref<4x128xi32, #tpu.memory_space<hbm>>
      %dma_start3A_51 = arith.constant 0 : i32
      %dma_start3A_52 = arith.constant 0 : i32
      %dma_start3A_53 = tpu.memref_slice %arg2[%add3A_8, %dma_start3A_51, %dma_start3A_52] : memref<625x4x128xi32, #tpu.memory_space<hbm>> -> memref<1x4x128xi32, #tpu.memory_space<hbm>>
      %dma_start3A_54 = tpu.memref_squeeze %dma_start3A_53 : memref<1x4x128xi32, #tpu.memory_space<hbm>> -> memref<4x128xi32, #tpu.memory_space<hbm>>
      tpu.enqueue_dma source(%dma_start3A_54 : memref<4x128xi32, #tpu.memory_space<hbm>>) target(%arg6 : memref<4x128xi32, #tpu.memory_space<vmem>>) target_semaphore(%run_scoped3A : memref<!tpu.dma_semaphore, #tpu.memory_space<semaphore_mem>>)
      %dma_wait3A_55 = arith.constant 0 : i32
      %dma_wait3A_56 = arith.constant 0 : i32
      %dma_wait3A_57 = tpu.memref_slice %arg2[%add3A_8, %dma_wait3A_55, %dma_wait3A_56] : memref<625x4x128xi32, #tpu.memory_space<hbm>> -> memref<1x4x128xi32, #tpu.memory_space<hbm>>
      %dma_wait3A_58 = tpu.memref_squeeze %dma_wait3A_57 : memref<1x4x128xi32, #tpu.memory_space<hbm>> -> memref<4x128xi32, #tpu.memory_space<hbm>>
      %dma_wait3A_59 = arith.constant 0 : i32
      %dma_wait3A_60 = arith.constant 0 : i32
      %dma_wait3A_61 = tpu.memref_slice %arg2[%add3A_8, %dma_wait3A_59, %dma_wait3A_60] : memref<625x4x128xi32, #tpu.memory_space<hbm>> -> memref<1x4x128xi32, #tpu.memory_space<hbm>>
      %dma_wait3A_62 = tpu.memref_squeeze %dma_wait3A_61 : memref<1x4x128xi32, #tpu.memory_space<hbm>> -> memref<4x128xi32, #tpu.memory_space<hbm>>
      tpu.wait_dma2 semaphore(%run_scoped3A : memref<!tpu.dma_semaphore, #tpu.memory_space<semaphore_mem>>) src(%dma_wait3A_62 : memref<4x128xi32, #tpu.memory_space<hbm>>) dst(%arg6 : memref<4x128xi32, #tpu.memory_space<vmem>>)
      tpu.yield
    }) : () -> ()
    %while3A = arith.constant 0 : i32
    %while3A_9 = arith.constant 0 : i32
    %while3A_10 = arith.subi %select_n3A, %while3A_9 : i32
    %while3A_11 = arith.addi %while3A_9, %while3A_10 : i32
    %while3A_12 = arith.constant 1 : i32
    %while3A_13 = arith.divsi %while3A_10, %while3A_12 : i32
    %while3A_14 = arith.muli %while3A_13, %while3A_12 : i32
    %while3A_15 = arith.addi %while3A_9, %while3A_14 : i32
    %while3A_16 = arith.constant 1 : i32
    scf.for %while3A_48 = %while3A_9 to %while3A_15 step %while3A_16  : i32 {
      %gt3A = arith.constant 0 : i32
      %gt3A_49 = arith.cmpi sgt, %while3A_48, %gt3A : i32
      %convert_element_type3A_50 = arith.extui %gt3A_49 : i1 to i32
      %cond3A_51 = arith.constant 0 : i32
      %cond3A_52 = arith.cmpi ne, %convert_element_type3A_50, %cond3A_51 : i32
      scf.if %cond3A_52 {
        %dma_wait3A_137 = arith.constant 0 : i32
        %dma_wait3A_138 = arith.constant 0 : i32
        %dma_wait3A_139 = tpu.memref_slice %arg7[%dma_wait3A_137, %dma_wait3A_138] : memref<4x128xi32, #tpu.memory_space<vmem>> -> memref<1x128xi32, #tpu.memory_space<vmem>>
        %dma_wait3A_140 = tpu.memref_squeeze %dma_wait3A_139 : memref<1x128xi32, #tpu.memory_space<vmem>> -> memref<128xi32, #tpu.memory_space<vmem>>
        %dma_wait3A_141 = arith.constant 0 : i32
        %dma_wait3A_142 = tpu.memref_slice %arg9[%dma_wait3A_141] : memref<10240xf32, #tpu.memory_space<vmem_shared>> -> memref<10240xf32, #tpu.memory_space<vmem_shared>>
        tpu.wait_indirect_dma semaphore(%arg10 : memref<!tpu.dma_semaphore, #tpu.memory_space<semaphore_mem>>) src(%arg8 : memref<128xf32, #tpu.memory_space<vmem>>) dst(%dma_wait3A_142 : memref<10240xf32, #tpu.memory_space<vmem_shared>>)
        %dma_wait3A_143 = arith.constant 1 : i32
        %dma_wait3A_144 = arith.constant 0 : i32
        %dma_wait3A_145 = tpu.memref_slice %arg7[%dma_wait3A_143, %dma_wait3A_144] : memref<4x128xi32, #tpu.memory_space<vmem>> -> memref<1x128xi32, #tpu.memory_space<vmem>>
        %dma_wait3A_146 = tpu.memref_squeeze %dma_wait3A_145 : memref<1x128xi32, #tpu.memory_space<vmem>> -> memref<128xi32, #tpu.memory_space<vmem>>
        %dma_wait3A_147 = arith.constant 0 : i32
        %dma_wait3A_148 = tpu.memref_slice %arg9[%dma_wait3A_147] : memref<10240xf32, #tpu.memory_space<vmem_shared>> -> memref<10240xf32, #tpu.memory_space<vmem_shared>>
        tpu.wait_indirect_dma semaphore(%arg11 : memref<!tpu.dma_semaphore, #tpu.memory_space<semaphore_mem>>) src(%arg8 : memref<128xf32, #tpu.memory_space<vmem>>) dst(%dma_wait3A_148 : memref<10240xf32, #tpu.memory_space<vmem_shared>>)
        %dma_wait3A_149 = arith.constant 2 : i32
        %dma_wait3A_150 = arith.constant 0 : i32
        %dma_wait3A_151 = tpu.memref_slice %arg7[%dma_wait3A_149, %dma_wait3A_150] : memref<4x128xi32, #tpu.memory_space<vmem>> -> memref<1x128xi32, #tpu.memory_space<vmem>>
        %dma_wait3A_152 = tpu.memref_squeeze %dma_wait3A_151 : memref<1x128xi32, #tpu.memory_space<vmem>> -> memref<128xi32, #tpu.memory_space<vmem>>
        %dma_wait3A_153 = arith.constant 0 : i32
        %dma_wait3A_154 = tpu.memref_slice %arg9[%dma_wait3A_153] : memref<10240xf32, #tpu.memory_space<vmem_shared>> -> memref<10240xf32, #tpu.memory_space<vmem_shared>>
        tpu.wait_indirect_dma semaphore(%arg12 : memref<!tpu.dma_semaphore, #tpu.memory_space<semaphore_mem>>) src(%arg8 : memref<128xf32, #tpu.memory_space<vmem>>) dst(%dma_wait3A_154 : memref<10240xf32, #tpu.memory_space<vmem_shared>>)
        %dma_wait3A_155 = arith.constant 3 : i32
        %dma_wait3A_156 = arith.constant 0 : i32
        %dma_wait3A_157 = tpu.memref_slice %arg7[%dma_wait3A_155, %dma_wait3A_156] : memref<4x128xi32, #tpu.memory_space<vmem>> -> memref<1x128xi32, #tpu.memory_space<vmem>>
        %dma_wait3A_158 = tpu.memref_squeeze %dma_wait3A_157 : memref<1x128xi32, #tpu.memory_space<vmem>> -> memref<128xi32, #tpu.memory_space<vmem>>
        %dma_wait3A_159 = arith.constant 0 : i32
        %dma_wait3A_160 = tpu.memref_slice %arg9[%dma_wait3A_159] : memref<10240xf32, #tpu.memory_space<vmem_shared>> -> memref<10240xf32, #tpu.memory_space<vmem_shared>>
        tpu.wait_indirect_dma semaphore(%arg13 : memref<!tpu.dma_semaphore, #tpu.memory_space<semaphore_mem>>) src(%arg8 : memref<128xf32, #tpu.memory_space<vmem>>) dst(%dma_wait3A_160 : memref<10240xf32, #tpu.memory_space<vmem_shared>>)
      } else {
      }
      %dma_start3A = arith.constant 0 : i32
      %dma_start3A_53 = arith.constant 0 : i32
      %dma_start3A_54 = tpu.memref_slice %arg6[%dma_start3A, %dma_start3A_53] : memref<4x128xi32, #tpu.memory_space<vmem>> -> memref<1x128xi32, #tpu.memory_space<vmem>>
      %dma_start3A_55 = tpu.memref_squeeze %dma_start3A_54 : memref<1x128xi32, #tpu.memory_space<vmem>> -> memref<128xi32, #tpu.memory_space<vmem>>
      %dma_start3A_56 = arith.constant 0 : i32
      %dma_start3A_57 = tpu.memref_slice %arg9[%dma_start3A_56] : memref<10240xf32, #tpu.memory_space<vmem_shared>> -> memref<10240xf32, #tpu.memory_space<vmem_shared>>
      tpu.enqueue_indirect_dma source(%arg8 : memref<128xf32, #tpu.memory_space<vmem>>) target(%dma_start3A_57 : memref<10240xf32, #tpu.memory_space<vmem_shared>>) offsets(%dma_start3A_55 : memref<128xi32, #tpu.memory_space<vmem>>) semaphore(%arg10 : memref<!tpu.dma_semaphore, #tpu.memory_space<semaphore_mem>>) {add = true}
      %dma_start3A_58 = arith.constant 1 : i32
      %dma_start3A_59 = arith.constant 0 : i32
      %dma_start3A_60 = tpu.memref_slice %arg6[%dma_start3A_58, %dma_start3A_59] : memref<4x128xi32, #tpu.memory_space<vmem>> -> memref<1x128xi32, #tpu.memory_space<vmem>>
      %dma_start3A_61 = tpu.memref_squeeze %dma_start3A_60 : memref<1x128xi32, #tpu.memory_space<vmem>> -> memref<128xi32, #tpu.memory_space<vmem>>
      %dma_start3A_62 = arith.constant 0 : i32
      %dma_start3A_63 = tpu.memref_slice %arg9[%dma_start3A_62] : memref<10240xf32, #tpu.memory_space<vmem_shared>> -> memref<10240xf32, #tpu.memory_space<vmem_shared>>
      tpu.enqueue_indirect_dma source(%arg8 : memref<128xf32, #tpu.memory_space<vmem>>) target(%dma_start3A_63 : memref<10240xf32, #tpu.memory_space<vmem_shared>>) offsets(%dma_start3A_61 : memref<128xi32, #tpu.memory_space<vmem>>) semaphore(%arg11 : memref<!tpu.dma_semaphore, #tpu.memory_space<semaphore_mem>>) {add = true}
      %dma_start3A_64 = arith.constant 2 : i32
      %dma_start3A_65 = arith.constant 0 : i32
      %dma_start3A_66 = tpu.memref_slice %arg6[%dma_start3A_64, %dma_start3A_65] : memref<4x128xi32, #tpu.memory_space<vmem>> -> memref<1x128xi32, #tpu.memory_space<vmem>>
      %dma_start3A_67 = tpu.memref_squeeze %dma_start3A_66 : memref<1x128xi32, #tpu.memory_space<vmem>> -> memref<128xi32, #tpu.memory_space<vmem>>
      %dma_start3A_68 = arith.constant 0 : i32
      %dma_start3A_69 = tpu.memref_slice %arg9[%dma_start3A_68] : memref<10240xf32, #tpu.memory_space<vmem_shared>> -> memref<10240xf32, #tpu.memory_space<vmem_shared>>
      tpu.enqueue_indirect_dma source(%arg8 : memref<128xf32, #tpu.memory_space<vmem>>) target(%dma_start3A_69 : memref<10240xf32, #tpu.memory_space<vmem_shared>>) offsets(%dma_start3A_67 : memref<128xi32, #tpu.memory_space<vmem>>) semaphore(%arg12 : memref<!tpu.dma_semaphore, #tpu.memory_space<semaphore_mem>>) {add = true}
      %dma_start3A_70 = arith.constant 3 : i32
      %dma_start3A_71 = arith.constant 0 : i32
      %dma_start3A_72 = tpu.memref_slice %arg6[%dma_start3A_70, %dma_start3A_71] : memref<4x128xi32, #tpu.memory_space<vmem>> -> memref<1x128xi32, #tpu.memory_space<vmem>>
      %dma_start3A_73 = tpu.memref_squeeze %dma_start3A_72 : memref<1x128xi32, #tpu.memory_space<vmem>> -> memref<128xi32, #tpu.memory_space<vmem>>
      %dma_start3A_74 = arith.constant 0 : i32
      %dma_start3A_75 = tpu.memref_slice %arg9[%dma_start3A_74] : memref<10240xf32, #tpu.memory_space<vmem_shared>> -> memref<10240xf32, #tpu.memory_space<vmem_shared>>
      tpu.enqueue_indirect_dma source(%arg8 : memref<128xf32, #tpu.memory_space<vmem>>) target(%dma_start3A_75 : memref<10240xf32, #tpu.memory_space<vmem_shared>>) offsets(%dma_start3A_73 : memref<128xi32, #tpu.memory_space<vmem>>) semaphore(%arg13 : memref<!tpu.dma_semaphore, #tpu.memory_space<semaphore_mem>>) {add = true}
      %mul3A_76 = arith.constant 2 : i32
      %mul3A_77 = arith.muli %mul3A_76, %while3A_48 : i32
      %add3A_78 = arith.constant 1 : i32
      %add3A_79 = arith.addi %mul3A_77, %add3A_78 : i32
      %mul3A_80 = arith.constant 32 : i32
      %mul3A_81 = arith.muli %add3A_79, %mul3A_80 : i32
      %add3A_82 = arith.addi %add3A, %mul3A_81 : i32
      "tpu.region"() ({
        %run_scoped3A = tpu.sem_alloc : memref<!tpu.dma_semaphore, #tpu.memory_space<semaphore_mem>>
        %dma_start3A_137 = arith.constant 0 : i32
        %dma_start3A_138 = arith.constant 0 : i32
        %dma_start3A_139 = tpu.memref_slice %arg2[%add3A_82, %dma_start3A_137, %dma_start3A_138] : memref<625x4x128xi32, #tpu.memory_space<hbm>> -> memref<1x4x128xi32, #tpu.memory_space<hbm>>
        %dma_start3A_140 = tpu.memref_squeeze %dma_start3A_139 : memref<1x4x128xi32, #tpu.memory_space<hbm>> -> memref<4x128xi32, #tpu.memory_space<hbm>>
        %dma_start3A_141 = arith.constant 0 : i32
        %dma_start3A_142 = arith.constant 0 : i32
        %dma_start3A_143 = tpu.memref_slice %arg2[%add3A_82, %dma_start3A_141, %dma_start3A_142] : memref<625x4x128xi32, #tpu.memory_space<hbm>> -> memref<1x4x128xi32, #tpu.memory_space<hbm>>
        %dma_start3A_144 = tpu.memref_squeeze %dma_start3A_143 : memref<1x4x128xi32, #tpu.memory_space<hbm>> -> memref<4x128xi32, #tpu.memory_space<hbm>>
        tpu.enqueue_dma source(%dma_start3A_144 : memref<4x128xi32, #tpu.memory_space<hbm>>) target(%arg7 : memref<4x128xi32, #tpu.memory_space<vmem>>) target_semaphore(%run_scoped3A : memref<!tpu.dma_semaphore, #tpu.memory_space<semaphore_mem>>)
        %dma_wait3A_145 = arith.constant 0 : i32
        %dma_wait3A_146 = arith.constant 0 : i32
        %dma_wait3A_147 = tpu.memref_slice %arg2[%add3A_82, %dma_wait3A_145, %dma_wait3A_146] : memref<625x4x128xi32, #tpu.memory_space<hbm>> -> memref<1x4x128xi32, #tpu.memory_space<hbm>>
        %dma_wait3A_148 = tpu.memref_squeeze %dma_wait3A_147 : memref<1x4x128xi32, #tpu.memory_space<hbm>> -> memref<4x128xi32, #tpu.memory_space<hbm>>
        %dma_wait3A_149 = arith.constant 0 : i32
        %dma_wait3A_150 = arith.constant 0 : i32
        %dma_wait3A_151 = tpu.memref_slice %arg2[%add3A_82, %dma_wait3A_149, %dma_wait3A_150] : memref<625x4x128xi32, #tpu.memory_space<hbm>> -> memref<1x4x128xi32, #tpu.memory_space<hbm>>
        %dma_wait3A_152 = tpu.memref_squeeze %dma_wait3A_151 : memref<1x4x128xi32, #tpu.memory_space<hbm>> -> memref<4x128xi32, #tpu.memory_space<hbm>>
        tpu.wait_dma2 semaphore(%run_scoped3A : memref<!tpu.dma_semaphore, #tpu.memory_space<semaphore_mem>>) src(%dma_wait3A_152 : memref<4x128xi32, #tpu.memory_space<hbm>>) dst(%arg7 : memref<4x128xi32, #tpu.memory_space<vmem>>)
        tpu.yield
      }) : () -> ()
      %dma_wait3A_83 = arith.constant 0 : i32
      %dma_wait3A_84 = arith.constant 0 : i32
      %dma_wait3A_85 = tpu.memref_slice %arg6[%dma_wait3A_83, %dma_wait3A_84] : memref<4x128xi32, #tpu.memory_space<vmem>> -> memref<1x128xi32, #tpu.memory_space<vmem>>
      %dma_wait3A_86 = tpu.memref_squeeze %dma_wait3A_85 : memref<1x128xi32, #tpu.memory_space<vmem>> -> memref<128xi32, #tpu.memory_space<vmem>>
      %dma_wait3A_87 = arith.constant 0 : i32
      %dma_wait3A_88 = tpu.memref_slice %arg9[%dma_wait3A_87] : memref<10240xf32, #tpu.memory_space<vmem_shared>> -> memref<10240xf32, #tpu.memory_space<vmem_shared>>
      tpu.wait_indirect_dma semaphore(%arg10 : memref<!tpu.dma_semaphore, #tpu.memory_space<semaphore_mem>>) src(%arg8 : memref<128xf32, #tpu.memory_space<vmem>>) dst(%dma_wait3A_88 : memref<10240xf32, #tpu.memory_space<vmem_shared>>)
      %dma_start3A_89 = arith.constant 0 : i32
      %dma_start3A_90 = arith.constant 0 : i32
      %dma_start3A_91 = tpu.memref_slice %arg7[%dma_start3A_89, %dma_start3A_90] : memref<4x128xi32, #tpu.memory_space<vmem>> -> memref<1x128xi32, #tpu.memory_space<vmem>>
      %dma_start3A_92 = tpu.memref_squeeze %dma_start3A_91 : memref<1x128xi32, #tpu.memory_space<vmem>> -> memref<128xi32, #tpu.memory_space<vmem>>
      %dma_start3A_93 = arith.constant 0 : i32
      %dma_start3A_94 = tpu.memref_slice %arg9[%dma_start3A_93] : memref<10240xf32, #tpu.memory_space<vmem_shared>> -> memref<10240xf32, #tpu.memory_space<vmem_shared>>
      tpu.enqueue_indirect_dma source(%arg8 : memref<128xf32, #tpu.memory_space<vmem>>) target(%dma_start3A_94 : memref<10240xf32, #tpu.memory_space<vmem_shared>>) offsets(%dma_start3A_92 : memref<128xi32, #tpu.memory_space<vmem>>) semaphore(%arg10 : memref<!tpu.dma_semaphore, #tpu.memory_space<semaphore_mem>>) {add = true}
      %dma_wait3A_95 = arith.constant 1 : i32
      %dma_wait3A_96 = arith.constant 0 : i32
      %dma_wait3A_97 = tpu.memref_slice %arg6[%dma_wait3A_95, %dma_wait3A_96] : memref<4x128xi32, #tpu.memory_space<vmem>> -> memref<1x128xi32, #tpu.memory_space<vmem>>
      %dma_wait3A_98 = tpu.memref_squeeze %dma_wait3A_97 : memref<1x128xi32, #tpu.memory_space<vmem>> -> memref<128xi32, #tpu.memory_space<vmem>>
      %dma_wait3A_99 = arith.constant 0 : i32
      %dma_wait3A_100 = tpu.memref_slice %arg9[%dma_wait3A_99] : memref<10240xf32, #tpu.memory_space<vmem_shared>> -> memref<10240xf32, #tpu.memory_space<vmem_shared>>
      tpu.wait_indirect_dma semaphore(%arg11 : memref<!tpu.dma_semaphore, #tpu.memory_space<semaphore_mem>>) src(%arg8 : memref<128xf32, #tpu.memory_space<vmem>>) dst(%dma_wait3A_100 : memref<10240xf32, #tpu.memory_space<vmem_shared>>)
      %dma_start3A_101 = arith.constant 1 : i32
      %dma_start3A_102 = arith.constant 0 : i32
      %dma_start3A_103 = tpu.memref_slice %arg7[%dma_start3A_101, %dma_start3A_102] : memref<4x128xi32, #tpu.memory_space<vmem>> -> memref<1x128xi32, #tpu.memory_space<vmem>>
      %dma_start3A_104 = tpu.memref_squeeze %dma_start3A_103 : memref<1x128xi32, #tpu.memory_space<vmem>> -> memref<128xi32, #tpu.memory_space<vmem>>
      %dma_start3A_105 = arith.constant 0 : i32
      %dma_start3A_106 = tpu.memref_slice %arg9[%dma_start3A_105] : memref<10240xf32, #tpu.memory_space<vmem_shared>> -> memref<10240xf32, #tpu.memory_space<vmem_shared>>
      tpu.enqueue_indirect_dma source(%arg8 : memref<128xf32, #tpu.memory_space<vmem>>) target(%dma_start3A_106 : memref<10240xf32, #tpu.memory_space<vmem_shared>>) offsets(%dma_start3A_104 : memref<128xi32, #tpu.memory_space<vmem>>) semaphore(%arg11 : memref<!tpu.dma_semaphore, #tpu.memory_space<semaphore_mem>>) {add = true}
      %dma_wait3A_107 = arith.constant 2 : i32
      %dma_wait3A_108 = arith.constant 0 : i32
      %dma_wait3A_109 = tpu.memref_slice %arg6[%dma_wait3A_107, %dma_wait3A_108] : memref<4x128xi32, #tpu.memory_space<vmem>> -> memref<1x128xi32, #tpu.memory_space<vmem>>
      %dma_wait3A_110 = tpu.memref_squeeze %dma_wait3A_109 : memref<1x128xi32, #tpu.memory_space<vmem>> -> memref<128xi32, #tpu.memory_space<vmem>>
      %dma_wait3A_111 = arith.constant 0 : i32
      %dma_wait3A_112 = tpu.memref_slice %arg9[%dma_wait3A_111] : memref<10240xf32, #tpu.memory_space<vmem_shared>> -> memref<10240xf32, #tpu.memory_space<vmem_shared>>
      tpu.wait_indirect_dma semaphore(%arg12 : memref<!tpu.dma_semaphore, #tpu.memory_space<semaphore_mem>>) src(%arg8 : memref<128xf32, #tpu.memory_space<vmem>>) dst(%dma_wait3A_112 : memref<10240xf32, #tpu.memory_space<vmem_shared>>)
      %dma_start3A_113 = arith.constant 2 : i32
      %dma_start3A_114 = arith.constant 0 : i32
      %dma_start3A_115 = tpu.memref_slice %arg7[%dma_start3A_113, %dma_start3A_114] : memref<4x128xi32, #tpu.memory_space<vmem>> -> memref<1x128xi32, #tpu.memory_space<vmem>>
      %dma_start3A_116 = tpu.memref_squeeze %dma_start3A_115 : memref<1x128xi32, #tpu.memory_space<vmem>> -> memref<128xi32, #tpu.memory_space<vmem>>
      %dma_start3A_117 = arith.constant 0 : i32
      %dma_start3A_118 = tpu.memref_slice %arg9[%dma_start3A_117] : memref<10240xf32, #tpu.memory_space<vmem_shared>> -> memref<10240xf32, #tpu.memory_space<vmem_shared>>
      tpu.enqueue_indirect_dma source(%arg8 : memref<128xf32, #tpu.memory_space<vmem>>) target(%dma_start3A_118 : memref<10240xf32, #tpu.memory_space<vmem_shared>>) offsets(%dma_start3A_116 : memref<128xi32, #tpu.memory_space<vmem>>) semaphore(%arg12 : memref<!tpu.dma_semaphore, #tpu.memory_space<semaphore_mem>>) {add = true}
      %dma_wait3A_119 = arith.constant 3 : i32
      %dma_wait3A_120 = arith.constant 0 : i32
      %dma_wait3A_121 = tpu.memref_slice %arg6[%dma_wait3A_119, %dma_wait3A_120] : memref<4x128xi32, #tpu.memory_space<vmem>> -> memref<1x128xi32, #tpu.memory_space<vmem>>
      %dma_wait3A_122 = tpu.memref_squeeze %dma_wait3A_121 : memref<1x128xi32, #tpu.memory_space<vmem>> -> memref<128xi32, #tpu.memory_space<vmem>>
      %dma_wait3A_123 = arith.constant 0 : i32
      %dma_wait3A_124 = tpu.memref_slice %arg9[%dma_wait3A_123] : memref<10240xf32, #tpu.memory_space<vmem_shared>> -> memref<10240xf32, #tpu.memory_space<vmem_shared>>
      tpu.wait_indirect_dma semaphore(%arg13 : memref<!tpu.dma_semaphore, #tpu.memory_space<semaphore_mem>>) src(%arg8 : memref<128xf32, #tpu.memory_space<vmem>>) dst(%dma_wait3A_124 : memref<10240xf32, #tpu.memory_space<vmem_shared>>)
      %dma_start3A_125 = arith.constant 3 : i32
      %dma_start3A_126 = arith.constant 0 : i32
      %dma_start3A_127 = tpu.memref_slice %arg7[%dma_start3A_125, %dma_start3A_126] : memref<4x128xi32, #tpu.memory_space<vmem>> -> memref<1x128xi32, #tpu.memory_space<vmem>>
      %dma_start3A_128 = tpu.memref_squeeze %dma_start3A_127 : memref<1x128xi32, #tpu.memory_space<vmem>> -> memref<128xi32, #tpu.memory_space<vmem>>
      %dma_start3A_129 = arith.constant 0 : i32
      %dma_start3A_130 = tpu.memref_slice %arg9[%dma_start3A_129] : memref<10240xf32, #tpu.memory_space<vmem_shared>> -> memref<10240xf32, #tpu.memory_space<vmem_shared>>
      tpu.enqueue_indirect_dma source(%arg8 : memref<128xf32, #tpu.memory_space<vmem>>) target(%dma_start3A_130 : memref<10240xf32, #tpu.memory_space<vmem_shared>>) offsets(%dma_start3A_128 : memref<128xi32, #tpu.memory_space<vmem>>) semaphore(%arg13 : memref<!tpu.dma_semaphore, #tpu.memory_space<semaphore_mem>>) {add = true}
      %add3A_131 = arith.constant 1 : i32
      %add3A_132 = arith.addi %while3A_48, %add3A_131 : i32
      %lt3A_133 = arith.cmpi slt, %add3A_132, %select_n3A : i32
      %convert_element_type3A_134 = arith.extui %lt3A_133 : i1 to i32
      %cond3A_135 = arith.constant 0 : i32
      %cond3A_136 = arith.cmpi ne, %convert_element_type3A_134, %cond3A_135 : i32
      scf.if %cond3A_136 {
        %mul3A_137 = arith.constant 2 : i32
        %mul3A_138 = arith.muli %mul3A_137, %while3A_48 : i32
        %add3A_139 = arith.constant 2 : i32
        %add3A_140 = arith.addi %mul3A_138, %add3A_139 : i32
        %mul3A_141 = arith.constant 32 : i32
        %mul3A_142 = arith.muli %add3A_140, %mul3A_141 : i32
        %add3A_143 = arith.addi %add3A, %mul3A_142 : i32
        "tpu.region"() ({
          %run_scoped3A = tpu.sem_alloc : memref<!tpu.dma_semaphore, #tpu.memory_space<semaphore_mem>>
          %dma_start3A_144 = arith.constant 0 : i32
          %dma_start3A_145 = arith.constant 0 : i32
          %dma_start3A_146 = tpu.memref_slice %arg2[%add3A_143, %dma_start3A_144, %dma_start3A_145] : memref<625x4x128xi32, #tpu.memory_space<hbm>> -> memref<1x4x128xi32, #tpu.memory_space<hbm>>
          %dma_start3A_147 = tpu.memref_squeeze %dma_start3A_146 : memref<1x4x128xi32, #tpu.memory_space<hbm>> -> memref<4x128xi32, #tpu.memory_space<hbm>>
          %dma_start3A_148 = arith.constant 0 : i32
          %dma_start3A_149 = arith.constant 0 : i32
          %dma_start3A_150 = tpu.memref_slice %arg2[%add3A_143, %dma_start3A_148, %dma_start3A_149] : memref<625x4x128xi32, #tpu.memory_space<hbm>> -> memref<1x4x128xi32, #tpu.memory_space<hbm>>
          %dma_start3A_151 = tpu.memref_squeeze %dma_start3A_150 : memref<1x4x128xi32, #tpu.memory_space<hbm>> -> memref<4x128xi32, #tpu.memory_space<hbm>>
          tpu.enqueue_dma source(%dma_start3A_151 : memref<4x128xi32, #tpu.memory_space<hbm>>) target(%arg6 : memref<4x128xi32, #tpu.memory_space<vmem>>) target_semaphore(%run_scoped3A : memref<!tpu.dma_semaphore, #tpu.memory_space<semaphore_mem>>)
          %dma_wait3A_152 = arith.constant 0 : i32
          %dma_wait3A_153 = arith.constant 0 : i32
          %dma_wait3A_154 = tpu.memref_slice %arg2[%add3A_143, %dma_wait3A_152, %dma_wait3A_153] : memref<625x4x128xi32, #tpu.memory_space<hbm>> -> memref<1x4x128xi32, #tpu.memory_space<hbm>>
          %dma_wait3A_155 = tpu.memref_squeeze %dma_wait3A_154 : memref<1x4x128xi32, #tpu.memory_space<hbm>> -> memref<4x128xi32, #tpu.memory_space<hbm>>
          %dma_wait3A_156 = arith.constant 0 : i32
          %dma_wait3A_157 = arith.constant 0 : i32
          %dma_wait3A_158 = tpu.memref_slice %arg2[%add3A_143, %dma_wait3A_156, %dma_wait3A_157] : memref<625x4x128xi32, #tpu.memory_space<hbm>> -> memref<1x4x128xi32, #tpu.memory_space<hbm>>
          %dma_wait3A_159 = tpu.memref_squeeze %dma_wait3A_158 : memref<1x4x128xi32, #tpu.memory_space<hbm>> -> memref<4x128xi32, #tpu.memory_space<hbm>>
          tpu.wait_dma2 semaphore(%run_scoped3A : memref<!tpu.dma_semaphore, #tpu.memory_space<semaphore_mem>>) src(%dma_wait3A_159 : memref<4x128xi32, #tpu.memory_space<hbm>>) dst(%arg6 : memref<4x128xi32, #tpu.memory_space<vmem>>)
          tpu.yield
        }) : () -> ()
      } else {
      }
    }
    %while3A_17 = arith.constant 1 : i32
    scf.for %while3A_48 = %while3A_15 to %while3A_11 step %while3A_17  : i32 {
      %gt3A = arith.constant 0 : i32
      %gt3A_49 = arith.cmpi sgt, %while3A_48, %gt3A : i32
      %convert_element_type3A_50 = arith.extui %gt3A_49 : i1 to i32
      %cond3A_51 = arith.constant 0 : i32
      %cond3A_52 = arith.cmpi ne, %convert_element_type3A_50, %cond3A_51 : i32
      scf.if %cond3A_52 {
        %dma_wait3A_137 = arith.constant 0 : i32
        %dma_wait3A_138 = arith.constant 0 : i32
        %dma_wait3A_139 = tpu.memref_slice %arg7[%dma_wait3A_137, %dma_wait3A_138] : memref<4x128xi32, #tpu.memory_space<vmem>> -> memref<1x128xi32, #tpu.memory_space<vmem>>
        %dma_wait3A_140 = tpu.memref_squeeze %dma_wait3A_139 : memref<1x128xi32, #tpu.memory_space<vmem>> -> memref<128xi32, #tpu.memory_space<vmem>>
        %dma_wait3A_141 = arith.constant 0 : i32
        %dma_wait3A_142 = tpu.memref_slice %arg9[%dma_wait3A_141] : memref<10240xf32, #tpu.memory_space<vmem_shared>> -> memref<10240xf32, #tpu.memory_space<vmem_shared>>
        tpu.wait_indirect_dma semaphore(%arg10 : memref<!tpu.dma_semaphore, #tpu.memory_space<semaphore_mem>>) src(%arg8 : memref<128xf32, #tpu.memory_space<vmem>>) dst(%dma_wait3A_142 : memref<10240xf32, #tpu.memory_space<vmem_shared>>)
        %dma_wait3A_143 = arith.constant 1 : i32
        %dma_wait3A_144 = arith.constant 0 : i32
        %dma_wait3A_145 = tpu.memref_slice %arg7[%dma_wait3A_143, %dma_wait3A_144] : memref<4x128xi32, #tpu.memory_space<vmem>> -> memref<1x128xi32, #tpu.memory_space<vmem>>
        %dma_wait3A_146 = tpu.memref_squeeze %dma_wait3A_145 : memref<1x128xi32, #tpu.memory_space<vmem>> -> memref<128xi32, #tpu.memory_space<vmem>>
        %dma_wait3A_147 = arith.constant 0 : i32
        %dma_wait3A_148 = tpu.memref_slice %arg9[%dma_wait3A_147] : memref<10240xf32, #tpu.memory_space<vmem_shared>> -> memref<10240xf32, #tpu.memory_space<vmem_shared>>
        tpu.wait_indirect_dma semaphore(%arg11 : memref<!tpu.dma_semaphore, #tpu.memory_space<semaphore_mem>>) src(%arg8 : memref<128xf32, #tpu.memory_space<vmem>>) dst(%dma_wait3A_148 : memref<10240xf32, #tpu.memory_space<vmem_shared>>)
        %dma_wait3A_149 = arith.constant 2 : i32
        %dma_wait3A_150 = arith.constant 0 : i32
        %dma_wait3A_151 = tpu.memref_slice %arg7[%dma_wait3A_149, %dma_wait3A_150] : memref<4x128xi32, #tpu.memory_space<vmem>> -> memref<1x128xi32, #tpu.memory_space<vmem>>
        %dma_wait3A_152 = tpu.memref_squeeze %dma_wait3A_151 : memref<1x128xi32, #tpu.memory_space<vmem>> -> memref<128xi32, #tpu.memory_space<vmem>>
        %dma_wait3A_153 = arith.constant 0 : i32
        %dma_wait3A_154 = tpu.memref_slice %arg9[%dma_wait3A_153] : memref<10240xf32, #tpu.memory_space<vmem_shared>> -> memref<10240xf32, #tpu.memory_space<vmem_shared>>
        tpu.wait_indirect_dma semaphore(%arg12 : memref<!tpu.dma_semaphore, #tpu.memory_space<semaphore_mem>>) src(%arg8 : memref<128xf32, #tpu.memory_space<vmem>>) dst(%dma_wait3A_154 : memref<10240xf32, #tpu.memory_space<vmem_shared>>)
        %dma_wait3A_155 = arith.constant 3 : i32
        %dma_wait3A_156 = arith.constant 0 : i32
        %dma_wait3A_157 = tpu.memref_slice %arg7[%dma_wait3A_155, %dma_wait3A_156] : memref<4x128xi32, #tpu.memory_space<vmem>> -> memref<1x128xi32, #tpu.memory_space<vmem>>
        %dma_wait3A_158 = tpu.memref_squeeze %dma_wait3A_157 : memref<1x128xi32, #tpu.memory_space<vmem>> -> memref<128xi32, #tpu.memory_space<vmem>>
        %dma_wait3A_159 = arith.constant 0 : i32
        %dma_wait3A_160 = tpu.memref_slice %arg9[%dma_wait3A_159] : memref<10240xf32, #tpu.memory_space<vmem_shared>> -> memref<10240xf32, #tpu.memory_space<vmem_shared>>
        tpu.wait_indirect_dma semaphore(%arg13 : memref<!tpu.dma_semaphore, #tpu.memory_space<semaphore_mem>>) src(%arg8 : memref<128xf32, #tpu.memory_space<vmem>>) dst(%dma_wait3A_160 : memref<10240xf32, #tpu.memory_space<vmem_shared>>)
      } else {
      }
      %dma_start3A = arith.constant 0 : i32
      %dma_start3A_53 = arith.constant 0 : i32
      %dma_start3A_54 = tpu.memref_slice %arg6[%dma_start3A, %dma_start3A_53] : memref<4x128xi32, #tpu.memory_space<vmem>> -> memref<1x128xi32, #tpu.memory_space<vmem>>
      %dma_start3A_55 = tpu.memref_squeeze %dma_start3A_54 : memref<1x128xi32, #tpu.memory_space<vmem>> -> memref<128xi32, #tpu.memory_space<vmem>>
      %dma_start3A_56 = arith.constant 0 : i32
      %dma_start3A_57 = tpu.memref_slice %arg9[%dma_start3A_56] : memref<10240xf32, #tpu.memory_space<vmem_shared>> -> memref<10240xf32, #tpu.memory_space<vmem_shared>>
      tpu.enqueue_indirect_dma source(%arg8 : memref<128xf32, #tpu.memory_space<vmem>>) target(%dma_start3A_57 : memref<10240xf32, #tpu.memory_space<vmem_shared>>) offsets(%dma_start3A_55 : memref<128xi32, #tpu.memory_space<vmem>>) semaphore(%arg10 : memref<!tpu.dma_semaphore, #tpu.memory_space<semaphore_mem>>) {add = true}
      %dma_start3A_58 = arith.constant 1 : i32
      %dma_start3A_59 = arith.constant 0 : i32
      %dma_start3A_60 = tpu.memref_slice %arg6[%dma_start3A_58, %dma_start3A_59] : memref<4x128xi32, #tpu.memory_space<vmem>> -> memref<1x128xi32, #tpu.memory_space<vmem>>
      %dma_start3A_61 = tpu.memref_squeeze %dma_start3A_60 : memref<1x128xi32, #tpu.memory_space<vmem>> -> memref<128xi32, #tpu.memory_space<vmem>>
      %dma_start3A_62 = arith.constant 0 : i32
      %dma_start3A_63 = tpu.memref_slice %arg9[%dma_start3A_62] : memref<10240xf32, #tpu.memory_space<vmem_shared>> -> memref<10240xf32, #tpu.memory_space<vmem_shared>>
      tpu.enqueue_indirect_dma source(%arg8 : memref<128xf32, #tpu.memory_space<vmem>>) target(%dma_start3A_63 : memref<10240xf32, #tpu.memory_space<vmem_shared>>) offsets(%dma_start3A_61 : memref<128xi32, #tpu.memory_space<vmem>>) semaphore(%arg11 : memref<!tpu.dma_semaphore, #tpu.memory_space<semaphore_mem>>) {add = true}
      %dma_start3A_64 = arith.constant 2 : i32
      %dma_start3A_65 = arith.constant 0 : i32
      %dma_start3A_66 = tpu.memref_slice %arg6[%dma_start3A_64, %dma_start3A_65] : memref<4x128xi32, #tpu.memory_space<vmem>> -> memref<1x128xi32, #tpu.memory_space<vmem>>
      %dma_start3A_67 = tpu.memref_squeeze %dma_start3A_66 : memref<1x128xi32, #tpu.memory_space<vmem>> -> memref<128xi32, #tpu.memory_space<vmem>>
      %dma_start3A_68 = arith.constant 0 : i32
      %dma_start3A_69 = tpu.memref_slice %arg9[%dma_start3A_68] : memref<10240xf32, #tpu.memory_space<vmem_shared>> -> memref<10240xf32, #tpu.memory_space<vmem_shared>>
      tpu.enqueue_indirect_dma source(%arg8 : memref<128xf32, #tpu.memory_space<vmem>>) target(%dma_start3A_69 : memref<10240xf32, #tpu.memory_space<vmem_shared>>) offsets(%dma_start3A_67 : memref<128xi32, #tpu.memory_space<vmem>>) semaphore(%arg12 : memref<!tpu.dma_semaphore, #tpu.memory_space<semaphore_mem>>) {add = true}
      %dma_start3A_70 = arith.constant 3 : i32
      %dma_start3A_71 = arith.constant 0 : i32
      %dma_start3A_72 = tpu.memref_slice %arg6[%dma_start3A_70, %dma_start3A_71] : memref<4x128xi32, #tpu.memory_space<vmem>> -> memref<1x128xi32, #tpu.memory_space<vmem>>
      %dma_start3A_73 = tpu.memref_squeeze %dma_start3A_72 : memref<1x128xi32, #tpu.memory_space<vmem>> -> memref<128xi32, #tpu.memory_space<vmem>>
      %dma_start3A_74 = arith.constant 0 : i32
      %dma_start3A_75 = tpu.memref_slice %arg9[%dma_start3A_74] : memref<10240xf32, #tpu.memory_space<vmem_shared>> -> memref<10240xf32, #tpu.memory_space<vmem_shared>>
      tpu.enqueue_indirect_dma source(%arg8 : memref<128xf32, #tpu.memory_space<vmem>>) target(%dma_start3A_75 : memref<10240xf32, #tpu.memory_space<vmem_shared>>) offsets(%dma_start3A_73 : memref<128xi32, #tpu.memory_space<vmem>>) semaphore(%arg13 : memref<!tpu.dma_semaphore, #tpu.memory_space<semaphore_mem>>) {add = true}
      %mul3A_76 = arith.constant 2 : i32
      %mul3A_77 = arith.muli %mul3A_76, %while3A_48 : i32
      %add3A_78 = arith.constant 1 : i32
      %add3A_79 = arith.addi %mul3A_77, %add3A_78 : i32
      %mul3A_80 = arith.constant 32 : i32
      %mul3A_81 = arith.muli %add3A_79, %mul3A_80 : i32
      %add3A_82 = arith.addi %add3A, %mul3A_81 : i32
      "tpu.region"() ({
        %run_scoped3A = tpu.sem_alloc : memref<!tpu.dma_semaphore, #tpu.memory_space<semaphore_mem>>
        %dma_start3A_137 = arith.constant 0 : i32
        %dma_start3A_138 = arith.constant 0 : i32
        %dma_start3A_139 = tpu.memref_slice %arg2[%add3A_82, %dma_start3A_137, %dma_start3A_138] : memref<625x4x128xi32, #tpu.memory_space<hbm>> -> memref<1x4x128xi32, #tpu.memory_space<hbm>>
        %dma_start3A_140 = tpu.memref_squeeze %dma_start3A_139 : memref<1x4x128xi32, #tpu.memory_space<hbm>> -> memref<4x128xi32, #tpu.memory_space<hbm>>
        %dma_start3A_141 = arith.constant 0 : i32
        %dma_start3A_142 = arith.constant 0 : i32
        %dma_start3A_143 = tpu.memref_slice %arg2[%add3A_82, %dma_start3A_141, %dma_start3A_142] : memref<625x4x128xi32, #tpu.memory_space<hbm>> -> memref<1x4x128xi32, #tpu.memory_space<hbm>>
        %dma_start3A_144 = tpu.memref_squeeze %dma_start3A_143 : memref<1x4x128xi32, #tpu.memory_space<hbm>> -> memref<4x128xi32, #tpu.memory_space<hbm>>
        tpu.enqueue_dma source(%dma_start3A_144 : memref<4x128xi32, #tpu.memory_space<hbm>>) target(%arg7 : memref<4x128xi32, #tpu.memory_space<vmem>>) target_semaphore(%run_scoped3A : memref<!tpu.dma_semaphore, #tpu.memory_space<semaphore_mem>>)
        %dma_wait3A_145 = arith.constant 0 : i32
        %dma_wait3A_146 = arith.constant 0 : i32
        %dma_wait3A_147 = tpu.memref_slice %arg2[%add3A_82, %dma_wait3A_145, %dma_wait3A_146] : memref<625x4x128xi32, #tpu.memory_space<hbm>> -> memref<1x4x128xi32, #tpu.memory_space<hbm>>
        %dma_wait3A_148 = tpu.memref_squeeze %dma_wait3A_147 : memref<1x4x128xi32, #tpu.memory_space<hbm>> -> memref<4x128xi32, #tpu.memory_space<hbm>>
        %dma_wait3A_149 = arith.constant 0 : i32
        %dma_wait3A_150 = arith.constant 0 : i32
        %dma_wait3A_151 = tpu.memref_slice %arg2[%add3A_82, %dma_wait3A_149, %dma_wait3A_150] : memref<625x4x128xi32, #tpu.memory_space<hbm>> -> memref<1x4x128xi32, #tpu.memory_space<hbm>>
        %dma_wait3A_152 = tpu.memref_squeeze %dma_wait3A_151 : memref<1x4x128xi32, #tpu.memory_space<hbm>> -> memref<4x128xi32, #tpu.memory_space<hbm>>
        tpu.wait_dma2 semaphore(%run_scoped3A : memref<!tpu.dma_semaphore, #tpu.memory_space<semaphore_mem>>) src(%dma_wait3A_152 : memref<4x128xi32, #tpu.memory_space<hbm>>) dst(%arg7 : memref<4x128xi32, #tpu.memory_space<vmem>>)
        tpu.yield
      }) : () -> ()
      %dma_wait3A_83 = arith.constant 0 : i32
      %dma_wait3A_84 = arith.constant 0 : i32
      %dma_wait3A_85 = tpu.memref_slice %arg6[%dma_wait3A_83, %dma_wait3A_84] : memref<4x128xi32, #tpu.memory_space<vmem>> -> memref<1x128xi32, #tpu.memory_space<vmem>>
      %dma_wait3A_86 = tpu.memref_squeeze %dma_wait3A_85 : memref<1x128xi32, #tpu.memory_space<vmem>> -> memref<128xi32, #tpu.memory_space<vmem>>
      %dma_wait3A_87 = arith.constant 0 : i32
      %dma_wait3A_88 = tpu.memref_slice %arg9[%dma_wait3A_87] : memref<10240xf32, #tpu.memory_space<vmem_shared>> -> memref<10240xf32, #tpu.memory_space<vmem_shared>>
      tpu.wait_indirect_dma semaphore(%arg10 : memref<!tpu.dma_semaphore, #tpu.memory_space<semaphore_mem>>) src(%arg8 : memref<128xf32, #tpu.memory_space<vmem>>) dst(%dma_wait3A_88 : memref<10240xf32, #tpu.memory_space<vmem_shared>>)
      %dma_start3A_89 = arith.constant 0 : i32
      %dma_start3A_90 = arith.constant 0 : i32
      %dma_start3A_91 = tpu.memref_slice %arg7[%dma_start3A_89, %dma_start3A_90] : memref<4x128xi32, #tpu.memory_space<vmem>> -> memref<1x128xi32, #tpu.memory_space<vmem>>
      %dma_start3A_92 = tpu.memref_squeeze %dma_start3A_91 : memref<1x128xi32, #tpu.memory_space<vmem>> -> memref<128xi32, #tpu.memory_space<vmem>>
      %dma_start3A_93 = arith.constant 0 : i32
      %dma_start3A_94 = tpu.memref_slice %arg9[%dma_start3A_93] : memref<10240xf32, #tpu.memory_space<vmem_shared>> -> memref<10240xf32, #tpu.memory_space<vmem_shared>>
      tpu.enqueue_indirect_dma source(%arg8 : memref<128xf32, #tpu.memory_space<vmem>>) target(%dma_start3A_94 : memref<10240xf32, #tpu.memory_space<vmem_shared>>) offsets(%dma_start3A_92 : memref<128xi32, #tpu.memory_space<vmem>>) semaphore(%arg10 : memref<!tpu.dma_semaphore, #tpu.memory_space<semaphore_mem>>) {add = true}
      %dma_wait3A_95 = arith.constant 1 : i32
      %dma_wait3A_96 = arith.constant 0 : i32
      %dma_wait3A_97 = tpu.memref_slice %arg6[%dma_wait3A_95, %dma_wait3A_96] : memref<4x128xi32, #tpu.memory_space<vmem>> -> memref<1x128xi32, #tpu.memory_space<vmem>>
      %dma_wait3A_98 = tpu.memref_squeeze %dma_wait3A_97 : memref<1x128xi32, #tpu.memory_space<vmem>> -> memref<128xi32, #tpu.memory_space<vmem>>
      %dma_wait3A_99 = arith.constant 0 : i32
      %dma_wait3A_100 = tpu.memref_slice %arg9[%dma_wait3A_99] : memref<10240xf32, #tpu.memory_space<vmem_shared>> -> memref<10240xf32, #tpu.memory_space<vmem_shared>>
      tpu.wait_indirect_dma semaphore(%arg11 : memref<!tpu.dma_semaphore, #tpu.memory_space<semaphore_mem>>) src(%arg8 : memref<128xf32, #tpu.memory_space<vmem>>) dst(%dma_wait3A_100 : memref<10240xf32, #tpu.memory_space<vmem_shared>>)
      %dma_start3A_101 = arith.constant 1 : i32
      %dma_start3A_102 = arith.constant 0 : i32
      %dma_start3A_103 = tpu.memref_slice %arg7[%dma_start3A_101, %dma_start3A_102] : memref<4x128xi32, #tpu.memory_space<vmem>> -> memref<1x128xi32, #tpu.memory_space<vmem>>
      %dma_start3A_104 = tpu.memref_squeeze %dma_start3A_103 : memref<1x128xi32, #tpu.memory_space<vmem>> -> memref<128xi32, #tpu.memory_space<vmem>>
      %dma_start3A_105 = arith.constant 0 : i32
      %dma_start3A_106 = tpu.memref_slice %arg9[%dma_start3A_105] : memref<10240xf32, #tpu.memory_space<vmem_shared>> -> memref<10240xf32, #tpu.memory_space<vmem_shared>>
      tpu.enqueue_indirect_dma source(%arg8 : memref<128xf32, #tpu.memory_space<vmem>>) target(%dma_start3A_106 : memref<10240xf32, #tpu.memory_space<vmem_shared>>) offsets(%dma_start3A_104 : memref<128xi32, #tpu.memory_space<vmem>>) semaphore(%arg11 : memref<!tpu.dma_semaphore, #tpu.memory_space<semaphore_mem>>) {add = true}
      %dma_wait3A_107 = arith.constant 2 : i32
      %dma_wait3A_108 = arith.constant 0 : i32
      %dma_wait3A_109 = tpu.memref_slice %arg6[%dma_wait3A_107, %dma_wait3A_108] : memref<4x128xi32, #tpu.memory_space<vmem>> -> memref<1x128xi32, #tpu.memory_space<vmem>>
      %dma_wait3A_110 = tpu.memref_squeeze %dma_wait3A_109 : memref<1x128xi32, #tpu.memory_space<vmem>> -> memref<128xi32, #tpu.memory_space<vmem>>
      %dma_wait3A_111 = arith.constant 0 : i32
      %dma_wait3A_112 = tpu.memref_slice %arg9[%dma_wait3A_111] : memref<10240xf32, #tpu.memory_space<vmem_shared>> -> memref<10240xf32, #tpu.memory_space<vmem_shared>>
      tpu.wait_indirect_dma semaphore(%arg12 : memref<!tpu.dma_semaphore, #tpu.memory_space<semaphore_mem>>) src(%arg8 : memref<128xf32, #tpu.memory_space<vmem>>) dst(%dma_wait3A_112 : memref<10240xf32, #tpu.memory_space<vmem_shared>>)
      %dma_start3A_113 = arith.constant 2 : i32
      %dma_start3A_114 = arith.constant 0 : i32
      %dma_start3A_115 = tpu.memref_slice %arg7[%dma_start3A_113, %dma_start3A_114] : memref<4x128xi32, #tpu.memory_space<vmem>> -> memref<1x128xi32, #tpu.memory_space<vmem>>
      %dma_start3A_116 = tpu.memref_squeeze %dma_start3A_115 : memref<1x128xi32, #tpu.memory_space<vmem>> -> memref<128xi32, #tpu.memory_space<vmem>>
      %dma_start3A_117 = arith.constant 0 : i32
      %dma_start3A_118 = tpu.memref_slice %arg9[%dma_start3A_117] : memref<10240xf32, #tpu.memory_space<vmem_shared>> -> memref<10240xf32, #tpu.memory_space<vmem_shared>>
      tpu.enqueue_indirect_dma source(%arg8 : memref<128xf32, #tpu.memory_space<vmem>>) target(%dma_start3A_118 : memref<10240xf32, #tpu.memory_space<vmem_shared>>) offsets(%dma_start3A_116 : memref<128xi32, #tpu.memory_space<vmem>>) semaphore(%arg12 : memref<!tpu.dma_semaphore, #tpu.memory_space<semaphore_mem>>) {add = true}
      %dma_wait3A_119 = arith.constant 3 : i32
      %dma_wait3A_120 = arith.constant 0 : i32
      %dma_wait3A_121 = tpu.memref_slice %arg6[%dma_wait3A_119, %dma_wait3A_120] : memref<4x128xi32, #tpu.memory_space<vmem>> -> memref<1x128xi32, #tpu.memory_space<vmem>>
      %dma_wait3A_122 = tpu.memref_squeeze %dma_wait3A_121 : memref<1x128xi32, #tpu.memory_space<vmem>> -> memref<128xi32, #tpu.memory_space<vmem>>
      %dma_wait3A_123 = arith.constant 0 : i32
      %dma_wait3A_124 = tpu.memref_slice %arg9[%dma_wait3A_123] : memref<10240xf32, #tpu.memory_space<vmem_shared>> -> memref<10240xf32, #tpu.memory_space<vmem_shared>>
      tpu.wait_indirect_dma semaphore(%arg13 : memref<!tpu.dma_semaphore, #tpu.memory_space<semaphore_mem>>) src(%arg8 : memref<128xf32, #tpu.memory_space<vmem>>) dst(%dma_wait3A_124 : memref<10240xf32, #tpu.memory_space<vmem_shared>>)
      %dma_start3A_125 = arith.constant 3 : i32
      %dma_start3A_126 = arith.constant 0 : i32
      %dma_start3A_127 = tpu.memref_slice %arg7[%dma_start3A_125, %dma_start3A_126] : memref<4x128xi32, #tpu.memory_space<vmem>> -> memref<1x128xi32, #tpu.memory_space<vmem>>
      %dma_start3A_128 = tpu.memref_squeeze %dma_start3A_127 : memref<1x128xi32, #tpu.memory_space<vmem>> -> memref<128xi32, #tpu.memory_space<vmem>>
      %dma_start3A_129 = arith.constant 0 : i32
      %dma_start3A_130 = tpu.memref_slice %arg9[%dma_start3A_129] : memref<10240xf32, #tpu.memory_space<vmem_shared>> -> memref<10240xf32, #tpu.memory_space<vmem_shared>>
      tpu.enqueue_indirect_dma source(%arg8 : memref<128xf32, #tpu.memory_space<vmem>>) target(%dma_start3A_130 : memref<10240xf32, #tpu.memory_space<vmem_shared>>) offsets(%dma_start3A_128 : memref<128xi32, #tpu.memory_space<vmem>>) semaphore(%arg13 : memref<!tpu.dma_semaphore, #tpu.memory_space<semaphore_mem>>) {add = true}
      %add3A_131 = arith.constant 1 : i32
      %add3A_132 = arith.addi %while3A_48, %add3A_131 : i32
      %lt3A_133 = arith.cmpi slt, %add3A_132, %select_n3A : i32
      %convert_element_type3A_134 = arith.extui %lt3A_133 : i1 to i32
      %cond3A_135 = arith.constant 0 : i32
      %cond3A_136 = arith.cmpi ne, %convert_element_type3A_134, %cond3A_135 : i32
      scf.if %cond3A_136 {
        %mul3A_137 = arith.constant 2 : i32
        %mul3A_138 = arith.muli %mul3A_137, %while3A_48 : i32
        %add3A_139 = arith.constant 2 : i32
        %add3A_140 = arith.addi %mul3A_138, %add3A_139 : i32
        %mul3A_141 = arith.constant 32 : i32
        %mul3A_142 = arith.muli %add3A_140, %mul3A_141 : i32
        %add3A_143 = arith.addi %add3A, %mul3A_142 : i32
        "tpu.region"() ({
          %run_scoped3A = tpu.sem_alloc : memref<!tpu.dma_semaphore, #tpu.memory_space<semaphore_mem>>
          %dma_start3A_144 = arith.constant 0 : i32
          %dma_start3A_145 = arith.constant 0 : i32
          %dma_start3A_146 = tpu.memref_slice %arg2[%add3A_143, %dma_start3A_144, %dma_start3A_145] : memref<625x4x128xi32, #tpu.memory_space<hbm>> -> memref<1x4x128xi32, #tpu.memory_space<hbm>>
          %dma_start3A_147 = tpu.memref_squeeze %dma_start3A_146 : memref<1x4x128xi32, #tpu.memory_space<hbm>> -> memref<4x128xi32, #tpu.memory_space<hbm>>
          %dma_start3A_148 = arith.constant 0 : i32
          %dma_start3A_149 = arith.constant 0 : i32
          %dma_start3A_150 = tpu.memref_slice %arg2[%add3A_143, %dma_start3A_148, %dma_start3A_149] : memref<625x4x128xi32, #tpu.memory_space<hbm>> -> memref<1x4x128xi32, #tpu.memory_space<hbm>>
          %dma_start3A_151 = tpu.memref_squeeze %dma_start3A_150 : memref<1x4x128xi32, #tpu.memory_space<hbm>> -> memref<4x128xi32, #tpu.memory_space<hbm>>
          tpu.enqueue_dma source(%dma_start3A_151 : memref<4x128xi32, #tpu.memory_space<hbm>>) target(%arg6 : memref<4x128xi32, #tpu.memory_space<vmem>>) target_semaphore(%run_scoped3A : memref<!tpu.dma_semaphore, #tpu.memory_space<semaphore_mem>>)
          %dma_wait3A_152 = arith.constant 0 : i32
          %dma_wait3A_153 = arith.constant 0 : i32
          %dma_wait3A_154 = tpu.memref_slice %arg2[%add3A_143, %dma_wait3A_152, %dma_wait3A_153] : memref<625x4x128xi32, #tpu.memory_space<hbm>> -> memref<1x4x128xi32, #tpu.memory_space<hbm>>
          %dma_wait3A_155 = tpu.memref_squeeze %dma_wait3A_154 : memref<1x4x128xi32, #tpu.memory_space<hbm>> -> memref<4x128xi32, #tpu.memory_space<hbm>>
          %dma_wait3A_156 = arith.constant 0 : i32
          %dma_wait3A_157 = arith.constant 0 : i32
          %dma_wait3A_158 = tpu.memref_slice %arg2[%add3A_143, %dma_wait3A_156, %dma_wait3A_157] : memref<625x4x128xi32, #tpu.memory_space<hbm>> -> memref<1x4x128xi32, #tpu.memory_space<hbm>>
          %dma_wait3A_159 = tpu.memref_squeeze %dma_wait3A_158 : memref<1x4x128xi32, #tpu.memory_space<hbm>> -> memref<4x128xi32, #tpu.memory_space<hbm>>
          tpu.wait_dma2 semaphore(%run_scoped3A : memref<!tpu.dma_semaphore, #tpu.memory_space<semaphore_mem>>) src(%dma_wait3A_159 : memref<4x128xi32, #tpu.memory_space<hbm>>) dst(%arg6 : memref<4x128xi32, #tpu.memory_space<vmem>>)
          tpu.yield
        }) : () -> ()
      } else {
      }
    }
    %dma_wait3A = arith.constant 0 : i32
    %dma_wait3A_18 = arith.constant 0 : i32
    %dma_wait3A_19 = tpu.memref_slice %arg7[%dma_wait3A, %dma_wait3A_18] : memref<4x128xi32, #tpu.memory_space<vmem>> -> memref<1x128xi32, #tpu.memory_space<vmem>>
    %dma_wait3A_20 = tpu.memref_squeeze %dma_wait3A_19 : memref<1x128xi32, #tpu.memory_space<vmem>> -> memref<128xi32, #tpu.memory_space<vmem>>
    %dma_wait3A_21 = arith.constant 0 : i32
    %dma_wait3A_22 = tpu.memref_slice %arg9[%dma_wait3A_21] : memref<10240xf32, #tpu.memory_space<vmem_shared>> -> memref<10240xf32, #tpu.memory_space<vmem_shared>>
    tpu.wait_indirect_dma semaphore(%arg10 : memref<!tpu.dma_semaphore, #tpu.memory_space<semaphore_mem>>) src(%arg8 : memref<128xf32, #tpu.memory_space<vmem>>) dst(%dma_wait3A_22 : memref<10240xf32, #tpu.memory_space<vmem_shared>>)
    %dma_wait3A_23 = arith.constant 1 : i32
    %dma_wait3A_24 = arith.constant 0 : i32
    %dma_wait3A_25 = tpu.memref_slice %arg7[%dma_wait3A_23, %dma_wait3A_24] : memref<4x128xi32, #tpu.memory_space<vmem>> -> memref<1x128xi32, #tpu.memory_space<vmem>>
    %dma_wait3A_26 = tpu.memref_squeeze %dma_wait3A_25 : memref<1x128xi32, #tpu.memory_space<vmem>> -> memref<128xi32, #tpu.memory_space<vmem>>
    %dma_wait3A_27 = arith.constant 0 : i32
    %dma_wait3A_28 = tpu.memref_slice %arg9[%dma_wait3A_27] : memref<10240xf32, #tpu.memory_space<vmem_shared>> -> memref<10240xf32, #tpu.memory_space<vmem_shared>>
    tpu.wait_indirect_dma semaphore(%arg11 : memref<!tpu.dma_semaphore, #tpu.memory_space<semaphore_mem>>) src(%arg8 : memref<128xf32, #tpu.memory_space<vmem>>) dst(%dma_wait3A_28 : memref<10240xf32, #tpu.memory_space<vmem_shared>>)
    %dma_wait3A_29 = arith.constant 2 : i32
    %dma_wait3A_30 = arith.constant 0 : i32
    %dma_wait3A_31 = tpu.memref_slice %arg7[%dma_wait3A_29, %dma_wait3A_30] : memref<4x128xi32, #tpu.memory_space<vmem>> -> memref<1x128xi32, #tpu.memory_space<vmem>>
    %dma_wait3A_32 = tpu.memref_squeeze %dma_wait3A_31 : memref<1x128xi32, #tpu.memory_space<vmem>> -> memref<128xi32, #tpu.memory_space<vmem>>
    %dma_wait3A_33 = arith.constant 0 : i32
    %dma_wait3A_34 = tpu.memref_slice %arg9[%dma_wait3A_33] : memref<10240xf32, #tpu.memory_space<vmem_shared>> -> memref<10240xf32, #tpu.memory_space<vmem_shared>>
    tpu.wait_indirect_dma semaphore(%arg12 : memref<!tpu.dma_semaphore, #tpu.memory_space<semaphore_mem>>) src(%arg8 : memref<128xf32, #tpu.memory_space<vmem>>) dst(%dma_wait3A_34 : memref<10240xf32, #tpu.memory_space<vmem_shared>>)
    %dma_wait3A_35 = arith.constant 3 : i32
    %dma_wait3A_36 = arith.constant 0 : i32
    %dma_wait3A_37 = tpu.memref_slice %arg7[%dma_wait3A_35, %dma_wait3A_36] : memref<4x128xi32, #tpu.memory_space<vmem>> -> memref<1x128xi32, #tpu.memory_space<vmem>>
    %dma_wait3A_38 = tpu.memref_squeeze %dma_wait3A_37 : memref<1x128xi32, #tpu.memory_space<vmem>> -> memref<128xi32, #tpu.memory_space<vmem>>
    %dma_wait3A_39 = arith.constant 0 : i32
    %dma_wait3A_40 = tpu.memref_slice %arg9[%dma_wait3A_39] : memref<10240xf32, #tpu.memory_space<vmem_shared>> -> memref<10240xf32, #tpu.memory_space<vmem_shared>>
    tpu.wait_indirect_dma semaphore(%arg13 : memref<!tpu.dma_semaphore, #tpu.memory_space<semaphore_mem>>) src(%arg8 : memref<128xf32, #tpu.memory_space<vmem>>) dst(%dma_wait3A_40 : memref<10240xf32, #tpu.memory_space<vmem_shared>>)
    %ge3A = arith.constant 17 : i32
    %ge3A_41 = arith.cmpi sge, %add3A, %ge3A : i32
    %convert_element_type3A = arith.extui %ge3A_41 : i1 to i32
    %cond3A = arith.constant 0 : i32
    %cond3A_42 = arith.cmpi ne, %convert_element_type3A, %cond3A : i32
    scf.if %cond3A_42 {
      %add3A_48 = arith.constant 576 : i32
      %add3A_49 = arith.addi %add3A, %add3A_48 : i32
      "tpu.region"() ({
        %run_scoped3A = tpu.sem_alloc : memref<!tpu.dma_semaphore, #tpu.memory_space<semaphore_mem>>
        %dma_start3A_97 = arith.constant 0 : i32
        %dma_start3A_98 = arith.constant 0 : i32
        %dma_start3A_99 = tpu.memref_slice %arg2[%add3A_49, %dma_start3A_97, %dma_start3A_98] : memref<625x4x128xi32, #tpu.memory_space<hbm>> -> memref<1x4x128xi32, #tpu.memory_space<hbm>>
        %dma_start3A_100 = tpu.memref_squeeze %dma_start3A_99 : memref<1x4x128xi32, #tpu.memory_space<hbm>> -> memref<4x128xi32, #tpu.memory_space<hbm>>
        %dma_start3A_101 = arith.constant 0 : i32
        %dma_start3A_102 = arith.constant 0 : i32
        %dma_start3A_103 = tpu.memref_slice %arg2[%add3A_49, %dma_start3A_101, %dma_start3A_102] : memref<625x4x128xi32, #tpu.memory_space<hbm>> -> memref<1x4x128xi32, #tpu.memory_space<hbm>>
        %dma_start3A_104 = tpu.memref_squeeze %dma_start3A_103 : memref<1x4x128xi32, #tpu.memory_space<hbm>> -> memref<4x128xi32, #tpu.memory_space<hbm>>
        tpu.enqueue_dma source(%dma_start3A_104 : memref<4x128xi32, #tpu.memory_space<hbm>>) target(%arg6 : memref<4x128xi32, #tpu.memory_space<vmem>>) target_semaphore(%run_scoped3A : memref<!tpu.dma_semaphore, #tpu.memory_space<semaphore_mem>>)
        %dma_wait3A_105 = arith.constant 0 : i32
        %dma_wait3A_106 = arith.constant 0 : i32
        %dma_wait3A_107 = tpu.memref_slice %arg2[%add3A_49, %dma_wait3A_105, %dma_wait3A_106] : memref<625x4x128xi32, #tpu.memory_space<hbm>> -> memref<1x4x128xi32, #tpu.memory_space<hbm>>
        %dma_wait3A_108 = tpu.memref_squeeze %dma_wait3A_107 : memref<1x4x128xi32, #tpu.memory_space<hbm>> -> memref<4x128xi32, #tpu.memory_space<hbm>>
        %dma_wait3A_109 = arith.constant 0 : i32
        %dma_wait3A_110 = arith.constant 0 : i32
        %dma_wait3A_111 = tpu.memref_slice %arg2[%add3A_49, %dma_wait3A_109, %dma_wait3A_110] : memref<625x4x128xi32, #tpu.memory_space<hbm>> -> memref<1x4x128xi32, #tpu.memory_space<hbm>>
        %dma_wait3A_112 = tpu.memref_squeeze %dma_wait3A_111 : memref<1x4x128xi32, #tpu.memory_space<hbm>> -> memref<4x128xi32, #tpu.memory_space<hbm>>
        tpu.wait_dma2 semaphore(%run_scoped3A : memref<!tpu.dma_semaphore, #tpu.memory_space<semaphore_mem>>) src(%dma_wait3A_112 : memref<4x128xi32, #tpu.memory_space<hbm>>) dst(%arg6 : memref<4x128xi32, #tpu.memory_space<vmem>>)
        tpu.yield
      }) : () -> ()
      %dma_start3A = arith.constant 0 : i32
      %dma_start3A_50 = arith.constant 0 : i32
      %dma_start3A_51 = tpu.memref_slice %arg6[%dma_start3A, %dma_start3A_50] : memref<4x128xi32, #tpu.memory_space<vmem>> -> memref<1x128xi32, #tpu.memory_space<vmem>>
      %dma_start3A_52 = tpu.memref_squeeze %dma_start3A_51 : memref<1x128xi32, #tpu.memory_space<vmem>> -> memref<128xi32, #tpu.memory_space<vmem>>
      %dma_start3A_53 = arith.constant 0 : i32
      %dma_start3A_54 = tpu.memref_slice %arg9[%dma_start3A_53] : memref<10240xf32, #tpu.memory_space<vmem_shared>> -> memref<10240xf32, #tpu.memory_space<vmem_shared>>
      tpu.enqueue_indirect_dma source(%arg8 : memref<128xf32, #tpu.memory_space<vmem>>) target(%dma_start3A_54 : memref<10240xf32, #tpu.memory_space<vmem_shared>>) offsets(%dma_start3A_52 : memref<128xi32, #tpu.memory_space<vmem>>) semaphore(%arg10 : memref<!tpu.dma_semaphore, #tpu.memory_space<semaphore_mem>>) {add = true}
      %dma_start3A_55 = arith.constant 1 : i32
      %dma_start3A_56 = arith.constant 0 : i32
      %dma_start3A_57 = tpu.memref_slice %arg6[%dma_start3A_55, %dma_start3A_56] : memref<4x128xi32, #tpu.memory_space<vmem>> -> memref<1x128xi32, #tpu.memory_space<vmem>>
      %dma_start3A_58 = tpu.memref_squeeze %dma_start3A_57 : memref<1x128xi32, #tpu.memory_space<vmem>> -> memref<128xi32, #tpu.memory_space<vmem>>
      %dma_start3A_59 = arith.constant 0 : i32
      %dma_start3A_60 = tpu.memref_slice %arg9[%dma_start3A_59] : memref<10240xf32, #tpu.memory_space<vmem_shared>> -> memref<10240xf32, #tpu.memory_space<vmem_shared>>
      tpu.enqueue_indirect_dma source(%arg8 : memref<128xf32, #tpu.memory_space<vmem>>) target(%dma_start3A_60 : memref<10240xf32, #tpu.memory_space<vmem_shared>>) offsets(%dma_start3A_58 : memref<128xi32, #tpu.memory_space<vmem>>) semaphore(%arg11 : memref<!tpu.dma_semaphore, #tpu.memory_space<semaphore_mem>>) {add = true}
      %dma_start3A_61 = arith.constant 2 : i32
      %dma_start3A_62 = arith.constant 0 : i32
      %dma_start3A_63 = tpu.memref_slice %arg6[%dma_start3A_61, %dma_start3A_62] : memref<4x128xi32, #tpu.memory_space<vmem>> -> memref<1x128xi32, #tpu.memory_space<vmem>>
      %dma_start3A_64 = tpu.memref_squeeze %dma_start3A_63 : memref<1x128xi32, #tpu.memory_space<vmem>> -> memref<128xi32, #tpu.memory_space<vmem>>
      %dma_start3A_65 = arith.constant 0 : i32
      %dma_start3A_66 = tpu.memref_slice %arg9[%dma_start3A_65] : memref<10240xf32, #tpu.memory_space<vmem_shared>> -> memref<10240xf32, #tpu.memory_space<vmem_shared>>
      tpu.enqueue_indirect_dma source(%arg8 : memref<128xf32, #tpu.memory_space<vmem>>) target(%dma_start3A_66 : memref<10240xf32, #tpu.memory_space<vmem_shared>>) offsets(%dma_start3A_64 : memref<128xi32, #tpu.memory_space<vmem>>) semaphore(%arg12 : memref<!tpu.dma_semaphore, #tpu.memory_space<semaphore_mem>>) {add = true}
      %dma_start3A_67 = arith.constant 3 : i32
      %dma_start3A_68 = arith.constant 0 : i32
      %dma_start3A_69 = tpu.memref_slice %arg6[%dma_start3A_67, %dma_start3A_68] : memref<4x128xi32, #tpu.memory_space<vmem>> -> memref<1x128xi32, #tpu.memory_space<vmem>>
      %dma_start3A_70 = tpu.memref_squeeze %dma_start3A_69 : memref<1x128xi32, #tpu.memory_space<vmem>> -> memref<128xi32, #tpu.memory_space<vmem>>
      %dma_start3A_71 = arith.constant 0 : i32
      %dma_start3A_72 = tpu.memref_slice %arg9[%dma_start3A_71] : memref<10240xf32, #tpu.memory_space<vmem_shared>> -> memref<10240xf32, #tpu.memory_space<vmem_shared>>
      tpu.enqueue_indirect_dma source(%arg8 : memref<128xf32, #tpu.memory_space<vmem>>) target(%dma_start3A_72 : memref<10240xf32, #tpu.memory_space<vmem_shared>>) offsets(%dma_start3A_70 : memref<128xi32, #tpu.memory_space<vmem>>) semaphore(%arg13 : memref<!tpu.dma_semaphore, #tpu.memory_space<semaphore_mem>>) {add = true}
      %dma_wait3A_73 = arith.constant 0 : i32
      %dma_wait3A_74 = arith.constant 0 : i32
      %dma_wait3A_75 = tpu.memref_slice %arg6[%dma_wait3A_73, %dma_wait3A_74] : memref<4x128xi32, #tpu.memory_space<vmem>> -> memref<1x128xi32, #tpu.memory_space<vmem>>
      %dma_wait3A_76 = tpu.memref_squeeze %dma_wait3A_75 : memref<1x128xi32, #tpu.memory_space<vmem>> -> memref<128xi32, #tpu.memory_space<vmem>>
      %dma_wait3A_77 = arith.constant 0 : i32
      %dma_wait3A_78 = tpu.memref_slice %arg9[%dma_wait3A_77] : memref<10240xf32, #tpu.memory_space<vmem_shared>> -> memref<10240xf32, #tpu.memory_space<vmem_shared>>
      tpu.wait_indirect_dma semaphore(%arg10 : memref<!tpu.dma_semaphore, #tpu.memory_space<semaphore_mem>>) src(%arg8 : memref<128xf32, #tpu.memory_space<vmem>>) dst(%dma_wait3A_78 : memref<10240xf32, #tpu.memory_space<vmem_shared>>)
      %dma_wait3A_79 = arith.constant 1 : i32
      %dma_wait3A_80 = arith.constant 0 : i32
      %dma_wait3A_81 = tpu.memref_slice %arg6[%dma_wait3A_79, %dma_wait3A_80] : memref<4x128xi32, #tpu.memory_space<vmem>> -> memref<1x128xi32, #tpu.memory_space<vmem>>
      %dma_wait3A_82 = tpu.memref_squeeze %dma_wait3A_81 : memref<1x128xi32, #tpu.memory_space<vmem>> -> memref<128xi32, #tpu.memory_space<vmem>>
      %dma_wait3A_83 = arith.constant 0 : i32
      %dma_wait3A_84 = tpu.memref_slice %arg9[%dma_wait3A_83] : memref<10240xf32, #tpu.memory_space<vmem_shared>> -> memref<10240xf32, #tpu.memory_space<vmem_shared>>
      tpu.wait_indirect_dma semaphore(%arg11 : memref<!tpu.dma_semaphore, #tpu.memory_space<semaphore_mem>>) src(%arg8 : memref<128xf32, #tpu.memory_space<vmem>>) dst(%dma_wait3A_84 : memref<10240xf32, #tpu.memory_space<vmem_shared>>)
      %dma_wait3A_85 = arith.constant 2 : i32
      %dma_wait3A_86 = arith.constant 0 : i32
      %dma_wait3A_87 = tpu.memref_slice %arg6[%dma_wait3A_85, %dma_wait3A_86] : memref<4x128xi32, #tpu.memory_space<vmem>> -> memref<1x128xi32, #tpu.memory_space<vmem>>
      %dma_wait3A_88 = tpu.memref_squeeze %dma_wait3A_87 : memref<1x128xi32, #tpu.memory_space<vmem>> -> memref<128xi32, #tpu.memory_space<vmem>>
      %dma_wait3A_89 = arith.constant 0 : i32
      %dma_wait3A_90 = tpu.memref_slice %arg9[%dma_wait3A_89] : memref<10240xf32, #tpu.memory_space<vmem_shared>> -> memref<10240xf32, #tpu.memory_space<vmem_shared>>
      tpu.wait_indirect_dma semaphore(%arg12 : memref<!tpu.dma_semaphore, #tpu.memory_space<semaphore_mem>>) src(%arg8 : memref<128xf32, #tpu.memory_space<vmem>>) dst(%dma_wait3A_90 : memref<10240xf32, #tpu.memory_space<vmem_shared>>)
      %dma_wait3A_91 = arith.constant 3 : i32
      %dma_wait3A_92 = arith.constant 0 : i32
      %dma_wait3A_93 = tpu.memref_slice %arg6[%dma_wait3A_91, %dma_wait3A_92] : memref<4x128xi32, #tpu.memory_space<vmem>> -> memref<1x128xi32, #tpu.memory_space<vmem>>
      %dma_wait3A_94 = tpu.memref_squeeze %dma_wait3A_93 : memref<1x128xi32, #tpu.memory_space<vmem>> -> memref<128xi32, #tpu.memory_space<vmem>>
      %dma_wait3A_95 = arith.constant 0 : i32
      %dma_wait3A_96 = tpu.memref_slice %arg9[%dma_wait3A_95] : memref<10240xf32, #tpu.memory_space<vmem_shared>> -> memref<10240xf32, #tpu.memory_space<vmem_shared>>
      tpu.wait_indirect_dma semaphore(%arg13 : memref<!tpu.dma_semaphore, #tpu.memory_space<semaphore_mem>>) src(%arg8 : memref<128xf32, #tpu.memory_space<vmem>>) dst(%dma_wait3A_96 : memref<10240xf32, #tpu.memory_space<vmem_shared>>)
    } else {
    }
    %barrier3A_43 = arith.constant 0 : index
    tpu.barrier barrier_id(%barrier3A_43)
    %mul3A_44 = arith.constant 640 : i32
    %mul3A_45 = arith.muli %arg1, %mul3A_44 : i32
    %mul3A_46 = arith.constant 640 : i32
    %mul3A_47 = arith.muli %arg1, %mul3A_46 : i32
    "tpu.region"() ({
      %run_scoped3A = tpu.sem_alloc : memref<!tpu.dma_semaphore, #tpu.memory_space<semaphore_mem>>
      %dma_start3A = tpu.memref_slice %arg5[%arg0, %mul3A_47] : memref<2x10240xf32, #tpu.memory_space<hbm>> -> memref<1x640xf32, #tpu.memory_space<hbm>>
      %dma_start3A_48 = tpu.memref_squeeze %dma_start3A : memref<1x640xf32, #tpu.memory_space<hbm>> -> memref<640xf32, #tpu.memory_space<hbm>>
      %dma_start3A_49 = tpu.memref_slice %arg9[%mul3A_45] : memref<10240xf32, #tpu.memory_space<vmem_shared>> -> memref<640xf32, #tpu.memory_space<vmem_shared>>
      tpu.enqueue_dma source(%dma_start3A_49 : memref<640xf32, #tpu.memory_space<vmem_shared>>) target(%dma_start3A_48 : memref<640xf32, #tpu.memory_space<hbm>>) target_semaphore(%run_scoped3A : memref<!tpu.dma_semaphore, #tpu.memory_space<semaphore_mem>>)
      %dma_wait3A_50 = tpu.memref_slice %arg5[%arg0, %mul3A_47] : memref<2x10240xf32, #tpu.memory_space<hbm>> -> memref<1x640xf32, #tpu.memory_space<hbm>>
      %dma_wait3A_51 = tpu.memref_squeeze %dma_wait3A_50 : memref<1x640xf32, #tpu.memory_space<hbm>> -> memref<640xf32, #tpu.memory_space<hbm>>
      %dma_wait3A_52 = tpu.memref_slice %arg9[%mul3A_45] : memref<10240xf32, #tpu.memory_space<vmem_shared>> -> memref<640xf32, #tpu.memory_space<vmem_shared>>
      tpu.wait_dma2 semaphore(%run_scoped3A : memref<!tpu.dma_semaphore, #tpu.memory_space<semaphore_mem>>) src(%dma_wait3A_52 : memref<640xf32, #tpu.memory_space<vmem_shared>>) dst(%dma_wait3A_51 : memref<640xf32, #tpu.memory_space<hbm>>)
      tpu.yield
    }) : () -> ()
    return
  }
}

#map = affine_map<(d0, d1) -> (0, 0)>
#map1 = affine_map<(d0, d1) -> (0, 0, 0)>
module attributes {stable_mosaic.version = 14 : i64} {
  func.func @_agg_body(%arg0: i32, %arg1: i32, %arg2: memref<10000x128xf32, #tpu.memory_space<hbm>>, %arg3: memref<1250x4x128xi32, #tpu.memory_space<hbm>>, %arg4: memref<10240x128xf32, #tpu.memory_space<hbm>>, %arg5: memref<2x10240x128xf32, #tpu.memory_space<hbm>>, %arg6: memref<4x128xi32, #tpu.memory_space<vmem>>, %arg7: memref<4x128xi32, #tpu.memory_space<vmem>>, %arg8: memref<2x128x128xf32, #tpu.memory_space<vmem>>, %arg9: memref<10240x128xf32, #tpu.memory_space<vmem_shared>>, %arg10: memref<!tpu.dma_semaphore, #tpu.memory_space<semaphore_mem>>, %arg11: memref<!tpu.dma_semaphore, #tpu.memory_space<semaphore_mem>>, %arg12: memref<!tpu.dma_semaphore, #tpu.memory_space<semaphore_mem>>, %arg13: memref<!tpu.dma_semaphore, #tpu.memory_space<semaphore_mem>>) attributes {dimension_semantics = [#tpu.dimension_semantics<core_parallel>, #tpu.dimension_semantics<subcore_parallel>], iteration_bounds = array<i64: 2, 16>, scalar_prefetch = 0 : i64, scratch_operands = 8 : i64, tpu.core_type = #tpu.core_type<sc_vector_subcore>, window_params = [{transform_indices = #map}, {transform_indices = #map1}, {transform_indices = #map}, {transform_indices = #map1}]} {
    %mul3A = arith.constant 2 : i32
    %mul3A_0 = arith.muli %arg1, %mul3A : i32
    %add3A = arith.addi %mul3A_0, %arg0 : i32
    %mul3A_1 = arith.constant 640 : i32
    %mul3A_2 = arith.muli %arg1, %mul3A_1 : i32
    %mul3A_3 = arith.constant 640 : i32
    %mul3A_4 = arith.muli %arg1, %mul3A_3 : i32
    "tpu.region"() ({
      %run_scoped3A = tpu.sem_alloc : memref<!tpu.dma_semaphore, #tpu.memory_space<semaphore_mem>>
      %dma_start3A = arith.constant 0 : i32
      %dma_start3A_48 = tpu.memref_slice %arg9[%mul3A_4, %dma_start3A] : memref<10240x128xf32, #tpu.memory_space<vmem_shared>> -> memref<640x128xf32, #tpu.memory_space<vmem_shared>>
      %dma_start3A_49 = arith.constant 0 : i32
      %dma_start3A_50 = tpu.memref_slice %arg4[%mul3A_2, %dma_start3A_49] : memref<10240x128xf32, #tpu.memory_space<hbm>> -> memref<640x128xf32, #tpu.memory_space<hbm>>
      tpu.enqueue_dma source(%dma_start3A_50 : memref<640x128xf32, #tpu.memory_space<hbm>>) target(%dma_start3A_48 : memref<640x128xf32, #tpu.memory_space<vmem_shared>>) target_semaphore(%run_scoped3A : memref<!tpu.dma_semaphore, #tpu.memory_space<semaphore_mem>>)
      %dma_wait3A_51 = arith.constant 0 : i32
      %dma_wait3A_52 = tpu.memref_slice %arg9[%mul3A_4, %dma_wait3A_51] : memref<10240x128xf32, #tpu.memory_space<vmem_shared>> -> memref<640x128xf32, #tpu.memory_space<vmem_shared>>
      %dma_wait3A_53 = arith.constant 0 : i32
      %dma_wait3A_54 = tpu.memref_slice %arg4[%mul3A_2, %dma_wait3A_53] : memref<10240x128xf32, #tpu.memory_space<hbm>> -> memref<640x128xf32, #tpu.memory_space<hbm>>
      tpu.wait_dma2 semaphore(%run_scoped3A : memref<!tpu.dma_semaphore, #tpu.memory_space<semaphore_mem>>) src(%dma_wait3A_54 : memref<640x128xf32, #tpu.memory_space<hbm>>) dst(%dma_wait3A_52 : memref<640x128xf32, #tpu.memory_space<vmem_shared>>)
      tpu.yield
    }) : () -> ()
    %barrier3A = arith.constant 0 : index
    tpu.barrier barrier_id(%barrier3A)
    %lt3A = arith.constant 2 : i32
    %lt3A_5 = arith.cmpi slt, %add3A, %lt3A : i32
    %jit3A = arith.constant 20 : i32
    %jit3A_6 = arith.constant 19 : i32
    %select_n3A = arith.select %lt3A_5, %jit3A, %jit3A_6 : i32
    %add3A_7 = arith.constant 0 : i32
    %add3A_8 = arith.addi %add3A, %add3A_7 : i32
    "tpu.region"() ({
      %run_scoped3A = tpu.sem_alloc : memref<!tpu.dma_semaphore, #tpu.memory_space<semaphore_mem>>
      %dma_start3A = arith.constant 0 : i32
      %dma_start3A_48 = arith.constant 0 : i32
      %dma_start3A_49 = tpu.memref_slice %arg3[%add3A_8, %dma_start3A, %dma_start3A_48] : memref<1250x4x128xi32, #tpu.memory_space<hbm>> -> memref<1x4x128xi32, #tpu.memory_space<hbm>>
      %dma_start3A_50 = tpu.memref_squeeze %dma_start3A_49 : memref<1x4x128xi32, #tpu.memory_space<hbm>> -> memref<4x128xi32, #tpu.memory_space<hbm>>
      %dma_start3A_51 = arith.constant 0 : i32
      %dma_start3A_52 = arith.constant 0 : i32
      %dma_start3A_53 = tpu.memref_slice %arg3[%add3A_8, %dma_start3A_51, %dma_start3A_52] : memref<1250x4x128xi32, #tpu.memory_space<hbm>> -> memref<1x4x128xi32, #tpu.memory_space<hbm>>
      %dma_start3A_54 = tpu.memref_squeeze %dma_start3A_53 : memref<1x4x128xi32, #tpu.memory_space<hbm>> -> memref<4x128xi32, #tpu.memory_space<hbm>>
      tpu.enqueue_dma source(%dma_start3A_54 : memref<4x128xi32, #tpu.memory_space<hbm>>) target(%arg6 : memref<4x128xi32, #tpu.memory_space<vmem>>) target_semaphore(%run_scoped3A : memref<!tpu.dma_semaphore, #tpu.memory_space<semaphore_mem>>)
      %dma_wait3A_55 = arith.constant 0 : i32
      %dma_wait3A_56 = arith.constant 0 : i32
      %dma_wait3A_57 = tpu.memref_slice %arg3[%add3A_8, %dma_wait3A_55, %dma_wait3A_56] : memref<1250x4x128xi32, #tpu.memory_space<hbm>> -> memref<1x4x128xi32, #tpu.memory_space<hbm>>
      %dma_wait3A_58 = tpu.memref_squeeze %dma_wait3A_57 : memref<1x4x128xi32, #tpu.memory_space<hbm>> -> memref<4x128xi32, #tpu.memory_space<hbm>>
      %dma_wait3A_59 = arith.constant 0 : i32
      %dma_wait3A_60 = arith.constant 0 : i32
      %dma_wait3A_61 = tpu.memref_slice %arg3[%add3A_8, %dma_wait3A_59, %dma_wait3A_60] : memref<1250x4x128xi32, #tpu.memory_space<hbm>> -> memref<1x4x128xi32, #tpu.memory_space<hbm>>
      %dma_wait3A_62 = tpu.memref_squeeze %dma_wait3A_61 : memref<1x4x128xi32, #tpu.memory_space<hbm>> -> memref<4x128xi32, #tpu.memory_space<hbm>>
      tpu.wait_dma2 semaphore(%run_scoped3A : memref<!tpu.dma_semaphore, #tpu.memory_space<semaphore_mem>>) src(%dma_wait3A_62 : memref<4x128xi32, #tpu.memory_space<hbm>>) dst(%arg6 : memref<4x128xi32, #tpu.memory_space<vmem>>)
      tpu.yield
    }) : () -> ()
    %while3A = arith.constant 0 : i32
    %while3A_9 = arith.constant 0 : i32
    %while3A_10 = arith.subi %select_n3A, %while3A_9 : i32
    %while3A_11 = arith.addi %while3A_9, %while3A_10 : i32
    %while3A_12 = arith.constant 1 : i32
    %while3A_13 = arith.divsi %while3A_10, %while3A_12 : i32
    %while3A_14 = arith.muli %while3A_13, %while3A_12 : i32
    %while3A_15 = arith.addi %while3A_9, %while3A_14 : i32
    %while3A_16 = arith.constant 1 : i32
    scf.for %while3A_48 = %while3A_9 to %while3A_15 step %while3A_16  : i32 {
      %gt3A = arith.constant 0 : i32
      %gt3A_49 = arith.cmpi sgt, %while3A_48, %gt3A : i32
      %convert_element_type3A_50 = arith.extui %gt3A_49 : i1 to i32
      %cond3A_51 = arith.constant 0 : i32
      %cond3A_52 = arith.cmpi ne, %convert_element_type3A_50, %cond3A_51 : i32
      scf.if %cond3A_52 {
        %dma_wait3A_233 = arith.constant 0 : i32
        %dma_wait3A_234 = arith.constant 1 : i32
        %dma_wait3A_235 = arith.constant 0 : i32
        %dma_wait3A_236 = arith.constant 0 : i32
        %dma_wait3A_237 = tpu.memref_slice %arg8[%dma_wait3A_233, %dma_wait3A_235, %dma_wait3A_236] : memref<2x128x128xf32, #tpu.memory_space<vmem>> -> memref<1x128x128xf32, #tpu.memory_space<vmem>>
        %dma_wait3A_238 = tpu.memref_squeeze %dma_wait3A_237 : memref<1x128x128xf32, #tpu.memory_space<vmem>> -> memref<128x128xf32, #tpu.memory_space<vmem>>
        %dma_wait3A_239 = arith.constant 0 : i32
        %dma_wait3A_240 = tpu.memref_slice %arg7[%dma_wait3A_234, %dma_wait3A_239] : memref<4x128xi32, #tpu.memory_space<vmem>> -> memref<1x128xi32, #tpu.memory_space<vmem>>
        %dma_wait3A_241 = tpu.memref_squeeze %dma_wait3A_240 : memref<1x128xi32, #tpu.memory_space<vmem>> -> memref<128xi32, #tpu.memory_space<vmem>>
        %dma_wait3A_242 = arith.constant 0 : i32
        %dma_wait3A_243 = arith.constant 0 : i32
        %dma_wait3A_244 = tpu.memref_slice %arg9[%dma_wait3A_242, %dma_wait3A_243] : memref<10240x128xf32, #tpu.memory_space<vmem_shared>> -> memref<10240x128xf32, #tpu.memory_space<vmem_shared>>
        tpu.wait_indirect_dma semaphore(%arg12 : memref<!tpu.dma_semaphore, #tpu.memory_space<semaphore_mem>>) src(%dma_wait3A_238 : memref<128x128xf32, #tpu.memory_space<vmem>>) dst(%dma_wait3A_244 : memref<10240x128xf32, #tpu.memory_space<vmem_shared>>)
        %dma_wait3A_245 = arith.constant 1 : i32
        %dma_wait3A_246 = arith.constant 3 : i32
        %dma_wait3A_247 = arith.constant 0 : i32
        %dma_wait3A_248 = arith.constant 0 : i32
        %dma_wait3A_249 = tpu.memref_slice %arg8[%dma_wait3A_245, %dma_wait3A_247, %dma_wait3A_248] : memref<2x128x128xf32, #tpu.memory_space<vmem>> -> memref<1x128x128xf32, #tpu.memory_space<vmem>>
        %dma_wait3A_250 = tpu.memref_squeeze %dma_wait3A_249 : memref<1x128x128xf32, #tpu.memory_space<vmem>> -> memref<128x128xf32, #tpu.memory_space<vmem>>
        %dma_wait3A_251 = arith.constant 0 : i32
        %dma_wait3A_252 = tpu.memref_slice %arg7[%dma_wait3A_246, %dma_wait3A_251] : memref<4x128xi32, #tpu.memory_space<vmem>> -> memref<1x128xi32, #tpu.memory_space<vmem>>
        %dma_wait3A_253 = tpu.memref_squeeze %dma_wait3A_252 : memref<1x128xi32, #tpu.memory_space<vmem>> -> memref<128xi32, #tpu.memory_space<vmem>>
        %dma_wait3A_254 = arith.constant 0 : i32
        %dma_wait3A_255 = arith.constant 0 : i32
        %dma_wait3A_256 = tpu.memref_slice %arg9[%dma_wait3A_254, %dma_wait3A_255] : memref<10240x128xf32, #tpu.memory_space<vmem_shared>> -> memref<10240x128xf32, #tpu.memory_space<vmem_shared>>
        tpu.wait_indirect_dma semaphore(%arg13 : memref<!tpu.dma_semaphore, #tpu.memory_space<semaphore_mem>>) src(%dma_wait3A_250 : memref<128x128xf32, #tpu.memory_space<vmem>>) dst(%dma_wait3A_256 : memref<10240x128xf32, #tpu.memory_space<vmem_shared>>)
      } else {
      }
      %dma_start3A = arith.constant 0 : i32
      %dma_start3A_53 = arith.constant 0 : i32
      %dma_start3A_54 = arith.constant 0 : i32
      %dma_start3A_55 = arith.constant 0 : i32
      %dma_start3A_56 = tpu.memref_slice %arg8[%dma_start3A_53, %dma_start3A_54, %dma_start3A_55] : memref<2x128x128xf32, #tpu.memory_space<vmem>> -> memref<1x128x128xf32, #tpu.memory_space<vmem>>
      %dma_start3A_57 = tpu.memref_squeeze %dma_start3A_56 : memref<1x128x128xf32, #tpu.memory_space<vmem>> -> memref<128x128xf32, #tpu.memory_space<vmem>>
      %dma_start3A_58 = arith.constant 0 : i32
      %dma_start3A_59 = tpu.memref_slice %arg6[%dma_start3A, %dma_start3A_58] : memref<4x128xi32, #tpu.memory_space<vmem>> -> memref<1x128xi32, #tpu.memory_space<vmem>>
      %dma_start3A_60 = tpu.memref_squeeze %dma_start3A_59 : memref<1x128xi32, #tpu.memory_space<vmem>> -> memref<128xi32, #tpu.memory_space<vmem>>
      %dma_start3A_61 = arith.constant 0 : i32
      %dma_start3A_62 = arith.constant 0 : i32
      %dma_start3A_63 = tpu.memref_slice %arg2[%dma_start3A_61, %dma_start3A_62] : memref<10000x128xf32, #tpu.memory_space<hbm>> -> memref<10000x128xf32, #tpu.memory_space<hbm>>
      tpu.enqueue_indirect_dma source(%dma_start3A_63 : memref<10000x128xf32, #tpu.memory_space<hbm>>) target(%dma_start3A_57 : memref<128x128xf32, #tpu.memory_space<vmem>>) offsets(%dma_start3A_60 : memref<128xi32, #tpu.memory_space<vmem>>) semaphore(%arg10 : memref<!tpu.dma_semaphore, #tpu.memory_space<semaphore_mem>>)
      %dma_start3A_64 = arith.constant 2 : i32
      %dma_start3A_65 = arith.constant 1 : i32
      %dma_start3A_66 = arith.constant 0 : i32
      %dma_start3A_67 = arith.constant 0 : i32
      %dma_start3A_68 = tpu.memref_slice %arg8[%dma_start3A_65, %dma_start3A_66, %dma_start3A_67] : memref<2x128x128xf32, #tpu.memory_space<vmem>> -> memref<1x128x128xf32, #tpu.memory_space<vmem>>
      %dma_start3A_69 = tpu.memref_squeeze %dma_start3A_68 : memref<1x128x128xf32, #tpu.memory_space<vmem>> -> memref<128x128xf32, #tpu.memory_space<vmem>>
      %dma_start3A_70 = arith.constant 0 : i32
      %dma_start3A_71 = tpu.memref_slice %arg6[%dma_start3A_64, %dma_start3A_70] : memref<4x128xi32, #tpu.memory_space<vmem>> -> memref<1x128xi32, #tpu.memory_space<vmem>>
      %dma_start3A_72 = tpu.memref_squeeze %dma_start3A_71 : memref<1x128xi32, #tpu.memory_space<vmem>> -> memref<128xi32, #tpu.memory_space<vmem>>
      %dma_start3A_73 = arith.constant 0 : i32
      %dma_start3A_74 = arith.constant 0 : i32
      %dma_start3A_75 = tpu.memref_slice %arg2[%dma_start3A_73, %dma_start3A_74] : memref<10000x128xf32, #tpu.memory_space<hbm>> -> memref<10000x128xf32, #tpu.memory_space<hbm>>
      tpu.enqueue_indirect_dma source(%dma_start3A_75 : memref<10000x128xf32, #tpu.memory_space<hbm>>) target(%dma_start3A_69 : memref<128x128xf32, #tpu.memory_space<vmem>>) offsets(%dma_start3A_72 : memref<128xi32, #tpu.memory_space<vmem>>) semaphore(%arg11 : memref<!tpu.dma_semaphore, #tpu.memory_space<semaphore_mem>>)
      %mul3A_76 = arith.constant 2 : i32
      %mul3A_77 = arith.muli %mul3A_76, %while3A_48 : i32
      %add3A_78 = arith.constant 1 : i32
      %add3A_79 = arith.addi %mul3A_77, %add3A_78 : i32
      %mul3A_80 = arith.constant 32 : i32
      %mul3A_81 = arith.muli %add3A_79, %mul3A_80 : i32
      %add3A_82 = arith.addi %add3A, %mul3A_81 : i32
      "tpu.region"() ({
        %run_scoped3A = tpu.sem_alloc : memref<!tpu.dma_semaphore, #tpu.memory_space<semaphore_mem>>
        %dma_start3A_233 = arith.constant 0 : i32
        %dma_start3A_234 = arith.constant 0 : i32
        %dma_start3A_235 = tpu.memref_slice %arg3[%add3A_82, %dma_start3A_233, %dma_start3A_234] : memref<1250x4x128xi32, #tpu.memory_space<hbm>> -> memref<1x4x128xi32, #tpu.memory_space<hbm>>
        %dma_start3A_236 = tpu.memref_squeeze %dma_start3A_235 : memref<1x4x128xi32, #tpu.memory_space<hbm>> -> memref<4x128xi32, #tpu.memory_space<hbm>>
        %dma_start3A_237 = arith.constant 0 : i32
        %dma_start3A_238 = arith.constant 0 : i32
        %dma_start3A_239 = tpu.memref_slice %arg3[%add3A_82, %dma_start3A_237, %dma_start3A_238] : memref<1250x4x128xi32, #tpu.memory_space<hbm>> -> memref<1x4x128xi32, #tpu.memory_space<hbm>>
        %dma_start3A_240 = tpu.memref_squeeze %dma_start3A_239 : memref<1x4x128xi32, #tpu.memory_space<hbm>> -> memref<4x128xi32, #tpu.memory_space<hbm>>
        tpu.enqueue_dma source(%dma_start3A_240 : memref<4x128xi32, #tpu.memory_space<hbm>>) target(%arg7 : memref<4x128xi32, #tpu.memory_space<vmem>>) target_semaphore(%run_scoped3A : memref<!tpu.dma_semaphore, #tpu.memory_space<semaphore_mem>>)
        %dma_wait3A_241 = arith.constant 0 : i32
        %dma_wait3A_242 = arith.constant 0 : i32
        %dma_wait3A_243 = tpu.memref_slice %arg3[%add3A_82, %dma_wait3A_241, %dma_wait3A_242] : memref<1250x4x128xi32, #tpu.memory_space<hbm>> -> memref<1x4x128xi32, #tpu.memory_space<hbm>>
        %dma_wait3A_244 = tpu.memref_squeeze %dma_wait3A_243 : memref<1x4x128xi32, #tpu.memory_space<hbm>> -> memref<4x128xi32, #tpu.memory_space<hbm>>
        %dma_wait3A_245 = arith.constant 0 : i32
        %dma_wait3A_246 = arith.constant 0 : i32
        %dma_wait3A_247 = tpu.memref_slice %arg3[%add3A_82, %dma_wait3A_245, %dma_wait3A_246] : memref<1250x4x128xi32, #tpu.memory_space<hbm>> -> memref<1x4x128xi32, #tpu.memory_space<hbm>>
        %dma_wait3A_248 = tpu.memref_squeeze %dma_wait3A_247 : memref<1x4x128xi32, #tpu.memory_space<hbm>> -> memref<4x128xi32, #tpu.memory_space<hbm>>
        tpu.wait_dma2 semaphore(%run_scoped3A : memref<!tpu.dma_semaphore, #tpu.memory_space<semaphore_mem>>) src(%dma_wait3A_248 : memref<4x128xi32, #tpu.memory_space<hbm>>) dst(%arg7 : memref<4x128xi32, #tpu.memory_space<vmem>>)
        tpu.yield
      }) : () -> ()
      %dma_wait3A_83 = arith.constant 0 : i32
      %dma_wait3A_84 = arith.constant 0 : i32
      %dma_wait3A_85 = arith.constant 0 : i32
      %dma_wait3A_86 = arith.constant 0 : i32
      %dma_wait3A_87 = tpu.memref_slice %arg8[%dma_wait3A_84, %dma_wait3A_85, %dma_wait3A_86] : memref<2x128x128xf32, #tpu.memory_space<vmem>> -> memref<1x128x128xf32, #tpu.memory_space<vmem>>
      %dma_wait3A_88 = tpu.memref_squeeze %dma_wait3A_87 : memref<1x128x128xf32, #tpu.memory_space<vmem>> -> memref<128x128xf32, #tpu.memory_space<vmem>>
      %dma_wait3A_89 = arith.constant 0 : i32
      %dma_wait3A_90 = tpu.memref_slice %arg6[%dma_wait3A_83, %dma_wait3A_89] : memref<4x128xi32, #tpu.memory_space<vmem>> -> memref<1x128xi32, #tpu.memory_space<vmem>>
      %dma_wait3A_91 = tpu.memref_squeeze %dma_wait3A_90 : memref<1x128xi32, #tpu.memory_space<vmem>> -> memref<128xi32, #tpu.memory_space<vmem>>
      %dma_wait3A_92 = arith.constant 0 : i32
      %dma_wait3A_93 = arith.constant 0 : i32
      %dma_wait3A_94 = tpu.memref_slice %arg2[%dma_wait3A_92, %dma_wait3A_93] : memref<10000x128xf32, #tpu.memory_space<hbm>> -> memref<10000x128xf32, #tpu.memory_space<hbm>>
      tpu.wait_indirect_dma semaphore(%arg10 : memref<!tpu.dma_semaphore, #tpu.memory_space<semaphore_mem>>) src(%dma_wait3A_94 : memref<10000x128xf32, #tpu.memory_space<hbm>>) dst(%dma_wait3A_88 : memref<128x128xf32, #tpu.memory_space<vmem>>)
      %dma_start3A_95 = arith.constant 0 : i32
      %dma_start3A_96 = arith.constant 1 : i32
      %dma_start3A_97 = arith.constant 0 : i32
      %dma_start3A_98 = arith.constant 0 : i32
      %dma_start3A_99 = tpu.memref_slice %arg8[%dma_start3A_95, %dma_start3A_97, %dma_start3A_98] : memref<2x128x128xf32, #tpu.memory_space<vmem>> -> memref<1x128x128xf32, #tpu.memory_space<vmem>>
      %dma_start3A_100 = tpu.memref_squeeze %dma_start3A_99 : memref<1x128x128xf32, #tpu.memory_space<vmem>> -> memref<128x128xf32, #tpu.memory_space<vmem>>
      %dma_start3A_101 = arith.constant 0 : i32
      %dma_start3A_102 = tpu.memref_slice %arg6[%dma_start3A_96, %dma_start3A_101] : memref<4x128xi32, #tpu.memory_space<vmem>> -> memref<1x128xi32, #tpu.memory_space<vmem>>
      %dma_start3A_103 = tpu.memref_squeeze %dma_start3A_102 : memref<1x128xi32, #tpu.memory_space<vmem>> -> memref<128xi32, #tpu.memory_space<vmem>>
      %dma_start3A_104 = arith.constant 0 : i32
      %dma_start3A_105 = arith.constant 0 : i32
      %dma_start3A_106 = tpu.memref_slice %arg9[%dma_start3A_104, %dma_start3A_105] : memref<10240x128xf32, #tpu.memory_space<vmem_shared>> -> memref<10240x128xf32, #tpu.memory_space<vmem_shared>>
      tpu.enqueue_indirect_dma source(%dma_start3A_100 : memref<128x128xf32, #tpu.memory_space<vmem>>) target(%dma_start3A_106 : memref<10240x128xf32, #tpu.memory_space<vmem_shared>>) offsets(%dma_start3A_103 : memref<128xi32, #tpu.memory_space<vmem>>) semaphore(%arg12 : memref<!tpu.dma_semaphore, #tpu.memory_space<semaphore_mem>>) {add = true}
      %dma_wait3A_107 = arith.constant 2 : i32
      %dma_wait3A_108 = arith.constant 1 : i32
      %dma_wait3A_109 = arith.constant 0 : i32
      %dma_wait3A_110 = arith.constant 0 : i32
      %dma_wait3A_111 = tpu.memref_slice %arg8[%dma_wait3A_108, %dma_wait3A_109, %dma_wait3A_110] : memref<2x128x128xf32, #tpu.memory_space<vmem>> -> memref<1x128x128xf32, #tpu.memory_space<vmem>>
      %dma_wait3A_112 = tpu.memref_squeeze %dma_wait3A_111 : memref<1x128x128xf32, #tpu.memory_space<vmem>> -> memref<128x128xf32, #tpu.memory_space<vmem>>
      %dma_wait3A_113 = arith.constant 0 : i32
      %dma_wait3A_114 = tpu.memref_slice %arg6[%dma_wait3A_107, %dma_wait3A_113] : memref<4x128xi32, #tpu.memory_space<vmem>> -> memref<1x128xi32, #tpu.memory_space<vmem>>
      %dma_wait3A_115 = tpu.memref_squeeze %dma_wait3A_114 : memref<1x128xi32, #tpu.memory_space<vmem>> -> memref<128xi32, #tpu.memory_space<vmem>>
      %dma_wait3A_116 = arith.constant 0 : i32
      %dma_wait3A_117 = arith.constant 0 : i32
      %dma_wait3A_118 = tpu.memref_slice %arg2[%dma_wait3A_116, %dma_wait3A_117] : memref<10000x128xf32, #tpu.memory_space<hbm>> -> memref<10000x128xf32, #tpu.memory_space<hbm>>
      tpu.wait_indirect_dma semaphore(%arg11 : memref<!tpu.dma_semaphore, #tpu.memory_space<semaphore_mem>>) src(%dma_wait3A_118 : memref<10000x128xf32, #tpu.memory_space<hbm>>) dst(%dma_wait3A_112 : memref<128x128xf32, #tpu.memory_space<vmem>>)
      %dma_start3A_119 = arith.constant 1 : i32
      %dma_start3A_120 = arith.constant 3 : i32
      %dma_start3A_121 = arith.constant 0 : i32
      %dma_start3A_122 = arith.constant 0 : i32
      %dma_start3A_123 = tpu.memref_slice %arg8[%dma_start3A_119, %dma_start3A_121, %dma_start3A_122] : memref<2x128x128xf32, #tpu.memory_space<vmem>> -> memref<1x128x128xf32, #tpu.memory_space<vmem>>
      %dma_start3A_124 = tpu.memref_squeeze %dma_start3A_123 : memref<1x128x128xf32, #tpu.memory_space<vmem>> -> memref<128x128xf32, #tpu.memory_space<vmem>>
      %dma_start3A_125 = arith.constant 0 : i32
      %dma_start3A_126 = tpu.memref_slice %arg6[%dma_start3A_120, %dma_start3A_125] : memref<4x128xi32, #tpu.memory_space<vmem>> -> memref<1x128xi32, #tpu.memory_space<vmem>>
      %dma_start3A_127 = tpu.memref_squeeze %dma_start3A_126 : memref<1x128xi32, #tpu.memory_space<vmem>> -> memref<128xi32, #tpu.memory_space<vmem>>
      %dma_start3A_128 = arith.constant 0 : i32
      %dma_start3A_129 = arith.constant 0 : i32
      %dma_start3A_130 = tpu.memref_slice %arg9[%dma_start3A_128, %dma_start3A_129] : memref<10240x128xf32, #tpu.memory_space<vmem_shared>> -> memref<10240x128xf32, #tpu.memory_space<vmem_shared>>
      tpu.enqueue_indirect_dma source(%dma_start3A_124 : memref<128x128xf32, #tpu.memory_space<vmem>>) target(%dma_start3A_130 : memref<10240x128xf32, #tpu.memory_space<vmem_shared>>) offsets(%dma_start3A_127 : memref<128xi32, #tpu.memory_space<vmem>>) semaphore(%arg13 : memref<!tpu.dma_semaphore, #tpu.memory_space<semaphore_mem>>) {add = true}
      %dma_wait3A_131 = arith.constant 0 : i32
      %dma_wait3A_132 = arith.constant 1 : i32
      %dma_wait3A_133 = arith.constant 0 : i32
      %dma_wait3A_134 = arith.constant 0 : i32
      %dma_wait3A_135 = tpu.memref_slice %arg8[%dma_wait3A_131, %dma_wait3A_133, %dma_wait3A_134] : memref<2x128x128xf32, #tpu.memory_space<vmem>> -> memref<1x128x128xf32, #tpu.memory_space<vmem>>
      %dma_wait3A_136 = tpu.memref_squeeze %dma_wait3A_135 : memref<1x128x128xf32, #tpu.memory_space<vmem>> -> memref<128x128xf32, #tpu.memory_space<vmem>>
      %dma_wait3A_137 = arith.constant 0 : i32
      %dma_wait3A_138 = tpu.memref_slice %arg6[%dma_wait3A_132, %dma_wait3A_137] : memref<4x128xi32, #tpu.memory_space<vmem>> -> memref<1x128xi32, #tpu.memory_space<vmem>>
      %dma_wait3A_139 = tpu.memref_squeeze %dma_wait3A_138 : memref<1x128xi32, #tpu.memory_space<vmem>> -> memref<128xi32, #tpu.memory_space<vmem>>
      %dma_wait3A_140 = arith.constant 0 : i32
      %dma_wait3A_141 = arith.constant 0 : i32
      %dma_wait3A_142 = tpu.memref_slice %arg9[%dma_wait3A_140, %dma_wait3A_141] : memref<10240x128xf32, #tpu.memory_space<vmem_shared>> -> memref<10240x128xf32, #tpu.memory_space<vmem_shared>>
      tpu.wait_indirect_dma semaphore(%arg12 : memref<!tpu.dma_semaphore, #tpu.memory_space<semaphore_mem>>) src(%dma_wait3A_136 : memref<128x128xf32, #tpu.memory_space<vmem>>) dst(%dma_wait3A_142 : memref<10240x128xf32, #tpu.memory_space<vmem_shared>>)
      %dma_start3A_143 = arith.constant 0 : i32
      %dma_start3A_144 = arith.constant 0 : i32
      %dma_start3A_145 = arith.constant 0 : i32
      %dma_start3A_146 = arith.constant 0 : i32
      %dma_start3A_147 = tpu.memref_slice %arg8[%dma_start3A_144, %dma_start3A_145, %dma_start3A_146] : memref<2x128x128xf32, #tpu.memory_space<vmem>> -> memref<1x128x128xf32, #tpu.memory_space<vmem>>
      %dma_start3A_148 = tpu.memref_squeeze %dma_start3A_147 : memref<1x128x128xf32, #tpu.memory_space<vmem>> -> memref<128x128xf32, #tpu.memory_space<vmem>>
      %dma_start3A_149 = arith.constant 0 : i32
      %dma_start3A_150 = tpu.memref_slice %arg7[%dma_start3A_143, %dma_start3A_149] : memref<4x128xi32, #tpu.memory_space<vmem>> -> memref<1x128xi32, #tpu.memory_space<vmem>>
      %dma_start3A_151 = tpu.memref_squeeze %dma_start3A_150 : memref<1x128xi32, #tpu.memory_space<vmem>> -> memref<128xi32, #tpu.memory_space<vmem>>
      %dma_start3A_152 = arith.constant 0 : i32
      %dma_start3A_153 = arith.constant 0 : i32
      %dma_start3A_154 = tpu.memref_slice %arg2[%dma_start3A_152, %dma_start3A_153] : memref<10000x128xf32, #tpu.memory_space<hbm>> -> memref<10000x128xf32, #tpu.memory_space<hbm>>
      tpu.enqueue_indirect_dma source(%dma_start3A_154 : memref<10000x128xf32, #tpu.memory_space<hbm>>) target(%dma_start3A_148 : memref<128x128xf32, #tpu.memory_space<vmem>>) offsets(%dma_start3A_151 : memref<128xi32, #tpu.memory_space<vmem>>) semaphore(%arg10 : memref<!tpu.dma_semaphore, #tpu.memory_space<semaphore_mem>>)
      %dma_wait3A_155 = arith.constant 1 : i32
      %dma_wait3A_156 = arith.constant 3 : i32
      %dma_wait3A_157 = arith.constant 0 : i32
      %dma_wait3A_158 = arith.constant 0 : i32
      %dma_wait3A_159 = tpu.memref_slice %arg8[%dma_wait3A_155, %dma_wait3A_157, %dma_wait3A_158] : memref<2x128x128xf32, #tpu.memory_space<vmem>> -> memref<1x128x128xf32, #tpu.memory_space<vmem>>
      %dma_wait3A_160 = tpu.memref_squeeze %dma_wait3A_159 : memref<1x128x128xf32, #tpu.memory_space<vmem>> -> memref<128x128xf32, #tpu.memory_space<vmem>>
      %dma_wait3A_161 = arith.constant 0 : i32
      %dma_wait3A_162 = tpu.memref_slice %arg6[%dma_wait3A_156, %dma_wait3A_161] : memref<4x128xi32, #tpu.memory_space<vmem>> -> memref<1x128xi32, #tpu.memory_space<vmem>>
      %dma_wait3A_163 = tpu.memref_squeeze %dma_wait3A_162 : memref<1x128xi32, #tpu.memory_space<vmem>> -> memref<128xi32, #tpu.memory_space<vmem>>
      %dma_wait3A_164 = arith.constant 0 : i32
      %dma_wait3A_165 = arith.constant 0 : i32
      %dma_wait3A_166 = tpu.memref_slice %arg9[%dma_wait3A_164, %dma_wait3A_165] : memref<10240x128xf32, #tpu.memory_space<vmem_shared>> -> memref<10240x128xf32, #tpu.memory_space<vmem_shared>>
      tpu.wait_indirect_dma semaphore(%arg13 : memref<!tpu.dma_semaphore, #tpu.memory_space<semaphore_mem>>) src(%dma_wait3A_160 : memref<128x128xf32, #tpu.memory_space<vmem>>) dst(%dma_wait3A_166 : memref<10240x128xf32, #tpu.memory_space<vmem_shared>>)
      %dma_start3A_167 = arith.constant 2 : i32
      %dma_start3A_168 = arith.constant 1 : i32
      %dma_start3A_169 = arith.constant 0 : i32
      %dma_start3A_170 = arith.constant 0 : i32
      %dma_start3A_171 = tpu.memref_slice %arg8[%dma_start3A_168, %dma_start3A_169, %dma_start3A_170] : memref<2x128x128xf32, #tpu.memory_space<vmem>> -> memref<1x128x128xf32, #tpu.memory_space<vmem>>
      %dma_start3A_172 = tpu.memref_squeeze %dma_start3A_171 : memref<1x128x128xf32, #tpu.memory_space<vmem>> -> memref<128x128xf32, #tpu.memory_space<vmem>>
      %dma_start3A_173 = arith.constant 0 : i32
      %dma_start3A_174 = tpu.memref_slice %arg7[%dma_start3A_167, %dma_start3A_173] : memref<4x128xi32, #tpu.memory_space<vmem>> -> memref<1x128xi32, #tpu.memory_space<vmem>>
      %dma_start3A_175 = tpu.memref_squeeze %dma_start3A_174 : memref<1x128xi32, #tpu.memory_space<vmem>> -> memref<128xi32, #tpu.memory_space<vmem>>
      %dma_start3A_176 = arith.constant 0 : i32
      %dma_start3A_177 = arith.constant 0 : i32
      %dma_start3A_178 = tpu.memref_slice %arg2[%dma_start3A_176, %dma_start3A_177] : memref<10000x128xf32, #tpu.memory_space<hbm>> -> memref<10000x128xf32, #tpu.memory_space<hbm>>
      tpu.enqueue_indirect_dma source(%dma_start3A_178 : memref<10000x128xf32, #tpu.memory_space<hbm>>) target(%dma_start3A_172 : memref<128x128xf32, #tpu.memory_space<vmem>>) offsets(%dma_start3A_175 : memref<128xi32, #tpu.memory_space<vmem>>) semaphore(%arg11 : memref<!tpu.dma_semaphore, #tpu.memory_space<semaphore_mem>>)
      %add3A_179 = arith.constant 1 : i32
      %add3A_180 = arith.addi %while3A_48, %add3A_179 : i32
      %lt3A_181 = arith.cmpi slt, %add3A_180, %select_n3A : i32
      %convert_element_type3A_182 = arith.extui %lt3A_181 : i1 to i32
      %cond3A_183 = arith.constant 0 : i32
      %cond3A_184 = arith.cmpi ne, %convert_element_type3A_182, %cond3A_183 : i32
      scf.if %cond3A_184 {
        %mul3A_233 = arith.constant 2 : i32
        %mul3A_234 = arith.muli %mul3A_233, %while3A_48 : i32
        %add3A_235 = arith.constant 2 : i32
        %add3A_236 = arith.addi %mul3A_234, %add3A_235 : i32
        %mul3A_237 = arith.constant 32 : i32
        %mul3A_238 = arith.muli %add3A_236, %mul3A_237 : i32
        %add3A_239 = arith.addi %add3A, %mul3A_238 : i32
        "tpu.region"() ({
          %run_scoped3A = tpu.sem_alloc : memref<!tpu.dma_semaphore, #tpu.memory_space<semaphore_mem>>
          %dma_start3A_240 = arith.constant 0 : i32
          %dma_start3A_241 = arith.constant 0 : i32
          %dma_start3A_242 = tpu.memref_slice %arg3[%add3A_239, %dma_start3A_240, %dma_start3A_241] : memref<1250x4x128xi32, #tpu.memory_space<hbm>> -> memref<1x4x128xi32, #tpu.memory_space<hbm>>
          %dma_start3A_243 = tpu.memref_squeeze %dma_start3A_242 : memref<1x4x128xi32, #tpu.memory_space<hbm>> -> memref<4x128xi32, #tpu.memory_space<hbm>>
          %dma_start3A_244 = arith.constant 0 : i32
          %dma_start3A_245 = arith.constant 0 : i32
          %dma_start3A_246 = tpu.memref_slice %arg3[%add3A_239, %dma_start3A_244, %dma_start3A_245] : memref<1250x4x128xi32, #tpu.memory_space<hbm>> -> memref<1x4x128xi32, #tpu.memory_space<hbm>>
          %dma_start3A_247 = tpu.memref_squeeze %dma_start3A_246 : memref<1x4x128xi32, #tpu.memory_space<hbm>> -> memref<4x128xi32, #tpu.memory_space<hbm>>
          tpu.enqueue_dma source(%dma_start3A_247 : memref<4x128xi32, #tpu.memory_space<hbm>>) target(%arg6 : memref<4x128xi32, #tpu.memory_space<vmem>>) target_semaphore(%run_scoped3A : memref<!tpu.dma_semaphore, #tpu.memory_space<semaphore_mem>>)
          %dma_wait3A_248 = arith.constant 0 : i32
          %dma_wait3A_249 = arith.constant 0 : i32
          %dma_wait3A_250 = tpu.memref_slice %arg3[%add3A_239, %dma_wait3A_248, %dma_wait3A_249] : memref<1250x4x128xi32, #tpu.memory_space<hbm>> -> memref<1x4x128xi32, #tpu.memory_space<hbm>>
          %dma_wait3A_251 = tpu.memref_squeeze %dma_wait3A_250 : memref<1x4x128xi32, #tpu.memory_space<hbm>> -> memref<4x128xi32, #tpu.memory_space<hbm>>
          %dma_wait3A_252 = arith.constant 0 : i32
          %dma_wait3A_253 = arith.constant 0 : i32
          %dma_wait3A_254 = tpu.memref_slice %arg3[%add3A_239, %dma_wait3A_252, %dma_wait3A_253] : memref<1250x4x128xi32, #tpu.memory_space<hbm>> -> memref<1x4x128xi32, #tpu.memory_space<hbm>>
          %dma_wait3A_255 = tpu.memref_squeeze %dma_wait3A_254 : memref<1x4x128xi32, #tpu.memory_space<hbm>> -> memref<4x128xi32, #tpu.memory_space<hbm>>
          tpu.wait_dma2 semaphore(%run_scoped3A : memref<!tpu.dma_semaphore, #tpu.memory_space<semaphore_mem>>) src(%dma_wait3A_255 : memref<4x128xi32, #tpu.memory_space<hbm>>) dst(%arg6 : memref<4x128xi32, #tpu.memory_space<vmem>>)
          tpu.yield
        }) : () -> ()
      } else {
      }
      %dma_wait3A_185 = arith.constant 0 : i32
      %dma_wait3A_186 = arith.constant 0 : i32
      %dma_wait3A_187 = arith.constant 0 : i32
      %dma_wait3A_188 = arith.constant 0 : i32
      %dma_wait3A_189 = tpu.memref_slice %arg8[%dma_wait3A_186, %dma_wait3A_187, %dma_wait3A_188] : memref<2x128x128xf32, #tpu.memory_space<vmem>> -> memref<1x128x128xf32, #tpu.memory_space<vmem>>
      %dma_wait3A_190 = tpu.memref_squeeze %dma_wait3A_189 : memref<1x128x128xf32, #tpu.memory_space<vmem>> -> memref<128x128xf32, #tpu.memory_space<vmem>>
      %dma_wait3A_191 = arith.constant 0 : i32
      %dma_wait3A_192 = tpu.memref_slice %arg7[%dma_wait3A_185, %dma_wait3A_191] : memref<4x128xi32, #tpu.memory_space<vmem>> -> memref<1x128xi32, #tpu.memory_space<vmem>>
      %dma_wait3A_193 = tpu.memref_squeeze %dma_wait3A_192 : memref<1x128xi32, #tpu.memory_space<vmem>> -> memref<128xi32, #tpu.memory_space<vmem>>
      %dma_wait3A_194 = arith.constant 0 : i32
      %dma_wait3A_195 = arith.constant 0 : i32
      %dma_wait3A_196 = tpu.memref_slice %arg2[%dma_wait3A_194, %dma_wait3A_195] : memref<10000x128xf32, #tpu.memory_space<hbm>> -> memref<10000x128xf32, #tpu.memory_space<hbm>>
      tpu.wait_indirect_dma semaphore(%arg10 : memref<!tpu.dma_semaphore, #tpu.memory_space<semaphore_mem>>) src(%dma_wait3A_196 : memref<10000x128xf32, #tpu.memory_space<hbm>>) dst(%dma_wait3A_190 : memref<128x128xf32, #tpu.memory_space<vmem>>)
      %dma_start3A_197 = arith.constant 0 : i32
      %dma_start3A_198 = arith.constant 1 : i32
      %dma_start3A_199 = arith.constant 0 : i32
      %dma_start3A_200 = arith.constant 0 : i32
      %dma_start3A_201 = tpu.memref_slice %arg8[%dma_start3A_197, %dma_start3A_199, %dma_start3A_200] : memref<2x128x128xf32, #tpu.memory_space<vmem>> -> memref<1x128x128xf32, #tpu.memory_space<vmem>>
      %dma_start3A_202 = tpu.memref_squeeze %dma_start3A_201 : memref<1x128x128xf32, #tpu.memory_space<vmem>> -> memref<128x128xf32, #tpu.memory_space<vmem>>
      %dma_start3A_203 = arith.constant 0 : i32
      %dma_start3A_204 = tpu.memref_slice %arg7[%dma_start3A_198, %dma_start3A_203] : memref<4x128xi32, #tpu.memory_space<vmem>> -> memref<1x128xi32, #tpu.memory_space<vmem>>
      %dma_start3A_205 = tpu.memref_squeeze %dma_start3A_204 : memref<1x128xi32, #tpu.memory_space<vmem>> -> memref<128xi32, #tpu.memory_space<vmem>>
      %dma_start3A_206 = arith.constant 0 : i32
      %dma_start3A_207 = arith.constant 0 : i32
      %dma_start3A_208 = tpu.memref_slice %arg9[%dma_start3A_206, %dma_start3A_207] : memref<10240x128xf32, #tpu.memory_space<vmem_shared>> -> memref<10240x128xf32, #tpu.memory_space<vmem_shared>>
      tpu.enqueue_indirect_dma source(%dma_start3A_202 : memref<128x128xf32, #tpu.memory_space<vmem>>) target(%dma_start3A_208 : memref<10240x128xf32, #tpu.memory_space<vmem_shared>>) offsets(%dma_start3A_205 : memref<128xi32, #tpu.memory_space<vmem>>) semaphore(%arg12 : memref<!tpu.dma_semaphore, #tpu.memory_space<semaphore_mem>>) {add = true}
      %dma_wait3A_209 = arith.constant 2 : i32
      %dma_wait3A_210 = arith.constant 1 : i32
      %dma_wait3A_211 = arith.constant 0 : i32
      %dma_wait3A_212 = arith.constant 0 : i32
      %dma_wait3A_213 = tpu.memref_slice %arg8[%dma_wait3A_210, %dma_wait3A_211, %dma_wait3A_212] : memref<2x128x128xf32, #tpu.memory_space<vmem>> -> memref<1x128x128xf32, #tpu.memory_space<vmem>>
      %dma_wait3A_214 = tpu.memref_squeeze %dma_wait3A_213 : memref<1x128x128xf32, #tpu.memory_space<vmem>> -> memref<128x128xf32, #tpu.memory_space<vmem>>
      %dma_wait3A_215 = arith.constant 0 : i32
      %dma_wait3A_216 = tpu.memref_slice %arg7[%dma_wait3A_209, %dma_wait3A_215] : memref<4x128xi32, #tpu.memory_space<vmem>> -> memref<1x128xi32, #tpu.memory_space<vmem>>
      %dma_wait3A_217 = tpu.memref_squeeze %dma_wait3A_216 : memref<1x128xi32, #tpu.memory_space<vmem>> -> memref<128xi32, #tpu.memory_space<vmem>>
      %dma_wait3A_218 = arith.constant 0 : i32
      %dma_wait3A_219 = arith.constant 0 : i32
      %dma_wait3A_220 = tpu.memref_slice %arg2[%dma_wait3A_218, %dma_wait3A_219] : memref<10000x128xf32, #tpu.memory_space<hbm>> -> memref<10000x128xf32, #tpu.memory_space<hbm>>
      tpu.wait_indirect_dma semaphore(%arg11 : memref<!tpu.dma_semaphore, #tpu.memory_space<semaphore_mem>>) src(%dma_wait3A_220 : memref<10000x128xf32, #tpu.memory_space<hbm>>) dst(%dma_wait3A_214 : memref<128x128xf32, #tpu.memory_space<vmem>>)
      %dma_start3A_221 = arith.constant 1 : i32
      %dma_start3A_222 = arith.constant 3 : i32
      %dma_start3A_223 = arith.constant 0 : i32
      %dma_start3A_224 = arith.constant 0 : i32
      %dma_start3A_225 = tpu.memref_slice %arg8[%dma_start3A_221, %dma_start3A_223, %dma_start3A_224] : memref<2x128x128xf32, #tpu.memory_space<vmem>> -> memref<1x128x128xf32, #tpu.memory_space<vmem>>
      %dma_start3A_226 = tpu.memref_squeeze %dma_start3A_225 : memref<1x128x128xf32, #tpu.memory_space<vmem>> -> memref<128x128xf32, #tpu.memory_space<vmem>>
      %dma_start3A_227 = arith.constant 0 : i32
      %dma_start3A_228 = tpu.memref_slice %arg7[%dma_start3A_222, %dma_start3A_227] : memref<4x128xi32, #tpu.memory_space<vmem>> -> memref<1x128xi32, #tpu.memory_space<vmem>>
      %dma_start3A_229 = tpu.memref_squeeze %dma_start3A_228 : memref<1x128xi32, #tpu.memory_space<vmem>> -> memref<128xi32, #tpu.memory_space<vmem>>
      %dma_start3A_230 = arith.constant 0 : i32
      %dma_start3A_231 = arith.constant 0 : i32
      %dma_start3A_232 = tpu.memref_slice %arg9[%dma_start3A_230, %dma_start3A_231] : memref<10240x128xf32, #tpu.memory_space<vmem_shared>> -> memref<10240x128xf32, #tpu.memory_space<vmem_shared>>
      tpu.enqueue_indirect_dma source(%dma_start3A_226 : memref<128x128xf32, #tpu.memory_space<vmem>>) target(%dma_start3A_232 : memref<10240x128xf32, #tpu.memory_space<vmem_shared>>) offsets(%dma_start3A_229 : memref<128xi32, #tpu.memory_space<vmem>>) semaphore(%arg13 : memref<!tpu.dma_semaphore, #tpu.memory_space<semaphore_mem>>) {add = true}
    }
    %while3A_17 = arith.constant 1 : i32
    scf.for %while3A_48 = %while3A_15 to %while3A_11 step %while3A_17  : i32 {
      %gt3A = arith.constant 0 : i32
      %gt3A_49 = arith.cmpi sgt, %while3A_48, %gt3A : i32
      %convert_element_type3A_50 = arith.extui %gt3A_49 : i1 to i32
      %cond3A_51 = arith.constant 0 : i32
      %cond3A_52 = arith.cmpi ne, %convert_element_type3A_50, %cond3A_51 : i32
      scf.if %cond3A_52 {
        %dma_wait3A_233 = arith.constant 0 : i32
        %dma_wait3A_234 = arith.constant 1 : i32
        %dma_wait3A_235 = arith.constant 0 : i32
        %dma_wait3A_236 = arith.constant 0 : i32
        %dma_wait3A_237 = tpu.memref_slice %arg8[%dma_wait3A_233, %dma_wait3A_235, %dma_wait3A_236] : memref<2x128x128xf32, #tpu.memory_space<vmem>> -> memref<1x128x128xf32, #tpu.memory_space<vmem>>
        %dma_wait3A_238 = tpu.memref_squeeze %dma_wait3A_237 : memref<1x128x128xf32, #tpu.memory_space<vmem>> -> memref<128x128xf32, #tpu.memory_space<vmem>>
        %dma_wait3A_239 = arith.constant 0 : i32
        %dma_wait3A_240 = tpu.memref_slice %arg7[%dma_wait3A_234, %dma_wait3A_239] : memref<4x128xi32, #tpu.memory_space<vmem>> -> memref<1x128xi32, #tpu.memory_space<vmem>>
        %dma_wait3A_241 = tpu.memref_squeeze %dma_wait3A_240 : memref<1x128xi32, #tpu.memory_space<vmem>> -> memref<128xi32, #tpu.memory_space<vmem>>
        %dma_wait3A_242 = arith.constant 0 : i32
        %dma_wait3A_243 = arith.constant 0 : i32
        %dma_wait3A_244 = tpu.memref_slice %arg9[%dma_wait3A_242, %dma_wait3A_243] : memref<10240x128xf32, #tpu.memory_space<vmem_shared>> -> memref<10240x128xf32, #tpu.memory_space<vmem_shared>>
        tpu.wait_indirect_dma semaphore(%arg12 : memref<!tpu.dma_semaphore, #tpu.memory_space<semaphore_mem>>) src(%dma_wait3A_238 : memref<128x128xf32, #tpu.memory_space<vmem>>) dst(%dma_wait3A_244 : memref<10240x128xf32, #tpu.memory_space<vmem_shared>>)
        %dma_wait3A_245 = arith.constant 1 : i32
        %dma_wait3A_246 = arith.constant 3 : i32
        %dma_wait3A_247 = arith.constant 0 : i32
        %dma_wait3A_248 = arith.constant 0 : i32
        %dma_wait3A_249 = tpu.memref_slice %arg8[%dma_wait3A_245, %dma_wait3A_247, %dma_wait3A_248] : memref<2x128x128xf32, #tpu.memory_space<vmem>> -> memref<1x128x128xf32, #tpu.memory_space<vmem>>
        %dma_wait3A_250 = tpu.memref_squeeze %dma_wait3A_249 : memref<1x128x128xf32, #tpu.memory_space<vmem>> -> memref<128x128xf32, #tpu.memory_space<vmem>>
        %dma_wait3A_251 = arith.constant 0 : i32
        %dma_wait3A_252 = tpu.memref_slice %arg7[%dma_wait3A_246, %dma_wait3A_251] : memref<4x128xi32, #tpu.memory_space<vmem>> -> memref<1x128xi32, #tpu.memory_space<vmem>>
        %dma_wait3A_253 = tpu.memref_squeeze %dma_wait3A_252 : memref<1x128xi32, #tpu.memory_space<vmem>> -> memref<128xi32, #tpu.memory_space<vmem>>
        %dma_wait3A_254 = arith.constant 0 : i32
        %dma_wait3A_255 = arith.constant 0 : i32
        %dma_wait3A_256 = tpu.memref_slice %arg9[%dma_wait3A_254, %dma_wait3A_255] : memref<10240x128xf32, #tpu.memory_space<vmem_shared>> -> memref<10240x128xf32, #tpu.memory_space<vmem_shared>>
        tpu.wait_indirect_dma semaphore(%arg13 : memref<!tpu.dma_semaphore, #tpu.memory_space<semaphore_mem>>) src(%dma_wait3A_250 : memref<128x128xf32, #tpu.memory_space<vmem>>) dst(%dma_wait3A_256 : memref<10240x128xf32, #tpu.memory_space<vmem_shared>>)
      } else {
      }
      %dma_start3A = arith.constant 0 : i32
      %dma_start3A_53 = arith.constant 0 : i32
      %dma_start3A_54 = arith.constant 0 : i32
      %dma_start3A_55 = arith.constant 0 : i32
      %dma_start3A_56 = tpu.memref_slice %arg8[%dma_start3A_53, %dma_start3A_54, %dma_start3A_55] : memref<2x128x128xf32, #tpu.memory_space<vmem>> -> memref<1x128x128xf32, #tpu.memory_space<vmem>>
      %dma_start3A_57 = tpu.memref_squeeze %dma_start3A_56 : memref<1x128x128xf32, #tpu.memory_space<vmem>> -> memref<128x128xf32, #tpu.memory_space<vmem>>
      %dma_start3A_58 = arith.constant 0 : i32
      %dma_start3A_59 = tpu.memref_slice %arg6[%dma_start3A, %dma_start3A_58] : memref<4x128xi32, #tpu.memory_space<vmem>> -> memref<1x128xi32, #tpu.memory_space<vmem>>
      %dma_start3A_60 = tpu.memref_squeeze %dma_start3A_59 : memref<1x128xi32, #tpu.memory_space<vmem>> -> memref<128xi32, #tpu.memory_space<vmem>>
      %dma_start3A_61 = arith.constant 0 : i32
      %dma_start3A_62 = arith.constant 0 : i32
      %dma_start3A_63 = tpu.memref_slice %arg2[%dma_start3A_61, %dma_start3A_62] : memref<10000x128xf32, #tpu.memory_space<hbm>> -> memref<10000x128xf32, #tpu.memory_space<hbm>>
      tpu.enqueue_indirect_dma source(%dma_start3A_63 : memref<10000x128xf32, #tpu.memory_space<hbm>>) target(%dma_start3A_57 : memref<128x128xf32, #tpu.memory_space<vmem>>) offsets(%dma_start3A_60 : memref<128xi32, #tpu.memory_space<vmem>>) semaphore(%arg10 : memref<!tpu.dma_semaphore, #tpu.memory_space<semaphore_mem>>)
      %dma_start3A_64 = arith.constant 2 : i32
      %dma_start3A_65 = arith.constant 1 : i32
      %dma_start3A_66 = arith.constant 0 : i32
      %dma_start3A_67 = arith.constant 0 : i32
      %dma_start3A_68 = tpu.memref_slice %arg8[%dma_start3A_65, %dma_start3A_66, %dma_start3A_67] : memref<2x128x128xf32, #tpu.memory_space<vmem>> -> memref<1x128x128xf32, #tpu.memory_space<vmem>>
      %dma_start3A_69 = tpu.memref_squeeze %dma_start3A_68 : memref<1x128x128xf32, #tpu.memory_space<vmem>> -> memref<128x128xf32, #tpu.memory_space<vmem>>
      %dma_start3A_70 = arith.constant 0 : i32
      %dma_start3A_71 = tpu.memref_slice %arg6[%dma_start3A_64, %dma_start3A_70] : memref<4x128xi32, #tpu.memory_space<vmem>> -> memref<1x128xi32, #tpu.memory_space<vmem>>
      %dma_start3A_72 = tpu.memref_squeeze %dma_start3A_71 : memref<1x128xi32, #tpu.memory_space<vmem>> -> memref<128xi32, #tpu.memory_space<vmem>>
      %dma_start3A_73 = arith.constant 0 : i32
      %dma_start3A_74 = arith.constant 0 : i32
      %dma_start3A_75 = tpu.memref_slice %arg2[%dma_start3A_73, %dma_start3A_74] : memref<10000x128xf32, #tpu.memory_space<hbm>> -> memref<10000x128xf32, #tpu.memory_space<hbm>>
      tpu.enqueue_indirect_dma source(%dma_start3A_75 : memref<10000x128xf32, #tpu.memory_space<hbm>>) target(%dma_start3A_69 : memref<128x128xf32, #tpu.memory_space<vmem>>) offsets(%dma_start3A_72 : memref<128xi32, #tpu.memory_space<vmem>>) semaphore(%arg11 : memref<!tpu.dma_semaphore, #tpu.memory_space<semaphore_mem>>)
      %mul3A_76 = arith.constant 2 : i32
      %mul3A_77 = arith.muli %mul3A_76, %while3A_48 : i32
      %add3A_78 = arith.constant 1 : i32
      %add3A_79 = arith.addi %mul3A_77, %add3A_78 : i32
      %mul3A_80 = arith.constant 32 : i32
      %mul3A_81 = arith.muli %add3A_79, %mul3A_80 : i32
      %add3A_82 = arith.addi %add3A, %mul3A_81 : i32
      "tpu.region"() ({
        %run_scoped3A = tpu.sem_alloc : memref<!tpu.dma_semaphore, #tpu.memory_space<semaphore_mem>>
        %dma_start3A_233 = arith.constant 0 : i32
        %dma_start3A_234 = arith.constant 0 : i32
        %dma_start3A_235 = tpu.memref_slice %arg3[%add3A_82, %dma_start3A_233, %dma_start3A_234] : memref<1250x4x128xi32, #tpu.memory_space<hbm>> -> memref<1x4x128xi32, #tpu.memory_space<hbm>>
        %dma_start3A_236 = tpu.memref_squeeze %dma_start3A_235 : memref<1x4x128xi32, #tpu.memory_space<hbm>> -> memref<4x128xi32, #tpu.memory_space<hbm>>
        %dma_start3A_237 = arith.constant 0 : i32
        %dma_start3A_238 = arith.constant 0 : i32
        %dma_start3A_239 = tpu.memref_slice %arg3[%add3A_82, %dma_start3A_237, %dma_start3A_238] : memref<1250x4x128xi32, #tpu.memory_space<hbm>> -> memref<1x4x128xi32, #tpu.memory_space<hbm>>
        %dma_start3A_240 = tpu.memref_squeeze %dma_start3A_239 : memref<1x4x128xi32, #tpu.memory_space<hbm>> -> memref<4x128xi32, #tpu.memory_space<hbm>>
        tpu.enqueue_dma source(%dma_start3A_240 : memref<4x128xi32, #tpu.memory_space<hbm>>) target(%arg7 : memref<4x128xi32, #tpu.memory_space<vmem>>) target_semaphore(%run_scoped3A : memref<!tpu.dma_semaphore, #tpu.memory_space<semaphore_mem>>)
        %dma_wait3A_241 = arith.constant 0 : i32
        %dma_wait3A_242 = arith.constant 0 : i32
        %dma_wait3A_243 = tpu.memref_slice %arg3[%add3A_82, %dma_wait3A_241, %dma_wait3A_242] : memref<1250x4x128xi32, #tpu.memory_space<hbm>> -> memref<1x4x128xi32, #tpu.memory_space<hbm>>
        %dma_wait3A_244 = tpu.memref_squeeze %dma_wait3A_243 : memref<1x4x128xi32, #tpu.memory_space<hbm>> -> memref<4x128xi32, #tpu.memory_space<hbm>>
        %dma_wait3A_245 = arith.constant 0 : i32
        %dma_wait3A_246 = arith.constant 0 : i32
        %dma_wait3A_247 = tpu.memref_slice %arg3[%add3A_82, %dma_wait3A_245, %dma_wait3A_246] : memref<1250x4x128xi32, #tpu.memory_space<hbm>> -> memref<1x4x128xi32, #tpu.memory_space<hbm>>
        %dma_wait3A_248 = tpu.memref_squeeze %dma_wait3A_247 : memref<1x4x128xi32, #tpu.memory_space<hbm>> -> memref<4x128xi32, #tpu.memory_space<hbm>>
        tpu.wait_dma2 semaphore(%run_scoped3A : memref<!tpu.dma_semaphore, #tpu.memory_space<semaphore_mem>>) src(%dma_wait3A_248 : memref<4x128xi32, #tpu.memory_space<hbm>>) dst(%arg7 : memref<4x128xi32, #tpu.memory_space<vmem>>)
        tpu.yield
      }) : () -> ()
      %dma_wait3A_83 = arith.constant 0 : i32
      %dma_wait3A_84 = arith.constant 0 : i32
      %dma_wait3A_85 = arith.constant 0 : i32
      %dma_wait3A_86 = arith.constant 0 : i32
      %dma_wait3A_87 = tpu.memref_slice %arg8[%dma_wait3A_84, %dma_wait3A_85, %dma_wait3A_86] : memref<2x128x128xf32, #tpu.memory_space<vmem>> -> memref<1x128x128xf32, #tpu.memory_space<vmem>>
      %dma_wait3A_88 = tpu.memref_squeeze %dma_wait3A_87 : memref<1x128x128xf32, #tpu.memory_space<vmem>> -> memref<128x128xf32, #tpu.memory_space<vmem>>
      %dma_wait3A_89 = arith.constant 0 : i32
      %dma_wait3A_90 = tpu.memref_slice %arg6[%dma_wait3A_83, %dma_wait3A_89] : memref<4x128xi32, #tpu.memory_space<vmem>> -> memref<1x128xi32, #tpu.memory_space<vmem>>
      %dma_wait3A_91 = tpu.memref_squeeze %dma_wait3A_90 : memref<1x128xi32, #tpu.memory_space<vmem>> -> memref<128xi32, #tpu.memory_space<vmem>>
      %dma_wait3A_92 = arith.constant 0 : i32
      %dma_wait3A_93 = arith.constant 0 : i32
      %dma_wait3A_94 = tpu.memref_slice %arg2[%dma_wait3A_92, %dma_wait3A_93] : memref<10000x128xf32, #tpu.memory_space<hbm>> -> memref<10000x128xf32, #tpu.memory_space<hbm>>
      tpu.wait_indirect_dma semaphore(%arg10 : memref<!tpu.dma_semaphore, #tpu.memory_space<semaphore_mem>>) src(%dma_wait3A_94 : memref<10000x128xf32, #tpu.memory_space<hbm>>) dst(%dma_wait3A_88 : memref<128x128xf32, #tpu.memory_space<vmem>>)
      %dma_start3A_95 = arith.constant 0 : i32
      %dma_start3A_96 = arith.constant 1 : i32
      %dma_start3A_97 = arith.constant 0 : i32
      %dma_start3A_98 = arith.constant 0 : i32
      %dma_start3A_99 = tpu.memref_slice %arg8[%dma_start3A_95, %dma_start3A_97, %dma_start3A_98] : memref<2x128x128xf32, #tpu.memory_space<vmem>> -> memref<1x128x128xf32, #tpu.memory_space<vmem>>
      %dma_start3A_100 = tpu.memref_squeeze %dma_start3A_99 : memref<1x128x128xf32, #tpu.memory_space<vmem>> -> memref<128x128xf32, #tpu.memory_space<vmem>>
      %dma_start3A_101 = arith.constant 0 : i32
      %dma_start3A_102 = tpu.memref_slice %arg6[%dma_start3A_96, %dma_start3A_101] : memref<4x128xi32, #tpu.memory_space<vmem>> -> memref<1x128xi32, #tpu.memory_space<vmem>>
      %dma_start3A_103 = tpu.memref_squeeze %dma_start3A_102 : memref<1x128xi32, #tpu.memory_space<vmem>> -> memref<128xi32, #tpu.memory_space<vmem>>
      %dma_start3A_104 = arith.constant 0 : i32
      %dma_start3A_105 = arith.constant 0 : i32
      %dma_start3A_106 = tpu.memref_slice %arg9[%dma_start3A_104, %dma_start3A_105] : memref<10240x128xf32, #tpu.memory_space<vmem_shared>> -> memref<10240x128xf32, #tpu.memory_space<vmem_shared>>
      tpu.enqueue_indirect_dma source(%dma_start3A_100 : memref<128x128xf32, #tpu.memory_space<vmem>>) target(%dma_start3A_106 : memref<10240x128xf32, #tpu.memory_space<vmem_shared>>) offsets(%dma_start3A_103 : memref<128xi32, #tpu.memory_space<vmem>>) semaphore(%arg12 : memref<!tpu.dma_semaphore, #tpu.memory_space<semaphore_mem>>) {add = true}
      %dma_wait3A_107 = arith.constant 2 : i32
      %dma_wait3A_108 = arith.constant 1 : i32
      %dma_wait3A_109 = arith.constant 0 : i32
      %dma_wait3A_110 = arith.constant 0 : i32
      %dma_wait3A_111 = tpu.memref_slice %arg8[%dma_wait3A_108, %dma_wait3A_109, %dma_wait3A_110] : memref<2x128x128xf32, #tpu.memory_space<vmem>> -> memref<1x128x128xf32, #tpu.memory_space<vmem>>
      %dma_wait3A_112 = tpu.memref_squeeze %dma_wait3A_111 : memref<1x128x128xf32, #tpu.memory_space<vmem>> -> memref<128x128xf32, #tpu.memory_space<vmem>>
      %dma_wait3A_113 = arith.constant 0 : i32
      %dma_wait3A_114 = tpu.memref_slice %arg6[%dma_wait3A_107, %dma_wait3A_113] : memref<4x128xi32, #tpu.memory_space<vmem>> -> memref<1x128xi32, #tpu.memory_space<vmem>>
      %dma_wait3A_115 = tpu.memref_squeeze %dma_wait3A_114 : memref<1x128xi32, #tpu.memory_space<vmem>> -> memref<128xi32, #tpu.memory_space<vmem>>
      %dma_wait3A_116 = arith.constant 0 : i32
      %dma_wait3A_117 = arith.constant 0 : i32
      %dma_wait3A_118 = tpu.memref_slice %arg2[%dma_wait3A_116, %dma_wait3A_117] : memref<10000x128xf32, #tpu.memory_space<hbm>> -> memref<10000x128xf32, #tpu.memory_space<hbm>>
      tpu.wait_indirect_dma semaphore(%arg11 : memref<!tpu.dma_semaphore, #tpu.memory_space<semaphore_mem>>) src(%dma_wait3A_118 : memref<10000x128xf32, #tpu.memory_space<hbm>>) dst(%dma_wait3A_112 : memref<128x128xf32, #tpu.memory_space<vmem>>)
      %dma_start3A_119 = arith.constant 1 : i32
      %dma_start3A_120 = arith.constant 3 : i32
      %dma_start3A_121 = arith.constant 0 : i32
      %dma_start3A_122 = arith.constant 0 : i32
      %dma_start3A_123 = tpu.memref_slice %arg8[%dma_start3A_119, %dma_start3A_121, %dma_start3A_122] : memref<2x128x128xf32, #tpu.memory_space<vmem>> -> memref<1x128x128xf32, #tpu.memory_space<vmem>>
      %dma_start3A_124 = tpu.memref_squeeze %dma_start3A_123 : memref<1x128x128xf32, #tpu.memory_space<vmem>> -> memref<128x128xf32, #tpu.memory_space<vmem>>
      %dma_start3A_125 = arith.constant 0 : i32
      %dma_start3A_126 = tpu.memref_slice %arg6[%dma_start3A_120, %dma_start3A_125] : memref<4x128xi32, #tpu.memory_space<vmem>> -> memref<1x128xi32, #tpu.memory_space<vmem>>
      %dma_start3A_127 = tpu.memref_squeeze %dma_start3A_126 : memref<1x128xi32, #tpu.memory_space<vmem>> -> memref<128xi32, #tpu.memory_space<vmem>>
      %dma_start3A_128 = arith.constant 0 : i32
      %dma_start3A_129 = arith.constant 0 : i32
      %dma_start3A_130 = tpu.memref_slice %arg9[%dma_start3A_128, %dma_start3A_129] : memref<10240x128xf32, #tpu.memory_space<vmem_shared>> -> memref<10240x128xf32, #tpu.memory_space<vmem_shared>>
      tpu.enqueue_indirect_dma source(%dma_start3A_124 : memref<128x128xf32, #tpu.memory_space<vmem>>) target(%dma_start3A_130 : memref<10240x128xf32, #tpu.memory_space<vmem_shared>>) offsets(%dma_start3A_127 : memref<128xi32, #tpu.memory_space<vmem>>) semaphore(%arg13 : memref<!tpu.dma_semaphore, #tpu.memory_space<semaphore_mem>>) {add = true}
      %dma_wait3A_131 = arith.constant 0 : i32
      %dma_wait3A_132 = arith.constant 1 : i32
      %dma_wait3A_133 = arith.constant 0 : i32
      %dma_wait3A_134 = arith.constant 0 : i32
      %dma_wait3A_135 = tpu.memref_slice %arg8[%dma_wait3A_131, %dma_wait3A_133, %dma_wait3A_134] : memref<2x128x128xf32, #tpu.memory_space<vmem>> -> memref<1x128x128xf32, #tpu.memory_space<vmem>>
      %dma_wait3A_136 = tpu.memref_squeeze %dma_wait3A_135 : memref<1x128x128xf32, #tpu.memory_space<vmem>> -> memref<128x128xf32, #tpu.memory_space<vmem>>
      %dma_wait3A_137 = arith.constant 0 : i32
      %dma_wait3A_138 = tpu.memref_slice %arg6[%dma_wait3A_132, %dma_wait3A_137] : memref<4x128xi32, #tpu.memory_space<vmem>> -> memref<1x128xi32, #tpu.memory_space<vmem>>
      %dma_wait3A_139 = tpu.memref_squeeze %dma_wait3A_138 : memref<1x128xi32, #tpu.memory_space<vmem>> -> memref<128xi32, #tpu.memory_space<vmem>>
      %dma_wait3A_140 = arith.constant 0 : i32
      %dma_wait3A_141 = arith.constant 0 : i32
      %dma_wait3A_142 = tpu.memref_slice %arg9[%dma_wait3A_140, %dma_wait3A_141] : memref<10240x128xf32, #tpu.memory_space<vmem_shared>> -> memref<10240x128xf32, #tpu.memory_space<vmem_shared>>
      tpu.wait_indirect_dma semaphore(%arg12 : memref<!tpu.dma_semaphore, #tpu.memory_space<semaphore_mem>>) src(%dma_wait3A_136 : memref<128x128xf32, #tpu.memory_space<vmem>>) dst(%dma_wait3A_142 : memref<10240x128xf32, #tpu.memory_space<vmem_shared>>)
      %dma_start3A_143 = arith.constant 0 : i32
      %dma_start3A_144 = arith.constant 0 : i32
      %dma_start3A_145 = arith.constant 0 : i32
      %dma_start3A_146 = arith.constant 0 : i32
      %dma_start3A_147 = tpu.memref_slice %arg8[%dma_start3A_144, %dma_start3A_145, %dma_start3A_146] : memref<2x128x128xf32, #tpu.memory_space<vmem>> -> memref<1x128x128xf32, #tpu.memory_space<vmem>>
      %dma_start3A_148 = tpu.memref_squeeze %dma_start3A_147 : memref<1x128x128xf32, #tpu.memory_space<vmem>> -> memref<128x128xf32, #tpu.memory_space<vmem>>
      %dma_start3A_149 = arith.constant 0 : i32
      %dma_start3A_150 = tpu.memref_slice %arg7[%dma_start3A_143, %dma_start3A_149] : memref<4x128xi32, #tpu.memory_space<vmem>> -> memref<1x128xi32, #tpu.memory_space<vmem>>
      %dma_start3A_151 = tpu.memref_squeeze %dma_start3A_150 : memref<1x128xi32, #tpu.memory_space<vmem>> -> memref<128xi32, #tpu.memory_space<vmem>>
      %dma_start3A_152 = arith.constant 0 : i32
      %dma_start3A_153 = arith.constant 0 : i32
      %dma_start3A_154 = tpu.memref_slice %arg2[%dma_start3A_152, %dma_start3A_153] : memref<10000x128xf32, #tpu.memory_space<hbm>> -> memref<10000x128xf32, #tpu.memory_space<hbm>>
      tpu.enqueue_indirect_dma source(%dma_start3A_154 : memref<10000x128xf32, #tpu.memory_space<hbm>>) target(%dma_start3A_148 : memref<128x128xf32, #tpu.memory_space<vmem>>) offsets(%dma_start3A_151 : memref<128xi32, #tpu.memory_space<vmem>>) semaphore(%arg10 : memref<!tpu.dma_semaphore, #tpu.memory_space<semaphore_mem>>)
      %dma_wait3A_155 = arith.constant 1 : i32
      %dma_wait3A_156 = arith.constant 3 : i32
      %dma_wait3A_157 = arith.constant 0 : i32
      %dma_wait3A_158 = arith.constant 0 : i32
      %dma_wait3A_159 = tpu.memref_slice %arg8[%dma_wait3A_155, %dma_wait3A_157, %dma_wait3A_158] : memref<2x128x128xf32, #tpu.memory_space<vmem>> -> memref<1x128x128xf32, #tpu.memory_space<vmem>>
      %dma_wait3A_160 = tpu.memref_squeeze %dma_wait3A_159 : memref<1x128x128xf32, #tpu.memory_space<vmem>> -> memref<128x128xf32, #tpu.memory_space<vmem>>
      %dma_wait3A_161 = arith.constant 0 : i32
      %dma_wait3A_162 = tpu.memref_slice %arg6[%dma_wait3A_156, %dma_wait3A_161] : memref<4x128xi32, #tpu.memory_space<vmem>> -> memref<1x128xi32, #tpu.memory_space<vmem>>
      %dma_wait3A_163 = tpu.memref_squeeze %dma_wait3A_162 : memref<1x128xi32, #tpu.memory_space<vmem>> -> memref<128xi32, #tpu.memory_space<vmem>>
      %dma_wait3A_164 = arith.constant 0 : i32
      %dma_wait3A_165 = arith.constant 0 : i32
      %dma_wait3A_166 = tpu.memref_slice %arg9[%dma_wait3A_164, %dma_wait3A_165] : memref<10240x128xf32, #tpu.memory_space<vmem_shared>> -> memref<10240x128xf32, #tpu.memory_space<vmem_shared>>
      tpu.wait_indirect_dma semaphore(%arg13 : memref<!tpu.dma_semaphore, #tpu.memory_space<semaphore_mem>>) src(%dma_wait3A_160 : memref<128x128xf32, #tpu.memory_space<vmem>>) dst(%dma_wait3A_166 : memref<10240x128xf32, #tpu.memory_space<vmem_shared>>)
      %dma_start3A_167 = arith.constant 2 : i32
      %dma_start3A_168 = arith.constant 1 : i32
      %dma_start3A_169 = arith.constant 0 : i32
      %dma_start3A_170 = arith.constant 0 : i32
      %dma_start3A_171 = tpu.memref_slice %arg8[%dma_start3A_168, %dma_start3A_169, %dma_start3A_170] : memref<2x128x128xf32, #tpu.memory_space<vmem>> -> memref<1x128x128xf32, #tpu.memory_space<vmem>>
      %dma_start3A_172 = tpu.memref_squeeze %dma_start3A_171 : memref<1x128x128xf32, #tpu.memory_space<vmem>> -> memref<128x128xf32, #tpu.memory_space<vmem>>
      %dma_start3A_173 = arith.constant 0 : i32
      %dma_start3A_174 = tpu.memref_slice %arg7[%dma_start3A_167, %dma_start3A_173] : memref<4x128xi32, #tpu.memory_space<vmem>> -> memref<1x128xi32, #tpu.memory_space<vmem>>
      %dma_start3A_175 = tpu.memref_squeeze %dma_start3A_174 : memref<1x128xi32, #tpu.memory_space<vmem>> -> memref<128xi32, #tpu.memory_space<vmem>>
      %dma_start3A_176 = arith.constant 0 : i32
      %dma_start3A_177 = arith.constant 0 : i32
      %dma_start3A_178 = tpu.memref_slice %arg2[%dma_start3A_176, %dma_start3A_177] : memref<10000x128xf32, #tpu.memory_space<hbm>> -> memref<10000x128xf32, #tpu.memory_space<hbm>>
      tpu.enqueue_indirect_dma source(%dma_start3A_178 : memref<10000x128xf32, #tpu.memory_space<hbm>>) target(%dma_start3A_172 : memref<128x128xf32, #tpu.memory_space<vmem>>) offsets(%dma_start3A_175 : memref<128xi32, #tpu.memory_space<vmem>>) semaphore(%arg11 : memref<!tpu.dma_semaphore, #tpu.memory_space<semaphore_mem>>)
      %add3A_179 = arith.constant 1 : i32
      %add3A_180 = arith.addi %while3A_48, %add3A_179 : i32
      %lt3A_181 = arith.cmpi slt, %add3A_180, %select_n3A : i32
      %convert_element_type3A_182 = arith.extui %lt3A_181 : i1 to i32
      %cond3A_183 = arith.constant 0 : i32
      %cond3A_184 = arith.cmpi ne, %convert_element_type3A_182, %cond3A_183 : i32
      scf.if %cond3A_184 {
        %mul3A_233 = arith.constant 2 : i32
        %mul3A_234 = arith.muli %mul3A_233, %while3A_48 : i32
        %add3A_235 = arith.constant 2 : i32
        %add3A_236 = arith.addi %mul3A_234, %add3A_235 : i32
        %mul3A_237 = arith.constant 32 : i32
        %mul3A_238 = arith.muli %add3A_236, %mul3A_237 : i32
        %add3A_239 = arith.addi %add3A, %mul3A_238 : i32
        "tpu.region"() ({
          %run_scoped3A = tpu.sem_alloc : memref<!tpu.dma_semaphore, #tpu.memory_space<semaphore_mem>>
          %dma_start3A_240 = arith.constant 0 : i32
          %dma_start3A_241 = arith.constant 0 : i32
          %dma_start3A_242 = tpu.memref_slice %arg3[%add3A_239, %dma_start3A_240, %dma_start3A_241] : memref<1250x4x128xi32, #tpu.memory_space<hbm>> -> memref<1x4x128xi32, #tpu.memory_space<hbm>>
          %dma_start3A_243 = tpu.memref_squeeze %dma_start3A_242 : memref<1x4x128xi32, #tpu.memory_space<hbm>> -> memref<4x128xi32, #tpu.memory_space<hbm>>
          %dma_start3A_244 = arith.constant 0 : i32
          %dma_start3A_245 = arith.constant 0 : i32
          %dma_start3A_246 = tpu.memref_slice %arg3[%add3A_239, %dma_start3A_244, %dma_start3A_245] : memref<1250x4x128xi32, #tpu.memory_space<hbm>> -> memref<1x4x128xi32, #tpu.memory_space<hbm>>
          %dma_start3A_247 = tpu.memref_squeeze %dma_start3A_246 : memref<1x4x128xi32, #tpu.memory_space<hbm>> -> memref<4x128xi32, #tpu.memory_space<hbm>>
          tpu.enqueue_dma source(%dma_start3A_247 : memref<4x128xi32, #tpu.memory_space<hbm>>) target(%arg6 : memref<4x128xi32, #tpu.memory_space<vmem>>) target_semaphore(%run_scoped3A : memref<!tpu.dma_semaphore, #tpu.memory_space<semaphore_mem>>)
          %dma_wait3A_248 = arith.constant 0 : i32
          %dma_wait3A_249 = arith.constant 0 : i32
          %dma_wait3A_250 = tpu.memref_slice %arg3[%add3A_239, %dma_wait3A_248, %dma_wait3A_249] : memref<1250x4x128xi32, #tpu.memory_space<hbm>> -> memref<1x4x128xi32, #tpu.memory_space<hbm>>
          %dma_wait3A_251 = tpu.memref_squeeze %dma_wait3A_250 : memref<1x4x128xi32, #tpu.memory_space<hbm>> -> memref<4x128xi32, #tpu.memory_space<hbm>>
          %dma_wait3A_252 = arith.constant 0 : i32
          %dma_wait3A_253 = arith.constant 0 : i32
          %dma_wait3A_254 = tpu.memref_slice %arg3[%add3A_239, %dma_wait3A_252, %dma_wait3A_253] : memref<1250x4x128xi32, #tpu.memory_space<hbm>> -> memref<1x4x128xi32, #tpu.memory_space<hbm>>
          %dma_wait3A_255 = tpu.memref_squeeze %dma_wait3A_254 : memref<1x4x128xi32, #tpu.memory_space<hbm>> -> memref<4x128xi32, #tpu.memory_space<hbm>>
          tpu.wait_dma2 semaphore(%run_scoped3A : memref<!tpu.dma_semaphore, #tpu.memory_space<semaphore_mem>>) src(%dma_wait3A_255 : memref<4x128xi32, #tpu.memory_space<hbm>>) dst(%arg6 : memref<4x128xi32, #tpu.memory_space<vmem>>)
          tpu.yield
        }) : () -> ()
      } else {
      }
      %dma_wait3A_185 = arith.constant 0 : i32
      %dma_wait3A_186 = arith.constant 0 : i32
      %dma_wait3A_187 = arith.constant 0 : i32
      %dma_wait3A_188 = arith.constant 0 : i32
      %dma_wait3A_189 = tpu.memref_slice %arg8[%dma_wait3A_186, %dma_wait3A_187, %dma_wait3A_188] : memref<2x128x128xf32, #tpu.memory_space<vmem>> -> memref<1x128x128xf32, #tpu.memory_space<vmem>>
      %dma_wait3A_190 = tpu.memref_squeeze %dma_wait3A_189 : memref<1x128x128xf32, #tpu.memory_space<vmem>> -> memref<128x128xf32, #tpu.memory_space<vmem>>
      %dma_wait3A_191 = arith.constant 0 : i32
      %dma_wait3A_192 = tpu.memref_slice %arg7[%dma_wait3A_185, %dma_wait3A_191] : memref<4x128xi32, #tpu.memory_space<vmem>> -> memref<1x128xi32, #tpu.memory_space<vmem>>
      %dma_wait3A_193 = tpu.memref_squeeze %dma_wait3A_192 : memref<1x128xi32, #tpu.memory_space<vmem>> -> memref<128xi32, #tpu.memory_space<vmem>>
      %dma_wait3A_194 = arith.constant 0 : i32
      %dma_wait3A_195 = arith.constant 0 : i32
      %dma_wait3A_196 = tpu.memref_slice %arg2[%dma_wait3A_194, %dma_wait3A_195] : memref<10000x128xf32, #tpu.memory_space<hbm>> -> memref<10000x128xf32, #tpu.memory_space<hbm>>
      tpu.wait_indirect_dma semaphore(%arg10 : memref<!tpu.dma_semaphore, #tpu.memory_space<semaphore_mem>>) src(%dma_wait3A_196 : memref<10000x128xf32, #tpu.memory_space<hbm>>) dst(%dma_wait3A_190 : memref<128x128xf32, #tpu.memory_space<vmem>>)
      %dma_start3A_197 = arith.constant 0 : i32
      %dma_start3A_198 = arith.constant 1 : i32
      %dma_start3A_199 = arith.constant 0 : i32
      %dma_start3A_200 = arith.constant 0 : i32
      %dma_start3A_201 = tpu.memref_slice %arg8[%dma_start3A_197, %dma_start3A_199, %dma_start3A_200] : memref<2x128x128xf32, #tpu.memory_space<vmem>> -> memref<1x128x128xf32, #tpu.memory_space<vmem>>
      %dma_start3A_202 = tpu.memref_squeeze %dma_start3A_201 : memref<1x128x128xf32, #tpu.memory_space<vmem>> -> memref<128x128xf32, #tpu.memory_space<vmem>>
      %dma_start3A_203 = arith.constant 0 : i32
      %dma_start3A_204 = tpu.memref_slice %arg7[%dma_start3A_198, %dma_start3A_203] : memref<4x128xi32, #tpu.memory_space<vmem>> -> memref<1x128xi32, #tpu.memory_space<vmem>>
      %dma_start3A_205 = tpu.memref_squeeze %dma_start3A_204 : memref<1x128xi32, #tpu.memory_space<vmem>> -> memref<128xi32, #tpu.memory_space<vmem>>
      %dma_start3A_206 = arith.constant 0 : i32
      %dma_start3A_207 = arith.constant 0 : i32
      %dma_start3A_208 = tpu.memref_slice %arg9[%dma_start3A_206, %dma_start3A_207] : memref<10240x128xf32, #tpu.memory_space<vmem_shared>> -> memref<10240x128xf32, #tpu.memory_space<vmem_shared>>
      tpu.enqueue_indirect_dma source(%dma_start3A_202 : memref<128x128xf32, #tpu.memory_space<vmem>>) target(%dma_start3A_208 : memref<10240x128xf32, #tpu.memory_space<vmem_shared>>) offsets(%dma_start3A_205 : memref<128xi32, #tpu.memory_space<vmem>>) semaphore(%arg12 : memref<!tpu.dma_semaphore, #tpu.memory_space<semaphore_mem>>) {add = true}
      %dma_wait3A_209 = arith.constant 2 : i32
      %dma_wait3A_210 = arith.constant 1 : i32
      %dma_wait3A_211 = arith.constant 0 : i32
      %dma_wait3A_212 = arith.constant 0 : i32
      %dma_wait3A_213 = tpu.memref_slice %arg8[%dma_wait3A_210, %dma_wait3A_211, %dma_wait3A_212] : memref<2x128x128xf32, #tpu.memory_space<vmem>> -> memref<1x128x128xf32, #tpu.memory_space<vmem>>
      %dma_wait3A_214 = tpu.memref_squeeze %dma_wait3A_213 : memref<1x128x128xf32, #tpu.memory_space<vmem>> -> memref<128x128xf32, #tpu.memory_space<vmem>>
      %dma_wait3A_215 = arith.constant 0 : i32
      %dma_wait3A_216 = tpu.memref_slice %arg7[%dma_wait3A_209, %dma_wait3A_215] : memref<4x128xi32, #tpu.memory_space<vmem>> -> memref<1x128xi32, #tpu.memory_space<vmem>>
      %dma_wait3A_217 = tpu.memref_squeeze %dma_wait3A_216 : memref<1x128xi32, #tpu.memory_space<vmem>> -> memref<128xi32, #tpu.memory_space<vmem>>
      %dma_wait3A_218 = arith.constant 0 : i32
      %dma_wait3A_219 = arith.constant 0 : i32
      %dma_wait3A_220 = tpu.memref_slice %arg2[%dma_wait3A_218, %dma_wait3A_219] : memref<10000x128xf32, #tpu.memory_space<hbm>> -> memref<10000x128xf32, #tpu.memory_space<hbm>>
      tpu.wait_indirect_dma semaphore(%arg11 : memref<!tpu.dma_semaphore, #tpu.memory_space<semaphore_mem>>) src(%dma_wait3A_220 : memref<10000x128xf32, #tpu.memory_space<hbm>>) dst(%dma_wait3A_214 : memref<128x128xf32, #tpu.memory_space<vmem>>)
      %dma_start3A_221 = arith.constant 1 : i32
      %dma_start3A_222 = arith.constant 3 : i32
      %dma_start3A_223 = arith.constant 0 : i32
      %dma_start3A_224 = arith.constant 0 : i32
      %dma_start3A_225 = tpu.memref_slice %arg8[%dma_start3A_221, %dma_start3A_223, %dma_start3A_224] : memref<2x128x128xf32, #tpu.memory_space<vmem>> -> memref<1x128x128xf32, #tpu.memory_space<vmem>>
      %dma_start3A_226 = tpu.memref_squeeze %dma_start3A_225 : memref<1x128x128xf32, #tpu.memory_space<vmem>> -> memref<128x128xf32, #tpu.memory_space<vmem>>
      %dma_start3A_227 = arith.constant 0 : i32
      %dma_start3A_228 = tpu.memref_slice %arg7[%dma_start3A_222, %dma_start3A_227] : memref<4x128xi32, #tpu.memory_space<vmem>> -> memref<1x128xi32, #tpu.memory_space<vmem>>
      %dma_start3A_229 = tpu.memref_squeeze %dma_start3A_228 : memref<1x128xi32, #tpu.memory_space<vmem>> -> memref<128xi32, #tpu.memory_space<vmem>>
      %dma_start3A_230 = arith.constant 0 : i32
      %dma_start3A_231 = arith.constant 0 : i32
      %dma_start3A_232 = tpu.memref_slice %arg9[%dma_start3A_230, %dma_start3A_231] : memref<10240x128xf32, #tpu.memory_space<vmem_shared>> -> memref<10240x128xf32, #tpu.memory_space<vmem_shared>>
      tpu.enqueue_indirect_dma source(%dma_start3A_226 : memref<128x128xf32, #tpu.memory_space<vmem>>) target(%dma_start3A_232 : memref<10240x128xf32, #tpu.memory_space<vmem_shared>>) offsets(%dma_start3A_229 : memref<128xi32, #tpu.memory_space<vmem>>) semaphore(%arg13 : memref<!tpu.dma_semaphore, #tpu.memory_space<semaphore_mem>>) {add = true}
    }
    %dma_wait3A = arith.constant 0 : i32
    %dma_wait3A_18 = arith.constant 1 : i32
    %dma_wait3A_19 = arith.constant 0 : i32
    %dma_wait3A_20 = arith.constant 0 : i32
    %dma_wait3A_21 = tpu.memref_slice %arg8[%dma_wait3A, %dma_wait3A_19, %dma_wait3A_20] : memref<2x128x128xf32, #tpu.memory_space<vmem>> -> memref<1x128x128xf32, #tpu.memory_space<vmem>>
    %dma_wait3A_22 = tpu.memref_squeeze %dma_wait3A_21 : memref<1x128x128xf32, #tpu.memory_space<vmem>> -> memref<128x128xf32, #tpu.memory_space<vmem>>
    %dma_wait3A_23 = arith.constant 0 : i32
    %dma_wait3A_24 = tpu.memref_slice %arg7[%dma_wait3A_18, %dma_wait3A_23] : memref<4x128xi32, #tpu.memory_space<vmem>> -> memref<1x128xi32, #tpu.memory_space<vmem>>
    %dma_wait3A_25 = tpu.memref_squeeze %dma_wait3A_24 : memref<1x128xi32, #tpu.memory_space<vmem>> -> memref<128xi32, #tpu.memory_space<vmem>>
    %dma_wait3A_26 = arith.constant 0 : i32
    %dma_wait3A_27 = arith.constant 0 : i32
    %dma_wait3A_28 = tpu.memref_slice %arg9[%dma_wait3A_26, %dma_wait3A_27] : memref<10240x128xf32, #tpu.memory_space<vmem_shared>> -> memref<10240x128xf32, #tpu.memory_space<vmem_shared>>
    tpu.wait_indirect_dma semaphore(%arg12 : memref<!tpu.dma_semaphore, #tpu.memory_space<semaphore_mem>>) src(%dma_wait3A_22 : memref<128x128xf32, #tpu.memory_space<vmem>>) dst(%dma_wait3A_28 : memref<10240x128xf32, #tpu.memory_space<vmem_shared>>)
    %dma_wait3A_29 = arith.constant 1 : i32
    %dma_wait3A_30 = arith.constant 3 : i32
    %dma_wait3A_31 = arith.constant 0 : i32
    %dma_wait3A_32 = arith.constant 0 : i32
    %dma_wait3A_33 = tpu.memref_slice %arg8[%dma_wait3A_29, %dma_wait3A_31, %dma_wait3A_32] : memref<2x128x128xf32, #tpu.memory_space<vmem>> -> memref<1x128x128xf32, #tpu.memory_space<vmem>>
    %dma_wait3A_34 = tpu.memref_squeeze %dma_wait3A_33 : memref<1x128x128xf32, #tpu.memory_space<vmem>> -> memref<128x128xf32, #tpu.memory_space<vmem>>
    %dma_wait3A_35 = arith.constant 0 : i32
    %dma_wait3A_36 = tpu.memref_slice %arg7[%dma_wait3A_30, %dma_wait3A_35] : memref<4x128xi32, #tpu.memory_space<vmem>> -> memref<1x128xi32, #tpu.memory_space<vmem>>
    %dma_wait3A_37 = tpu.memref_squeeze %dma_wait3A_36 : memref<1x128xi32, #tpu.memory_space<vmem>> -> memref<128xi32, #tpu.memory_space<vmem>>
    %dma_wait3A_38 = arith.constant 0 : i32
    %dma_wait3A_39 = arith.constant 0 : i32
    %dma_wait3A_40 = tpu.memref_slice %arg9[%dma_wait3A_38, %dma_wait3A_39] : memref<10240x128xf32, #tpu.memory_space<vmem_shared>> -> memref<10240x128xf32, #tpu.memory_space<vmem_shared>>
    tpu.wait_indirect_dma semaphore(%arg13 : memref<!tpu.dma_semaphore, #tpu.memory_space<semaphore_mem>>) src(%dma_wait3A_34 : memref<128x128xf32, #tpu.memory_space<vmem>>) dst(%dma_wait3A_40 : memref<10240x128xf32, #tpu.memory_space<vmem_shared>>)
    %ge3A = arith.constant 2 : i32
    %ge3A_41 = arith.cmpi sge, %add3A, %ge3A : i32
    %convert_element_type3A = arith.extui %ge3A_41 : i1 to i32
    %cond3A = arith.constant 0 : i32
    %cond3A_42 = arith.cmpi ne, %convert_element_type3A, %cond3A : i32
    scf.if %cond3A_42 {
      %add3A_48 = arith.constant 1216 : i32
      %add3A_49 = arith.addi %add3A, %add3A_48 : i32
      "tpu.region"() ({
        %run_scoped3A = tpu.sem_alloc : memref<!tpu.dma_semaphore, #tpu.memory_space<semaphore_mem>>
        %dma_start3A_145 = arith.constant 0 : i32
        %dma_start3A_146 = arith.constant 0 : i32
        %dma_start3A_147 = tpu.memref_slice %arg3[%add3A_49, %dma_start3A_145, %dma_start3A_146] : memref<1250x4x128xi32, #tpu.memory_space<hbm>> -> memref<1x4x128xi32, #tpu.memory_space<hbm>>
        %dma_start3A_148 = tpu.memref_squeeze %dma_start3A_147 : memref<1x4x128xi32, #tpu.memory_space<hbm>> -> memref<4x128xi32, #tpu.memory_space<hbm>>
        %dma_start3A_149 = arith.constant 0 : i32
        %dma_start3A_150 = arith.constant 0 : i32
        %dma_start3A_151 = tpu.memref_slice %arg3[%add3A_49, %dma_start3A_149, %dma_start3A_150] : memref<1250x4x128xi32, #tpu.memory_space<hbm>> -> memref<1x4x128xi32, #tpu.memory_space<hbm>>
        %dma_start3A_152 = tpu.memref_squeeze %dma_start3A_151 : memref<1x4x128xi32, #tpu.memory_space<hbm>> -> memref<4x128xi32, #tpu.memory_space<hbm>>
        tpu.enqueue_dma source(%dma_start3A_152 : memref<4x128xi32, #tpu.memory_space<hbm>>) target(%arg6 : memref<4x128xi32, #tpu.memory_space<vmem>>) target_semaphore(%run_scoped3A : memref<!tpu.dma_semaphore, #tpu.memory_space<semaphore_mem>>)
        %dma_wait3A_153 = arith.constant 0 : i32
        %dma_wait3A_154 = arith.constant 0 : i32
        %dma_wait3A_155 = tpu.memref_slice %arg3[%add3A_49, %dma_wait3A_153, %dma_wait3A_154] : memref<1250x4x128xi32, #tpu.memory_space<hbm>> -> memref<1x4x128xi32, #tpu.memory_space<hbm>>
        %dma_wait3A_156 = tpu.memref_squeeze %dma_wait3A_155 : memref<1x4x128xi32, #tpu.memory_space<hbm>> -> memref<4x128xi32, #tpu.memory_space<hbm>>
        %dma_wait3A_157 = arith.constant 0 : i32
        %dma_wait3A_158 = arith.constant 0 : i32
        %dma_wait3A_159 = tpu.memref_slice %arg3[%add3A_49, %dma_wait3A_157, %dma_wait3A_158] : memref<1250x4x128xi32, #tpu.memory_space<hbm>> -> memref<1x4x128xi32, #tpu.memory_space<hbm>>
        %dma_wait3A_160 = tpu.memref_squeeze %dma_wait3A_159 : memref<1x4x128xi32, #tpu.memory_space<hbm>> -> memref<4x128xi32, #tpu.memory_space<hbm>>
        tpu.wait_dma2 semaphore(%run_scoped3A : memref<!tpu.dma_semaphore, #tpu.memory_space<semaphore_mem>>) src(%dma_wait3A_160 : memref<4x128xi32, #tpu.memory_space<hbm>>) dst(%arg6 : memref<4x128xi32, #tpu.memory_space<vmem>>)
        tpu.yield
      }) : () -> ()
      %dma_start3A = arith.constant 0 : i32
      %dma_start3A_50 = arith.constant 0 : i32
      %dma_start3A_51 = arith.constant 0 : i32
      %dma_start3A_52 = arith.constant 0 : i32
      %dma_start3A_53 = tpu.memref_slice %arg8[%dma_start3A_50, %dma_start3A_51, %dma_start3A_52] : memref<2x128x128xf32, #tpu.memory_space<vmem>> -> memref<1x128x128xf32, #tpu.memory_space<vmem>>
      %dma_start3A_54 = tpu.memref_squeeze %dma_start3A_53 : memref<1x128x128xf32, #tpu.memory_space<vmem>> -> memref<128x128xf32, #tpu.memory_space<vmem>>
      %dma_start3A_55 = arith.constant 0 : i32
      %dma_start3A_56 = tpu.memref_slice %arg6[%dma_start3A, %dma_start3A_55] : memref<4x128xi32, #tpu.memory_space<vmem>> -> memref<1x128xi32, #tpu.memory_space<vmem>>
      %dma_start3A_57 = tpu.memref_squeeze %dma_start3A_56 : memref<1x128xi32, #tpu.memory_space<vmem>> -> memref<128xi32, #tpu.memory_space<vmem>>
      %dma_start3A_58 = arith.constant 0 : i32
      %dma_start3A_59 = arith.constant 0 : i32
      %dma_start3A_60 = tpu.memref_slice %arg2[%dma_start3A_58, %dma_start3A_59] : memref<10000x128xf32, #tpu.memory_space<hbm>> -> memref<10000x128xf32, #tpu.memory_space<hbm>>
      tpu.enqueue_indirect_dma source(%dma_start3A_60 : memref<10000x128xf32, #tpu.memory_space<hbm>>) target(%dma_start3A_54 : memref<128x128xf32, #tpu.memory_space<vmem>>) offsets(%dma_start3A_57 : memref<128xi32, #tpu.memory_space<vmem>>) semaphore(%arg10 : memref<!tpu.dma_semaphore, #tpu.memory_space<semaphore_mem>>)
      %dma_start3A_61 = arith.constant 2 : i32
      %dma_start3A_62 = arith.constant 1 : i32
      %dma_start3A_63 = arith.constant 0 : i32
      %dma_start3A_64 = arith.constant 0 : i32
      %dma_start3A_65 = tpu.memref_slice %arg8[%dma_start3A_62, %dma_start3A_63, %dma_start3A_64] : memref<2x128x128xf32, #tpu.memory_space<vmem>> -> memref<1x128x128xf32, #tpu.memory_space<vmem>>
      %dma_start3A_66 = tpu.memref_squeeze %dma_start3A_65 : memref<1x128x128xf32, #tpu.memory_space<vmem>> -> memref<128x128xf32, #tpu.memory_space<vmem>>
      %dma_start3A_67 = arith.constant 0 : i32
      %dma_start3A_68 = tpu.memref_slice %arg6[%dma_start3A_61, %dma_start3A_67] : memref<4x128xi32, #tpu.memory_space<vmem>> -> memref<1x128xi32, #tpu.memory_space<vmem>>
      %dma_start3A_69 = tpu.memref_squeeze %dma_start3A_68 : memref<1x128xi32, #tpu.memory_space<vmem>> -> memref<128xi32, #tpu.memory_space<vmem>>
      %dma_start3A_70 = arith.constant 0 : i32
      %dma_start3A_71 = arith.constant 0 : i32
      %dma_start3A_72 = tpu.memref_slice %arg2[%dma_start3A_70, %dma_start3A_71] : memref<10000x128xf32, #tpu.memory_space<hbm>> -> memref<10000x128xf32, #tpu.memory_space<hbm>>
      tpu.enqueue_indirect_dma source(%dma_start3A_72 : memref<10000x128xf32, #tpu.memory_space<hbm>>) target(%dma_start3A_66 : memref<128x128xf32, #tpu.memory_space<vmem>>) offsets(%dma_start3A_69 : memref<128xi32, #tpu.memory_space<vmem>>) semaphore(%arg11 : memref<!tpu.dma_semaphore, #tpu.memory_space<semaphore_mem>>)
      %dma_wait3A_73 = arith.constant 0 : i32
      %dma_wait3A_74 = arith.constant 0 : i32
      %dma_wait3A_75 = arith.constant 0 : i32
      %dma_wait3A_76 = arith.constant 0 : i32
      %dma_wait3A_77 = tpu.memref_slice %arg8[%dma_wait3A_74, %dma_wait3A_75, %dma_wait3A_76] : memref<2x128x128xf32, #tpu.memory_space<vmem>> -> memref<1x128x128xf32, #tpu.memory_space<vmem>>
      %dma_wait3A_78 = tpu.memref_squeeze %dma_wait3A_77 : memref<1x128x128xf32, #tpu.memory_space<vmem>> -> memref<128x128xf32, #tpu.memory_space<vmem>>
      %dma_wait3A_79 = arith.constant 0 : i32
      %dma_wait3A_80 = tpu.memref_slice %arg6[%dma_wait3A_73, %dma_wait3A_79] : memref<4x128xi32, #tpu.memory_space<vmem>> -> memref<1x128xi32, #tpu.memory_space<vmem>>
      %dma_wait3A_81 = tpu.memref_squeeze %dma_wait3A_80 : memref<1x128xi32, #tpu.memory_space<vmem>> -> memref<128xi32, #tpu.memory_space<vmem>>
      %dma_wait3A_82 = arith.constant 0 : i32
      %dma_wait3A_83 = arith.constant 0 : i32
      %dma_wait3A_84 = tpu.memref_slice %arg2[%dma_wait3A_82, %dma_wait3A_83] : memref<10000x128xf32, #tpu.memory_space<hbm>> -> memref<10000x128xf32, #tpu.memory_space<hbm>>
      tpu.wait_indirect_dma semaphore(%arg10 : memref<!tpu.dma_semaphore, #tpu.memory_space<semaphore_mem>>) src(%dma_wait3A_84 : memref<10000x128xf32, #tpu.memory_space<hbm>>) dst(%dma_wait3A_78 : memref<128x128xf32, #tpu.memory_space<vmem>>)
      %dma_start3A_85 = arith.constant 0 : i32
      %dma_start3A_86 = arith.constant 1 : i32
      %dma_start3A_87 = arith.constant 0 : i32
      %dma_start3A_88 = arith.constant 0 : i32
      %dma_start3A_89 = tpu.memref_slice %arg8[%dma_start3A_85, %dma_start3A_87, %dma_start3A_88] : memref<2x128x128xf32, #tpu.memory_space<vmem>> -> memref<1x128x128xf32, #tpu.memory_space<vmem>>
      %dma_start3A_90 = tpu.memref_squeeze %dma_start3A_89 : memref<1x128x128xf32, #tpu.memory_space<vmem>> -> memref<128x128xf32, #tpu.memory_space<vmem>>
      %dma_start3A_91 = arith.constant 0 : i32
      %dma_start3A_92 = tpu.memref_slice %arg6[%dma_start3A_86, %dma_start3A_91] : memref<4x128xi32, #tpu.memory_space<vmem>> -> memref<1x128xi32, #tpu.memory_space<vmem>>
      %dma_start3A_93 = tpu.memref_squeeze %dma_start3A_92 : memref<1x128xi32, #tpu.memory_space<vmem>> -> memref<128xi32, #tpu.memory_space<vmem>>
      %dma_start3A_94 = arith.constant 0 : i32
      %dma_start3A_95 = arith.constant 0 : i32
      %dma_start3A_96 = tpu.memref_slice %arg9[%dma_start3A_94, %dma_start3A_95] : memref<10240x128xf32, #tpu.memory_space<vmem_shared>> -> memref<10240x128xf32, #tpu.memory_space<vmem_shared>>
      tpu.enqueue_indirect_dma source(%dma_start3A_90 : memref<128x128xf32, #tpu.memory_space<vmem>>) target(%dma_start3A_96 : memref<10240x128xf32, #tpu.memory_space<vmem_shared>>) offsets(%dma_start3A_93 : memref<128xi32, #tpu.memory_space<vmem>>) semaphore(%arg12 : memref<!tpu.dma_semaphore, #tpu.memory_space<semaphore_mem>>) {add = true}
      %dma_wait3A_97 = arith.constant 2 : i32
      %dma_wait3A_98 = arith.constant 1 : i32
      %dma_wait3A_99 = arith.constant 0 : i32
      %dma_wait3A_100 = arith.constant 0 : i32
      %dma_wait3A_101 = tpu.memref_slice %arg8[%dma_wait3A_98, %dma_wait3A_99, %dma_wait3A_100] : memref<2x128x128xf32, #tpu.memory_space<vmem>> -> memref<1x128x128xf32, #tpu.memory_space<vmem>>
      %dma_wait3A_102 = tpu.memref_squeeze %dma_wait3A_101 : memref<1x128x128xf32, #tpu.memory_space<vmem>> -> memref<128x128xf32, #tpu.memory_space<vmem>>
      %dma_wait3A_103 = arith.constant 0 : i32
      %dma_wait3A_104 = tpu.memref_slice %arg6[%dma_wait3A_97, %dma_wait3A_103] : memref<4x128xi32, #tpu.memory_space<vmem>> -> memref<1x128xi32, #tpu.memory_space<vmem>>
      %dma_wait3A_105 = tpu.memref_squeeze %dma_wait3A_104 : memref<1x128xi32, #tpu.memory_space<vmem>> -> memref<128xi32, #tpu.memory_space<vmem>>
      %dma_wait3A_106 = arith.constant 0 : i32
      %dma_wait3A_107 = arith.constant 0 : i32
      %dma_wait3A_108 = tpu.memref_slice %arg2[%dma_wait3A_106, %dma_wait3A_107] : memref<10000x128xf32, #tpu.memory_space<hbm>> -> memref<10000x128xf32, #tpu.memory_space<hbm>>
      tpu.wait_indirect_dma semaphore(%arg11 : memref<!tpu.dma_semaphore, #tpu.memory_space<semaphore_mem>>) src(%dma_wait3A_108 : memref<10000x128xf32, #tpu.memory_space<hbm>>) dst(%dma_wait3A_102 : memref<128x128xf32, #tpu.memory_space<vmem>>)
      %dma_start3A_109 = arith.constant 1 : i32
      %dma_start3A_110 = arith.constant 3 : i32
      %dma_start3A_111 = arith.constant 0 : i32
      %dma_start3A_112 = arith.constant 0 : i32
      %dma_start3A_113 = tpu.memref_slice %arg8[%dma_start3A_109, %dma_start3A_111, %dma_start3A_112] : memref<2x128x128xf32, #tpu.memory_space<vmem>> -> memref<1x128x128xf32, #tpu.memory_space<vmem>>
      %dma_start3A_114 = tpu.memref_squeeze %dma_start3A_113 : memref<1x128x128xf32, #tpu.memory_space<vmem>> -> memref<128x128xf32, #tpu.memory_space<vmem>>
      %dma_start3A_115 = arith.constant 0 : i32
      %dma_start3A_116 = tpu.memref_slice %arg6[%dma_start3A_110, %dma_start3A_115] : memref<4x128xi32, #tpu.memory_space<vmem>> -> memref<1x128xi32, #tpu.memory_space<vmem>>
      %dma_start3A_117 = tpu.memref_squeeze %dma_start3A_116 : memref<1x128xi32, #tpu.memory_space<vmem>> -> memref<128xi32, #tpu.memory_space<vmem>>
      %dma_start3A_118 = arith.constant 0 : i32
      %dma_start3A_119 = arith.constant 0 : i32
      %dma_start3A_120 = tpu.memref_slice %arg9[%dma_start3A_118, %dma_start3A_119] : memref<10240x128xf32, #tpu.memory_space<vmem_shared>> -> memref<10240x128xf32, #tpu.memory_space<vmem_shared>>
      tpu.enqueue_indirect_dma source(%dma_start3A_114 : memref<128x128xf32, #tpu.memory_space<vmem>>) target(%dma_start3A_120 : memref<10240x128xf32, #tpu.memory_space<vmem_shared>>) offsets(%dma_start3A_117 : memref<128xi32, #tpu.memory_space<vmem>>) semaphore(%arg13 : memref<!tpu.dma_semaphore, #tpu.memory_space<semaphore_mem>>) {add = true}
      %dma_wait3A_121 = arith.constant 0 : i32
      %dma_wait3A_122 = arith.constant 1 : i32
      %dma_wait3A_123 = arith.constant 0 : i32
      %dma_wait3A_124 = arith.constant 0 : i32
      %dma_wait3A_125 = tpu.memref_slice %arg8[%dma_wait3A_121, %dma_wait3A_123, %dma_wait3A_124] : memref<2x128x128xf32, #tpu.memory_space<vmem>> -> memref<1x128x128xf32, #tpu.memory_space<vmem>>
      %dma_wait3A_126 = tpu.memref_squeeze %dma_wait3A_125 : memref<1x128x128xf32, #tpu.memory_space<vmem>> -> memref<128x128xf32, #tpu.memory_space<vmem>>
      %dma_wait3A_127 = arith.constant 0 : i32
      %dma_wait3A_128 = tpu.memref_slice %arg6[%dma_wait3A_122, %dma_wait3A_127] : memref<4x128xi32, #tpu.memory_space<vmem>> -> memref<1x128xi32, #tpu.memory_space<vmem>>
      %dma_wait3A_129 = tpu.memref_squeeze %dma_wait3A_128 : memref<1x128xi32, #tpu.memory_space<vmem>> -> memref<128xi32, #tpu.memory_space<vmem>>
      %dma_wait3A_130 = arith.constant 0 : i32
      %dma_wait3A_131 = arith.constant 0 : i32
      %dma_wait3A_132 = tpu.memref_slice %arg9[%dma_wait3A_130, %dma_wait3A_131] : memref<10240x128xf32, #tpu.memory_space<vmem_shared>> -> memref<10240x128xf32, #tpu.memory_space<vmem_shared>>
      tpu.wait_indirect_dma semaphore(%arg12 : memref<!tpu.dma_semaphore, #tpu.memory_space<semaphore_mem>>) src(%dma_wait3A_126 : memref<128x128xf32, #tpu.memory_space<vmem>>) dst(%dma_wait3A_132 : memref<10240x128xf32, #tpu.memory_space<vmem_shared>>)
      %dma_wait3A_133 = arith.constant 1 : i32
      %dma_wait3A_134 = arith.constant 3 : i32
      %dma_wait3A_135 = arith.constant 0 : i32
      %dma_wait3A_136 = arith.constant 0 : i32
      %dma_wait3A_137 = tpu.memref_slice %arg8[%dma_wait3A_133, %dma_wait3A_135, %dma_wait3A_136] : memref<2x128x128xf32, #tpu.memory_space<vmem>> -> memref<1x128x128xf32, #tpu.memory_space<vmem>>
      %dma_wait3A_138 = tpu.memref_squeeze %dma_wait3A_137 : memref<1x128x128xf32, #tpu.memory_space<vmem>> -> memref<128x128xf32, #tpu.memory_space<vmem>>
      %dma_wait3A_139 = arith.constant 0 : i32
      %dma_wait3A_140 = tpu.memref_slice %arg6[%dma_wait3A_134, %dma_wait3A_139] : memref<4x128xi32, #tpu.memory_space<vmem>> -> memref<1x128xi32, #tpu.memory_space<vmem>>
      %dma_wait3A_141 = tpu.memref_squeeze %dma_wait3A_140 : memref<1x128xi32, #tpu.memory_space<vmem>> -> memref<128xi32, #tpu.memory_space<vmem>>
      %dma_wait3A_142 = arith.constant 0 : i32
      %dma_wait3A_143 = arith.constant 0 : i32
      %dma_wait3A_144 = tpu.memref_slice %arg9[%dma_wait3A_142, %dma_wait3A_143] : memref<10240x128xf32, #tpu.memory_space<vmem_shared>> -> memref<10240x128xf32, #tpu.memory_space<vmem_shared>>
      tpu.wait_indirect_dma semaphore(%arg13 : memref<!tpu.dma_semaphore, #tpu.memory_space<semaphore_mem>>) src(%dma_wait3A_138 : memref<128x128xf32, #tpu.memory_space<vmem>>) dst(%dma_wait3A_144 : memref<10240x128xf32, #tpu.memory_space<vmem_shared>>)
    } else {
    }
    %barrier3A_43 = arith.constant 0 : index
    tpu.barrier barrier_id(%barrier3A_43)
    %mul3A_44 = arith.constant 640 : i32
    %mul3A_45 = arith.muli %arg1, %mul3A_44 : i32
    %mul3A_46 = arith.constant 640 : i32
    %mul3A_47 = arith.muli %arg1, %mul3A_46 : i32
    "tpu.region"() ({
      %run_scoped3A = tpu.sem_alloc : memref<!tpu.dma_semaphore, #tpu.memory_space<semaphore_mem>>
      %dma_start3A = arith.constant 0 : i32
      %dma_start3A_48 = tpu.memref_slice %arg5[%arg0, %mul3A_47, %dma_start3A] : memref<2x10240x128xf32, #tpu.memory_space<hbm>> -> memref<1x640x128xf32, #tpu.memory_space<hbm>>
      %dma_start3A_49 = tpu.memref_squeeze %dma_start3A_48 : memref<1x640x128xf32, #tpu.memory_space<hbm>> -> memref<640x128xf32, #tpu.memory_space<hbm>>
      %dma_start3A_50 = arith.constant 0 : i32
      %dma_start3A_51 = tpu.memref_slice %arg9[%mul3A_45, %dma_start3A_50] : memref<10240x128xf32, #tpu.memory_space<vmem_shared>> -> memref<640x128xf32, #tpu.memory_space<vmem_shared>>
      tpu.enqueue_dma source(%dma_start3A_51 : memref<640x128xf32, #tpu.memory_space<vmem_shared>>) target(%dma_start3A_49 : memref<640x128xf32, #tpu.memory_space<hbm>>) target_semaphore(%run_scoped3A : memref<!tpu.dma_semaphore, #tpu.memory_space<semaphore_mem>>)
      %dma_wait3A_52 = arith.constant 0 : i32
      %dma_wait3A_53 = tpu.memref_slice %arg5[%arg0, %mul3A_47, %dma_wait3A_52] : memref<2x10240x128xf32, #tpu.memory_space<hbm>> -> memref<1x640x128xf32, #tpu.memory_space<hbm>>
      %dma_wait3A_54 = tpu.memref_squeeze %dma_wait3A_53 : memref<1x640x128xf32, #tpu.memory_space<hbm>> -> memref<640x128xf32, #tpu.memory_space<hbm>>
      %dma_wait3A_55 = arith.constant 0 : i32
      %dma_wait3A_56 = tpu.memref_slice %arg9[%mul3A_45, %dma_wait3A_55] : memref<10240x128xf32, #tpu.memory_space<vmem_shared>> -> memref<640x128xf32, #tpu.memory_space<vmem_shared>>
      tpu.wait_dma2 semaphore(%run_scoped3A : memref<!tpu.dma_semaphore, #tpu.memory_space<semaphore_mem>>) src(%dma_wait3A_56 : memref<640x128xf32, #tpu.memory_space<vmem_shared>>) dst(%dma_wait3A_54 : memref<640x128xf32, #tpu.memory_space<hbm>>)
      tpu.yield
    }) : () -> ()
    return
  }
}

module attributes {stable_mosaic.version = 14 : i64} {
  func.func @_mm_body(%arg0: i32, %arg1: memref<1000x128xf32, #tpu.memory_space<vmem>>, %arg2: memref<128x128xf32, #tpu.memory_space<vmem>>, %arg3: memref<1000x128xf32, #tpu.memory_space<vmem>>) attributes {dimension_semantics = [#tpu.dimension_semantics<arbitrary>], iteration_bounds = array<i64: 10>, scalar_prefetch = 0 : i64, scratch_operands = 0 : i64, tpu.core_type = #tpu.core_type<tc>, window_params = [{transform_indices = @transform_0, window_bounds = array<i64: 1000, 128>}, {pipeline_mode = #tpu.pipeline_mode<synchronous>, transform_indices = @transform_1, window_bounds = array<i64: 128, 128>}, {transform_indices = @transform_2, window_bounds = array<i64: 1000, 128>}]} {
    %get3A = arith.constant 0 : index
    %get3A_0 = arith.constant 0 : index
    %get3A_1 = vector.load %arg1[%get3A, %get3A_0] : memref<1000x128xf32, #tpu.memory_space<vmem>>, vector<1000x128xf32>
    %get3A_2 = arith.constant 0 : index
    %get3A_3 = arith.constant 0 : index
    %get3A_4 = vector.load %arg2[%get3A_2, %get3A_3] : memref<128x128xf32, #tpu.memory_space<vmem>>, vector<128x128xf32>
    %dot_general3A = arith.constant dense<0.000000e+00> : vector<1000x128xf32>
    %dot_general3A_5 = tpu.matmul %get3A_1, %get3A_4, %dot_general3A {dimension_numbers = #tpu.dot_dimension_numbers<[1], [0], [0], [1], [0, 0, 1, 1], [], []>, precision = #tpu.contract_precision<fp32>, transpose_lhs_hint = false} : vector<1000x128xf32>, vector<128x128xf32>, vector<1000x128xf32> -> vector<1000x128xf32>
    %swap3A = arith.constant 0 : index
    %swap3A_6 = arith.constant 0 : index
    %swap3A_7 = vector.load %arg3[%swap3A, %swap3A_6] : memref<1000x128xf32, #tpu.memory_space<vmem>>, vector<1000x128xf32>
    tpu.vector_store %arg3[%swap3A, %swap3A_6], %dot_general3A_5 {strides = array<i32>} : memref<1000x128xf32, #tpu.memory_space<vmem>>, vector<1000x128xf32>,
    return
  }
  func.func @transform_0(%arg0: i32) -> (i32, i32) {
    %c0_i32 = arith.constant 0 : i32
    %c0_i32_0 = arith.constant 0 : i32
    return %arg0, %c0_i32 : i32, i32
  }
  func.func @transform_1(%arg0: i32) -> (i32, i32) {
    %c0_i32 = arith.constant 0 : i32
    %c0_i32_0 = arith.constant 0 : i32
    %c0_i32_1 = arith.constant 0 : i32
    return %c0_i32, %c0_i32_0 : i32, i32
  }
  func.func @transform_2(%arg0: i32) -> (i32, i32) {
    %c0_i32 = arith.constant 0 : i32
    %c0_i32_0 = arith.constant 0 : i32
    return %arg0, %c0_i32 : i32, i32
  }
}

module attributes {stable_mosaic.version = 14 : i64} {
  func.func @_scale_body(%arg0: i32, %arg1: memref<1000x128xf32, #tpu.memory_space<vmem>>, %arg2: memref<1x1000x1xf32, #tpu.memory_space<vmem>>, %arg3: memref<1x1000x1xf32, #tpu.memory_space<vmem>>, %arg4: memref<1000x128xf32, #tpu.memory_space<vmem>>, %arg5: memref<1000x128xf32, #tpu.memory_space<vmem>>, %arg6: memref<1000x1xf32, #tpu.memory_space<vmem>>) attributes {dimension_semantics = [#tpu.dimension_semantics<arbitrary>], iteration_bounds = array<i64: 10>, scalar_prefetch = 0 : i64, scratch_operands = 0 : i64, tpu.core_type = #tpu.core_type<tc>, window_params = [{transform_indices = @transform_0, window_bounds = array<i64: 1000, 128>}, {transform_indices = @transform_1, window_bounds = array<i64: 1, 1000, 1>}, {transform_indices = @transform_2, window_bounds = array<i64: 1, 1000, 1>}, {transform_indices = @transform_3, window_bounds = array<i64: 1000, 128>}, {transform_indices = @transform_4, window_bounds = array<i64: 1000, 128>}, {transform_indices = @transform_5, window_bounds = array<i64: 1000, 1>}]} {
    %get3A = arith.constant 0 : index
    %get3A_0 = arith.constant 0 : index
    %get3A_1 = arith.constant 0 : index
    %get3A_2 = vector.load %arg2[%get3A, %get3A_0, %get3A_1] : memref<1x1000x1xf32, #tpu.memory_space<vmem>>, vector<1x1000x1xf32>
    %get3A_3 = vector.shape_cast %get3A_2 : vector<1x1000x1xf32> to vector<1000x1xf32>
    %get3A_4 = arith.constant 0 : index
    %get3A_5 = arith.constant 0 : index
    %get3A_6 = arith.constant 0 : index
    %get3A_7 = vector.load %arg3[%get3A_4, %get3A_5, %get3A_6] : memref<1x1000x1xf32, #tpu.memory_space<vmem>>, vector<1x1000x1xf32>
    %get3A_8 = vector.shape_cast %get3A_7 : vector<1x1000x1xf32> to vector<1000x1xf32>
    %add3A = arith.addf %get3A_3, %get3A_8 : vector<1000x1xf32>
    %add3A_9 = arith.constant 1.000000e+00 : f32
    %add3A_10 = vector.broadcast %add3A_9 : f32 to vector<1000x1xf32>
    %add3A_11 = arith.addf %add3A, %add3A_10 : vector<1000x1xf32>
    %rsqrt3A = math.rsqrt %add3A_11 : vector<1000x1xf32>
    %get3A_12 = arith.constant 0 : index
    %get3A_13 = arith.constant 0 : index
    %get3A_14 = vector.load %arg1[%get3A_12, %get3A_13] : memref<1000x128xf32, #tpu.memory_space<vmem>>, vector<1000x128xf32>
    %mul3A = vector.broadcast %rsqrt3A : vector<1000x1xf32> to vector<1000x128xf32>
    %mul3A_15 = arith.mulf %get3A_14, %mul3A : vector<1000x128xf32>
    %swap3A = arith.constant 0 : index
    %swap3A_16 = arith.constant 0 : index
    %swap3A_17 = vector.load %arg4[%swap3A, %swap3A_16] : memref<1000x128xf32, #tpu.memory_space<vmem>>, vector<1000x128xf32>
    tpu.vector_store %arg4[%swap3A, %swap3A_16], %mul3A_15 {strides = array<i32>} : memref<1000x128xf32, #tpu.memory_space<vmem>>, vector<1000x128xf32>,
    %mul3A_18 = vector.broadcast %rsqrt3A : vector<1000x1xf32> to vector<1000x128xf32>
    %mul3A_19 = arith.mulf %get3A_14, %mul3A_18 : vector<1000x128xf32>
    %mul3A_20 = vector.broadcast %rsqrt3A : vector<1000x1xf32> to vector<1000x128xf32>
    %mul3A_21 = arith.mulf %mul3A_19, %mul3A_20 : vector<1000x128xf32>
    %swap3A_22 = arith.constant 0 : index
    %swap3A_23 = arith.constant 0 : index
    %swap3A_24 = vector.load %arg5[%swap3A_22, %swap3A_23] : memref<1000x128xf32, #tpu.memory_space<vmem>>, vector<1000x128xf32>
    tpu.vector_store %arg5[%swap3A_22, %swap3A_23], %mul3A_21 {strides = array<i32>} : memref<1000x128xf32, #tpu.memory_space<vmem>>, vector<1000x128xf32>,
    %swap3A_25 = arith.constant 0 : index
    %swap3A_26 = arith.constant 0 : index
    %swap3A_27 = vector.load %arg6[%swap3A_25, %swap3A_26] : memref<1000x1xf32, #tpu.memory_space<vmem>>, vector<1000x1xf32>
    tpu.vector_store %arg6[%swap3A_25, %swap3A_26], %rsqrt3A {strides = array<i32>} : memref<1000x1xf32, #tpu.memory_space<vmem>>, vector<1000x1xf32>,
    return
  }
  func.func @transform_0(%arg0: i32) -> (i32, i32) {
    %c0_i32 = arith.constant 0 : i32
    %c0_i32_0 = arith.constant 0 : i32
    return %arg0, %c0_i32 : i32, i32
  }
  func.func @transform_1(%arg0: i32) -> (i32, i32, i32) {
    %c0_i32 = arith.constant 0 : i32
    %c0_i32_0 = arith.constant 0 : i32
    %c0_i32_1 = arith.constant 0 : i32
    return %c0_i32, %arg0, %c0_i32_0 : i32, i32, i32
  }
  func.func @transform_2(%arg0: i32) -> (i32, i32, i32) {
    %c1_i32 = arith.constant 1 : i32
    %c0_i32 = arith.constant 0 : i32
    %c0_i32_0 = arith.constant 0 : i32
    return %c1_i32, %arg0, %c0_i32 : i32, i32, i32
  }
  func.func @transform_3(%arg0: i32) -> (i32, i32) {
    %c0_i32 = arith.constant 0 : i32
    %c0_i32_0 = arith.constant 0 : i32
    return %arg0, %c0_i32 : i32, i32
  }
  func.func @transform_4(%arg0: i32) -> (i32, i32) {
    %c0_i32 = arith.constant 0 : i32
    %c0_i32_0 = arith.constant 0 : i32
    return %arg0, %c0_i32 : i32, i32
  }
  func.func @transform_5(%arg0: i32) -> (i32, i32) {
    %c0_i32 = arith.constant 0 : i32
    %c0_i32_0 = arith.constant 0 : i32
    return %arg0, %c0_i32 : i32, i32
  }
}

module attributes {stable_mosaic.version = 14 : i64} {
  func.func @_mid_body(%arg0: i32, %arg1: memref<1x1000x128xf32, #tpu.memory_space<vmem>>, %arg2: memref<1x1000x128xf32, #tpu.memory_space<vmem>>, %arg3: memref<1000x128xf32, #tpu.memory_space<vmem>>, %arg4: memref<1000x1xf32, #tpu.memory_space<vmem>>, %arg5: memref<1x128xf32, #tpu.memory_space<vmem>>, %arg6: memref<128x128xf32, #tpu.memory_space<vmem>>, %arg7: memref<1000x128xf32, #tpu.memory_space<vmem>>, %arg8: memref<1000x128xf32, #tpu.memory_space<vmem>>) attributes {dimension_semantics = [#tpu.dimension_semantics<arbitrary>], iteration_bounds = array<i64: 10>, scalar_prefetch = 0 : i64, scratch_operands = 0 : i64, tpu.core_type = #tpu.core_type<tc>, window_params = [{transform_indices = @transform_0, window_bounds = array<i64: 1, 1000, 128>}, {transform_indices = @transform_1, window_bounds = array<i64: 1, 1000, 128>}, {transform_indices = @transform_2, window_bounds = array<i64: 1000, 128>}, {transform_indices = @transform_3, window_bounds = array<i64: 1000, 1>}, {pipeline_mode = #tpu.pipeline_mode<synchronous>, transform_indices = @transform_4, window_bounds = array<i64: 1, 128>}, {pipeline_mode = #tpu.pipeline_mode<synchronous>, transform_indices = @transform_5, window_bounds = array<i64: 128, 128>}, {transform_indices = @transform_6, window_bounds = array<i64: 1000, 128>}, {transform_indices = @transform_7, window_bounds = array<i64: 1000, 128>}]} {
    %get3A = arith.constant 0 : index
    %get3A_0 = arith.constant 0 : index
    %get3A_1 = vector.load %arg4[%get3A, %get3A_0] : memref<1000x1xf32, #tpu.memory_space<vmem>>, vector<1000x1xf32>
    %get3A_2 = arith.constant 0 : index
    %get3A_3 = arith.constant 0 : index
    %get3A_4 = arith.constant 0 : index
    %get3A_5 = vector.load %arg1[%get3A_2, %get3A_3, %get3A_4] : memref<1x1000x128xf32, #tpu.memory_space<vmem>>, vector<1x1000x128xf32>
    %get3A_6 = vector.shape_cast %get3A_5 : vector<1x1000x128xf32> to vector<1000x128xf32>
    %get3A_7 = arith.constant 0 : index
    %get3A_8 = arith.constant 0 : index
    %get3A_9 = arith.constant 0 : index
    %get3A_10 = vector.load %arg2[%get3A_7, %get3A_8, %get3A_9] : memref<1x1000x128xf32, #tpu.memory_space<vmem>>, vector<1x1000x128xf32>
    %get3A_11 = vector.shape_cast %get3A_10 : vector<1x1000x128xf32> to vector<1000x128xf32>
    %add3A = arith.addf %get3A_6, %get3A_11 : vector<1000x128xf32>
    %mul3A = vector.broadcast %get3A_1 : vector<1000x1xf32> to vector<1000x128xf32>
    %mul3A_12 = arith.mulf %mul3A, %add3A : vector<1000x128xf32>
    %get3A_13 = arith.constant 0 : index
    %get3A_14 = arith.constant 0 : index
    %get3A_15 = vector.load %arg3[%get3A_13, %get3A_14] : memref<1000x128xf32, #tpu.memory_space<vmem>>, vector<1000x128xf32>
    %add3A_16 = arith.addf %mul3A_12, %get3A_15 : vector<1000x128xf32>
    %get3A_17 = arith.constant 0 : index
    %get3A_18 = arith.constant 0 : index
    %get3A_19 = vector.load %arg5[%get3A_17, %get3A_18] : memref<1x128xf32, #tpu.memory_space<vmem>>, vector<1x128xf32>
    %add3A_20 = vector.broadcast %get3A_19 : vector<1x128xf32> to vector<1000x128xf32>
    %add3A_21 = arith.addf %add3A_16, %add3A_20 : vector<1000x128xf32>
    %max3A = arith.constant 0.000000e+00 : f32
    %max3A_22 = vector.broadcast %max3A : f32 to vector<1000x128xf32>
    %max3A_23 = arith.maximumf %add3A_21, %max3A_22 : vector<1000x128xf32>
    %get3A_24 = arith.constant 0 : index
    %get3A_25 = arith.constant 0 : index
    %get3A_26 = vector.load %arg6[%get3A_24, %get3A_25] : memref<128x128xf32, #tpu.memory_space<vmem>>, vector<128x128xf32>
    %dot_general3A = arith.constant dense<0.000000e+00> : vector<1000x128xf32>
    %dot_general3A_27 = tpu.matmul %max3A_23, %get3A_26, %dot_general3A {dimension_numbers = #tpu.dot_dimension_numbers<[1], [0], [0], [1], [0, 0, 1, 1], [], []>, precision = #tpu.contract_precision<fp32>, transpose_lhs_hint = false} : vector<1000x128xf32>, vector<128x128xf32>, vector<1000x128xf32> -> vector<1000x128xf32>
    %mul3A_28 = vector.broadcast %get3A_1 : vector<1000x1xf32> to vector<1000x128xf32>
    %mul3A_29 = arith.mulf %dot_general3A_27, %mul3A_28 : vector<1000x128xf32>
    %swap3A = arith.constant 0 : index
    %swap3A_30 = arith.constant 0 : index
    %swap3A_31 = vector.load %arg7[%swap3A, %swap3A_30] : memref<1000x128xf32, #tpu.memory_space<vmem>>, vector<1000x128xf32>
    tpu.vector_store %arg7[%swap3A, %swap3A_30], %mul3A_29 {strides = array<i32>} : memref<1000x128xf32, #tpu.memory_space<vmem>>, vector<1000x128xf32>,
    %mul3A_32 = vector.broadcast %get3A_1 : vector<1000x1xf32> to vector<1000x128xf32>
    %mul3A_33 = arith.mulf %dot_general3A_27, %mul3A_32 : vector<1000x128xf32>
    %mul3A_34 = vector.broadcast %get3A_1 : vector<1000x1xf32> to vector<1000x128xf32>
    %mul3A_35 = arith.mulf %mul3A_33, %mul3A_34 : vector<1000x128xf32>
    %swap3A_36 = arith.constant 0 : index
    %swap3A_37 = arith.constant 0 : index
    %swap3A_38 = vector.load %arg8[%swap3A_36, %swap3A_37] : memref<1000x128xf32, #tpu.memory_space<vmem>>, vector<1000x128xf32>
    tpu.vector_store %arg8[%swap3A_36, %swap3A_37], %mul3A_35 {strides = array<i32>} : memref<1000x128xf32, #tpu.memory_space<vmem>>, vector<1000x128xf32>,
    return
  }
  func.func @transform_0(%arg0: i32) -> (i32, i32, i32) {
    %c0_i32 = arith.constant 0 : i32
    %c0_i32_0 = arith.constant 0 : i32
    %c0_i32_1 = arith.constant 0 : i32
    return %c0_i32, %arg0, %c0_i32_0 : i32, i32, i32
  }
  func.func @transform_1(%arg0: i32) -> (i32, i32, i32) {
    %c1_i32 = arith.constant 1 : i32
    %c0_i32 = arith.constant 0 : i32
    %c0_i32_0 = arith.constant 0 : i32
    return %c1_i32, %arg0, %c0_i32 : i32, i32, i32
  }
  func.func @transform_2(%arg0: i32) -> (i32, i32) {
    %c0_i32 = arith.constant 0 : i32
    %c0_i32_0 = arith.constant 0 : i32
    return %arg0, %c0_i32 : i32, i32
  }
  func.func @transform_3(%arg0: i32) -> (i32, i32) {
    %c0_i32 = arith.constant 0 : i32
    %c0_i32_0 = arith.constant 0 : i32
    return %arg0, %c0_i32 : i32, i32
  }
  func.func @transform_4(%arg0: i32) -> (i32, i32) {
    %c0_i32 = arith.constant 0 : i32
    %c0_i32_0 = arith.constant 0 : i32
    %c0_i32_1 = arith.constant 0 : i32
    return %c0_i32, %c0_i32_0 : i32, i32
  }
  func.func @transform_5(%arg0: i32) -> (i32, i32) {
    %c0_i32 = arith.constant 0 : i32
    %c0_i32_0 = arith.constant 0 : i32
    %c0_i32_1 = arith.constant 0 : i32
    return %c0_i32, %c0_i32_0 : i32, i32
  }
  func.func @transform_6(%arg0: i32) -> (i32, i32) {
    %c0_i32 = arith.constant 0 : i32
    %c0_i32_0 = arith.constant 0 : i32
    return %arg0, %c0_i32 : i32, i32
  }
  func.func @transform_7(%arg0: i32) -> (i32, i32) {
    %c0_i32 = arith.constant 0 : i32
    %c0_i32_0 = arith.constant 0 : i32
    return %arg0, %c0_i32 : i32, i32
  }
}

module attributes {stable_mosaic.version = 14 : i64} {
  func.func @_final_body(%arg0: i32, %arg1: memref<1x1000x128xf32, #tpu.memory_space<vmem>>, %arg2: memref<1x1000x128xf32, #tpu.memory_space<vmem>>, %arg3: memref<1000x128xf32, #tpu.memory_space<vmem>>, %arg4: memref<1000x1xf32, #tpu.memory_space<vmem>>, %arg5: memref<1x128xf32, #tpu.memory_space<vmem>>, %arg6: memref<1000x128xf32, #tpu.memory_space<vmem>>) attributes {dimension_semantics = [#tpu.dimension_semantics<arbitrary>], iteration_bounds = array<i64: 10>, scalar_prefetch = 0 : i64, scratch_operands = 0 : i64, tpu.core_type = #tpu.core_type<tc>, window_params = [{transform_indices = @transform_0, window_bounds = array<i64: 1, 1000, 128>}, {transform_indices = @transform_1, window_bounds = array<i64: 1, 1000, 128>}, {transform_indices = @transform_2, window_bounds = array<i64: 1000, 128>}, {transform_indices = @transform_3, window_bounds = array<i64: 1000, 1>}, {pipeline_mode = #tpu.pipeline_mode<synchronous>, transform_indices = @transform_4, window_bounds = array<i64: 1, 128>}, {transform_indices = @transform_5, window_bounds = array<i64: 1000, 128>}]} {
    %get3A = arith.constant 0 : index
    %get3A_0 = arith.constant 0 : index
    %get3A_1 = vector.load %arg4[%get3A, %get3A_0] : memref<1000x1xf32, #tpu.memory_space<vmem>>, vector<1000x1xf32>
    %get3A_2 = arith.constant 0 : index
    %get3A_3 = arith.constant 0 : index
    %get3A_4 = arith.constant 0 : index
    %get3A_5 = vector.load %arg1[%get3A_2, %get3A_3, %get3A_4] : memref<1x1000x128xf32, #tpu.memory_space<vmem>>, vector<1x1000x128xf32>
    %get3A_6 = vector.shape_cast %get3A_5 : vector<1x1000x128xf32> to vector<1000x128xf32>
    %get3A_7 = arith.constant 0 : index
    %get3A_8 = arith.constant 0 : index
    %get3A_9 = arith.constant 0 : index
    %get3A_10 = vector.load %arg2[%get3A_7, %get3A_8, %get3A_9] : memref<1x1000x128xf32, #tpu.memory_space<vmem>>, vector<1x1000x128xf32>
    %get3A_11 = vector.shape_cast %get3A_10 : vector<1x1000x128xf32> to vector<1000x128xf32>
    %add3A = arith.addf %get3A_6, %get3A_11 : vector<1000x128xf32>
    %mul3A = vector.broadcast %get3A_1 : vector<1000x1xf32> to vector<1000x128xf32>
    %mul3A_12 = arith.mulf %mul3A, %add3A : vector<1000x128xf32>
    %get3A_13 = arith.constant 0 : index
    %get3A_14 = arith.constant 0 : index
    %get3A_15 = vector.load %arg3[%get3A_13, %get3A_14] : memref<1000x128xf32, #tpu.memory_space<vmem>>, vector<1000x128xf32>
    %add3A_16 = arith.addf %mul3A_12, %get3A_15 : vector<1000x128xf32>
    %get3A_17 = arith.constant 0 : index
    %get3A_18 = arith.constant 0 : index
    %get3A_19 = vector.load %arg5[%get3A_17, %get3A_18] : memref<1x128xf32, #tpu.memory_space<vmem>>, vector<1x128xf32>
    %add3A_20 = vector.broadcast %get3A_19 : vector<1x128xf32> to vector<1000x128xf32>
    %add3A_21 = arith.addf %add3A_16, %add3A_20 : vector<1000x128xf32>
    %reduce_max3A = arith.constant dense<0xFF800000> : vector<1000xf32>
    %reduce_max3A_22 = vector.multi_reduction <maximumf>, %add3A_21, %reduce_max3A [1] : vector<1000x128xf32> to vector<1000xf32>
    %broadcast_in_dim3A = vector.shape_cast %reduce_max3A_22 : vector<1000xf32> to vector<1000x1xf32>
    %sub3A = vector.broadcast %broadcast_in_dim3A : vector<1000x1xf32> to vector<1000x128xf32>
    %sub3A_23 = arith.subf %add3A_21, %sub3A : vector<1000x128xf32>
    %exp3A = math.exp %sub3A_23 : vector<1000x128xf32>
    %reduce_sum3A = arith.constant dense<0.000000e+00> : vector<1000xf32>
    %reduce_sum3A_24 = vector.multi_reduction <add>, %exp3A, %reduce_sum3A [1] : vector<1000x128xf32> to vector<1000xf32>
    %broadcast_in_dim3A_25 = vector.shape_cast %reduce_sum3A_24 : vector<1000xf32> to vector<1000x1xf32>
    %log3A = math.log %broadcast_in_dim3A_25 : vector<1000x1xf32>
    %add3A_26 = arith.addf %log3A, %broadcast_in_dim3A : vector<1000x1xf32>
    %sub3A_27 = vector.broadcast %add3A_26 : vector<1000x1xf32> to vector<1000x128xf32>
    %sub3A_28 = arith.subf %add3A_21, %sub3A_27 : vector<1000x128xf32>
    %swap3A = arith.constant 0 : index
    %swap3A_29 = arith.constant 0 : index
    %swap3A_30 = vector.load %arg6[%swap3A, %swap3A_29] : memref<1000x128xf32, #tpu.memory_space<vmem>>, vector<1000x128xf32>
    tpu.vector_store %arg6[%swap3A, %swap3A_29], %sub3A_28 {strides = array<i32>} : memref<1000x128xf32, #tpu.memory_space<vmem>>, vector<1000x128xf32>,
    return
  }
  func.func @transform_0(%arg0: i32) -> (i32, i32, i32) {
    %c0_i32 = arith.constant 0 : i32
    %c0_i32_0 = arith.constant 0 : i32
    %c0_i32_1 = arith.constant 0 : i32
    return %c0_i32, %arg0, %c0_i32_0 : i32, i32, i32
  }
  func.func @transform_1(%arg0: i32) -> (i32, i32, i32) {
    %c1_i32 = arith.constant 1 : i32
    %c0_i32 = arith.constant 0 : i32
    %c0_i32_0 = arith.constant 0 : i32
    return %c1_i32, %arg0, %c0_i32 : i32, i32, i32
  }
  func.func @transform_2(%arg0: i32) -> (i32, i32) {
    %c0_i32 = arith.constant 0 : i32
    %c0_i32_0 = arith.constant 0 : i32
    return %arg0, %c0_i32 : i32, i32
  }
  func.func @transform_3(%arg0: i32) -> (i32, i32) {
    %c0_i32 = arith.constant 0 : i32
    %c0_i32_0 = arith.constant 0 : i32
    return %arg0, %c0_i32 : i32, i32
  }
  func.func @transform_4(%arg0: i32) -> (i32, i32) {
    %c0_i32 = arith.constant 0 : i32
    %c0_i32_0 = arith.constant 0 : i32
    %c0_i32_1 = arith.constant 0 : i32
    return %c0_i32, %c0_i32_0 : i32, i32
  }
  func.func @transform_5(%arg0: i32) -> (i32, i32) {
    %c0_i32 = arith.constant 0 : i32
    %c0_i32_0 = arith.constant 0 : i32
    return %arg0, %c0_i32 : i32, i32
  }
}

</mosaic_0001>

<sc_bundles>
// kernel: kernel.11.cloned.1.call-start
scs
__scs_entry_jumppad:
0x0: {  	(pc) =	sbr.rel $0x88, $3  }
0x1: {  	(tag) =	ssettag $0x0;
	lr =	simm.s32 $0x1  }
0x2: {  	[smem:$0x3F99] =	sst lr;
	_ =	strace $0xD0000000  }
0x3: {  	_ = 	snop  }
0x4: {  	_ = 	snop  }
0x5: {  	_ = 	snop  }
0x6: {  	_ = 	snop  }
0x7: {  	_ = 	snop  }
__scs_overlays_trampoline_lowered:
0x8: {  	[smem:$0x3FA8] =	sst s0  }
0x9: {  	[smem:$0x3FA9] =	sst s1  }
0xa: {  	[smem:$0x3FAA] =	sst s2  }
0xb: {  	[smem:$0x3FAB] =	sst s3  }
0xc: {  	[smem:$0x3FAC] =	sst s4  }
0xd: {  	[smem:$0x3FAD] =	sst s5  }
0xe: {  	[smem:$0x3FAE] =	sst s6  }
0xf: {  	[smem:$0x3FAF] =	sst s7  }
0x10: {  	[smem:$0x3FB0] =	sst s8  }
0x11: {  	[smem:$0x3FB1] =	sst s9;
	s0 =	simm.s32 @!p0 $0x0  }
0x12: {  	s1 =	sld [smem:$0x3F97];
	s0 =	simm.s32 @p0 $0x1  }
0x13: {  	[smem:$0x3FB2] =	sst s0;
	s0 =	simm.s32 @!p1 $0x0  }
0x14: {  	s2 =	sld [smem:$0x3F96];
	s0 =	simm.s32 @p1 $0x1  }
0x15: {  	[smem:$0x3FB3] =	sst s0;
	s0 =	simm.s32 @!p2 $0x0  }
0x16: {  	s3 =	sld [smem:$0x3FDB];
	s0 =	simm.s32 @p2 $0x1  }
0x17: {  	s4 =	simm.s32 $0x1BF5;
	[smem:$0x3FB5] =	sst s0  }
0x18: {  	s0 =	sld [smem:$0x3F98];
	_ =	swait.ge [sflag:s4], $0x0  }
0x19: {  	s7 =	sld [smem:$0x3F99]  }
0x1a: {  	s8 =	sadd.s32 $0xFFFFE003, lr  }
0x1b: {  	s9 =	sadd.s32 $0xFFFFFEF7, lr;
	s5 =	simm.s32 $0xFFFFFFFF;
	p2 =	slt.u32 s8, $0xFFFFF086  }
0x1c: {  	p1 =	slt.u32 s9, $0xF7A;
	s5 =	simm.s32 @!p2 $0x0  }
0x1d: {  	s5 =	simm.s32 @p1 $0x1;
	p0 =	seq.s32 s7, s2  }
0x1e: {  	s7 =	smul.u32 @!p0 $0xF7A, s2;
	p2 =	seq.s32 @!p0 s5, $0x0  }
0x1f: {  	s9 =	smul.u32 $0xF7A, s1;
	s8 =	simm.s32 @!p0 $0x1BF5;
	p2 =	por !p2, p0  }
0x20: {  	[sflag:s8] =	ssyncset.s32 @!p0 $0xFFFFF086;
	s6 =	sadd.s32 @!p0 s3, s7;
	s7 =	simm.s32 @!p0 $0x108  }
0x21: {  	s3 =	sadd.s32 s3, s9;
	s6 =	sadd.s32 @!p0 $0x88, s6;
	s7 =	simm.s32 @p2 $0x1082  }
0x22: {  	[simem:s7], [sflag:s8] =	dma.local @!p0 [hbm:s6], $0xF7A  }
0x23: {  	s9 =	sor.u32 $0xD0000000, s2;
	s6 =	simm.s32 $0x108;
	_ =	swait.ge @!p0 [sflag:s8], $0x0  }
0x24: {  	s3 =	sadd.s32 $0x88, s3;
	s6 =	simm.s32 @!p1 $0x1082;
	[sflag:s4] =	ssyncset.s32 $0xFFFFF086  }
0x25: {  	[simem:s6], [sflag:s4] =	dma.local [hbm:s3], $0xF7A  }
0x26: {  	[smem:$0x3F99] =	sst s1;
	(tag) =	ssettag s2;
	_ =	strace s9  }
0x27: {  	s1 =	sld [smem:$0x3FA9]  }
0x28: {  	s2 =	sld [smem:$0x3FAA]  }
0x29: {  	s4 =	sld [smem:$0x3FAC]  }
0x2a: {  	p0 =	seq.s32 s5, $0x0;
	s5 =	sld [smem:$0x3FAD]  }
0x2b: {  	s6 =	sld [smem:$0x3FAE]  }
0x2c: {  	s7 =	sld [smem:$0x3FAF]  }
0x2d: {  	s3 =	simm.s32 $0x108;
	s8 =	sld [smem:$0x3FB0]  }
0x2e: {  	s3 =	simm.s32 @!p0 $0x1082;
	s9 =	sld [smem:$0x3FB1]  }
0x2f: {  	lr =	sadd.s32 s0, s3;
	s0 =	sld [smem:$0x3FA8]  }
0x30: {  	s3 =	sld [smem:$0x3FAB]  }
0x31: {  	[smem:$0x3FB4] =	sst s10  }
0x32: {  	s10 =	sld [smem:$0x3FB2];
	_ =	sdelay $0x3  }
0x33: {  	p0 =	seq.s32 s10, $0x1;
	s10 =	sld [smem:$0x3FB4];
	_ =	sdelay $0x3  }
0x34: {  	[smem:$0x3FB4] =	sst s10  }
0x35: {  	s10 =	sld [smem:$0x3FB3];
	_ =	sdelay $0x3  }
0x36: {  	p1 =	seq.s32 s10, $0x1;
	s10 =	sld [smem:$0x3FB4];
	_ =	sdelay $0x3  }
0x37: {  	[smem:$0x3FB4] =	sst s10  }
0x38: {  	s10 =	sld [smem:$0x3FB5]  }
0x39: {  	_ = 	snop;
	(pc) =	sbr.ind lr, $3  }
0x3a: {  	_ = 	snop  }
0x3b: {  	_ = 	snop  }
0x3c: {  	p2 =	seq.s32 s10, $0x1;
	s10 =	sld [smem:$0x3FB4]  }
0x3d: {  	_ =	shalt  }
0x3e: {  	_ =	shalt  }
0x3f: {  	_ =	shalt  }
0x40: {  	_ =	shalt  }
0x41: {  	_ =	shalt  }
0x42: {  	_ =	shalt  }
0x43: {  	_ =	shalt  }
0x44: {  	_ =	shalt  }
0x45: {  	_ =	shalt  }
0x46: {  	_ =	shalt  }
0x47: {  	_ =	shalt  }
0x48: {  	_ =	shalt  }
0x49: {  	_ =	shalt  }
0x4a: {  	_ =	shalt  }
0x4b: {  	_ =	shalt  }
0x4c: {  	_ =	shalt  }
0x4d: {  	_ =	shalt  }
0x4e: {  	_ =	shalt  }
0x4f: {  	_ =	shalt  }
0x50: {  	_ =	shalt  }
0x51: {  	_ =	shalt  }
0x52: {  	_ =	shalt  }
0x53: {  	_ =	shalt  }
0x54: {  	_ =	shalt  }
0x55: {  	_ =	shalt  }
0x56: {  	_ =	shalt  }
0x57: {  	_ =	shalt  }
0x58: {  	_ =	shalt  }
0x59: {  	_ =	shalt  }
0x5a: {  	_ =	shalt  }
0x5b: {  	_ =	shalt  }
0x5c: {  	_ =	shalt  }
0x5d: {  	_ =	shalt  }
0x5e: {  	_ =	shalt  }
0x5f: {  	_ =	shalt  }
0x60: {  	_ =	shalt  }
0x61: {  	_ =	shalt  }
0x62: {  	_ =	shalt  }
0x63: {  	_ =	shalt  }
0x64: {  	_ =	shalt  }
0x65: {  	_ =	shalt  }
0x66: {  	_ =	shalt  }
0x67: {  	_ =	shalt  }
0x68: {  	_ =	shalt  }
0x69: {  	_ =	shalt  }
0x6a: {  	_ =	shalt  }
0x6b: {  	_ =	shalt  }
0x6c: {  	_ =	shalt  }
0x6d: {  	_ =	shalt  }
0x6e: {  	_ =	shalt  }
0x6f: {  	_ =	shalt  }
0x70: {  	_ =	shalt  }
0x71: {  	_ =	shalt  }
0x72: {  	_ =	shalt  }
0x73: {  	_ =	shalt  }
0x74: {  	_ =	shalt  }
0x75: {  	_ =	shalt  }
0x76: {  	_ =	shalt  }
0x77: {  	_ =	shalt  }
0x78: {  	_ =	shalt  }
0x79: {  	_ =	shalt  }
0x7a: {  	_ =	shalt  }
0x7b: {  	_ =	shalt  }
0x7c: {  	_ =	shalt  }
0x7d: {  	_ =	shalt  }
0x7e: {  	_ =	shalt  }
0x7f: {  	_ =	shalt  }
0x80: {  	_ =	shalt  }
0x81: {  	_ =	shalt  }
0x82: {  	_ =	shalt  }
0x83: {  	_ =	shalt  }
0x84: {  	_ =	shalt  }
0x85: {  	_ =	shalt  }
0x86: {  	_ =	shalt  }
0x87: {  	_ =	shalt  }
.Lfunc_end0:
.L_simem_size_0:
called_computation_lowered:
.L_overlay_start_0:
0x88: {  	s2 =	sld [smem:$0x3FD9]  }
0x89: {  	s3 =	sld [smem:$0x3FFE];
	_ =	sdelay $0x1  }
0x8a: {  	s1 =	srdreg.scid  }
0x8b: {  	s0 =	sand.u32 $0x1, s1  }
0x8c: {  	s17 =	sshll.u32 s0, $0xA;
	s2 =	sadd.s32 s3, s2  }
0x8d: {  	s2 =	sadd.s32 s2, s17  }
0x8e: {  	[smem:$0x3FC0] =	sst s2  }
0x8f: {  	_ = 	snop  }
0x90: {  	s2 =	sld [smem:$0x3FD0];
	(tm) =	ssettm $0x1  }
0x91: {  	s18 =	sld [smem:$0x3FFB];
	_ =	sdelay $0x3  }
0x92: {  	_ =	strace s18  }
0x93: {  	s3 =	sld [smem:$0x3FFC];
	_ =	sdelay $0x3  }
0x94: {  	_ =	strace s3  }
0x95: {  	s3 =	sld [smem:$0x3FFD];
	_ =	sdelay $0x3  }
0x96: {  	_ =	strace s3  }
0x97: {  	_ =	strace $0x8FFFFFFF  }
0x98: {  	s19 =	sld [smem:$0x3FDB];
	_ =	sdelay $0x1  }
0x99: {  	s4 =	simm.s32 $_scs_section_size  }
0x9a: {  	s5 =	simm.s32 $_size__tile_overlayer_lowered;
	s6 =	simm.s32 $_tile_overlayer_lowered  }
0x9b: {  	s22 =	simm.s32 $0x1BFF;
	s21 =	sshll.u32 s6, $0x1;
	s3 =	sadd.s32 s4, s19  }
0x9c: {  	s7 =	simm.s32 $0x0;
	s20 =	sshll.u32 s5, $0x1;
	s5 =	sadd.s32 s21, s3  }
0x9d: {  	[timem:s7], [sflag:s22] =	dma.local [hbm:s5], s20  }
0x9e: {  	_ =	swait.ge [sflag:s22], s20  }
0x9f: {  	s4 =	ssub.s32 $0x0, s20;
	[sflag:s22] =	ssyncset.done $0x0  }
0xa0: {  	[sflag:s22] =	ssyncadd.s32 s4;
	_ =	sdelay $0x1  }
0xa1: {  	s23 =	simm.s32 $0x1B8B  }
0xa2: {  	_ =	swait.ge [sflag:s23], $0x1  }
0xa3: {  	[sflag:s23] =	ssyncset.done $0x0  }
0xa4: {  	s25 =	simm.s32 $0x1B8E;
	s24 =	sld [smem:$0x3FFE];
	[sflag:s23] =	ssyncadd.s32 $0xFFFFFFFF  }
0xa5: {  	s26 =	simm.s32 $execute0_lowered;
	[smem:$0x3FD2] =	sst s25  }
0xa6: {  	s5 =	sshll.u32 s26, $0x1;
	_ =	strace $0x80000046;
	[dreg:$0x1] =	wrdreg $0xFFFFFFFF  }
0xa7: {  	s28 =	simm.s32 $_size_execute0_lowered;
	s3 =	sadd.s32 s3, s5;
	[dreg:$0x0] =	wrdreg $0x0  }
0xa8: {  	s5 =	sshll.u32 s28, $0x1;
	[dreg:$0x2] =	wrdreg s3  }
0xa9: {  	[dreg:$0x3] =	wrdreg s5  }
0xaa: {  	[dreg:$0x4] =	wrdreg $0xC0  }
0xab: {  	_ =	task [dreg:s7], $0x5FFFF  }
0xac: {  	[dreg:$0x1] =	wrdreg $0xFFFFFFFF  }
0xad: {  	[dreg:$0x0] =	wrdreg $0x60  }
0xae: {  	[dreg:$0x2] =	wrdreg s2  }
0xaf: {  	[dreg:$0x3] =	wrdreg s24  }
0xb0: {  	[dreg:$0x4] =	wrdreg $0x4800  }
0xb1: {  	[dreg:$0x5] =	wrdreg $0x9  }
0xb2: {  	_ =	task.clear_ibuf [dreg:s7], $0x6FFFF;
	_ =	strace $0x90000046  }
0xb3: {  	s29 =	simm.s32 $0x9;
	_ =	strace $0x80000048  }
0xb4: {  	_ =	swait.ge [sflag:s29], $0x1  }
0xb5: {  	[sflag:s29] =	ssyncadd.s32 $0xFFFFFFFF  }
0xb6: {  	_ =	strace $0x90000048  }
0xb7: {  	_ =	sfence  }
0xb8: {  	s30 =	sld [smem:$0x0];
	_ =	sdelay $0x2  }
0xb9: {  	s31 =	sshll.u32 s1, $0xD;
	s1 =	sshrl.u32 s1, $0x2  }
0xba: {  	s3 =	sand.u32 $0x4000, s31;
	s1 =	sadd.s32 s1, s30  }
0xbb: {  	s0 =	sor.u32 s3, s0;
	s1 =	sshll.u32 s1, $0x11  }
0xbc: {  	s0 =	sor.u32 s1, s0  }
0xbd: {  	s0 =	sadd.s32 $0x8F2B, s0  }
0xbe: {  	[sflag:s0] =	ssyncadd.remote.s32 $0x1  }
0xbf: {  	_ =	sfence.sel $0xFFFF  }
0xc0: {  	[dreg:$0x0] =	wrdreg $0xFFFFFFFF;
	(pc) =	sbr.abs _section_cstart, $3  }
0xc1: {  	[dreg:$0x1] =	wrdreg $0xFFFFFFFF  }
0xc2: {  	_ =	task.clear_ibuf [dreg:s7], $0x2FFFF;
	_ =	strace $0x9FFFFFFF  }
0xc3: {  	(tm) =	ssettm $0x7FFFFFFF  }
tec
execute0_lowered:
.L_overlay_start_1:
0x0: {  	(tag) =	ssettag $0x1  }
0x1: {  	s0 =	rddreg [dreg:$0x0]  }
0x2: {  	s1 =	rddreg [dreg:$0x1]  }
0x3: {  	s2 =	rddreg [dreg:$0x2]  }
0x4: {  	s13 =	stileid.u32;
	s3 =	simm.s32 $0x0;
	s5 =	srdreg.scid  }
0x5: {  	s28 =	simm.s32 $0x280;
	s29 =	simm.s32 $0x3;
	s30 =	simm.s32 $0x300  }
0x6: {  	s31 =	simm.s32 $0x4;
	s4 =	smul.u32 $0x280, s13;
	[smem:$0x7FF] =	sst s3  }
0x7: {  	s7 =	sand.u32 $0x1, s5;
	s16 =	smul.u32 $0x500, s13;
	s17 =	sadd.s32 $0x2A00, s1  }
0x8: {  	s19 =	sshll.u32 s13, $0x1;
	s24 =	sshll.u32 s13, $0x7;
	s26 =	sshll.u32 s13, $0x6  }
0x9: {  	_ =	strace $0x80000047;
	s8 =	sshll.u32 s7, $0x7;
	[dreg:$0x4] =	wrdreg s17  }
0xa: {  	s18 =	ssub.s32 $0x2, s7;
	s17 =	simm.s32 $0x5;
	s6 =	sshrl.u32 s4, $0x3  }
0xb: {  	s5 =	sor.u32 s8, s16;
	s20 =	sshrl.u32 s18, $0x1;
	s8 =	sor.u32 s7, s19  }
0xc: {  	s4 =	sadd.s32 s4, s2;
	s7 =	sshll.u32 s7, $0x6;
	s16 =	simm.s32 $0x400  }
0xd: {  	s9 =	sadd.s32 s6, s1;
	s5 =	sshrl.u32 s5, $0x3;
	s10 =	ssub.s32 s18, s20  }
0xe: {  	s21 =	sshll.u32 s8, $0x6;
	p0 =	slt.u32 s8, $0x11;
	s25 =	sor.u32 s7, s24  }
0xf: {  	s18 =	sor.u32 $0x1C05, s26;
	s19 =	sshrl.u32 s4, $0x3;
	s20 =	simm.s32 $0x80  }
0x10: {  	s26 =	simm.s32 $0x2;
	s1 =	sadd.s32 s5, s1;
	s5 =	simm.s32 $0x8  }
0x11: {  	s6 =	sadd.s32 s0, s21;
	s22 =	sadd.s32 $0x2C00, s9;
	s10 =	smax.u32 s10, $0x1  }
0x12: {  	s21 =	simm.s32 $0x100;
	[dreg:$0x5] =	wrdreg s22;
	s5 =	simm.s32 @!p0 $0x7  }
0x13: {  	s23 =	sadd.s32 $0x9000, s6;
	s1 =	sadd.s32 $0x3200, s1;
	s11 =	sadd.s32 $0x800, s6  }
0x14: {  	s12 =	sadd.s32 $0x1000, s6;
	s22 =	simm.s32 $0x180;
	[dreg:$0x6] =	wrdreg s23  }
0x15: {  	[dreg:$0x7] =	wrdreg s1;
	s1 =	sadd.s32 s24, s0;
	s0 =	sadd.s32 s25, s0  }
0x16: {  	s23 =	simm.s32 $0x200;
	s24 =	simm.s32 $0x6;
	s25 =	simm.s32 $0x1  }
0x17: {  	s1 =	sadd.s32 s7, s1;
	s7 =	ssub.s32 $0xFFFFE000, s0;
	s15 =	sadd.s32 $0x2000, s0  }
0x18: {  	s0 =	simm.s32 $0x380;
	s14 =	sadd.s32 $0x1800, s1;
	s1 =	simm.s32 $0x0  }
.LBB2_1:
0x19: {  	s4 =	rddreg [dreg:$0x4]  }
0x1a: {  	[tilespmem:s16], [sflag:$0x5] =	stream.linear.gather [hbm4b:s4+s3], $0x80, $0x38;
	[tilespmem:$0x700] =	vst v63  }
0x1b: {  	_ =	swait.ge [sflag:s17], $0x80  }
0x1c: {  	[sflag:s17] =	ssyncset.done $0x0  }
0x1d: {  	s13 =	rddreg [dreg:$0x5];
	[sflag:s17] =	ssyncadd.s32 $0xFFFFFF80  }
0x1e: {  	[spmem:s19], [sflag:s18] =	dma.local [hbm:s13], $0x50  }
0x1f: {  	_ =	swait.ge [sflag:s17], $0x50  }
0x20: {  	[sflag:s17] =	ssyncset.done $0x0  }
0x21: {  	[sflag:s17] =	ssyncadd.s32 $0xFFFFFFB0  }
0x22: {  	[bflag:$0x0] =	sbarrier.arrive $0xFFFF  }
0x23: {  	[tilespmem:s3], [sflag:$0x5] =	stream.linear.gather [hbm4b:s6+s3], $0x200, $0x38;
	[tilespmem:$0x700] =	vst v63  }
0x24: {  	_ =	swait.ge [sflag:s17], $0x200  }
0x25: {  	[sflag:s17] =	ssyncset.done $0x0  }
0x26: {  	[sflag:s17] =	ssyncadd.s32 $0xFFFFFE00  }
0x27: {  	[spmem:s2] =	stream.indirect.scatter.add.f32 [tilespmem:s16], [sflag:$0x1], $0x1, s3, s20, $0xb8;
	[tilespmem:$0x700] =	vst v63  }
0x28: {  	_ = 	snop  }
0x29: {  	[spmem:s2] =	stream.indirect.scatter.add.f32 [tilespmem:s16], [sflag:$0x2], $0x1, s20, s20, $0xb8;
	[tilespmem:$0x700] =	vst v63  }
0x2a: {  	_ = 	snop  }
0x2b: {  	[spmem:s2] =	stream.indirect.scatter.add.f32 [tilespmem:s16], [sflag:$0x3], $0x1, s21, s20, $0xb8;
	[tilespmem:$0x700] =	vst v63  }
0x2c: {  	_ = 	snop  }
0x2d: {  	[spmem:s2] =	stream.indirect.scatter.add.f32 [tilespmem:s16], [sflag:$0x4], $0x1, s22, s20, $0xb8;
	[tilespmem:$0x700] =	vst v63  }
0x2e: {  	_ = 	snop  }
0x2f: {  	[tilespmem:s23], [sflag:$0x6] =	stream.linear.gather [hbm4b:s11+s3], $0x200, $0x38;
	[tilespmem:$0x700] =	vst v63  }
0x30: {  	_ =	swait.ge [sflag:s24], $0x200  }
0x31: {  	[sflag:s24] =	ssyncset.done $0x0  }
0x32: {  	[sflag:s24] =	ssyncadd.s32 $0xFFFFFE00  }
0x33: {  	_ =	swait.ge [sflag:s25], $0x80  }
0x34: {  	[sflag:s25] =	ssyncset.done $0x0  }
0x35: {  	[sflag:s25] =	ssyncadd.s32 $0xFFFFFF80  }
0x36: {  	[spmem:s2] =	stream.indirect.scatter.add.f32 [tilespmem:s16], [sflag:$0x1], $0x1, s23, s20, $0xb8;
	[tilespmem:$0x700] =	vst v63  }
0x37: {  	_ =	swait.ge [sflag:s26], $0x80  }
0x38: {  	[sflag:s26] =	ssyncset.done $0x0  }
0x39: {  	[sflag:s26] =	ssyncadd.s32 $0xFFFFFF80  }
0x3a: {  	[spmem:s2] =	stream.indirect.scatter.add.f32 [tilespmem:s16], [sflag:$0x2], $0x1, s28, s20, $0xb8;
	[tilespmem:$0x700] =	vst v63  }
0x3b: {  	_ =	swait.ge [sflag:s29], $0x80  }
0x3c: {  	[sflag:s29] =	ssyncset.done $0x0  }
0x3d: {  	[sflag:s29] =	ssyncadd.s32 $0xFFFFFF80  }
0x3e: {  	[spmem:s2] =	stream.indirect.scatter.add.f32 [tilespmem:s16], [sflag:$0x3], $0x1, s30, s20, $0xb8;
	[tilespmem:$0x700] =	vst v63  }
0x3f: {  	_ =	swait.ge [sflag:s31], $0x80  }
0x40: {  	[sflag:s31] =	ssyncset.done $0x0  }
0x41: {  	[sflag:s31] =	ssyncadd.s32 $0xFFFFFF80  }
0x42: {  	[spmem:s2] =	stream.indirect.scatter.add.f32 [tilespmem:s16], [sflag:$0x4], $0x1, s0, s20, $0xb8;
	[tilespmem:$0x700] =	vst v63  }
0x43: {  	_ = 	snop  }
0x44: {  	[tilespmem:s3], [sflag:$0x5] =	stream.linear.gather [hbm4b:s12+s3], $0x200, $0x38;
	[tilespmem:$0x700] =	vst v63  }
0x45: {  	_ =	swait.ge [sflag:s17], $0x200  }
0x46: {  	[sflag:s17] =	ssyncset.done $0x0  }
0x47: {  	[sflag:s17] =	ssyncadd.s32 $0xFFFFFE00  }
0x48: {  	_ =	swait.ge [sflag:s25], $0x80  }
0x49: {  	[sflag:s25] =	ssyncset.done $0x0  }
0x4a: {  	[sflag:s25] =	ssyncadd.s32 $0xFFFFFF80  }
0x4b: {  	_ =	swait.ge [sflag:s26], $0x80  }
0x4c: {  	[sflag:s26] =	ssyncset.done $0x0  }
0x4d: {  	[sflag:s26] =	ssyncadd.s32 $0xFFFFFF80  }
0x4e: {  	_ =	swait.ge [sflag:s29], $0x80  }
0x4f: {  	[sflag:s29] =	ssyncset.done $0x0  }
0x50: {  	[sflag:s29] =	ssyncadd.s32 $0xFFFFFF80  }
0x51: {  	_ =	swait.ge [sflag:s31], $0x80  }
0x52: {  	[sflag:s31] =	ssyncset.done $0x0  }
0x53: {  	[sflag:s31] =	ssyncadd.s32 $0xFFFFFF80  }
0x54: {  	[spmem:s2] =	stream.indirect.scatter.add.f32 [tilespmem:s16], [sflag:$0x1], $0x1, s3, s20, $0xb8;
	[tilespmem:$0x700] =	vst v63  }
0x55: {  	_ = 	snop  }
0x56: {  	[spmem:s2] =	stream.indirect.scatter.add.f32 [tilespmem:s16], [sflag:$0x2], $0x1, s20, s20, $0xb8;
	[tilespmem:$0x700] =	vst v63  }
0x57: {  	_ = 	snop  }
0x58: {  	[spmem:s2] =	stream.indirect.scatter.add.f32 [tilespmem:s16], [sflag:$0x3], $0x1, s21, s20, $0xb8;
	[tilespmem:$0x700] =	vst v63  }
0x59: {  	_ = 	snop  }
0x5a: {  	[spmem:s2] =	stream.indirect.scatter.add.f32 [tilespmem:s16], [sflag:$0x4], $0x1, s22, s20, $0xb8;
	[tilespmem:$0x700] =	vst v63  }
0x5b: {  	_ = 	snop  }
0x5c: {  	[tilespmem:s23], [sflag:$0x6] =	stream.linear.gather [hbm4b:s14+s3], $0x200, $0x38;
	[tilespmem:$0x700] =	vst v63  }
0x5d: {  	_ =	swait.ge [sflag:s24], $0x200  }
0x5e: {  	[sflag:s24] =	ssyncset.done $0x0  }
0x5f: {  	[sflag:s24] =	ssyncadd.s32 $0xFFFFFE00  }
0x60: {  	_ =	swait.ge [sflag:s25], $0x80  }
0x61: {  	[sflag:s25] =	ssyncset.done $0x0  }
0x62: {  	[sflag:s25] =	ssyncadd.s32 $0xFFFFFF80  }
0x63: {  	[spmem:s2] =	stream.indirect.scatter.add.f32 [tilespmem:s16], [sflag:$0x1], $0x1, s23, s20, $0xb8;
	[tilespmem:$0x700] =	vst v63  }
0x64: {  	_ =	swait.ge [sflag:s26], $0x80  }
0x65: {  	[sflag:s26] =	ssyncset.done $0x0  }
0x66: {  	[sflag:s26] =	ssyncadd.s32 $0xFFFFFF80  }
0x67: {  	[spmem:s2] =	stream.indirect.scatter.add.f32 [tilespmem:s16], [sflag:$0x2], $0x1, s28, s20, $0xb8;
	[tilespmem:$0x700] =	vst v63  }
0x68: {  	_ =	swait.ge [sflag:s29], $0x80  }
0x69: {  	[sflag:s29] =	ssyncset.done $0x0  }
0x6a: {  	[sflag:s29] =	ssyncadd.s32 $0xFFFFFF80  }
0x6b: {  	[spmem:s2] =	stream.indirect.scatter.add.f32 [tilespmem:s16], [sflag:$0x3], $0x1, s30, s20, $0xb8;
	[tilespmem:$0x700] =	vst v63  }
0x6c: {  	_ =	swait.ge [sflag:s31], $0x80  }
0x6d: {  	[sflag:s31] =	ssyncset.done $0x0  }
0x6e: {  	p1 =	sne.s32 s5, $0x1;
	[sflag:s31] =	ssyncadd.s32 $0xFFFFFF80  }
0x6f: {  	[spmem:s2] =	stream.indirect.scatter.add.f32 [tilespmem:s16], [sflag:$0x4], $0x1, s0, s20, $0xb8;
	[tilespmem:$0x700] =	vst v63  }
.Ltmp0:
0x70: {  	_ = 	snop;
	(pc) =	sbr.rel @!p1 .LBB2_3-.Ltmp0, $4  }
0x71: {  	_ = 	snop  }
0x72: {  	[tilespmem:s3], [sflag:$0x5] =	stream.linear.gather [hbm4b:s15+s3], $0x200, $0x38;
	[tilespmem:$0x700] =	vst v63  }
0x73: {  	s8 =	sadd.s32 $0x1000, s14;
	s9 =	sadd.s32 $0x1000, s15;
	_ =	swait.ge [sflag:s17], $0x200  }
0x74: {  	s4 =	simm.s32 $0x1;
	s13 =	smov.u32 s7;
	[sflag:s17] =	ssyncset.done $0x0  }
.LBB2_2:
0x75: {  	s4 =	sadd.s32 $0x1, s4;
	[sflag:s17] =	ssyncadd.s32 $0xFFFFFE00;
	s13 =	sadd.s32 $0xFFFFF000, s13  }
0x76: {  	p1 =	sne.s32 s5, s4  }
0x77: {  	_ =	swait.ge [sflag:s25], $0x80  }
0x78: {  	[sflag:s25] =	ssyncset.done $0x0  }
0x79: {  	[sflag:s25] =	ssyncadd.s32 $0xFFFFFF80  }
0x7a: {  	_ =	swait.ge [sflag:s26], $0x80  }
0x7b: {  	[sflag:s26] =	ssyncset.done $0x0  }
0x7c: {  	[sflag:s26] =	ssyncadd.s32 $0xFFFFFF80  }
0x7d: {  	_ =	swait.ge [sflag:s29], $0x80  }
0x7e: {  	[sflag:s29] =	ssyncset.done $0x0  }
0x7f: {  	[sflag:s29] =	ssyncadd.s32 $0xFFFFFF80  }
0x80: {  	_ =	swait.ge [sflag:s31], $0x80  }
0x81: {  	[sflag:s31] =	ssyncset.done $0x0  }
0x82: {  	[sflag:s31] =	ssyncadd.s32 $0xFFFFFF80  }
0x83: {  	[spmem:s2] =	stream.indirect.scatter.add.f32 [tilespmem:s16], [sflag:$0x1], $0x1, s3, s20, $0xb8;
	[tilespmem:$0x700] =	vst v63  }
0x84: {  	_ = 	snop  }
0x85: {  	[spmem:s2] =	stream.indirect.scatter.add.f32 [tilespmem:s16], [sflag:$0x2], $0x1, s20, s20, $0xb8;
	[tilespmem:$0x700] =	vst v63  }
0x86: {  	_ = 	snop  }
0x87: {  	[spmem:s2] =	stream.indirect.scatter.add.f32 [tilespmem:s16], [sflag:$0x3], $0x1, s21, s20, $0xb8;
	[tilespmem:$0x700] =	vst v63  }
0x88: {  	_ = 	snop  }
0x89: {  	[spmem:s2] =	stream.indirect.scatter.add.f32 [tilespmem:s16], [sflag:$0x4], $0x1, s22, s20, $0xb8;
	[tilespmem:$0x700] =	vst v63  }
0x8a: {  	_ = 	snop  }
0x8b: {  	[tilespmem:s23], [sflag:$0x6] =	stream.linear.gather [hbm4b:s8+s3], $0x200, $0x38;
	[tilespmem:$0x700] =	vst v63  }
0x8c: {  	_ =	swait.ge [sflag:s24], $0x200  }
0x8d: {  	[sflag:s24] =	ssyncset.done $0x0  }
0x8e: {  	[sflag:s24] =	ssyncadd.s32 $0xFFFFFE00  }
0x8f: {  	_ =	swait.ge [sflag:s25], $0x80  }
0x90: {  	[sflag:s25] =	ssyncset.done $0x0  }
0x91: {  	[sflag:s25] =	ssyncadd.s32 $0xFFFFFF80  }
0x92: {  	[spmem:s2] =	stream.indirect.scatter.add.f32 [tilespmem:s16], [sflag:$0x1], $0x1, s23, s20, $0xb8;
	[tilespmem:$0x700] =	vst v63  }
0x93: {  	_ =	swait.ge [sflag:s26], $0x80  }
0x94: {  	[sflag:s26] =	ssyncset.done $0x0  }
0x95: {  	[sflag:s26] =	ssyncadd.s32 $0xFFFFFF80  }
0x96: {  	[spmem:s2] =	stream.indirect.scatter.add.f32 [tilespmem:s16], [sflag:$0x2], $0x1, s28, s20, $0xb8;
	[tilespmem:$0x700] =	vst v63  }
0x97: {  	_ =	swait.ge [sflag:s29], $0x80  }
0x98: {  	[sflag:s29] =	ssyncset.done $0x0  }
0x99: {  	[sflag:s29] =	ssyncadd.s32 $0xFFFFFF80  }
0x9a: {  	[spmem:s2] =	stream.indirect.scatter.add.f32 [tilespmem:s16], [sflag:$0x3], $0x1, s30, s20, $0xb8;
	[tilespmem:$0x700] =	vst v63  }
0x9b: {  	_ =	swait.ge [sflag:s31], $0x80  }
0x9c: {  	[sflag:s31] =	ssyncset.done $0x0  }
0x9d: {  	[sflag:s31] =	ssyncadd.s32 $0xFFFFFF80  }
0x9e: {  	[spmem:s2] =	stream.indirect.scatter.add.f32 [tilespmem:s16], [sflag:$0x4], $0x1, s0, s20, $0xb8;
	[tilespmem:$0x700] =	vst v63  }
.Ltmp1:
0x9f: {  	_ = 	snop;
	(pc) =	sbr.rel @p1 .LBB2_2-.Ltmp1, $4  }
0xa0: {  	_ = 	snop  }
0xa1: {  	[tilespmem:s3], [sflag:$0x5] =	stream.linear.gather [hbm4b:s9+s3], $0x200, $0x38;
	[tilespmem:$0x700] =	vst v63  }
0xa2: {  	_ =	swait.ge [sflag:s17], $0x200  }
0xa3: {  	s8 =	sadd.s32 $0x1000, s8;
	s9 =	sadd.s32 $0x1000, s9;
	[sflag:s17] =	ssyncset.done $0x0  }
.LBB2_3:
0xa4: {  	[sflag:s17] =	ssyncadd.s32 $0xFFFFFE00  }
0xa5: {  	_ =	swait.ge [sflag:s25], $0x80  }
0xa6: {  	[sflag:s25] =	ssyncset.done $0x0  }
0xa7: {  	[sflag:s25] =	ssyncadd.s32 $0xFFFFFF80  }
0xa8: {  	_ =	swait.ge [sflag:s26], $0x80  }
0xa9: {  	[sflag:s26] =	ssyncset.done $0x0  }
0xaa: {  	[sflag:s26] =	ssyncadd.s32 $0xFFFFFF80  }
0xab: {  	_ =	swait.ge [sflag:s29], $0x80  }
0xac: {  	[sflag:s29] =	ssyncset.done $0x0  }
0xad: {  	[sflag:s29] =	ssyncadd.s32 $0xFFFFFF80  }
0xae: {  	_ =	swait.ge [sflag:s31], $0x80  }
0xaf: {  	[sflag:s31] =	ssyncset.done $0x0  }
0xb0: {  	[sflag:s31] =	ssyncadd.s32 $0xFFFFFF80  }
0xb1: {  	[spmem:s2] =	stream.indirect.scatter.add.f32 [tilespmem:s16], [sflag:$0x1], $0x1, s3, s20, $0xb8;
	[tilespmem:$0x700] =	vst v63  }
0xb2: {  	_ = 	snop  }
0xb3: {  	[spmem:s2] =	stream.indirect.scatter.add.f32 [tilespmem:s16], [sflag:$0x2], $0x1, s20, s20, $0xb8;
	[tilespmem:$0x700] =	vst v63  }
0xb4: {  	_ = 	snop  }
0xb5: {  	[spmem:s2] =	stream.indirect.scatter.add.f32 [tilespmem:s16], [sflag:$0x3], $0x1, s21, s20, $0xb8;
	[tilespmem:$0x700] =	vst v63  }
0xb6: {  	_ = 	snop  }
0xb7: {  	[spmem:s2] =	stream.indirect.scatter.add.f32 [tilespmem:s16], [sflag:$0x4], $0x1, s22, s20, $0xb8;
	[tilespmem:$0x700] =	vst v63  }
0xb8: {  	_ = 	snop  }
0xb9: {  	[tilespmem:s23], [sflag:$0x6] =	stream.linear.gather [hbm4b:s8+s3], $0x200, $0x38;
	[tilespmem:$0x700] =	vst v63  }
0xba: {  	_ =	swait.ge [sflag:s24], $0x200  }
0xbb: {  	[sflag:s24] =	ssyncset.done $0x0  }
0xbc: {  	[sflag:s24] =	ssyncadd.s32 $0xFFFFFE00  }
0xbd: {  	_ =	swait.ge [sflag:s25], $0x80  }
0xbe: {  	[sflag:s25] =	ssyncset.done $0x0  }
0xbf: {  	[sflag:s25] =	ssyncadd.s32 $0xFFFFFF80  }
0xc0: {  	[spmem:s2] =	stream.indirect.scatter.add.f32 [tilespmem:s16], [sflag:$0x1], $0x1, s23, s20, $0xb8;
	[tilespmem:$0x700] =	vst v63  }
0xc1: {  	_ =	swait.ge [sflag:s26], $0x80  }
0xc2: {  	[sflag:s26] =	ssyncset.done $0x0  }
0xc3: {  	[sflag:s26] =	ssyncadd.s32 $0xFFFFFF80  }
0xc4: {  	[spmem:s2] =	stream.indirect.scatter.add.f32 [tilespmem:s16], [sflag:$0x2], $0x1, s28, s20, $0xb8;
	[tilespmem:$0x700] =	vst v63  }
0xc5: {  	_ =	swait.ge [sflag:s29], $0x80  }
0xc6: {  	[sflag:s29] =	ssyncset.done $0x0  }
0xc7: {  	[sflag:s29] =	ssyncadd.s32 $0xFFFFFF80  }
0xc8: {  	[spmem:s2] =	stream.indirect.scatter.add.f32 [tilespmem:s16], [sflag:$0x3], $0x1, s30, s20, $0xb8;
	[tilespmem:$0x700] =	vst v63  }
0xc9: {  	_ =	swait.ge [sflag:s31], $0x80  }
0xca: {  	[sflag:s31] =	ssyncset.done $0x0  }
0xcb: {  	p1 =	sge.u32 s4, s5;
	s8 =	sadd.s32 $0xFFFFF000, s13;
	[sflag:s31] =	ssyncadd.s32 $0xFFFFFF80  }
0xcc: {  	[spmem:s2] =	stream.indirect.scatter.add.f32 [tilespmem:s16], [sflag:$0x4], $0x1, s0, s20, $0xb8;
	[tilespmem:$0x700] =	vst v63  }
0xcd: {  	s4 =	ssub.s32 @!p1 $0x0, s8;
	s8 =	simm.s32 @!p1 $0x0  }
0xce: {  	[tilespmem:s8], [sflag:$0x5] =	stream.linear.gather @!p1 [hbm4b:s4+s8], $0x200, $0x38;
	[tilespmem:$0x700] =	vst v63  }
0xcf: {  	s4 =	simm.s32 @!p1 $0x5  }
0xd0: {  	_ =	swait.ge @!p1 [sflag:s4], $0x200  }
0xd1: {  	[sflag:s4] =	ssyncset.done @!p1 $0x0  }
0xd2: {  	[sflag:s4] =	ssyncadd.s32 @!p1 $0xFFFFFE00  }
0xd3: {  	_ =	swait.ge [sflag:s25], $0x80  }
0xd4: {  	[sflag:s25] =	ssyncset.done $0x0  }
0xd5: {  	[sflag:s25] =	ssyncadd.s32 $0xFFFFFF80  }
0xd6: {  	_ =	swait.ge [sflag:s26], $0x80  }
0xd7: {  	[sflag:s26] =	ssyncset.done $0x0  }
0xd8: {  	[sflag:s26] =	ssyncadd.s32 $0xFFFFFF80  }
0xd9: {  	_ =	swait.ge [sflag:s29], $0x80  }
0xda: {  	[sflag:s29] =	ssyncset.done $0x0  }
0xdb: {  	[sflag:s29] =	ssyncadd.s32 $0xFFFFFF80  }
0xdc: {  	_ =	swait.ge [sflag:s31], $0x80  }
0xdd: {  	[sflag:s31] =	ssyncset.done $0x0  }
0xde: {  	s4 =	simm.s32 @!p0 $0x0;
	s8 =	rddreg [dreg:$0x6];
	[sflag:s31] =	ssyncadd.s32 $0xFFFFFF80  }
0xdf: {  	[tilespmem:s4], [sflag:$0x5] =	stream.linear.gather @!p0 [hbm4b:s8+s4], $0x200, $0x38;
	[tilespmem:$0x700] =	vst v63  }
0xe0: {  	s8 =	simm.s32 @!p0 $0x5  }
0xe1: {  	_ =	swait.ge @!p0 [sflag:s8], $0x200  }
0xe2: {  	[sflag:s8] =	ssyncset.done @!p0 $0x0  }
0xe3: {  	s9 =	simm.s32 @!p0 $0x400;
	[sflag:s8] =	ssyncadd.s32 @!p0 $0xFFFFFE00;
	s8 =	simm.s32 @!p0 $0x80  }
0xe4: {  	[spmem:s2] =	stream.indirect.scatter.add.f32 @!p0 [tilespmem:s9], [sflag:$0x1], $0x1, s4, s8, $0xb8;
	[tilespmem:$0x700] =	vst v63  }
0xe5: {  	_ = 	snop  }
0xe6: {  	[spmem:s2] =	stream.indirect.scatter.add.f32 @!p0 [tilespmem:s9], [sflag:$0x2], $0x1, s8, s8, $0xb8;
	[tilespmem:$0x700] =	vst v63  }
0xe7: {  	s4 =	simm.s32 @!p0 $0x100  }
0xe8: {  	[spmem:s2] =	stream.indirect.scatter.add.f32 @!p0 [tilespmem:s9], [sflag:$0x3], $0x1, s4, s8, $0xb8;
	[tilespmem:$0x700] =	vst v63  }
0xe9: {  	s4 =	simm.s32 @!p0 $0x180  }
0xea: {  	[spmem:s2] =	stream.indirect.scatter.add.f32 @!p0 [tilespmem:s9], [sflag:$0x4], $0x1, s4, s8, $0xb8;
	[tilespmem:$0x700] =	vst v63  }
0xeb: {  	s4 =	simm.s32 @!p0 $0x1  }
0xec: {  	_ =	swait.ge @!p0 [sflag:s4], $0x80  }
0xed: {  	[sflag:s4] =	ssyncset.done @!p0 $0x0  }
0xee: {  	[sflag:s4] =	ssyncadd.s32 @!p0 $0xFFFFFF80;
	s4 =	simm.s32 @!p0 $0x2  }
0xef: {  	_ =	swait.ge @!p0 [sflag:s4], $0x80  }
0xf0: {  	[sflag:s4] =	ssyncset.done @!p0 $0x0  }
0xf1: {  	[sflag:s4] =	ssyncadd.s32 @!p0 $0xFFFFFF80;
	s4 =	simm.s32 @!p0 $0x3  }
0xf2: {  	_ =	swait.ge @!p0 [sflag:s4], $0x80  }
0xf3: {  	[sflag:s4] =	ssyncset.done @!p0 $0x0  }
0xf4: {  	[sflag:s4] =	ssyncadd.s32 @!p0 $0xFFFFFF80;
	s4 =	simm.s32 @!p0 $0x4  }
0xf5: {  	_ =	swait.ge @!p0 [sflag:s4], $0x80  }
0xf6: {  	[sflag:s4] =	ssyncset.done @!p0 $0x0  }
0xf7: {  	s1 =	sadd.s32 $0x1, s1;
	[sflag:s4] =	ssyncadd.s32 @!p0 $0xFFFFFF80  }
0xf8: {  	s13 =	simm.s32 $0x10;
	p1 =	sne.s32 s1, s10;
	[bflag:$0x0] =	sbarrier.arrive $0xFFFF  }
.Ltmp2:
0xf9: {  	s9 =	simm.s32 $0x20;
	s8 =	rddreg [dreg:$0x7];
	(pc) =	sbr.rel @p1 .LBB2_1-.Ltmp2, $4  }
0xfa: {  	[hbm:s8@s9], [sflag:s18] =	dma.strided [spmem:s19@s13], $0x50, s25, $0x10   }
0xfb: {  	_ =	swait.ge [sflag:s17], $0x50  }
0xfc: {  	[sflag:s17] =	ssyncset.done $0x0  }
0xfd: {  	[sflag:s17] =	ssyncadd.s32 $0xFFFFFFB0  }
0xfe: {  	_ =	sfence.sel $0x180000  }
0xff: {  	[bflag:$0x0] =	sbarrier.arrive $0xFFFF  }
0x100: {  	_ =	strace $0x90000047  }
0x101: {  	s0 =	stileid.u32;
	[bflag:$0x2] =	sbarrier.arrive $0xFFFF  }
0x102: {  	p0 =	sne.s32 s0, $0x0;
	s0 =	rddreg [dreg:$0x3]  }
0x103: {  	s0 =	sadd.s32 @!p0 $0x100000, s0  }
0x104: {  	[sflag:s0] =	ssyncadd.tile.s32 @!p0 $0x1;
	_ =	shalt  }
.Lfunc_end2:
_tile_overlayer_lowered:
.L_overlay_start_2:
0x105: {  	(tag) =	ssettag $0x2  }
0x106: {  	s0 =	rddreg [dreg:$0x0];
	s2 =	stileid.u32  }
0x107: {  	s1 =	rddreg [dreg:$0x1];
	p0 =	sne.s32 s2, $0x0  }
0x108: {  	s3 =	rddreg [dreg:$0x2];
	[bflag:$0x3] =	sbarrier.arrive $0xFFFF;
	s2 =	simm.s32 @!p0 $0x1C05  }
0x109: {  	[timem:s3], [sflag:s2] =	dma.local @!p0 [hbm:s0], s1  }
0x10a: {  	s0 =	simm.s32 @!p0 $0x5  }
0x10b: {  	_ =	swait.ge @!p0 [sflag:s0], s1  }
0x10c: {  	s1 =	ssub.s32 @!p0 $0x0, s1;
	[sflag:s0] =	ssyncset.done @!p0 $0x0  }
0x10d: {  	[sflag:s0] =	ssyncadd.s32 @!p0 s1  }
0x10e: {  	[bflag:$0x3] =	sbarrier.arrive $0xFFFF  }
0x10f: {  	_ =	shalt  }

// kernel: kernel.14.cloned.1.call-start
scs
__scs_entry_jumppad:
0x0: {  	(pc) =	sbr.rel $0x88, $3  }
0x1: {  	(tag) =	ssettag $0x0;
	lr =	simm.s32 $0x1  }
0x2: {  	[smem:$0x3F99] =	sst lr;
	_ =	strace $0xD0000000  }
0x3: {  	_ = 	snop  }
0x4: {  	_ = 	snop  }
0x5: {  	_ = 	snop  }
0x6: {  	_ = 	snop  }
0x7: {  	_ = 	snop  }
__scs_overlays_trampoline_lowered:
0x8: {  	[smem:$0x3FA8] =	sst s0  }
0x9: {  	[smem:$0x3FA9] =	sst s1  }
0xa: {  	[smem:$0x3FAA] =	sst s2  }
0xb: {  	[smem:$0x3FAB] =	sst s3  }
0xc: {  	[smem:$0x3FAC] =	sst s4  }
0xd: {  	[smem:$0x3FAD] =	sst s5  }
0xe: {  	[smem:$0x3FAE] =	sst s6  }
0xf: {  	[smem:$0x3FAF] =	sst s7  }
0x10: {  	[smem:$0x3FB0] =	sst s8  }
0x11: {  	[smem:$0x3FB1] =	sst s9;
	s0 =	simm.s32 @!p0 $0x0  }
0x12: {  	s1 =	sld [smem:$0x3F97];
	s0 =	simm.s32 @p0 $0x1  }
0x13: {  	[smem:$0x3FB2] =	sst s0;
	s0 =	simm.s32 @!p1 $0x0  }
0x14: {  	s2 =	sld [smem:$0x3F96];
	s0 =	simm.s32 @p1 $0x1  }
0x15: {  	[smem:$0x3FB3] =	sst s0;
	s0 =	simm.s32 @!p2 $0x0  }
0x16: {  	s3 =	sld [smem:$0x3FDB];
	s0 =	simm.s32 @p2 $0x1  }
0x17: {  	s4 =	simm.s32 $0x1BF5;
	[smem:$0x3FB5] =	sst s0  }
0x18: {  	s0 =	sld [smem:$0x3F98];
	_ =	swait.ge [sflag:s4], $0x0  }
0x19: {  	s7 =	sld [smem:$0x3F99]  }
0x1a: {  	s8 =	sadd.s32 $0xFFFFE003, lr  }
0x1b: {  	s9 =	sadd.s32 $0xFFFFFEF7, lr;
	s5 =	simm.s32 $0xFFFFFFFF;
	p2 =	slt.u32 s8, $0xFFFFF086  }
0x1c: {  	p1 =	slt.u32 s9, $0xF7A;
	s5 =	simm.s32 @!p2 $0x0  }
0x1d: {  	s5 =	simm.s32 @p1 $0x1;
	p0 =	seq.s32 s7, s2  }
0x1e: {  	s7 =	smul.u32 @!p0 $0xF7A, s2;
	p2 =	seq.s32 @!p0 s5, $0x0  }
0x1f: {  	s9 =	smul.u32 $0xF7A, s1;
	s8 =	simm.s32 @!p0 $0x1BF5;
	p2 =	por !p2, p0  }
0x20: {  	[sflag:s8] =	ssyncset.s32 @!p0 $0xFFFFF086;
	s6 =	sadd.s32 @!p0 s3, s7;
	s7 =	simm.s32 @!p0 $0x108  }
0x21: {  	s3 =	sadd.s32 s3, s9;
	s6 =	sadd.s32 @!p0 $0x88, s6;
	s7 =	simm.s32 @p2 $0x1082  }
0x22: {  	[simem:s7], [sflag:s8] =	dma.local @!p0 [hbm:s6], $0xF7A  }
0x23: {  	s9 =	sor.u32 $0xD0000000, s2;
	s6 =	simm.s32 $0x108;
	_ =	swait.ge @!p0 [sflag:s8], $0x0  }
0x24: {  	s3 =	sadd.s32 $0x88, s3;
	s6 =	simm.s32 @!p1 $0x1082;
	[sflag:s4] =	ssyncset.s32 $0xFFFFF086  }
0x25: {  	[simem:s6], [sflag:s4] =	dma.local [hbm:s3], $0xF7A  }
0x26: {  	[smem:$0x3F99] =	sst s1;
	(tag) =	ssettag s2;
	_ =	strace s9  }
0x27: {  	s1 =	sld [smem:$0x3FA9]  }
0x28: {  	s2 =	sld [smem:$0x3FAA]  }
0x29: {  	s4 =	sld [smem:$0x3FAC]  }
0x2a: {  	p0 =	seq.s32 s5, $0x0;
	s5 =	sld [smem:$0x3FAD]  }
0x2b: {  	s6 =	sld [smem:$0x3FAE]  }
0x2c: {  	s7 =	sld [smem:$0x3FAF]  }
0x2d: {  	s3 =	simm.s32 $0x108;
	s8 =	sld [smem:$0x3FB0]  }
0x2e: {  	s3 =	simm.s32 @!p0 $0x1082;
	s9 =	sld [smem:$0x3FB1]  }
0x2f: {  	lr =	sadd.s32 s0, s3;
	s0 =	sld [smem:$0x3FA8]  }
0x30: {  	s3 =	sld [smem:$0x3FAB]  }
0x31: {  	[smem:$0x3FB4] =	sst s10  }
0x32: {  	s10 =	sld [smem:$0x3FB2];
	_ =	sdelay $0x3  }
0x33: {  	p0 =	seq.s32 s10, $0x1;
	s10 =	sld [smem:$0x3FB4];
	_ =	sdelay $0x3  }
0x34: {  	[smem:$0x3FB4] =	sst s10  }
0x35: {  	s10 =	sld [smem:$0x3FB3];
	_ =	sdelay $0x3  }
0x36: {  	p1 =	seq.s32 s10, $0x1;
	s10 =	sld [smem:$0x3FB4];
	_ =	sdelay $0x3  }
0x37: {  	[smem:$0x3FB4] =	sst s10  }
0x38: {  	s10 =	sld [smem:$0x3FB5]  }
0x39: {  	_ = 	snop;
	(pc) =	sbr.ind lr, $3  }
0x3a: {  	_ = 	snop  }
0x3b: {  	_ = 	snop  }
0x3c: {  	p2 =	seq.s32 s10, $0x1;
	s10 =	sld [smem:$0x3FB4]  }
0x3d: {  	_ =	shalt  }
0x3e: {  	_ =	shalt  }
0x3f: {  	_ =	shalt  }
0x40: {  	_ =	shalt  }
0x41: {  	_ =	shalt  }
0x42: {  	_ =	shalt  }
0x43: {  	_ =	shalt  }
0x44: {  	_ =	shalt  }
0x45: {  	_ =	shalt  }
0x46: {  	_ =	shalt  }
0x47: {  	_ =	shalt  }
0x48: {  	_ =	shalt  }
0x49: {  	_ =	shalt  }
0x4a: {  	_ =	shalt  }
0x4b: {  	_ =	shalt  }
0x4c: {  	_ =	shalt  }
0x4d: {  	_ =	shalt  }
0x4e: {  	_ =	shalt  }
0x4f: {  	_ =	shalt  }
0x50: {  	_ =	shalt  }
0x51: {  	_ =	shalt  }
0x52: {  	_ =	shalt  }
0x53: {  	_ =	shalt  }
0x54: {  	_ =	shalt  }
0x55: {  	_ =	shalt  }
0x56: {  	_ =	shalt  }
0x57: {  	_ =	shalt  }
0x58: {  	_ =	shalt  }
0x59: {  	_ =	shalt  }
0x5a: {  	_ =	shalt  }
0x5b: {  	_ =	shalt  }
0x5c: {  	_ =	shalt  }
0x5d: {  	_ =	shalt  }
0x5e: {  	_ =	shalt  }
0x5f: {  	_ =	shalt  }
0x60: {  	_ =	shalt  }
0x61: {  	_ =	shalt  }
0x62: {  	_ =	shalt  }
0x63: {  	_ =	shalt  }
0x64: {  	_ =	shalt  }
0x65: {  	_ =	shalt  }
0x66: {  	_ =	shalt  }
0x67: {  	_ =	shalt  }
0x68: {  	_ =	shalt  }
0x69: {  	_ =	shalt  }
0x6a: {  	_ =	shalt  }
0x6b: {  	_ =	shalt  }
0x6c: {  	_ =	shalt  }
0x6d: {  	_ =	shalt  }
0x6e: {  	_ =	shalt  }
0x6f: {  	_ =	shalt  }
0x70: {  	_ =	shalt  }
0x71: {  	_ =	shalt  }
0x72: {  	_ =	shalt  }
0x73: {  	_ =	shalt  }
0x74: {  	_ =	shalt  }
0x75: {  	_ =	shalt  }
0x76: {  	_ =	shalt  }
0x77: {  	_ =	shalt  }
0x78: {  	_ =	shalt  }
0x79: {  	_ =	shalt  }
0x7a: {  	_ =	shalt  }
0x7b: {  	_ =	shalt  }
0x7c: {  	_ =	shalt  }
0x7d: {  	_ =	shalt  }
0x7e: {  	_ =	shalt  }
0x7f: {  	_ =	shalt  }
0x80: {  	_ =	shalt  }
0x81: {  	_ =	shalt  }
0x82: {  	_ =	shalt  }
0x83: {  	_ =	shalt  }
0x84: {  	_ =	shalt  }
0x85: {  	_ =	shalt  }
0x86: {  	_ =	shalt  }
0x87: {  	_ =	shalt  }
.Lfunc_end0:
.L_simem_size_0:
called_computation.1_lowered:
.L_overlay_start_0:
0x88: {  	s2 =	sld [smem:$0x3FD9]  }
0x89: {  	s3 =	sld [smem:$0x3FFE];
	_ =	sdelay $0x1  }
0x8a: {  	s1 =	srdreg.scid  }
0x8b: {  	s0 =	sand.u32 $0x1, s1  }
0x8c: {  	s17 =	sshll.u32 s0, $0xA;
	s2 =	sadd.s32 s3, s2  }
0x8d: {  	s2 =	sadd.s32 s2, s17  }
0x8e: {  	[smem:$0x3FC0] =	sst s2  }
0x8f: {  	_ = 	snop  }
0x90: {  	s2 =	sld [smem:$0x3FD0];
	(tm) =	ssettm $0x1  }
0x91: {  	s18 =	sld [smem:$0x3FFB];
	_ =	sdelay $0x3  }
0x92: {  	_ =	strace s18  }
0x93: {  	s3 =	sld [smem:$0x3FFC];
	_ =	sdelay $0x3  }
0x94: {  	_ =	strace s3  }
0x95: {  	s3 =	sld [smem:$0x3FFD];
	_ =	sdelay $0x3  }
0x96: {  	_ =	strace s3  }
0x97: {  	_ =	strace $0x8FFFFFFF  }
0x98: {  	s19 =	sld [smem:$0x3FDB];
	_ =	sdelay $0x1  }
0x99: {  	s4 =	simm.s32 $_scs_section_size  }
0x9a: {  	s5 =	simm.s32 $_size__tile_overlayer_lowered;
	s6 =	simm.s32 $_tile_overlayer_lowered  }
0x9b: {  	s22 =	simm.s32 $0x1BFF;
	s21 =	sshll.u32 s6, $0x1;
	s3 =	sadd.s32 s4, s19  }
0x9c: {  	s7 =	simm.s32 $0x0;
	s20 =	sshll.u32 s5, $0x1;
	s5 =	sadd.s32 s21, s3  }
0x9d: {  	[timem:s7], [sflag:s22] =	dma.local [hbm:s5], s20  }
0x9e: {  	_ =	swait.ge [sflag:s22], s20  }
0x9f: {  	s4 =	ssub.s32 $0x0, s20;
	[sflag:s22] =	ssyncset.done $0x0  }
0xa0: {  	[sflag:s22] =	ssyncadd.s32 s4;
	_ =	sdelay $0x1  }
0xa1: {  	s23 =	simm.s32 $0x1B8B  }
0xa2: {  	_ =	swait.ge [sflag:s23], $0x1  }
0xa3: {  	[sflag:s23] =	ssyncset.done $0x0  }
0xa4: {  	s25 =	simm.s32 $0x1B8E;
	s24 =	sld [smem:$0x3FFE];
	[sflag:s23] =	ssyncadd.s32 $0xFFFFFFFF  }
0xa5: {  	s26 =	simm.s32 $execute0_lowered;
	[smem:$0x3FD2] =	sst s25  }
0xa6: {  	s5 =	sshll.u32 s26, $0x1;
	_ =	strace $0x80000049;
	[dreg:$0x1] =	wrdreg $0xFFFFFFFF  }
0xa7: {  	s28 =	simm.s32 $_size_execute0_lowered;
	s3 =	sadd.s32 s3, s5;
	[dreg:$0x0] =	wrdreg $0x0  }
0xa8: {  	s5 =	sshll.u32 s28, $0x1;
	[dreg:$0x2] =	wrdreg s3  }
0xa9: {  	[dreg:$0x3] =	wrdreg s5  }
0xaa: {  	[dreg:$0x4] =	wrdreg $0xC0  }
0xab: {  	_ =	task [dreg:s7], $0x5FFFF  }
0xac: {  	[dreg:$0x1] =	wrdreg $0xFFFFFFFF  }
0xad: {  	[dreg:$0x0] =	wrdreg $0x60  }
0xae: {  	[dreg:$0x2] =	wrdreg s2  }
0xaf: {  	[dreg:$0x3] =	wrdreg s24  }
0xb0: {  	[dreg:$0x4] =	wrdreg $0x84000  }
0xb1: {  	[dreg:$0x5] =	wrdreg $0x9  }
0xb2: {  	_ =	task.clear_ibuf [dreg:s7], $0x6FFFF;
	_ =	strace $0x90000049  }
0xb3: {  	s29 =	simm.s32 $0x9;
	_ =	strace $0x8000004B  }
0xb4: {  	_ =	swait.ge [sflag:s29], $0x1  }
0xb5: {  	[sflag:s29] =	ssyncadd.s32 $0xFFFFFFFF  }
0xb6: {  	_ =	strace $0x9000004B  }
0xb7: {  	_ =	sfence  }
0xb8: {  	s30 =	sld [smem:$0x0];
	_ =	sdelay $0x2  }
0xb9: {  	s31 =	sshll.u32 s1, $0xD;
	s1 =	sshrl.u32 s1, $0x2  }
0xba: {  	s3 =	sand.u32 $0x4000, s31;
	s1 =	sadd.s32 s1, s30  }
0xbb: {  	s0 =	sor.u32 s3, s0;
	s1 =	sshll.u32 s1, $0x11  }
0xbc: {  	s0 =	sor.u32 s1, s0  }
0xbd: {  	s0 =	sadd.s32 $0x8F2B, s0  }
0xbe: {  	[sflag:s0] =	ssyncadd.remote.s32 $0x1  }
0xbf: {  	_ =	sfence.sel $0xFFFF  }
0xc0: {  	[dreg:$0x0] =	wrdreg $0xFFFFFFFF;
	(pc) =	sbr.abs _section_cstart, $3  }
0xc1: {  	[dreg:$0x1] =	wrdreg $0xFFFFFFFF  }
0xc2: {  	_ =	task.clear_ibuf [dreg:s7], $0x2FFFF;
	_ =	strace $0x9FFFFFFF  }
0xc3: {  	(tm) =	ssettm $0x7FFFFFFF  }
tec
execute0_lowered:
.L_overlay_start_1:
0x0: {  	(tag) =	ssettag $0x1  }
0x1: {  	s1 =	rddreg [dreg:$0x0]  }
0x2: {  	s0 =	rddreg [dreg:$0x1]  }
0x3: {  	s3 =	rddreg [dreg:$0x2]  }
0x4: {  	s4 =	simm.s32 $0x0;
	s12 =	stileid.u32;
	s2 =	srdreg.scid  }
0x5: {  	s18 =	simm.s32 $0x5;
	s28 =	simm.s32 $0x3;
	s29 =	simm.s32 $0x4  }
0x6: {  	s30 =	simm.s32 $0x300;
	s31 =	simm.s32 $0x280;
	[smem:$0x7FF] =	sst s4  }
0x7: {  	s5 =	smul.u32 $0x14000, s12;
	s2 =	sand.u32 $0x1, s2;
	s9 =	sadd.s32 $0x3C00, s0  }
0x8: {  	s8 =	smul.u32 $0x50000, s12;
	s22 =	sshll.u32 s12, $0x6;
	s11 =	sshll.u32 s12, $0x7  }
0x9: {  	p0 =	seq.s32 s12, $0x0;
	_ =	strace $0x8000004A;
	s6 =	smul.u32 $0x140000, s2  }
0xa: {  	s19 =	ssub.s32 $0x2, s2;
	s2 =	sshll.u32 s2, $0x6;
	s26 =	sadd.s32 s11, s9  }
0xb: {  	s7 =	sshrl.u32 s5, $0x3;
	s10 =	sshrl.u32 s19, $0x1;
	s8 =	sshrl.u32 s8, $0x2  }
0xc: {  	s23 =	sor.u32 s2, s11;
	s7 =	sadd.s32 s7, s0;
	s5 =	sadd.s32 s5, s6  }
0xd: {  	s20 =	ssub.s32 s19, s10;
	s21 =	sadd.s32 s8, s3;
	s6 =	sor.u32 $0x1C05, s22  }
0xe: {  	s8 =	sadd.s32 s9, s23;
	s19 =	simm.s32 $0x80;
	s22 =	simm.s32 $0x4400  }
0xf: {  	s23 =	simm.s32 $0x200;
	s5 =	sshrl.u32 s5, $0x3;
	s7 =	sadd.s32 $0x17600, s7  }
0x10: {  	s24 =	sadd.s32 $0x13000, s8;
	s25 =	smax.u32 s20, $0x1;
	s12 =	sadd.s32 $0x800, s8  }
0x11: {  	s13 =	sadd.s32 $0x1000, s8;
	s14 =	ssub.s32 $0xFFFFE000, s8;
	s16 =	sadd.s32 $0x2000, s8  }
0x12: {  	s17 =	sshrl.u32 s21, $0x3;
	s20 =	simm.s32 $0x400;
	[dreg:$0x4] =	wrdreg s7  }
0x13: {  	s21 =	simm.s32 $0x100;
	s0 =	sadd.s32 s5, s0;
	[dreg:$0x5] =	wrdreg s24  }
0x14: {  	s7 =	simm.s32 $0x12;
	[dreg:$0x7] =	wrdreg s25;
	s24 =	simm.s32 $0x1  }
0x15: {  	s25 =	simm.s32 $0x2;
	s7 =	simm.s32 @!p0 $0x11;
	s0 =	sadd.s32 $0x3F600, s0  }
0x16: {  	[dreg:$0x6] =	wrdreg s0;
	s0 =	sadd.s32 s2, s26;
	s26 =	simm.s32 $0x180  }
0x17: {  	s2 =	simm.s32 $0x0;
	s15 =	sadd.s32 $0x1800, s0;
	s0 =	simm.s32 $0x380  }
.LBB2_1:
0x18: {  	s5 =	rddreg [dreg:$0x4]  }
0x19: {  	[spmem:s17], [sflag:s6] =	dma.local [hbm:s5], $0x2800  }
0x1a: {  	_ =	swait.ge [sflag:s18], $0x2800  }
0x1b: {  	[sflag:s18] =	ssyncset.done $0x0  }
0x1c: {  	[sflag:s18] =	ssyncadd.s32 $0xFFFFD800  }
0x1d: {  	[bflag:$0x0] =	sbarrier.arrive $0xFFFF  }
0x1e: {  	[tilespmem:s4], [sflag:$0x5] =	stream.linear.gather [hbm4b:s8+s4], $0x200, $0x38;
	[tilespmem:$0x1C400] =	vst v63  }
0x1f: {  	_ =	swait.ge [sflag:s18], $0x200  }
0x20: {  	[sflag:s18] =	ssyncset.done $0x0  }
0x21: {  	[sflag:s18] =	ssyncadd.s32 $0xFFFFFE00  }
0x22: {  	[tilespmem:s20], [sflag:$0x1] =	stream.indirect.gather [hbm4b:s1+s19], $0x80, s4, s19, $0xb8;
	[tilespmem:$0x1C400] =	vst v63  }
0x23: {  	_ = 	snop  }
0x24: {  	[tilespmem:s22], [sflag:$0x2] =	stream.indirect.gather [hbm4b:s1+s19], $0x80, s21, s19, $0xb8;
	[tilespmem:$0x1C400] =	vst v63  }
0x25: {  	_ = 	snop  }
0x26: {  	[tilespmem:s23], [sflag:$0x5] =	stream.linear.gather [hbm4b:s12+s4], $0x200, $0x38;
	[tilespmem:$0x1C400] =	vst v63  }
0x27: {  	_ =	swait.ge [sflag:s18], $0x200  }
0x28: {  	[sflag:s18] =	ssyncset.done $0x0  }
0x29: {  	[sflag:s18] =	ssyncadd.s32 $0xFFFFFE00  }
0x2a: {  	_ =	swait.ge [sflag:s24], $0x4000  }
0x2b: {  	[sflag:s24] =	ssyncset.done $0x0  }
0x2c: {  	[sflag:s24] =	ssyncadd.s32 $0xFFFFC000  }
0x2d: {  	[spmem:s3] =	stream.indirect.scatter.add.f32 [tilespmem:s20], [sflag:$0x3], $0x80, s19, s19, $0xb8;
	[tilespmem:$0x1C400] =	vst v63  }
0x2e: {  	_ =	swait.ge [sflag:s25], $0x4000  }
0x2f: {  	[sflag:s25] =	ssyncset.done $0x0  }
0x30: {  	[sflag:s25] =	ssyncadd.s32 $0xFFFFC000  }
0x31: {  	[spmem:s3] =	stream.indirect.scatter.add.f32 [tilespmem:s22], [sflag:$0x4], $0x80, s26, s19, $0xb8;
	[tilespmem:$0x1C400] =	vst v63  }
0x32: {  	_ =	swait.ge [sflag:s28], $0x4000  }
0x33: {  	[sflag:s28] =	ssyncset.done $0x0  }
0x34: {  	[sflag:s28] =	ssyncadd.s32 $0xFFFFC000  }
0x35: {  	[tilespmem:s20], [sflag:$0x1] =	stream.indirect.gather [hbm4b:s1+s19], $0x80, s23, s19, $0xb8;
	[tilespmem:$0x1C400] =	vst v63  }
0x36: {  	_ =	swait.ge [sflag:s29], $0x4000  }
0x37: {  	[sflag:s29] =	ssyncset.done $0x0  }
0x38: {  	[sflag:s29] =	ssyncadd.s32 $0xFFFFC000  }
0x39: {  	[tilespmem:s22], [sflag:$0x2] =	stream.indirect.gather [hbm4b:s1+s19], $0x80, s30, s19, $0xb8;
	[tilespmem:$0x1C400] =	vst v63  }
0x3a: {  	_ = 	snop  }
0x3b: {  	[tilespmem:s4], [sflag:$0x5] =	stream.linear.gather [hbm4b:s13+s4], $0x200, $0x38;
	[tilespmem:$0x1C400] =	vst v63  }
0x3c: {  	_ =	swait.ge [sflag:s18], $0x200  }
0x3d: {  	[sflag:s18] =	ssyncset.done $0x0  }
0x3e: {  	[sflag:s18] =	ssyncadd.s32 $0xFFFFFE00  }
0x3f: {  	_ =	swait.ge [sflag:s24], $0x4000  }
0x40: {  	[sflag:s24] =	ssyncset.done $0x0  }
0x41: {  	[sflag:s24] =	ssyncadd.s32 $0xFFFFC000  }
0x42: {  	[spmem:s3] =	stream.indirect.scatter.add.f32 [tilespmem:s20], [sflag:$0x3], $0x80, s31, s19, $0xb8;
	[tilespmem:$0x1C400] =	vst v63  }
0x43: {  	_ =	swait.ge [sflag:s25], $0x4000  }
0x44: {  	[sflag:s25] =	ssyncset.done $0x0  }
0x45: {  	[sflag:s25] =	ssyncadd.s32 $0xFFFFC000  }
0x46: {  	[spmem:s3] =	stream.indirect.scatter.add.f32 [tilespmem:s22], [sflag:$0x4], $0x80, s0, s19, $0xb8;
	[tilespmem:$0x1C400] =	vst v63  }
0x47: {  	_ =	swait.ge [sflag:s28], $0x4000  }
0x48: {  	[sflag:s28] =	ssyncset.done $0x0  }
0x49: {  	[sflag:s28] =	ssyncadd.s32 $0xFFFFC000  }
0x4a: {  	_ =	swait.ge [sflag:s29], $0x4000  }
0x4b: {  	[sflag:s29] =	ssyncset.done $0x0  }
0x4c: {  	[sflag:s29] =	ssyncadd.s32 $0xFFFFC000  }
0x4d: {  	[tilespmem:s20], [sflag:$0x1] =	stream.indirect.gather [hbm4b:s1+s19], $0x80, s4, s19, $0xb8;
	[tilespmem:$0x1C400] =	vst v63  }
0x4e: {  	_ = 	snop  }
0x4f: {  	[tilespmem:s22], [sflag:$0x2] =	stream.indirect.gather [hbm4b:s1+s19], $0x80, s21, s19, $0xb8;
	[tilespmem:$0x1C400] =	vst v63  }
0x50: {  	_ = 	snop  }
0x51: {  	[tilespmem:s23], [sflag:$0x5] =	stream.linear.gather [hbm4b:s15+s4], $0x200, $0x38;
	[tilespmem:$0x1C400] =	vst v63  }
0x52: {  	_ =	swait.ge [sflag:s18], $0x200  }
0x53: {  	[sflag:s18] =	ssyncset.done $0x0  }
0x54: {  	[sflag:s18] =	ssyncadd.s32 $0xFFFFFE00  }
0x55: {  	_ =	swait.ge [sflag:s24], $0x4000  }
0x56: {  	[sflag:s24] =	ssyncset.done $0x0  }
0x57: {  	[sflag:s24] =	ssyncadd.s32 $0xFFFFC000  }
0x58: {  	[spmem:s3] =	stream.indirect.scatter.add.f32 [tilespmem:s20], [sflag:$0x3], $0x80, s19, s19, $0xb8;
	[tilespmem:$0x1C400] =	vst v63  }
0x59: {  	_ =	swait.ge [sflag:s25], $0x4000  }
0x5a: {  	[sflag:s25] =	ssyncset.done $0x0  }
0x5b: {  	[sflag:s25] =	ssyncadd.s32 $0xFFFFC000  }
0x5c: {  	[spmem:s3] =	stream.indirect.scatter.add.f32 [tilespmem:s22], [sflag:$0x4], $0x80, s26, s19, $0xb8;
	[tilespmem:$0x1C400] =	vst v63  }
0x5d: {  	_ =	swait.ge [sflag:s28], $0x4000  }
0x5e: {  	[sflag:s28] =	ssyncset.done $0x0  }
0x5f: {  	[sflag:s28] =	ssyncadd.s32 $0xFFFFC000  }
0x60: {  	[tilespmem:s20], [sflag:$0x1] =	stream.indirect.gather [hbm4b:s1+s19], $0x80, s23, s19, $0xb8;
	[tilespmem:$0x1C400] =	vst v63  }
0x61: {  	_ =	swait.ge [sflag:s29], $0x4000  }
0x62: {  	[sflag:s29] =	ssyncset.done $0x0  }
0x63: {  	[sflag:s29] =	ssyncadd.s32 $0xFFFFC000  }
0x64: {  	[tilespmem:s22], [sflag:$0x2] =	stream.indirect.gather [hbm4b:s1+s19], $0x80, s30, s19, $0xb8;
	[tilespmem:$0x1C400] =	vst v63  }
0x65: {  	_ = 	snop  }
0x66: {  	[tilespmem:s4], [sflag:$0x5] =	stream.linear.gather [hbm4b:s16+s4], $0x200, $0x38;
	[tilespmem:$0x1C400] =	vst v63  }
0x67: {  	_ =	swait.ge [sflag:s18], $0x200  }
0x68: {  	[sflag:s18] =	ssyncset.done $0x0  }
0x69: {  	[sflag:s18] =	ssyncadd.s32 $0xFFFFFE00  }
0x6a: {  	_ =	swait.ge [sflag:s24], $0x4000  }
0x6b: {  	p1 =	sne.s32 s7, $0x1;
	[sflag:s24] =	ssyncset.done $0x0  }
.Ltmp0:
0x6c: {  	[sflag:s24] =	ssyncadd.s32 $0xFFFFC000;
	(pc) =	sbr.rel @!p1 .LBB2_3-.Ltmp0, $4  }
0x6d: {  	[spmem:s3] =	stream.indirect.scatter.add.f32 [tilespmem:s20], [sflag:$0x3], $0x80, s31, s19, $0xb8;
	[tilespmem:$0x1C400] =	vst v63  }
0x6e: {  	_ =	swait.ge [sflag:s25], $0x4000  }
0x6f: {  	s11 =	sadd.s32 $0x1000, s16;
	s9 =	sadd.s32 $0xFFFFF000, s14;
	[sflag:s25] =	ssyncset.done $0x0  }
0x70: {  	s10 =	sadd.s32 $0x1000, s15;
	s5 =	simm.s32 $0x1;
	[sflag:s25] =	ssyncadd.s32 $0xFFFFC000  }
.LBB2_2:
0x71: {  	[spmem:s3] =	stream.indirect.scatter.add.f32 [tilespmem:s22], [sflag:$0x4], $0x80, s0, s19, $0xb8;
	[tilespmem:$0x1C400] =	vst v63  }
0x72: {  	s5 =	sadd.s32 $0x1, s5;
	_ =	swait.ge [sflag:s28], $0x4000  }
0x73: {  	p1 =	sne.s32 s7, s5;
	[sflag:s28] =	ssyncset.done $0x0  }
0x74: {  	[sflag:s28] =	ssyncadd.s32 $0xFFFFC000  }
0x75: {  	_ =	swait.ge [sflag:s29], $0x4000  }
0x76: {  	[sflag:s29] =	ssyncset.done $0x0  }
0x77: {  	[sflag:s29] =	ssyncadd.s32 $0xFFFFC000  }
0x78: {  	[tilespmem:s20], [sflag:$0x1] =	stream.indirect.gather [hbm4b:s1+s19], $0x80, s4, s19, $0xb8;
	[tilespmem:$0x1C400] =	vst v63  }
0x79: {  	_ = 	snop  }
0x7a: {  	[tilespmem:s22], [sflag:$0x2] =	stream.indirect.gather [hbm4b:s1+s19], $0x80, s21, s19, $0xb8;
	[tilespmem:$0x1C400] =	vst v63  }
0x7b: {  	_ = 	snop  }
0x7c: {  	[tilespmem:s23], [sflag:$0x5] =	stream.linear.gather [hbm4b:s10+s4], $0x200, $0x38;
	[tilespmem:$0x1C400] =	vst v63  }
0x7d: {  	_ =	swait.ge [sflag:s18], $0x200  }
0x7e: {  	[sflag:s18] =	ssyncset.done $0x0  }
0x7f: {  	[sflag:s18] =	ssyncadd.s32 $0xFFFFFE00  }
0x80: {  	_ =	swait.ge [sflag:s24], $0x4000  }
0x81: {  	[sflag:s24] =	ssyncset.done $0x0  }
0x82: {  	[sflag:s24] =	ssyncadd.s32 $0xFFFFC000  }
0x83: {  	[spmem:s3] =	stream.indirect.scatter.add.f32 [tilespmem:s20], [sflag:$0x3], $0x80, s19, s19, $0xb8;
	[tilespmem:$0x1C400] =	vst v63  }
0x84: {  	_ =	swait.ge [sflag:s25], $0x4000  }
0x85: {  	[sflag:s25] =	ssyncset.done $0x0  }
0x86: {  	[sflag:s25] =	ssyncadd.s32 $0xFFFFC000  }
0x87: {  	[spmem:s3] =	stream.indirect.scatter.add.f32 [tilespmem:s22], [sflag:$0x4], $0x80, s26, s19, $0xb8;
	[tilespmem:$0x1C400] =	vst v63  }
0x88: {  	_ =	swait.ge [sflag:s28], $0x4000  }
0x89: {  	[sflag:s28] =	ssyncset.done $0x0  }
0x8a: {  	[sflag:s28] =	ssyncadd.s32 $0xFFFFC000  }
0x8b: {  	[tilespmem:s20], [sflag:$0x1] =	stream.indirect.gather [hbm4b:s1+s19], $0x80, s23, s19, $0xb8;
	[tilespmem:$0x1C400] =	vst v63  }
0x8c: {  	_ =	swait.ge [sflag:s29], $0x4000  }
0x8d: {  	[sflag:s29] =	ssyncset.done $0x0  }
0x8e: {  	[sflag:s29] =	ssyncadd.s32 $0xFFFFC000  }
0x8f: {  	[tilespmem:s22], [sflag:$0x2] =	stream.indirect.gather [hbm4b:s1+s19], $0x80, s30, s19, $0xb8;
	[tilespmem:$0x1C400] =	vst v63  }
0x90: {  	_ = 	snop  }
0x91: {  	[tilespmem:s4], [sflag:$0x5] =	stream.linear.gather [hbm4b:s11+s4], $0x200, $0x38;
	[tilespmem:$0x1C400] =	vst v63  }
0x92: {  	_ =	swait.ge [sflag:s18], $0x200  }
0x93: {  	[sflag:s18] =	ssyncset.done $0x0  }
0x94: {  	[sflag:s18] =	ssyncadd.s32 $0xFFFFFE00  }
0x95: {  	_ =	swait.ge [sflag:s24], $0x4000  }
0x96: {  	[sflag:s24] =	ssyncset.done $0x0  }
.Ltmp1:
0x97: {  	[sflag:s24] =	ssyncadd.s32 $0xFFFFC000;
	(pc) =	sbr.rel @p1 .LBB2_2-.Ltmp1, $4  }
0x98: {  	[spmem:s3] =	stream.indirect.scatter.add.f32 [tilespmem:s20], [sflag:$0x3], $0x80, s31, s19, $0xb8;
	[tilespmem:$0x1C400] =	vst v63  }
0x99: {  	_ =	swait.ge [sflag:s25], $0x4000  }
0x9a: {  	s11 =	sadd.s32 $0x1000, s11;
	[sflag:s25] =	ssyncset.done $0x0  }
0x9b: {  	s9 =	sadd.s32 $0xFFFFF000, s9;
	s10 =	sadd.s32 $0x1000, s10;
	[sflag:s25] =	ssyncadd.s32 $0xFFFFC000  }
.LBB2_3:
0x9c: {  	[spmem:s3] =	stream.indirect.scatter.add.f32 [tilespmem:s22], [sflag:$0x4], $0x80, s0, s19, $0xb8;
	[tilespmem:$0x1C400] =	vst v63  }
0x9d: {  	_ =	swait.ge [sflag:s28], $0x4000  }
0x9e: {  	[sflag:s28] =	ssyncset.done $0x0  }
0x9f: {  	[sflag:s28] =	ssyncadd.s32 $0xFFFFC000  }
0xa0: {  	_ =	swait.ge [sflag:s29], $0x4000  }
0xa1: {  	[sflag:s29] =	ssyncset.done $0x0  }
0xa2: {  	[sflag:s29] =	ssyncadd.s32 $0xFFFFC000  }
0xa3: {  	[tilespmem:s20], [sflag:$0x1] =	stream.indirect.gather [hbm4b:s1+s19], $0x80, s4, s19, $0xb8;
	[tilespmem:$0x1C400] =	vst v63  }
0xa4: {  	_ = 	snop  }
0xa5: {  	[tilespmem:s22], [sflag:$0x2] =	stream.indirect.gather [hbm4b:s1+s19], $0x80, s21, s19, $0xb8;
	[tilespmem:$0x1C400] =	vst v63  }
0xa6: {  	_ = 	snop  }
0xa7: {  	[tilespmem:s23], [sflag:$0x5] =	stream.linear.gather [hbm4b:s10+s4], $0x200, $0x38;
	[tilespmem:$0x1C400] =	vst v63  }
0xa8: {  	_ =	swait.ge [sflag:s18], $0x200  }
0xa9: {  	[sflag:s18] =	ssyncset.done $0x0  }
0xaa: {  	[sflag:s18] =	ssyncadd.s32 $0xFFFFFE00  }
0xab: {  	_ =	swait.ge [sflag:s24], $0x4000  }
0xac: {  	[sflag:s24] =	ssyncset.done $0x0  }
0xad: {  	[sflag:s24] =	ssyncadd.s32 $0xFFFFC000  }
0xae: {  	[spmem:s3] =	stream.indirect.scatter.add.f32 [tilespmem:s20], [sflag:$0x3], $0x80, s19, s19, $0xb8;
	[tilespmem:$0x1C400] =	vst v63  }
0xaf: {  	_ =	swait.ge [sflag:s25], $0x4000  }
0xb0: {  	[sflag:s25] =	ssyncset.done $0x0  }
0xb1: {  	[sflag:s25] =	ssyncadd.s32 $0xFFFFC000  }
0xb2: {  	[spmem:s3] =	stream.indirect.scatter.add.f32 [tilespmem:s22], [sflag:$0x4], $0x80, s26, s19, $0xb8;
	[tilespmem:$0x1C400] =	vst v63  }
0xb3: {  	_ =	swait.ge [sflag:s28], $0x4000  }
0xb4: {  	[sflag:s28] =	ssyncset.done $0x0  }
0xb5: {  	[sflag:s28] =	ssyncadd.s32 $0xFFFFC000  }
0xb6: {  	[tilespmem:s20], [sflag:$0x1] =	stream.indirect.gather [hbm4b:s1+s19], $0x80, s23, s19, $0xb8;
	[tilespmem:$0x1C400] =	vst v63  }
0xb7: {  	_ =	swait.ge [sflag:s29], $0x4000  }
0xb8: {  	[sflag:s29] =	ssyncset.done $0x0  }
0xb9: {  	p1 =	sge.u32 s5, s7;
	[sflag:s29] =	ssyncadd.s32 $0xFFFFC000  }
0xba: {  	[tilespmem:s22], [sflag:$0x2] =	stream.indirect.gather [hbm4b:s1+s19], $0x80, s30, s19, $0xb8;
	[tilespmem:$0x1C400] =	vst v63  }
0xbb: {  	s5 =	ssub.s32 @!p1 $0x0, s9;
	s9 =	simm.s32 @!p1 $0x0  }
0xbc: {  	[tilespmem:s9], [sflag:$0x5] =	stream.linear.gather @!p1 [hbm4b:s5+s9], $0x200, $0x38;
	[tilespmem:$0x1C400] =	vst v63  }
0xbd: {  	s5 =	simm.s32 @!p1 $0x5  }
0xbe: {  	_ =	swait.ge @!p1 [sflag:s5], $0x200  }
0xbf: {  	[sflag:s5] =	ssyncset.done @!p1 $0x0  }
0xc0: {  	[sflag:s5] =	ssyncadd.s32 @!p1 $0xFFFFFE00  }
0xc1: {  	_ =	swait.ge [sflag:s24], $0x4000  }
0xc2: {  	[sflag:s24] =	ssyncset.done $0x0  }
0xc3: {  	[sflag:s24] =	ssyncadd.s32 $0xFFFFC000  }
0xc4: {  	[spmem:s3] =	stream.indirect.scatter.add.f32 [tilespmem:s20], [sflag:$0x3], $0x80, s31, s19, $0xb8;
	[tilespmem:$0x1C400] =	vst v63  }
0xc5: {  	_ =	swait.ge [sflag:s25], $0x4000  }
0xc6: {  	[sflag:s25] =	ssyncset.done $0x0  }
0xc7: {  	[sflag:s25] =	ssyncadd.s32 $0xFFFFC000  }
0xc8: {  	[spmem:s3] =	stream.indirect.scatter.add.f32 [tilespmem:s22], [sflag:$0x4], $0x80, s0, s19, $0xb8;
	[tilespmem:$0x1C400] =	vst v63  }
0xc9: {  	_ =	swait.ge [sflag:s28], $0x4000  }
0xca: {  	[sflag:s28] =	ssyncset.done $0x0  }
0xcb: {  	[sflag:s28] =	ssyncadd.s32 $0xFFFFC000  }
0xcc: {  	_ =	swait.ge [sflag:s29], $0x4000  }
0xcd: {  	[sflag:s29] =	ssyncset.done $0x0  }
0xce: {  	s5 =	simm.s32 @!p0 $0x0;
	s9 =	rddreg [dreg:$0x5];
	[sflag:s29] =	ssyncadd.s32 $0xFFFFC000  }
0xcf: {  	[tilespmem:s5], [sflag:$0x5] =	stream.linear.gather @!p0 [hbm4b:s9+s5], $0x200, $0x38;
	[tilespmem:$0x1C400] =	vst v63  }
0xd0: {  	s9 =	simm.s32 @!p0 $0x5  }
0xd1: {  	_ =	swait.ge @!p0 [sflag:s9], $0x200  }
0xd2: {  	[sflag:s9] =	ssyncset.done @!p0 $0x0  }
0xd3: {  	s10 =	simm.s32 @!p0 $0x400;
	[sflag:s9] =	ssyncadd.s32 @!p0 $0xFFFFFE00;
	s9 =	simm.s32 @!p0 $0x80  }
0xd4: {  	[tilespmem:s10], [sflag:$0x1] =	stream.indirect.gather @!p0 [hbm4b:s1+s9], $0x80, s5, s9, $0xb8;
	[tilespmem:$0x1C400] =	vst v63  }
0xd5: {  	s11 =	simm.s32 @!p0 $0x4400;
	s5 =	simm.s32 @!p0 $0x100  }
0xd6: {  	[tilespmem:s11], [sflag:$0x2] =	stream.indirect.gather @!p0 [hbm4b:s1+s9], $0x80, s5, s9, $0xb8;
	[tilespmem:$0x1C400] =	vst v63  }
0xd7: {  	s5 =	simm.s32 @!p0 $0x1  }
0xd8: {  	_ =	swait.ge @!p0 [sflag:s5], $0x4000  }
0xd9: {  	[sflag:s5] =	ssyncset.done @!p0 $0x0  }
0xda: {  	[sflag:s5] =	ssyncadd.s32 @!p0 $0xFFFFC000;
	s5 =	simm.s32 @!p0 $0x2  }
0xdb: {  	[spmem:s3] =	stream.indirect.scatter.add.f32 @!p0 [tilespmem:s10], [sflag:$0x3], $0x80, s9, s9, $0xb8;
	[tilespmem:$0x1C400] =	vst v63  }
0xdc: {  	_ =	swait.ge @!p0 [sflag:s5], $0x4000  }
0xdd: {  	[sflag:s5] =	ssyncset.done @!p0 $0x0  }
0xde: {  	[sflag:s5] =	ssyncadd.s32 @!p0 $0xFFFFC000;
	s5 =	simm.s32 @!p0 $0x180  }
0xdf: {  	[spmem:s3] =	stream.indirect.scatter.add.f32 @!p0 [tilespmem:s11], [sflag:$0x4], $0x80, s5, s9, $0xb8;
	[tilespmem:$0x1C400] =	vst v63  }
0xe0: {  	s5 =	simm.s32 @!p0 $0x3  }
0xe1: {  	_ =	swait.ge @!p0 [sflag:s5], $0x4000  }
0xe2: {  	[sflag:s5] =	ssyncset.done @!p0 $0x0  }
0xe3: {  	[sflag:s5] =	ssyncadd.s32 @!p0 $0xFFFFC000;
	s5 =	simm.s32 @!p0 $0x4  }
0xe4: {  	_ =	swait.ge @!p0 [sflag:s5], $0x4000  }
0xe5: {  	[sflag:s5] =	ssyncset.done @!p0 $0x0  }
0xe6: {  	[sflag:s5] =	ssyncadd.s32 @!p0 $0xFFFFC000  }
0xe7: {  	[bflag:$0x0] =	sbarrier.arrive $0xFFFF  }
0xe8: {  	s10 =	rddreg [dreg:$0x6]  }
0xe9: {  	[hbm:s10], [sflag:s6] =	dma.local [spmem:s17], $0x2800  }
0xea: {  	_ =	swait.ge [sflag:s18], $0x2800  }
0xeb: {  	s2 =	sadd.s32 $0x1, s2;
	s11 =	rddreg [dreg:$0x7]  }
0xec: {  	p1 =	sne.s32 s2, s11  }
.Ltmp2:
0xed: {  	_ = 	snop;
	(pc) =	sbr.rel @p1 .LBB2_1-.Ltmp2, $3  }
0xee: {  	_ =	sdelay $0x1  }
0xef: {  	[sflag:s18] =	ssyncset.done $0x0  }
0xf0: {  	[sflag:s18] =	ssyncadd.s32 $0xFFFFD800  }
0xf1: {  	_ =	sfence.sel $0x180000  }
0xf2: {  	[bflag:$0x0] =	sbarrier.arrive $0xFFFF  }
0xf3: {  	_ =	strace $0x9000004A  }
0xf4: {  	s0 =	stileid.u32;
	[bflag:$0x2] =	sbarrier.arrive $0xFFFF  }
0xf5: {  	p0 =	sne.s32 s0, $0x0;
	s0 =	rddreg [dreg:$0x3]  }
0xf6: {  	s0 =	sadd.s32 @!p0 $0x100000, s0  }
0xf7: {  	[sflag:s0] =	ssyncadd.tile.s32 @!p0 $0x1;
	_ =	shalt  }
.Lfunc_end2:
_tile_overlayer_lowered:
.L_overlay_start_2:
0xf8: {  	(tag) =	ssettag $0x2  }
0xf9: {  	s0 =	rddreg [dreg:$0x0];
	s2 =	stileid.u32  }
0xfa: {  	s1 =	rddreg [dreg:$0x1];
	p0 =	sne.s32 s2, $0x0  }
0xfb: {  	s3 =	rddreg [dreg:$0x2];
	[bflag:$0x3] =	sbarrier.arrive $0xFFFF;
	s2 =	simm.s32 @!p0 $0x1C05  }
0xfc: {  	[timem:s3], [sflag:s2] =	dma.local @!p0 [hbm:s0], s1  }
0xfd: {  	s0 =	simm.s32 @!p0 $0x5  }
0xfe: {  	_ =	swait.ge @!p0 [sflag:s0], s1  }
0xff: {  	s1 =	ssub.s32 @!p0 $0x0, s1;
	[sflag:s0] =	ssyncset.done @!p0 $0x0  }
0x100: {  	[sflag:s0] =	ssyncadd.s32 @!p0 s1  }
0x101: {  	[bflag:$0x3] =	sbarrier.arrive $0xFFFF  }
0x102: {  	_ =	shalt  }

// kernel: kernel.17.cloned.1.call-start
scs
__scs_entry_jumppad:
0x0: {  	(pc) =	sbr.rel $0x88, $3  }
0x1: {  	(tag) =	ssettag $0x0;
	lr =	simm.s32 $0x1  }
0x2: {  	[smem:$0x3F99] =	sst lr;
	_ =	strace $0xD0000000  }
0x3: {  	_ = 	snop  }
0x4: {  	_ = 	snop  }
0x5: {  	_ = 	snop  }
0x6: {  	_ = 	snop  }
0x7: {  	_ = 	snop  }
__scs_overlays_trampoline_lowered:
0x8: {  	[smem:$0x3FA8] =	sst s0  }
0x9: {  	[smem:$0x3FA9] =	sst s1  }
0xa: {  	[smem:$0x3FAA] =	sst s2  }
0xb: {  	[smem:$0x3FAB] =	sst s3  }
0xc: {  	[smem:$0x3FAC] =	sst s4  }
0xd: {  	[smem:$0x3FAD] =	sst s5  }
0xe: {  	[smem:$0x3FAE] =	sst s6  }
0xf: {  	[smem:$0x3FAF] =	sst s7  }
0x10: {  	[smem:$0x3FB0] =	sst s8  }
0x11: {  	[smem:$0x3FB1] =	sst s9;
	s0 =	simm.s32 @!p0 $0x0  }
0x12: {  	s1 =	sld [smem:$0x3F97];
	s0 =	simm.s32 @p0 $0x1  }
0x13: {  	[smem:$0x3FB2] =	sst s0;
	s0 =	simm.s32 @!p1 $0x0  }
0x14: {  	s2 =	sld [smem:$0x3F96];
	s0 =	simm.s32 @p1 $0x1  }
0x15: {  	[smem:$0x3FB3] =	sst s0;
	s0 =	simm.s32 @!p2 $0x0  }
0x16: {  	s3 =	sld [smem:$0x3FDB];
	s0 =	simm.s32 @p2 $0x1  }
0x17: {  	s4 =	simm.s32 $0x1BF5;
	[smem:$0x3FB5] =	sst s0  }
0x18: {  	s0 =	sld [smem:$0x3F98];
	_ =	swait.ge [sflag:s4], $0x0  }
0x19: {  	s7 =	sld [smem:$0x3F99]  }
0x1a: {  	s8 =	sadd.s32 $0xFFFFE003, lr  }
0x1b: {  	s9 =	sadd.s32 $0xFFFFFEF7, lr;
	s5 =	simm.s32 $0xFFFFFFFF;
	p2 =	slt.u32 s8, $0xFFFFF086  }
0x1c: {  	p1 =	slt.u32 s9, $0xF7A;
	s5 =	simm.s32 @!p2 $0x0  }
0x1d: {  	s5 =	simm.s32 @p1 $0x1;
	p0 =	seq.s32 s7, s2  }
0x1e: {  	s7 =	smul.u32 @!p0 $0xF7A, s2;
	p2 =	seq.s32 @!p0 s5, $0x0  }
0x1f: {  	s9 =	smul.u32 $0xF7A, s1;
	s8 =	simm.s32 @!p0 $0x1BF5;
	p2 =	por !p2, p0  }
0x20: {  	[sflag:s8] =	ssyncset.s32 @!p0 $0xFFFFF086;
	s6 =	sadd.s32 @!p0 s3, s7;
	s7 =	simm.s32 @!p0 $0x108  }
0x21: {  	s3 =	sadd.s32 s3, s9;
	s6 =	sadd.s32 @!p0 $0x88, s6;
	s7 =	simm.s32 @p2 $0x1082  }
0x22: {  	[simem:s7], [sflag:s8] =	dma.local @!p0 [hbm:s6], $0xF7A  }
0x23: {  	s9 =	sor.u32 $0xD0000000, s2;
	s6 =	simm.s32 $0x108;
	_ =	swait.ge @!p0 [sflag:s8], $0x0  }
0x24: {  	s3 =	sadd.s32 $0x88, s3;
	s6 =	simm.s32 @!p1 $0x1082;
	[sflag:s4] =	ssyncset.s32 $0xFFFFF086  }
0x25: {  	[simem:s6], [sflag:s4] =	dma.local [hbm:s3], $0xF7A  }
0x26: {  	[smem:$0x3F99] =	sst s1;
	(tag) =	ssettag s2;
	_ =	strace s9  }
0x27: {  	s1 =	sld [smem:$0x3FA9]  }
0x28: {  	s2 =	sld [smem:$0x3FAA]  }
0x29: {  	s4 =	sld [smem:$0x3FAC]  }
0x2a: {  	p0 =	seq.s32 s5, $0x0;
	s5 =	sld [smem:$0x3FAD]  }
0x2b: {  	s6 =	sld [smem:$0x3FAE]  }
0x2c: {  	s7 =	sld [smem:$0x3FAF]  }
0x2d: {  	s3 =	simm.s32 $0x108;
	s8 =	sld [smem:$0x3FB0]  }
0x2e: {  	s3 =	simm.s32 @!p0 $0x1082;
	s9 =	sld [smem:$0x3FB1]  }
0x2f: {  	lr =	sadd.s32 s0, s3;
	s0 =	sld [smem:$0x3FA8]  }
0x30: {  	s3 =	sld [smem:$0x3FAB]  }
0x31: {  	[smem:$0x3FB4] =	sst s10  }
0x32: {  	s10 =	sld [smem:$0x3FB2];
	_ =	sdelay $0x3  }
0x33: {  	p0 =	seq.s32 s10, $0x1;
	s10 =	sld [smem:$0x3FB4];
	_ =	sdelay $0x3  }
0x34: {  	[smem:$0x3FB4] =	sst s10  }
0x35: {  	s10 =	sld [smem:$0x3FB3];
	_ =	sdelay $0x3  }
0x36: {  	p1 =	seq.s32 s10, $0x1;
	s10 =	sld [smem:$0x3FB4];
	_ =	sdelay $0x3  }
0x37: {  	[smem:$0x3FB4] =	sst s10  }
0x38: {  	s10 =	sld [smem:$0x3FB5]  }
0x39: {  	_ = 	snop;
	(pc) =	sbr.ind lr, $3  }
0x3a: {  	_ = 	snop  }
0x3b: {  	_ = 	snop  }
0x3c: {  	p2 =	seq.s32 s10, $0x1;
	s10 =	sld [smem:$0x3FB4]  }
0x3d: {  	_ =	shalt  }
0x3e: {  	_ =	shalt  }
0x3f: {  	_ =	shalt  }
0x40: {  	_ =	shalt  }
0x41: {  	_ =	shalt  }
0x42: {  	_ =	shalt  }
0x43: {  	_ =	shalt  }
0x44: {  	_ =	shalt  }
0x45: {  	_ =	shalt  }
0x46: {  	_ =	shalt  }
0x47: {  	_ =	shalt  }
0x48: {  	_ =	shalt  }
0x49: {  	_ =	shalt  }
0x4a: {  	_ =	shalt  }
0x4b: {  	_ =	shalt  }
0x4c: {  	_ =	shalt  }
0x4d: {  	_ =	shalt  }
0x4e: {  	_ =	shalt  }
0x4f: {  	_ =	shalt  }
0x50: {  	_ =	shalt  }
0x51: {  	_ =	shalt  }
0x52: {  	_ =	shalt  }
0x53: {  	_ =	shalt  }
0x54: {  	_ =	shalt  }
0x55: {  	_ =	shalt  }
0x56: {  	_ =	shalt  }
0x57: {  	_ =	shalt  }
0x58: {  	_ =	shalt  }
0x59: {  	_ =	shalt  }
0x5a: {  	_ =	shalt  }
0x5b: {  	_ =	shalt  }
0x5c: {  	_ =	shalt  }
0x5d: {  	_ =	shalt  }
0x5e: {  	_ =	shalt  }
0x5f: {  	_ =	shalt  }
0x60: {  	_ =	shalt  }
0x61: {  	_ =	shalt  }
0x62: {  	_ =	shalt  }
0x63: {  	_ =	shalt  }
0x64: {  	_ =	shalt  }
0x65: {  	_ =	shalt  }
0x66: {  	_ =	shalt  }
0x67: {  	_ =	shalt  }
0x68: {  	_ =	shalt  }
0x69: {  	_ =	shalt  }
0x6a: {  	_ =	shalt  }
0x6b: {  	_ =	shalt  }
0x6c: {  	_ =	shalt  }
0x6d: {  	_ =	shalt  }
0x6e: {  	_ =	shalt  }
0x6f: {  	_ =	shalt  }
0x70: {  	_ =	shalt  }
0x71: {  	_ =	shalt  }
0x72: {  	_ =	shalt  }
0x73: {  	_ =	shalt  }
0x74: {  	_ =	shalt  }
0x75: {  	_ =	shalt  }
0x76: {  	_ =	shalt  }
0x77: {  	_ =	shalt  }
0x78: {  	_ =	shalt  }
0x79: {  	_ =	shalt  }
0x7a: {  	_ =	shalt  }
0x7b: {  	_ =	shalt  }
0x7c: {  	_ =	shalt  }
0x7d: {  	_ =	shalt  }
0x7e: {  	_ =	shalt  }
0x7f: {  	_ =	shalt  }
0x80: {  	_ =	shalt  }
0x81: {  	_ =	shalt  }
0x82: {  	_ =	shalt  }
0x83: {  	_ =	shalt  }
0x84: {  	_ =	shalt  }
0x85: {  	_ =	shalt  }
0x86: {  	_ =	shalt  }
0x87: {  	_ =	shalt  }
.Lfunc_end0:
.L_simem_size_0:
called_computation.2_lowered:
.L_overlay_start_0:
0x88: {  	s2 =	sld [smem:$0x3FD9]  }
0x89: {  	s3 =	sld [smem:$0x3FFE];
	_ =	sdelay $0x1  }
0x8a: {  	s1 =	srdreg.scid  }
0x8b: {  	s0 =	sand.u32 $0x1, s1  }
0x8c: {  	s17 =	sshll.u32 s0, $0xA;
	s2 =	sadd.s32 s3, s2  }
0x8d: {  	s2 =	sadd.s32 s2, s17  }
0x8e: {  	[smem:$0x3FC0] =	sst s2  }
0x8f: {  	_ = 	snop  }
0x90: {  	s2 =	sld [smem:$0x3FD0];
	(tm) =	ssettm $0x1  }
0x91: {  	s18 =	sld [smem:$0x3FFB];
	_ =	sdelay $0x3  }
0x92: {  	_ =	strace s18  }
0x93: {  	s3 =	sld [smem:$0x3FFC];
	_ =	sdelay $0x3  }
0x94: {  	_ =	strace s3  }
0x95: {  	s3 =	sld [smem:$0x3FFD];
	_ =	sdelay $0x3  }
0x96: {  	_ =	strace s3  }
0x97: {  	_ =	strace $0x8FFFFFFF  }
0x98: {  	s19 =	sld [smem:$0x3FDB];
	_ =	sdelay $0x1  }
0x99: {  	s4 =	simm.s32 $_scs_section_size  }
0x9a: {  	s5 =	simm.s32 $_size__tile_overlayer_lowered;
	s6 =	simm.s32 $_tile_overlayer_lowered  }
0x9b: {  	s22 =	simm.s32 $0x1BFF;
	s21 =	sshll.u32 s6, $0x1;
	s3 =	sadd.s32 s4, s19  }
0x9c: {  	s7 =	simm.s32 $0x0;
	s20 =	sshll.u32 s5, $0x1;
	s5 =	sadd.s32 s21, s3  }
0x9d: {  	[timem:s7], [sflag:s22] =	dma.local [hbm:s5], s20  }
0x9e: {  	_ =	swait.ge [sflag:s22], s20  }
0x9f: {  	s4 =	ssub.s32 $0x0, s20;
	[sflag:s22] =	ssyncset.done $0x0  }
0xa0: {  	[sflag:s22] =	ssyncadd.s32 s4;
	_ =	sdelay $0x1  }
0xa1: {  	s23 =	simm.s32 $0x1B8B  }
0xa2: {  	_ =	swait.ge [sflag:s23], $0x1  }
0xa3: {  	[sflag:s23] =	ssyncset.done $0x0  }
0xa4: {  	s25 =	simm.s32 $0x1B8E;
	s24 =	sld [smem:$0x3FFE];
	[sflag:s23] =	ssyncadd.s32 $0xFFFFFFFF  }
0xa5: {  	s26 =	simm.s32 $execute0_lowered;
	[smem:$0x3FD2] =	sst s25  }
0xa6: {  	s5 =	sshll.u32 s26, $0x1;
	_ =	strace $0x8000004C;
	[dreg:$0x1] =	wrdreg $0xFFFFFFFF  }
0xa7: {  	s28 =	simm.s32 $_size_execute0_lowered;
	s3 =	sadd.s32 s3, s5;
	[dreg:$0x0] =	wrdreg $0x0  }
0xa8: {  	s5 =	sshll.u32 s28, $0x1;
	[dreg:$0x2] =	wrdreg s3  }
0xa9: {  	[dreg:$0x3] =	wrdreg s5  }
0xaa: {  	[dreg:$0x4] =	wrdreg $0xC0  }
0xab: {  	_ =	task [dreg:s7], $0x5FFFF  }
0xac: {  	[dreg:$0x1] =	wrdreg $0xFFFFFFFF  }
0xad: {  	[dreg:$0x0] =	wrdreg $0x60  }
0xae: {  	[dreg:$0x2] =	wrdreg s2  }
0xaf: {  	[dreg:$0x3] =	wrdreg s24  }
0xb0: {  	[dreg:$0x4] =	wrdreg $0x84000  }
0xb1: {  	[dreg:$0x5] =	wrdreg $0x9  }
0xb2: {  	_ =	task.clear_ibuf [dreg:s7], $0x6FFFF;
	_ =	strace $0x9000004C  }
0xb3: {  	s29 =	simm.s32 $0x9;
	_ =	strace $0x8000004E  }
0xb4: {  	_ =	swait.ge [sflag:s29], $0x1  }
0xb5: {  	[sflag:s29] =	ssyncadd.s32 $0xFFFFFFFF  }
0xb6: {  	_ =	strace $0x9000004E  }
0xb7: {  	_ =	sfence  }
0xb8: {  	s30 =	sld [smem:$0x0];
	_ =	sdelay $0x2  }
0xb9: {  	s31 =	sshll.u32 s1, $0xD;
	s1 =	sshrl.u32 s1, $0x2  }
0xba: {  	s3 =	sand.u32 $0x4000, s31;
	s1 =	sadd.s32 s1, s30  }
0xbb: {  	s0 =	sor.u32 s3, s0;
	s1 =	sshll.u32 s1, $0x11  }
0xbc: {  	s0 =	sor.u32 s1, s0  }
0xbd: {  	s0 =	sadd.s32 $0x8F2B, s0  }
0xbe: {  	[sflag:s0] =	ssyncadd.remote.s32 $0x1  }
0xbf: {  	_ =	sfence.sel $0xFFFF  }
0xc0: {  	[dreg:$0x0] =	wrdreg $0xFFFFFFFF;
	(pc) =	sbr.abs _section_cstart, $3  }
0xc1: {  	[dreg:$0x1] =	wrdreg $0xFFFFFFFF  }
0xc2: {  	_ =	task.clear_ibuf [dreg:s7], $0x2FFFF;
	_ =	strace $0x9FFFFFFF  }
0xc3: {  	(tm) =	ssettm $0x7FFFFFFF  }
tec
execute0_lowered:
.L_overlay_start_1:
0x0: {  	(tag) =	ssettag $0x1  }
0x1: {  	s1 =	rddreg [dreg:$0x0]  }
0x2: {  	s0 =	rddreg [dreg:$0x1]  }
0x3: {  	s3 =	rddreg [dreg:$0x2]  }
0x4: {  	s4 =	simm.s32 $0x0;
	s12 =	stileid.u32;
	s2 =	srdreg.scid  }
0x5: {  	s18 =	simm.s32 $0x5;
	s28 =	simm.s32 $0x3;
	s29 =	simm.s32 $0x4  }
0x6: {  	s30 =	simm.s32 $0x300;
	s31 =	simm.s32 $0x280;
	[smem:$0x7FF] =	sst s4  }
0x7: {  	s5 =	smul.u32 $0x14000, s12;
	s2 =	sand.u32 $0x1, s2;
	s9 =	sadd.s32 $0x3C00, s0  }
0x8: {  	s8 =	smul.u32 $0x50000, s12;
	s22 =	sshll.u32 s12, $0x6;
	s11 =	sshll.u32 s12, $0x7  }
0x9: {  	p0 =	seq.s32 s12, $0x0;
	_ =	strace $0x8000004D;
	s6 =	smul.u32 $0x140000, s2  }
0xa: {  	s19 =	ssub.s32 $0x2, s2;
	s2 =	sshll.u32 s2, $0x6;
	s26 =	sadd.s32 s11, s9  }
0xb: {  	s7 =	sshrl.u32 s5, $0x3;
	s10 =	sshrl.u32 s19, $0x1;
	s8 =	sshrl.u32 s8, $0x2  }
0xc: {  	s23 =	sor.u32 s2, s11;
	s7 =	sadd.s32 s7, s0;
	s5 =	sadd.s32 s5, s6  }
0xd: {  	s20 =	ssub.s32 s19, s10;
	s21 =	sadd.s32 s8, s3;
	s6 =	sor.u32 $0x1C05, s22  }
0xe: {  	s8 =	sadd.s32 s9, s23;
	s19 =	simm.s32 $0x80;
	s22 =	simm.s32 $0x4400  }
0xf: {  	s23 =	simm.s32 $0x200;
	s5 =	sshrl.u32 s5, $0x3;
	s7 =	sadd.s32 $0x17600, s7  }
0x10: {  	s24 =	sadd.s32 $0x13000, s8;
	s25 =	smax.u32 s20, $0x1;
	s12 =	sadd.s32 $0x800, s8  }
0x11: {  	s13 =	sadd.s32 $0x1000, s8;
	s14 =	ssub.s32 $0xFFFFE000, s8;
	s16 =	sadd.s32 $0x2000, s8  }
0x12: {  	s17 =	sshrl.u32 s21, $0x3;
	s20 =	simm.s32 $0x400;
	[dreg:$0x4] =	wrdreg s7  }
0x13: {  	s21 =	simm.s32 $0x100;
	s0 =	sadd.s32 s5, s0;
	[dreg:$0x5] =	wrdreg s24  }
0x14: {  	s7 =	simm.s32 $0x12;
	[dreg:$0x7] =	wrdreg s25;
	s24 =	simm.s32 $0x1  }
0x15: {  	s25 =	simm.s32 $0x2;
	s7 =	simm.s32 @!p0 $0x11;
	s0 =	sadd.s32 $0x3F600, s0  }
0x16: {  	[dreg:$0x6] =	wrdreg s0;
	s0 =	sadd.s32 s2, s26;
	s26 =	simm.s32 $0x180  }
0x17: {  	s2 =	simm.s32 $0x0;
	s15 =	sadd.s32 $0x1800, s0;
	s0 =	simm.s32 $0x380  }
.LBB2_1:
0x18: {  	s5 =	rddreg [dreg:$0x4]  }
0x19: {  	[spmem:s17], [sflag:s6] =	dma.local [hbm:s5], $0x2800  }
0x1a: {  	_ =	swait.ge [sflag:s18], $0x2800  }
0x1b: {  	[sflag:s18] =	ssyncset.done $0x0  }
0x1c: {  	[sflag:s18] =	ssyncadd.s32 $0xFFFFD800  }
0x1d: {  	[bflag:$0x0] =	sbarrier.arrive $0xFFFF  }
0x1e: {  	[tilespmem:s4], [sflag:$0x5] =	stream.linear.gather [hbm4b:s8+s4], $0x200, $0x38;
	[tilespmem:$0x1C400] =	vst v63  }
0x1f: {  	_ =	swait.ge [sflag:s18], $0x200  }
0x20: {  	[sflag:s18] =	ssyncset.done $0x0  }
0x21: {  	[sflag:s18] =	ssyncadd.s32 $0xFFFFFE00  }
0x22: {  	[tilespmem:s20], [sflag:$0x1] =	stream.indirect.gather [hbm4b:s1+s19], $0x80, s4, s19, $0xb8;
	[tilespmem:$0x1C400] =	vst v63  }
0x23: {  	_ = 	snop  }
0x24: {  	[tilespmem:s22], [sflag:$0x2] =	stream.indirect.gather [hbm4b:s1+s19], $0x80, s21, s19, $0xb8;
	[tilespmem:$0x1C400] =	vst v63  }
0x25: {  	_ = 	snop  }
0x26: {  	[tilespmem:s23], [sflag:$0x5] =	stream.linear.gather [hbm4b:s12+s4], $0x200, $0x38;
	[tilespmem:$0x1C400] =	vst v63  }
0x27: {  	_ =	swait.ge [sflag:s18], $0x200  }
0x28: {  	[sflag:s18] =	ssyncset.done $0x0  }
0x29: {  	[sflag:s18] =	ssyncadd.s32 $0xFFFFFE00  }
0x2a: {  	_ =	swait.ge [sflag:s24], $0x4000  }
0x2b: {  	[sflag:s24] =	ssyncset.done $0x0  }
0x2c: {  	[sflag:s24] =	ssyncadd.s32 $0xFFFFC000  }
0x2d: {  	[spmem:s3] =	stream.indirect.scatter.add.f32 [tilespmem:s20], [sflag:$0x3], $0x80, s19, s19, $0xb8;
	[tilespmem:$0x1C400] =	vst v63  }
0x2e: {  	_ =	swait.ge [sflag:s25], $0x4000  }
0x2f: {  	[sflag:s25] =	ssyncset.done $0x0  }
0x30: {  	[sflag:s25] =	ssyncadd.s32 $0xFFFFC000  }
0x31: {  	[spmem:s3] =	stream.indirect.scatter.add.f32 [tilespmem:s22], [sflag:$0x4], $0x80, s26, s19, $0xb8;
	[tilespmem:$0x1C400] =	vst v63  }
0x32: {  	_ =	swait.ge [sflag:s28], $0x4000  }
0x33: {  	[sflag:s28] =	ssyncset.done $0x0  }
0x34: {  	[sflag:s28] =	ssyncadd.s32 $0xFFFFC000  }
0x35: {  	[tilespmem:s20], [sflag:$0x1] =	stream.indirect.gather [hbm4b:s1+s19], $0x80, s23, s19, $0xb8;
	[tilespmem:$0x1C400] =	vst v63  }
0x36: {  	_ =	swait.ge [sflag:s29], $0x4000  }
0x37: {  	[sflag:s29] =	ssyncset.done $0x0  }
0x38: {  	[sflag:s29] =	ssyncadd.s32 $0xFFFFC000  }
0x39: {  	[tilespmem:s22], [sflag:$0x2] =	stream.indirect.gather [hbm4b:s1+s19], $0x80, s30, s19, $0xb8;
	[tilespmem:$0x1C400] =	vst v63  }
0x3a: {  	_ = 	snop  }
0x3b: {  	[tilespmem:s4], [sflag:$0x5] =	stream.linear.gather [hbm4b:s13+s4], $0x200, $0x38;
	[tilespmem:$0x1C400] =	vst v63  }
0x3c: {  	_ =	swait.ge [sflag:s18], $0x200  }
0x3d: {  	[sflag:s18] =	ssyncset.done $0x0  }
0x3e: {  	[sflag:s18] =	ssyncadd.s32 $0xFFFFFE00  }
0x3f: {  	_ =	swait.ge [sflag:s24], $0x4000  }
0x40: {  	[sflag:s24] =	ssyncset.done $0x0  }
0x41: {  	[sflag:s24] =	ssyncadd.s32 $0xFFFFC000  }
0x42: {  	[spmem:s3] =	stream.indirect.scatter.add.f32 [tilespmem:s20], [sflag:$0x3], $0x80, s31, s19, $0xb8;
	[tilespmem:$0x1C400] =	vst v63  }
0x43: {  	_ =	swait.ge [sflag:s25], $0x4000  }
0x44: {  	[sflag:s25] =	ssyncset.done $0x0  }
0x45: {  	[sflag:s25] =	ssyncadd.s32 $0xFFFFC000  }
0x46: {  	[spmem:s3] =	stream.indirect.scatter.add.f32 [tilespmem:s22], [sflag:$0x4], $0x80, s0, s19, $0xb8;
	[tilespmem:$0x1C400] =	vst v63  }
0x47: {  	_ =	swait.ge [sflag:s28], $0x4000  }
0x48: {  	[sflag:s28] =	ssyncset.done $0x0  }
0x49: {  	[sflag:s28] =	ssyncadd.s32 $0xFFFFC000  }
0x4a: {  	_ =	swait.ge [sflag:s29], $0x4000  }
0x4b: {  	[sflag:s29] =	ssyncset.done $0x0  }
0x4c: {  	[sflag:s29] =	ssyncadd.s32 $0xFFFFC000  }
0x4d: {  	[tilespmem:s20], [sflag:$0x1] =	stream.indirect.gather [hbm4b:s1+s19], $0x80, s4, s19, $0xb8;
	[tilespmem:$0x1C400] =	vst v63  }
0x4e: {  	_ = 	snop  }
0x4f: {  	[tilespmem:s22], [sflag:$0x2] =	stream.indirect.gather [hbm4b:s1+s19], $0x80, s21, s19, $0xb8;
	[tilespmem:$0x1C400] =	vst v63  }
0x50: {  	_ = 	snop  }
0x51: {  	[tilespmem:s23], [sflag:$0x5] =	stream.linear.gather [hbm4b:s15+s4], $0x200, $0x38;
	[tilespmem:$0x1C400] =	vst v63  }
0x52: {  	_ =	swait.ge [sflag:s18], $0x200  }
0x53: {  	[sflag:s18] =	ssyncset.done $0x0  }
0x54: {  	[sflag:s18] =	ssyncadd.s32 $0xFFFFFE00  }
0x55: {  	_ =	swait.ge [sflag:s24], $0x4000  }
0x56: {  	[sflag:s24] =	ssyncset.done $0x0  }
0x57: {  	[sflag:s24] =	ssyncadd.s32 $0xFFFFC000  }
0x58: {  	[spmem:s3] =	stream.indirect.scatter.add.f32 [tilespmem:s20], [sflag:$0x3], $0x80, s19, s19, $0xb8;
	[tilespmem:$0x1C400] =	vst v63  }
0x59: {  	_ =	swait.ge [sflag:s25], $0x4000  }
0x5a: {  	[sflag:s25] =	ssyncset.done $0x0  }
0x5b: {  	[sflag:s25] =	ssyncadd.s32 $0xFFFFC000  }
0x5c: {  	[spmem:s3] =	stream.indirect.scatter.add.f32 [tilespmem:s22], [sflag:$0x4], $0x80, s26, s19, $0xb8;
	[tilespmem:$0x1C400] =	vst v63  }
0x5d: {  	_ =	swait.ge [sflag:s28], $0x4000  }
0x5e: {  	[sflag:s28] =	ssyncset.done $0x0  }
0x5f: {  	[sflag:s28] =	ssyncadd.s32 $0xFFFFC000  }
0x60: {  	[tilespmem:s20], [sflag:$0x1] =	stream.indirect.gather [hbm4b:s1+s19], $0x80, s23, s19, $0xb8;
	[tilespmem:$0x1C400] =	vst v63  }
0x61: {  	_ =	swait.ge [sflag:s29], $0x4000  }
0x62: {  	[sflag:s29] =	ssyncset.done $0x0  }
0x63: {  	[sflag:s29] =	ssyncadd.s32 $0xFFFFC000  }
0x64: {  	[tilespmem:s22], [sflag:$0x2] =	stream.indirect.gather [hbm4b:s1+s19], $0x80, s30, s19, $0xb8;
	[tilespmem:$0x1C400] =	vst v63  }
0x65: {  	_ = 	snop  }
0x66: {  	[tilespmem:s4], [sflag:$0x5] =	stream.linear.gather [hbm4b:s16+s4], $0x200, $0x38;
	[tilespmem:$0x1C400] =	vst v63  }
0x67: {  	_ =	swait.ge [sflag:s18], $0x200  }
0x68: {  	[sflag:s18] =	ssyncset.done $0x0  }
0x69: {  	[sflag:s18] =	ssyncadd.s32 $0xFFFFFE00  }
0x6a: {  	_ =	swait.ge [sflag:s24], $0x4000  }
0x6b: {  	p1 =	sne.s32 s7, $0x1;
	[sflag:s24] =	ssyncset.done $0x0  }
.Ltmp0:
0x6c: {  	[sflag:s24] =	ssyncadd.s32 $0xFFFFC000;
	(pc) =	sbr.rel @!p1 .LBB2_3-.Ltmp0, $4  }
0x6d: {  	[spmem:s3] =	stream.indirect.scatter.add.f32 [tilespmem:s20], [sflag:$0x3], $0x80, s31, s19, $0xb8;
	[tilespmem:$0x1C400] =	vst v63  }
0x6e: {  	_ =	swait.ge [sflag:s25], $0x4000  }
0x6f: {  	s11 =	sadd.s32 $0x1000, s16;
	s9 =	sadd.s32 $0xFFFFF000, s14;
	[sflag:s25] =	ssyncset.done $0x0  }
0x70: {  	s10 =	sadd.s32 $0x1000, s15;
	s5 =	simm.s32 $0x1;
	[sflag:s25] =	ssyncadd.s32 $0xFFFFC000  }
.LBB2_2:
0x71: {  	[spmem:s3] =	stream.indirect.scatter.add.f32 [tilespmem:s22], [sflag:$0x4], $0x80, s0, s19, $0xb8;
	[tilespmem:$0x1C400] =	vst v63  }
0x72: {  	s5 =	sadd.s32 $0x1, s5;
	_ =	swait.ge [sflag:s28], $0x4000  }
0x73: {  	p1 =	sne.s32 s7, s5;
	[sflag:s28] =	ssyncset.done $0x0  }
0x74: {  	[sflag:s28] =	ssyncadd.s32 $0xFFFFC000  }
0x75: {  	_ =	swait.ge [sflag:s29], $0x4000  }
0x76: {  	[sflag:s29] =	ssyncset.done $0x0  }
0x77: {  	[sflag:s29] =	ssyncadd.s32 $0xFFFFC000  }
0x78: {  	[tilespmem:s20], [sflag:$0x1] =	stream.indirect.gather [hbm4b:s1+s19], $0x80, s4, s19, $0xb8;
	[tilespmem:$0x1C400] =	vst v63  }
0x79: {  	_ = 	snop  }
0x7a: {  	[tilespmem:s22], [sflag:$0x2] =	stream.indirect.gather [hbm4b:s1+s19], $0x80, s21, s19, $0xb8;
	[tilespmem:$0x1C400] =	vst v63  }
0x7b: {  	_ = 	snop  }
0x7c: {  	[tilespmem:s23], [sflag:$0x5] =	stream.linear.gather [hbm4b:s10+s4], $0x200, $0x38;
	[tilespmem:$0x1C400] =	vst v63  }
0x7d: {  	_ =	swait.ge [sflag:s18], $0x200  }
0x7e: {  	[sflag:s18] =	ssyncset.done $0x0  }
0x7f: {  	[sflag:s18] =	ssyncadd.s32 $0xFFFFFE00  }
0x80: {  	_ =	swait.ge [sflag:s24], $0x4000  }
0x81: {  	[sflag:s24] =	ssyncset.done $0x0  }
0x82: {  	[sflag:s24] =	ssyncadd.s32 $0xFFFFC000  }
0x83: {  	[spmem:s3] =	stream.indirect.scatter.add.f32 [tilespmem:s20], [sflag:$0x3], $0x80, s19, s19, $0xb8;
	[tilespmem:$0x1C400] =	vst v63  }
0x84: {  	_ =	swait.ge [sflag:s25], $0x4000  }
0x85: {  	[sflag:s25] =	ssyncset.done $0x0  }
0x86: {  	[sflag:s25] =	ssyncadd.s32 $0xFFFFC000  }
0x87: {  	[spmem:s3] =	stream.indirect.scatter.add.f32 [tilespmem:s22], [sflag:$0x4], $0x80, s26, s19, $0xb8;
	[tilespmem:$0x1C400] =	vst v63  }
0x88: {  	_ =	swait.ge [sflag:s28], $0x4000  }
0x89: {  	[sflag:s28] =	ssyncset.done $0x0  }
0x8a: {  	[sflag:s28] =	ssyncadd.s32 $0xFFFFC000  }
0x8b: {  	[tilespmem:s20], [sflag:$0x1] =	stream.indirect.gather [hbm4b:s1+s19], $0x80, s23, s19, $0xb8;
	[tilespmem:$0x1C400] =	vst v63  }
0x8c: {  	_ =	swait.ge [sflag:s29], $0x4000  }
0x8d: {  	[sflag:s29] =	ssyncset.done $0x0  }
0x8e: {  	[sflag:s29] =	ssyncadd.s32 $0xFFFFC000  }
0x8f: {  	[tilespmem:s22], [sflag:$0x2] =	stream.indirect.gather [hbm4b:s1+s19], $0x80, s30, s19, $0xb8;
	[tilespmem:$0x1C400] =	vst v63  }
0x90: {  	_ = 	snop  }
0x91: {  	[tilespmem:s4], [sflag:$0x5] =	stream.linear.gather [hbm4b:s11+s4], $0x200, $0x38;
	[tilespmem:$0x1C400] =	vst v63  }
0x92: {  	_ =	swait.ge [sflag:s18], $0x200  }
0x93: {  	[sflag:s18] =	ssyncset.done $0x0  }
0x94: {  	[sflag:s18] =	ssyncadd.s32 $0xFFFFFE00  }
0x95: {  	_ =	swait.ge [sflag:s24], $0x4000  }
0x96: {  	[sflag:s24] =	ssyncset.done $0x0  }
.Ltmp1:
0x97: {  	[sflag:s24] =	ssyncadd.s32 $0xFFFFC000;
	(pc) =	sbr.rel @p1 .LBB2_2-.Ltmp1, $4  }
0x98: {  	[spmem:s3] =	stream.indirect.scatter.add.f32 [tilespmem:s20], [sflag:$0x3], $0x80, s31, s19, $0xb8;
	[tilespmem:$0x1C400] =	vst v63  }
0x99: {  	_ =	swait.ge [sflag:s25], $0x4000  }
0x9a: {  	s11 =	sadd.s32 $0x1000, s11;
	[sflag:s25] =	ssyncset.done $0x0  }
0x9b: {  	s9 =	sadd.s32 $0xFFFFF000, s9;
	s10 =	sadd.s32 $0x1000, s10;
	[sflag:s25] =	ssyncadd.s32 $0xFFFFC000  }
.LBB2_3:
0x9c: {  	[spmem:s3] =	stream.indirect.scatter.add.f32 [tilespmem:s22], [sflag:$0x4], $0x80, s0, s19, $0xb8;
	[tilespmem:$0x1C400] =	vst v63  }
0x9d: {  	_ =	swait.ge [sflag:s28], $0x4000  }
0x9e: {  	[sflag:s28] =	ssyncset.done $0x0  }
0x9f: {  	[sflag:s28] =	ssyncadd.s32 $0xFFFFC000  }
0xa0: {  	_ =	swait.ge [sflag:s29], $0x4000  }
0xa1: {  	[sflag:s29] =	ssyncset.done $0x0  }
0xa2: {  	[sflag:s29] =	ssyncadd.s32 $0xFFFFC000  }
0xa3: {  	[tilespmem:s20], [sflag:$0x1] =	stream.indirect.gather [hbm4b:s1+s19], $0x80, s4, s19, $0xb8;
	[tilespmem:$0x1C400] =	vst v63  }
0xa4: {  	_ = 	snop  }
0xa5: {  	[tilespmem:s22], [sflag:$0x2] =	stream.indirect.gather [hbm4b:s1+s19], $0x80, s21, s19, $0xb8;
	[tilespmem:$0x1C400] =	vst v63  }
0xa6: {  	_ = 	snop  }
0xa7: {  	[tilespmem:s23], [sflag:$0x5] =	stream.linear.gather [hbm4b:s10+s4], $0x200, $0x38;
	[tilespmem:$0x1C400] =	vst v63  }
0xa8: {  	_ =	swait.ge [sflag:s18], $0x200  }
0xa9: {  	[sflag:s18] =	ssyncset.done $0x0  }
0xaa: {  	[sflag:s18] =	ssyncadd.s32 $0xFFFFFE00  }
0xab: {  	_ =	swait.ge [sflag:s24], $0x4000  }
0xac: {  	[sflag:s24] =	ssyncset.done $0x0  }
0xad: {  	[sflag:s24] =	ssyncadd.s32 $0xFFFFC000  }
0xae: {  	[spmem:s3] =	stream.indirect.scatter.add.f32 [tilespmem:s20], [sflag:$0x3], $0x80, s19, s19, $0xb8;
	[tilespmem:$0x1C400] =	vst v63  }
0xaf: {  	_ =	swait.ge [sflag:s25], $0x4000  }
0xb0: {  	[sflag:s25] =	ssyncset.done $0x0  }
0xb1: {  	[sflag:s25] =	ssyncadd.s32 $0xFFFFC000  }
0xb2: {  	[spmem:s3] =	stream.indirect.scatter.add.f32 [tilespmem:s22], [sflag:$0x4], $0x80, s26, s19, $0xb8;
	[tilespmem:$0x1C400] =	vst v63  }
0xb3: {  	_ =	swait.ge [sflag:s28], $0x4000  }
0xb4: {  	[sflag:s28] =	ssyncset.done $0x0  }
0xb5: {  	[sflag:s28] =	ssyncadd.s32 $0xFFFFC000  }
0xb6: {  	[tilespmem:s20], [sflag:$0x1] =	stream.indirect.gather [hbm4b:s1+s19], $0x80, s23, s19, $0xb8;
	[tilespmem:$0x1C400] =	vst v63  }
0xb7: {  	_ =	swait.ge [sflag:s29], $0x4000  }
0xb8: {  	[sflag:s29] =	ssyncset.done $0x0  }
0xb9: {  	p1 =	sge.u32 s5, s7;
	[sflag:s29] =	ssyncadd.s32 $0xFFFFC000  }
0xba: {  	[tilespmem:s22], [sflag:$0x2] =	stream.indirect.gather [hbm4b:s1+s19], $0x80, s30, s19, $0xb8;
	[tilespmem:$0x1C400] =	vst v63  }
0xbb: {  	s5 =	ssub.s32 @!p1 $0x0, s9;
	s9 =	simm.s32 @!p1 $0x0  }
0xbc: {  	[tilespmem:s9], [sflag:$0x5] =	stream.linear.gather @!p1 [hbm4b:s5+s9], $0x200, $0x38;
	[tilespmem:$0x1C400] =	vst v63  }
0xbd: {  	s5 =	simm.s32 @!p1 $0x5  }
0xbe: {  	_ =	swait.ge @!p1 [sflag:s5], $0x200  }
0xbf: {  	[sflag:s5] =	ssyncset.done @!p1 $0x0  }
0xc0: {  	[sflag:s5] =	ssyncadd.s32 @!p1 $0xFFFFFE00  }
0xc1: {  	_ =	swait.ge [sflag:s24], $0x4000  }
0xc2: {  	[sflag:s24] =	ssyncset.done $0x0  }
0xc3: {  	[sflag:s24] =	ssyncadd.s32 $0xFFFFC000  }
0xc4: {  	[spmem:s3] =	stream.indirect.scatter.add.f32 [tilespmem:s20], [sflag:$0x3], $0x80, s31, s19, $0xb8;
	[tilespmem:$0x1C400] =	vst v63  }
0xc5: {  	_ =	swait.ge [sflag:s25], $0x4000  }
0xc6: {  	[sflag:s25] =	ssyncset.done $0x0  }
0xc7: {  	[sflag:s25] =	ssyncadd.s32 $0xFFFFC000  }
0xc8: {  	[spmem:s3] =	stream.indirect.scatter.add.f32 [tilespmem:s22], [sflag:$0x4], $0x80, s0, s19, $0xb8;
	[tilespmem:$0x1C400] =	vst v63  }
0xc9: {  	_ =	swait.ge [sflag:s28], $0x4000  }
0xca: {  	[sflag:s28] =	ssyncset.done $0x0  }
0xcb: {  	[sflag:s28] =	ssyncadd.s32 $0xFFFFC000  }
0xcc: {  	_ =	swait.ge [sflag:s29], $0x4000  }
0xcd: {  	[sflag:s29] =	ssyncset.done $0x0  }
0xce: {  	s5 =	simm.s32 @!p0 $0x0;
	s9 =	rddreg [dreg:$0x5];
	[sflag:s29] =	ssyncadd.s32 $0xFFFFC000  }
0xcf: {  	[tilespmem:s5], [sflag:$0x5] =	stream.linear.gather @!p0 [hbm4b:s9+s5], $0x200, $0x38;
	[tilespmem:$0x1C400] =	vst v63  }
0xd0: {  	s9 =	simm.s32 @!p0 $0x5  }
0xd1: {  	_ =	swait.ge @!p0 [sflag:s9], $0x200  }
0xd2: {  	[sflag:s9] =	ssyncset.done @!p0 $0x0  }
0xd3: {  	s10 =	simm.s32 @!p0 $0x400;
	[sflag:s9] =	ssyncadd.s32 @!p0 $0xFFFFFE00;
	s9 =	simm.s32 @!p0 $0x80  }
0xd4: {  	[tilespmem:s10], [sflag:$0x1] =	stream.indirect.gather @!p0 [hbm4b:s1+s9], $0x80, s5, s9, $0xb8;
	[tilespmem:$0x1C400] =	vst v63  }
0xd5: {  	s11 =	simm.s32 @!p0 $0x4400;
	s5 =	simm.s32 @!p0 $0x100  }
0xd6: {  	[tilespmem:s11], [sflag:$0x2] =	stream.indirect.gather @!p0 [hbm4b:s1+s9], $0x80, s5, s9, $0xb8;
	[tilespmem:$0x1C400] =	vst v63  }
0xd7: {  	s5 =	simm.s32 @!p0 $0x1  }
0xd8: {  	_ =	swait.ge @!p0 [sflag:s5], $0x4000  }
0xd9: {  	[sflag:s5] =	ssyncset.done @!p0 $0x0  }
0xda: {  	[sflag:s5] =	ssyncadd.s32 @!p0 $0xFFFFC000;
	s5 =	simm.s32 @!p0 $0x2  }
0xdb: {  	[spmem:s3] =	stream.indirect.scatter.add.f32 @!p0 [tilespmem:s10], [sflag:$0x3], $0x80, s9, s9, $0xb8;
	[tilespmem:$0x1C400] =	vst v63  }
0xdc: {  	_ =	swait.ge @!p0 [sflag:s5], $0x4000  }
0xdd: {  	[sflag:s5] =	ssyncset.done @!p0 $0x0  }
0xde: {  	[sflag:s5] =	ssyncadd.s32 @!p0 $0xFFFFC000;
	s5 =	simm.s32 @!p0 $0x180  }
0xdf: {  	[spmem:s3] =	stream.indirect.scatter.add.f32 @!p0 [tilespmem:s11], [sflag:$0x4], $0x80, s5, s9, $0xb8;
	[tilespmem:$0x1C400] =	vst v63  }
0xe0: {  	s5 =	simm.s32 @!p0 $0x3  }
0xe1: {  	_ =	swait.ge @!p0 [sflag:s5], $0x4000  }
0xe2: {  	[sflag:s5] =	ssyncset.done @!p0 $0x0  }
0xe3: {  	[sflag:s5] =	ssyncadd.s32 @!p0 $0xFFFFC000;
	s5 =	simm.s32 @!p0 $0x4  }
0xe4: {  	_ =	swait.ge @!p0 [sflag:s5], $0x4000  }
0xe5: {  	[sflag:s5] =	ssyncset.done @!p0 $0x0  }
0xe6: {  	[sflag:s5] =	ssyncadd.s32 @!p0 $0xFFFFC000  }
0xe7: {  	[bflag:$0x0] =	sbarrier.arrive $0xFFFF  }
0xe8: {  	s10 =	rddreg [dreg:$0x6]  }
0xe9: {  	[hbm:s10], [sflag:s6] =	dma.local [spmem:s17], $0x2800  }
0xea: {  	_ =	swait.ge [sflag:s18], $0x2800  }
0xeb: {  	s2 =	sadd.s32 $0x1, s2;
	s11 =	rddreg [dreg:$0x7]  }
0xec: {  	p1 =	sne.s32 s2, s11  }
.Ltmp2:
0xed: {  	_ = 	snop;
	(pc) =	sbr.rel @p1 .LBB2_1-.Ltmp2, $3  }
0xee: {  	_ =	sdelay $0x1  }
0xef: {  	[sflag:s18] =	ssyncset.done $0x0  }
0xf0: {  	[sflag:s18] =	ssyncadd.s32 $0xFFFFD800  }
0xf1: {  	_ =	sfence.sel $0x180000  }
0xf2: {  	[bflag:$0x0] =	sbarrier.arrive $0xFFFF  }
0xf3: {  	_ =	strace $0x9000004D  }
0xf4: {  	s0 =	stileid.u32;
	[bflag:$0x2] =	sbarrier.arrive $0xFFFF  }
0xf5: {  	p0 =	sne.s32 s0, $0x0;
	s0 =	rddreg [dreg:$0x3]  }
0xf6: {  	s0 =	sadd.s32 @!p0 $0x100000, s0  }
0xf7: {  	[sflag:s0] =	ssyncadd.tile.s32 @!p0 $0x1;
	_ =	shalt  }
.Lfunc_end2:
_tile_overlayer_lowered:
.L_overlay_start_2:
0xf8: {  	(tag) =	ssettag $0x2  }
0xf9: {  	s0 =	rddreg [dreg:$0x0];
	s2 =	stileid.u32  }
0xfa: {  	s1 =	rddreg [dreg:$0x1];
	p0 =	sne.s32 s2, $0x0  }
0xfb: {  	s3 =	rddreg [dreg:$0x2];
	[bflag:$0x3] =	sbarrier.arrive $0xFFFF;
	s2 =	simm.s32 @!p0 $0x1C05  }
0xfc: {  	[timem:s3], [sflag:s2] =	dma.local @!p0 [hbm:s0], s1  }
0xfd: {  	s0 =	simm.s32 @!p0 $0x5  }
0xfe: {  	_ =	swait.ge @!p0 [sflag:s0], s1  }
0xff: {  	s1 =	ssub.s32 @!p0 $0x0, s1;
	[sflag:s0] =	ssyncset.done @!p0 $0x0  }
0x100: {  	[sflag:s0] =	ssyncadd.s32 @!p0 s1  }
0x101: {  	[bflag:$0x3] =	sbarrier.arrive $0xFFFF  }
0x102: {  	_ =	shalt  }

// kernel: kernel.20.cloned.1.call-start
scs
__scs_entry_jumppad:
0x0: {  	(pc) =	sbr.rel $0x88, $3  }
0x1: {  	(tag) =	ssettag $0x0;
	lr =	simm.s32 $0x1  }
0x2: {  	[smem:$0x3F99] =	sst lr;
	_ =	strace $0xD0000000  }
0x3: {  	_ = 	snop  }
0x4: {  	_ = 	snop  }
0x5: {  	_ = 	snop  }
0x6: {  	_ = 	snop  }
0x7: {  	_ = 	snop  }
__scs_overlays_trampoline_lowered:
0x8: {  	[smem:$0x3FA8] =	sst s0  }
0x9: {  	[smem:$0x3FA9] =	sst s1  }
0xa: {  	[smem:$0x3FAA] =	sst s2  }
0xb: {  	[smem:$0x3FAB] =	sst s3  }
0xc: {  	[smem:$0x3FAC] =	sst s4  }
0xd: {  	[smem:$0x3FAD] =	sst s5  }
0xe: {  	[smem:$0x3FAE] =	sst s6  }
0xf: {  	[smem:$0x3FAF] =	sst s7  }
0x10: {  	[smem:$0x3FB0] =	sst s8  }
0x11: {  	[smem:$0x3FB1] =	sst s9;
	s0 =	simm.s32 @!p0 $0x0  }
0x12: {  	s1 =	sld [smem:$0x3F97];
	s0 =	simm.s32 @p0 $0x1  }
0x13: {  	[smem:$0x3FB2] =	sst s0;
	s0 =	simm.s32 @!p1 $0x0  }
0x14: {  	s2 =	sld [smem:$0x3F96];
	s0 =	simm.s32 @p1 $0x1  }
0x15: {  	[smem:$0x3FB3] =	sst s0;
	s0 =	simm.s32 @!p2 $0x0  }
0x16: {  	s3 =	sld [smem:$0x3FDB];
	s0 =	simm.s32 @p2 $0x1  }
0x17: {  	s4 =	simm.s32 $0x1BF5;
	[smem:$0x3FB5] =	sst s0  }
0x18: {  	s0 =	sld [smem:$0x3F98];
	_ =	swait.ge [sflag:s4], $0x0  }
0x19: {  	s7 =	sld [smem:$0x3F99]  }
0x1a: {  	s8 =	sadd.s32 $0xFFFFE003, lr  }
0x1b: {  	s9 =	sadd.s32 $0xFFFFFEF7, lr;
	s5 =	simm.s32 $0xFFFFFFFF;
	p2 =	slt.u32 s8, $0xFFFFF086  }
0x1c: {  	p1 =	slt.u32 s9, $0xF7A;
	s5 =	simm.s32 @!p2 $0x0  }
0x1d: {  	s5 =	simm.s32 @p1 $0x1;
	p0 =	seq.s32 s7, s2  }
0x1e: {  	s7 =	smul.u32 @!p0 $0xF7A, s2;
	p2 =	seq.s32 @!p0 s5, $0x0  }
0x1f: {  	s9 =	smul.u32 $0xF7A, s1;
	s8 =	simm.s32 @!p0 $0x1BF5;
	p2 =	por !p2, p0  }
0x20: {  	[sflag:s8] =	ssyncset.s32 @!p0 $0xFFFFF086;
	s6 =	sadd.s32 @!p0 s3, s7;
	s7 =	simm.s32 @!p0 $0x108  }
0x21: {  	s3 =	sadd.s32 s3, s9;
	s6 =	sadd.s32 @!p0 $0x88, s6;
	s7 =	simm.s32 @p2 $0x1082  }
0x22: {  	[simem:s7], [sflag:s8] =	dma.local @!p0 [hbm:s6], $0xF7A  }
0x23: {  	s9 =	sor.u32 $0xD0000000, s2;
	s6 =	simm.s32 $0x108;
	_ =	swait.ge @!p0 [sflag:s8], $0x0  }
0x24: {  	s3 =	sadd.s32 $0x88, s3;
	s6 =	simm.s32 @!p1 $0x1082;
	[sflag:s4] =	ssyncset.s32 $0xFFFFF086  }
0x25: {  	[simem:s6], [sflag:s4] =	dma.local [hbm:s3], $0xF7A  }
0x26: {  	[smem:$0x3F99] =	sst s1;
	(tag) =	ssettag s2;
	_ =	strace s9  }
0x27: {  	s1 =	sld [smem:$0x3FA9]  }
0x28: {  	s2 =	sld [smem:$0x3FAA]  }
0x29: {  	s4 =	sld [smem:$0x3FAC]  }
0x2a: {  	p0 =	seq.s32 s5, $0x0;
	s5 =	sld [smem:$0x3FAD]  }
0x2b: {  	s6 =	sld [smem:$0x3FAE]  }
0x2c: {  	s7 =	sld [smem:$0x3FAF]  }
0x2d: {  	s3 =	simm.s32 $0x108;
	s8 =	sld [smem:$0x3FB0]  }
0x2e: {  	s3 =	simm.s32 @!p0 $0x1082;
	s9 =	sld [smem:$0x3FB1]  }
0x2f: {  	lr =	sadd.s32 s0, s3;
	s0 =	sld [smem:$0x3FA8]  }
0x30: {  	s3 =	sld [smem:$0x3FAB]  }
0x31: {  	[smem:$0x3FB4] =	sst s10  }
0x32: {  	s10 =	sld [smem:$0x3FB2];
	_ =	sdelay $0x3  }
0x33: {  	p0 =	seq.s32 s10, $0x1;
	s10 =	sld [smem:$0x3FB4];
	_ =	sdelay $0x3  }
0x34: {  	[smem:$0x3FB4] =	sst s10  }
0x35: {  	s10 =	sld [smem:$0x3FB3];
	_ =	sdelay $0x3  }
0x36: {  	p1 =	seq.s32 s10, $0x1;
	s10 =	sld [smem:$0x3FB4];
	_ =	sdelay $0x3  }
0x37: {  	[smem:$0x3FB4] =	sst s10  }
0x38: {  	s10 =	sld [smem:$0x3FB5]  }
0x39: {  	_ = 	snop;
	(pc) =	sbr.ind lr, $3  }
0x3a: {  	_ = 	snop  }
0x3b: {  	_ = 	snop  }
0x3c: {  	p2 =	seq.s32 s10, $0x1;
	s10 =	sld [smem:$0x3FB4]  }
0x3d: {  	_ =	shalt  }
0x3e: {  	_ =	shalt  }
0x3f: {  	_ =	shalt  }
0x40: {  	_ =	shalt  }
0x41: {  	_ =	shalt  }
0x42: {  	_ =	shalt  }
0x43: {  	_ =	shalt  }
0x44: {  	_ =	shalt  }
0x45: {  	_ =	shalt  }
0x46: {  	_ =	shalt  }
0x47: {  	_ =	shalt  }
0x48: {  	_ =	shalt  }
0x49: {  	_ =	shalt  }
0x4a: {  	_ =	shalt  }
0x4b: {  	_ =	shalt  }
0x4c: {  	_ =	shalt  }
0x4d: {  	_ =	shalt  }
0x4e: {  	_ =	shalt  }
0x4f: {  	_ =	shalt  }
0x50: {  	_ =	shalt  }
0x51: {  	_ =	shalt  }
0x52: {  	_ =	shalt  }
0x53: {  	_ =	shalt  }
0x54: {  	_ =	shalt  }
0x55: {  	_ =	shalt  }
0x56: {  	_ =	shalt  }
0x57: {  	_ =	shalt  }
0x58: {  	_ =	shalt  }
0x59: {  	_ =	shalt  }
0x5a: {  	_ =	shalt  }
0x5b: {  	_ =	shalt  }
0x5c: {  	_ =	shalt  }
0x5d: {  	_ =	shalt  }
0x5e: {  	_ =	shalt  }
0x5f: {  	_ =	shalt  }
0x60: {  	_ =	shalt  }
0x61: {  	_ =	shalt  }
0x62: {  	_ =	shalt  }
0x63: {  	_ =	shalt  }
0x64: {  	_ =	shalt  }
0x65: {  	_ =	shalt  }
0x66: {  	_ =	shalt  }
0x67: {  	_ =	shalt  }
0x68: {  	_ =	shalt  }
0x69: {  	_ =	shalt  }
0x6a: {  	_ =	shalt  }
0x6b: {  	_ =	shalt  }
0x6c: {  	_ =	shalt  }
0x6d: {  	_ =	shalt  }
0x6e: {  	_ =	shalt  }
0x6f: {  	_ =	shalt  }
0x70: {  	_ =	shalt  }
0x71: {  	_ =	shalt  }
0x72: {  	_ =	shalt  }
0x73: {  	_ =	shalt  }
0x74: {  	_ =	shalt  }
0x75: {  	_ =	shalt  }
0x76: {  	_ =	shalt  }
0x77: {  	_ =	shalt  }
0x78: {  	_ =	shalt  }
0x79: {  	_ =	shalt  }
0x7a: {  	_ =	shalt  }
0x7b: {  	_ =	shalt  }
0x7c: {  	_ =	shalt  }
0x7d: {  	_ =	shalt  }
0x7e: {  	_ =	shalt  }
0x7f: {  	_ =	shalt  }
0x80: {  	_ =	shalt  }
0x81: {  	_ =	shalt  }
0x82: {  	_ =	shalt  }
0x83: {  	_ =	shalt  }
0x84: {  	_ =	shalt  }
0x85: {  	_ =	shalt  }
0x86: {  	_ =	shalt  }
0x87: {  	_ =	shalt  }
.Lfunc_end0:
.L_simem_size_0:
called_computation.3_lowered:
.L_overlay_start_0:
0x88: {  	s2 =	sld [smem:$0x3FD9]  }
0x89: {  	s3 =	sld [smem:$0x3FFE];
	_ =	sdelay $0x1  }
0x8a: {  	s1 =	srdreg.scid  }
0x8b: {  	s0 =	sand.u32 $0x1, s1  }
0x8c: {  	s17 =	sshll.u32 s0, $0xA;
	s2 =	sadd.s32 s3, s2  }
0x8d: {  	s2 =	sadd.s32 s2, s17  }
0x8e: {  	[smem:$0x3FC0] =	sst s2  }
0x8f: {  	_ = 	snop  }
0x90: {  	s2 =	sld [smem:$0x3FD0];
	(tm) =	ssettm $0x1  }
0x91: {  	s18 =	sld [smem:$0x3FFB];
	_ =	sdelay $0x3  }
0x92: {  	_ =	strace s18  }
0x93: {  	s3 =	sld [smem:$0x3FFC];
	_ =	sdelay $0x3  }
0x94: {  	_ =	strace s3  }
0x95: {  	s3 =	sld [smem:$0x3FFD];
	_ =	sdelay $0x3  }
0x96: {  	_ =	strace s3  }
0x97: {  	_ =	strace $0x8FFFFFFF  }
0x98: {  	s19 =	sld [smem:$0x3FDB];
	_ =	sdelay $0x1  }
0x99: {  	s4 =	simm.s32 $_scs_section_size  }
0x9a: {  	s5 =	simm.s32 $_size__tile_overlayer_lowered;
	s6 =	simm.s32 $_tile_overlayer_lowered  }
0x9b: {  	s22 =	simm.s32 $0x1BFF;
	s21 =	sshll.u32 s6, $0x1;
	s3 =	sadd.s32 s4, s19  }
0x9c: {  	s7 =	simm.s32 $0x0;
	s20 =	sshll.u32 s5, $0x1;
	s5 =	sadd.s32 s21, s3  }
0x9d: {  	[timem:s7], [sflag:s22] =	dma.local [hbm:s5], s20  }
0x9e: {  	_ =	swait.ge [sflag:s22], s20  }
0x9f: {  	s4 =	ssub.s32 $0x0, s20;
	[sflag:s22] =	ssyncset.done $0x0  }
0xa0: {  	[sflag:s22] =	ssyncadd.s32 s4;
	_ =	sdelay $0x1  }
0xa1: {  	s23 =	simm.s32 $0x1B8B  }
0xa2: {  	_ =	swait.ge [sflag:s23], $0x1  }
0xa3: {  	[sflag:s23] =	ssyncset.done $0x0  }
0xa4: {  	s25 =	simm.s32 $0x1B8E;
	s24 =	sld [smem:$0x3FFE];
	[sflag:s23] =	ssyncadd.s32 $0xFFFFFFFF  }
0xa5: {  	s26 =	simm.s32 $execute0_lowered;
	[smem:$0x3FD2] =	sst s25  }
0xa6: {  	s5 =	sshll.u32 s26, $0x1;
	_ =	strace $0x8000004F;
	[dreg:$0x1] =	wrdreg $0xFFFFFFFF  }
0xa7: {  	s28 =	simm.s32 $_size_execute0_lowered;
	s3 =	sadd.s32 s3, s5;
	[dreg:$0x0] =	wrdreg $0x0  }
0xa8: {  	s5 =	sshll.u32 s28, $0x1;
	[dreg:$0x2] =	wrdreg s3  }
0xa9: {  	[dreg:$0x3] =	wrdreg s5  }
0xaa: {  	[dreg:$0x4] =	wrdreg $0xC0  }
0xab: {  	_ =	task [dreg:s7], $0x5FFFF  }
0xac: {  	[dreg:$0x1] =	wrdreg $0xFFFFFFFF  }
0xad: {  	[dreg:$0x0] =	wrdreg $0x60  }
0xae: {  	[dreg:$0x2] =	wrdreg s2  }
0xaf: {  	[dreg:$0x3] =	wrdreg s24  }
0xb0: {  	[dreg:$0x4] =	wrdreg $0x84000  }
0xb1: {  	[dreg:$0x5] =	wrdreg $0x9  }
0xb2: {  	_ =	task.clear_ibuf [dreg:s7], $0x6FFFF;
	_ =	strace $0x9000004F  }
0xb3: {  	s29 =	simm.s32 $0x9;
	_ =	strace $0x80000051  }
0xb4: {  	_ =	swait.ge [sflag:s29], $0x1  }
0xb5: {  	[sflag:s29] =	ssyncadd.s32 $0xFFFFFFFF  }
0xb6: {  	_ =	strace $0x90000051  }
0xb7: {  	_ =	sfence  }
0xb8: {  	s30 =	sld [smem:$0x0];
	_ =	sdelay $0x2  }
0xb9: {  	s31 =	sshll.u32 s1, $0xD;
	s1 =	sshrl.u32 s1, $0x2  }
0xba: {  	s3 =	sand.u32 $0x4000, s31;
	s1 =	sadd.s32 s1, s30  }
0xbb: {  	s0 =	sor.u32 s3, s0;
	s1 =	sshll.u32 s1, $0x11  }
0xbc: {  	s0 =	sor.u32 s1, s0  }
0xbd: {  	s0 =	sadd.s32 $0x8F2B, s0  }
0xbe: {  	[sflag:s0] =	ssyncadd.remote.s32 $0x1  }
0xbf: {  	_ =	sfence.sel $0xFFFF  }
0xc0: {  	[dreg:$0x0] =	wrdreg $0xFFFFFFFF;
	(pc) =	sbr.abs _section_cstart, $3  }
0xc1: {  	[dreg:$0x1] =	wrdreg $0xFFFFFFFF  }
0xc2: {  	_ =	task.clear_ibuf [dreg:s7], $0x2FFFF;
	_ =	strace $0x9FFFFFFF  }
0xc3: {  	(tm) =	ssettm $0x7FFFFFFF  }
tec
execute0_lowered:
.L_overlay_start_1:
0x0: {  	(tag) =	ssettag $0x1  }
0x1: {  	s1 =	rddreg [dreg:$0x0]  }
0x2: {  	s0 =	rddreg [dreg:$0x1]  }
0x3: {  	s3 =	rddreg [dreg:$0x2]  }
0x4: {  	s4 =	simm.s32 $0x0;
	s12 =	stileid.u32;
	s2 =	srdreg.scid  }
0x5: {  	s18 =	simm.s32 $0x5;
	s28 =	simm.s32 $0x3;
	s29 =	simm.s32 $0x4  }
0x6: {  	s30 =	simm.s32 $0x300;
	s31 =	simm.s32 $0x280;
	[smem:$0x7FF] =	sst s4  }
0x7: {  	s5 =	smul.u32 $0x14000, s12;
	s2 =	sand.u32 $0x1, s2;
	s9 =	sadd.s32 $0x3C00, s0  }
0x8: {  	s8 =	smul.u32 $0x50000, s12;
	s22 =	sshll.u32 s12, $0x6;
	s11 =	sshll.u32 s12, $0x7  }
0x9: {  	p0 =	seq.s32 s12, $0x0;
	_ =	strace $0x80000050;
	s6 =	smul.u32 $0x140000, s2  }
0xa: {  	s19 =	ssub.s32 $0x2, s2;
	s2 =	sshll.u32 s2, $0x6;
	s26 =	sadd.s32 s11, s9  }
0xb: {  	s7 =	sshrl.u32 s5, $0x3;
	s10 =	sshrl.u32 s19, $0x1;
	s8 =	sshrl.u32 s8, $0x2  }
0xc: {  	s23 =	sor.u32 s2, s11;
	s7 =	sadd.s32 s7, s0;
	s5 =	sadd.s32 s5, s6  }
0xd: {  	s20 =	ssub.s32 s19, s10;
	s21 =	sadd.s32 s8, s3;
	s6 =	sor.u32 $0x1C05, s22  }
0xe: {  	s8 =	sadd.s32 s9, s23;
	s19 =	simm.s32 $0x80;
	s22 =	simm.s32 $0x4400  }
0xf: {  	s23 =	simm.s32 $0x200;
	s5 =	sshrl.u32 s5, $0x3;
	s7 =	sadd.s32 $0x17600, s7  }
0x10: {  	s24 =	sadd.s32 $0x13000, s8;
	s25 =	smax.u32 s20, $0x1;
	s12 =	sadd.s32 $0x800, s8  }
0x11: {  	s13 =	sadd.s32 $0x1000, s8;
	s14 =	ssub.s32 $0xFFFFE000, s8;
	s16 =	sadd.s32 $0x2000, s8  }
0x12: {  	s17 =	sshrl.u32 s21, $0x3;
	s20 =	simm.s32 $0x400;
	[dreg:$0x4] =	wrdreg s7  }
0x13: {  	s21 =	simm.s32 $0x100;
	s0 =	sadd.s32 s5, s0;
	[dreg:$0x5] =	wrdreg s24  }
0x14: {  	s7 =	simm.s32 $0x12;
	[dreg:$0x7] =	wrdreg s25;
	s24 =	simm.s32 $0x1  }
0x15: {  	s25 =	simm.s32 $0x2;
	s7 =	simm.s32 @!p0 $0x11;
	s0 =	sadd.s32 $0x3F600, s0  }
0x16: {  	[dreg:$0x6] =	wrdreg s0;
	s0 =	sadd.s32 s2, s26;
	s26 =	simm.s32 $0x180  }
0x17: {  	s2 =	simm.s32 $0x0;
	s15 =	sadd.s32 $0x1800, s0;
	s0 =	simm.s32 $0x380  }
.LBB2_1:
0x18: {  	s5 =	rddreg [dreg:$0x4]  }
0x19: {  	[spmem:s17], [sflag:s6] =	dma.local [hbm:s5], $0x2800  }
0x1a: {  	_ =	swait.ge [sflag:s18], $0x2800  }
0x1b: {  	[sflag:s18] =	ssyncset.done $0x0  }
0x1c: {  	[sflag:s18] =	ssyncadd.s32 $0xFFFFD800  }
0x1d: {  	[bflag:$0x0] =	sbarrier.arrive $0xFFFF  }
0x1e: {  	[tilespmem:s4], [sflag:$0x5] =	stream.linear.gather [hbm4b:s8+s4], $0x200, $0x38;
	[tilespmem:$0x1C400] =	vst v63  }
0x1f: {  	_ =	swait.ge [sflag:s18], $0x200  }
0x20: {  	[sflag:s18] =	ssyncset.done $0x0  }
0x21: {  	[sflag:s18] =	ssyncadd.s32 $0xFFFFFE00  }
0x22: {  	[tilespmem:s20], [sflag:$0x1] =	stream.indirect.gather [hbm4b:s1+s19], $0x80, s4, s19, $0xb8;
	[tilespmem:$0x1C400] =	vst v63  }
0x23: {  	_ = 	snop  }
0x24: {  	[tilespmem:s22], [sflag:$0x2] =	stream.indirect.gather [hbm4b:s1+s19], $0x80, s21, s19, $0xb8;
	[tilespmem:$0x1C400] =	vst v63  }
0x25: {  	_ = 	snop  }
0x26: {  	[tilespmem:s23], [sflag:$0x5] =	stream.linear.gather [hbm4b:s12+s4], $0x200, $0x38;
	[tilespmem:$0x1C400] =	vst v63  }
0x27: {  	_ =	swait.ge [sflag:s18], $0x200  }
0x28: {  	[sflag:s18] =	ssyncset.done $0x0  }
0x29: {  	[sflag:s18] =	ssyncadd.s32 $0xFFFFFE00  }
0x2a: {  	_ =	swait.ge [sflag:s24], $0x4000  }
0x2b: {  	[sflag:s24] =	ssyncset.done $0x0  }
0x2c: {  	[sflag:s24] =	ssyncadd.s32 $0xFFFFC000  }
0x2d: {  	[spmem:s3] =	stream.indirect.scatter.add.f32 [tilespmem:s20], [sflag:$0x3], $0x80, s19, s19, $0xb8;
	[tilespmem:$0x1C400] =	vst v63  }
0x2e: {  	_ =	swait.ge [sflag:s25], $0x4000  }
0x2f: {  	[sflag:s25] =	ssyncset.done $0x0  }
0x30: {  	[sflag:s25] =	ssyncadd.s32 $0xFFFFC000  }
0x31: {  	[spmem:s3] =	stream.indirect.scatter.add.f32 [tilespmem:s22], [sflag:$0x4], $0x80, s26, s19, $0xb8;
	[tilespmem:$0x1C400] =	vst v63  }
0x32: {  	_ =	swait.ge [sflag:s28], $0x4000  }
0x33: {  	[sflag:s28] =	ssyncset.done $0x0  }
0x34: {  	[sflag:s28] =	ssyncadd.s32 $0xFFFFC000  }
0x35: {  	[tilespmem:s20], [sflag:$0x1] =	stream.indirect.gather [hbm4b:s1+s19], $0x80, s23, s19, $0xb8;
	[tilespmem:$0x1C400] =	vst v63  }
0x36: {  	_ =	swait.ge [sflag:s29], $0x4000  }
0x37: {  	[sflag:s29] =	ssyncset.done $0x0  }
0x38: {  	[sflag:s29] =	ssyncadd.s32 $0xFFFFC000  }
0x39: {  	[tilespmem:s22], [sflag:$0x2] =	stream.indirect.gather [hbm4b:s1+s19], $0x80, s30, s19, $0xb8;
	[tilespmem:$0x1C400] =	vst v63  }
0x3a: {  	_ = 	snop  }
0x3b: {  	[tilespmem:s4], [sflag:$0x5] =	stream.linear.gather [hbm4b:s13+s4], $0x200, $0x38;
	[tilespmem:$0x1C400] =	vst v63  }
0x3c: {  	_ =	swait.ge [sflag:s18], $0x200  }
0x3d: {  	[sflag:s18] =	ssyncset.done $0x0  }
0x3e: {  	[sflag:s18] =	ssyncadd.s32 $0xFFFFFE00  }
0x3f: {  	_ =	swait.ge [sflag:s24], $0x4000  }
0x40: {  	[sflag:s24] =	ssyncset.done $0x0  }
0x41: {  	[sflag:s24] =	ssyncadd.s32 $0xFFFFC000  }
0x42: {  	[spmem:s3] =	stream.indirect.scatter.add.f32 [tilespmem:s20], [sflag:$0x3], $0x80, s31, s19, $0xb8;
	[tilespmem:$0x1C400] =	vst v63  }
0x43: {  	_ =	swait.ge [sflag:s25], $0x4000  }
0x44: {  	[sflag:s25] =	ssyncset.done $0x0  }
0x45: {  	[sflag:s25] =	ssyncadd.s32 $0xFFFFC000  }
0x46: {  	[spmem:s3] =	stream.indirect.scatter.add.f32 [tilespmem:s22], [sflag:$0x4], $0x80, s0, s19, $0xb8;
	[tilespmem:$0x1C400] =	vst v63  }
0x47: {  	_ =	swait.ge [sflag:s28], $0x4000  }
0x48: {  	[sflag:s28] =	ssyncset.done $0x0  }
0x49: {  	[sflag:s28] =	ssyncadd.s32 $0xFFFFC000  }
0x4a: {  	_ =	swait.ge [sflag:s29], $0x4000  }
0x4b: {  	[sflag:s29] =	ssyncset.done $0x0  }
0x4c: {  	[sflag:s29] =	ssyncadd.s32 $0xFFFFC000  }
0x4d: {  	[tilespmem:s20], [sflag:$0x1] =	stream.indirect.gather [hbm4b:s1+s19], $0x80, s4, s19, $0xb8;
	[tilespmem:$0x1C400] =	vst v63  }
0x4e: {  	_ = 	snop  }
0x4f: {  	[tilespmem:s22], [sflag:$0x2] =	stream.indirect.gather [hbm4b:s1+s19], $0x80, s21, s19, $0xb8;
	[tilespmem:$0x1C400] =	vst v63  }
0x50: {  	_ = 	snop  }
0x51: {  	[tilespmem:s23], [sflag:$0x5] =	stream.linear.gather [hbm4b:s15+s4], $0x200, $0x38;
	[tilespmem:$0x1C400] =	vst v63  }
0x52: {  	_ =	swait.ge [sflag:s18], $0x200  }
0x53: {  	[sflag:s18] =	ssyncset.done $0x0  }
0x54: {  	[sflag:s18] =	ssyncadd.s32 $0xFFFFFE00  }
0x55: {  	_ =	swait.ge [sflag:s24], $0x4000  }
0x56: {  	[sflag:s24] =	ssyncset.done $0x0  }
0x57: {  	[sflag:s24] =	ssyncadd.s32 $0xFFFFC000  }
0x58: {  	[spmem:s3] =	stream.indirect.scatter.add.f32 [tilespmem:s20], [sflag:$0x3], $0x80, s19, s19, $0xb8;
	[tilespmem:$0x1C400] =	vst v63  }
0x59: {  	_ =	swait.ge [sflag:s25], $0x4000  }
0x5a: {  	[sflag:s25] =	ssyncset.done $0x0  }
0x5b: {  	[sflag:s25] =	ssyncadd.s32 $0xFFFFC000  }
0x5c: {  	[spmem:s3] =	stream.indirect.scatter.add.f32 [tilespmem:s22], [sflag:$0x4], $0x80, s26, s19, $0xb8;
	[tilespmem:$0x1C400] =	vst v63  }
0x5d: {  	_ =	swait.ge [sflag:s28], $0x4000  }
0x5e: {  	[sflag:s28] =	ssyncset.done $0x0  }
0x5f: {  	[sflag:s28] =	ssyncadd.s32 $0xFFFFC000  }
0x60: {  	[tilespmem:s20], [sflag:$0x1] =	stream.indirect.gather [hbm4b:s1+s19], $0x80, s23, s19, $0xb8;
	[tilespmem:$0x1C400] =	vst v63  }
0x61: {  	_ =	swait.ge [sflag:s29], $0x4000  }
0x62: {  	[sflag:s29] =	ssyncset.done $0x0  }
0x63: {  	[sflag:s29] =	ssyncadd.s32 $0xFFFFC000  }
0x64: {  	[tilespmem:s22], [sflag:$0x2] =	stream.indirect.gather [hbm4b:s1+s19], $0x80, s30, s19, $0xb8;
	[tilespmem:$0x1C400] =	vst v63  }
0x65: {  	_ = 	snop  }
0x66: {  	[tilespmem:s4], [sflag:$0x5] =	stream.linear.gather [hbm4b:s16+s4], $0x200, $0x38;
	[tilespmem:$0x1C400] =	vst v63  }
0x67: {  	_ =	swait.ge [sflag:s18], $0x200  }
0x68: {  	[sflag:s18] =	ssyncset.done $0x0  }
0x69: {  	[sflag:s18] =	ssyncadd.s32 $0xFFFFFE00  }
0x6a: {  	_ =	swait.ge [sflag:s24], $0x4000  }
0x6b: {  	p1 =	sne.s32 s7, $0x1;
	[sflag:s24] =	ssyncset.done $0x0  }
.Ltmp0:
0x6c: {  	[sflag:s24] =	ssyncadd.s32 $0xFFFFC000;
	(pc) =	sbr.rel @!p1 .LBB2_3-.Ltmp0, $4  }
0x6d: {  	[spmem:s3] =	stream.indirect.scatter.add.f32 [tilespmem:s20], [sflag:$0x3], $0x80, s31, s19, $0xb8;
	[tilespmem:$0x1C400] =	vst v63  }
0x6e: {  	_ =	swait.ge [sflag:s25], $0x4000  }
0x6f: {  	s11 =	sadd.s32 $0x1000, s16;
	s9 =	sadd.s32 $0xFFFFF000, s14;
	[sflag:s25] =	ssyncset.done $0x0  }
0x70: {  	s10 =	sadd.s32 $0x1000, s15;
	s5 =	simm.s32 $0x1;
	[sflag:s25] =	ssyncadd.s32 $0xFFFFC000  }
.LBB2_2:
0x71: {  	[spmem:s3] =	stream.indirect.scatter.add.f32 [tilespmem:s22], [sflag:$0x4], $0x80, s0, s19, $0xb8;
	[tilespmem:$0x1C400] =	vst v63  }
0x72: {  	s5 =	sadd.s32 $0x1, s5;
	_ =	swait.ge [sflag:s28], $0x4000  }
0x73: {  	p1 =	sne.s32 s7, s5;
	[sflag:s28] =	ssyncset.done $0x0  }
0x74: {  	[sflag:s28] =	ssyncadd.s32 $0xFFFFC000  }
0x75: {  	_ =	swait.ge [sflag:s29], $0x4000  }
0x76: {  	[sflag:s29] =	ssyncset.done $0x0  }
0x77: {  	[sflag:s29] =	ssyncadd.s32 $0xFFFFC000  }
0x78: {  	[tilespmem:s20], [sflag:$0x1] =	stream.indirect.gather [hbm4b:s1+s19], $0x80, s4, s19, $0xb8;
	[tilespmem:$0x1C400] =	vst v63  }
0x79: {  	_ = 	snop  }
0x7a: {  	[tilespmem:s22], [sflag:$0x2] =	stream.indirect.gather [hbm4b:s1+s19], $0x80, s21, s19, $0xb8;
	[tilespmem:$0x1C400] =	vst v63  }
0x7b: {  	_ = 	snop  }
0x7c: {  	[tilespmem:s23], [sflag:$0x5] =	stream.linear.gather [hbm4b:s10+s4], $0x200, $0x38;
	[tilespmem:$0x1C400] =	vst v63  }
0x7d: {  	_ =	swait.ge [sflag:s18], $0x200  }
0x7e: {  	[sflag:s18] =	ssyncset.done $0x0  }
0x7f: {  	[sflag:s18] =	ssyncadd.s32 $0xFFFFFE00  }
0x80: {  	_ =	swait.ge [sflag:s24], $0x4000  }
0x81: {  	[sflag:s24] =	ssyncset.done $0x0  }
0x82: {  	[sflag:s24] =	ssyncadd.s32 $0xFFFFC000  }
0x83: {  	[spmem:s3] =	stream.indirect.scatter.add.f32 [tilespmem:s20], [sflag:$0x3], $0x80, s19, s19, $0xb8;
	[tilespmem:$0x1C400] =	vst v63  }
0x84: {  	_ =	swait.ge [sflag:s25], $0x4000  }
0x85: {  	[sflag:s25] =	ssyncset.done $0x0  }
0x86: {  	[sflag:s25] =	ssyncadd.s32 $0xFFFFC000  }
0x87: {  	[spmem:s3] =	stream.indirect.scatter.add.f32 [tilespmem:s22], [sflag:$0x4], $0x80, s26, s19, $0xb8;
	[tilespmem:$0x1C400] =	vst v63  }
0x88: {  	_ =	swait.ge [sflag:s28], $0x4000  }
0x89: {  	[sflag:s28] =	ssyncset.done $0x0  }
0x8a: {  	[sflag:s28] =	ssyncadd.s32 $0xFFFFC000  }
0x8b: {  	[tilespmem:s20], [sflag:$0x1] =	stream.indirect.gather [hbm4b:s1+s19], $0x80, s23, s19, $0xb8;
	[tilespmem:$0x1C400] =	vst v63  }
0x8c: {  	_ =	swait.ge [sflag:s29], $0x4000  }
0x8d: {  	[sflag:s29] =	ssyncset.done $0x0  }
0x8e: {  	[sflag:s29] =	ssyncadd.s32 $0xFFFFC000  }
0x8f: {  	[tilespmem:s22], [sflag:$0x2] =	stream.indirect.gather [hbm4b:s1+s19], $0x80, s30, s19, $0xb8;
	[tilespmem:$0x1C400] =	vst v63  }
0x90: {  	_ = 	snop  }
0x91: {  	[tilespmem:s4], [sflag:$0x5] =	stream.linear.gather [hbm4b:s11+s4], $0x200, $0x38;
	[tilespmem:$0x1C400] =	vst v63  }
0x92: {  	_ =	swait.ge [sflag:s18], $0x200  }
0x93: {  	[sflag:s18] =	ssyncset.done $0x0  }
0x94: {  	[sflag:s18] =	ssyncadd.s32 $0xFFFFFE00  }
0x95: {  	_ =	swait.ge [sflag:s24], $0x4000  }
0x96: {  	[sflag:s24] =	ssyncset.done $0x0  }
.Ltmp1:
0x97: {  	[sflag:s24] =	ssyncadd.s32 $0xFFFFC000;
	(pc) =	sbr.rel @p1 .LBB2_2-.Ltmp1, $4  }
0x98: {  	[spmem:s3] =	stream.indirect.scatter.add.f32 [tilespmem:s20], [sflag:$0x3], $0x80, s31, s19, $0xb8;
	[tilespmem:$0x1C400] =	vst v63  }
0x99: {  	_ =	swait.ge [sflag:s25], $0x4000  }
0x9a: {  	s11 =	sadd.s32 $0x1000, s11;
	[sflag:s25] =	ssyncset.done $0x0  }
0x9b: {  	s9 =	sadd.s32 $0xFFFFF000, s9;
	s10 =	sadd.s32 $0x1000, s10;
	[sflag:s25] =	ssyncadd.s32 $0xFFFFC000  }
.LBB2_3:
0x9c: {  	[spmem:s3] =	stream.indirect.scatter.add.f32 [tilespmem:s22], [sflag:$0x4], $0x80, s0, s19, $0xb8;
	[tilespmem:$0x1C400] =	vst v63  }
0x9d: {  	_ =	swait.ge [sflag:s28], $0x4000  }
0x9e: {  	[sflag:s28] =	ssyncset.done $0x0  }
0x9f: {  	[sflag:s28] =	ssyncadd.s32 $0xFFFFC000  }
0xa0: {  	_ =	swait.ge [sflag:s29], $0x4000  }
0xa1: {  	[sflag:s29] =	ssyncset.done $0x0  }
0xa2: {  	[sflag:s29] =	ssyncadd.s32 $0xFFFFC000  }
0xa3: {  	[tilespmem:s20], [sflag:$0x1] =	stream.indirect.gather [hbm4b:s1+s19], $0x80, s4, s19, $0xb8;
	[tilespmem:$0x1C400] =	vst v63  }
0xa4: {  	_ = 	snop  }
0xa5: {  	[tilespmem:s22], [sflag:$0x2] =	stream.indirect.gather [hbm4b:s1+s19], $0x80, s21, s19, $0xb8;
	[tilespmem:$0x1C400] =	vst v63  }
0xa6: {  	_ = 	snop  }
0xa7: {  	[tilespmem:s23], [sflag:$0x5] =	stream.linear.gather [hbm4b:s10+s4], $0x200, $0x38;
	[tilespmem:$0x1C400] =	vst v63  }
0xa8: {  	_ =	swait.ge [sflag:s18], $0x200  }
0xa9: {  	[sflag:s18] =	ssyncset.done $0x0  }
0xaa: {  	[sflag:s18] =	ssyncadd.s32 $0xFFFFFE00  }
0xab: {  	_ =	swait.ge [sflag:s24], $0x4000  }
0xac: {  	[sflag:s24] =	ssyncset.done $0x0  }
0xad: {  	[sflag:s24] =	ssyncadd.s32 $0xFFFFC000  }
0xae: {  	[spmem:s3] =	stream.indirect.scatter.add.f32 [tilespmem:s20], [sflag:$0x3], $0x80, s19, s19, $0xb8;
	[tilespmem:$0x1C400] =	vst v63  }
0xaf: {  	_ =	swait.ge [sflag:s25], $0x4000  }
0xb0: {  	[sflag:s25] =	ssyncset.done $0x0  }
0xb1: {  	[sflag:s25] =	ssyncadd.s32 $0xFFFFC000  }
0xb2: {  	[spmem:s3] =	stream.indirect.scatter.add.f32 [tilespmem:s22], [sflag:$0x4], $0x80, s26, s19, $0xb8;
	[tilespmem:$0x1C400] =	vst v63  }
0xb3: {  	_ =	swait.ge [sflag:s28], $0x4000  }
0xb4: {  	[sflag:s28] =	ssyncset.done $0x0  }
0xb5: {  	[sflag:s28] =	ssyncadd.s32 $0xFFFFC000  }
0xb6: {  	[tilespmem:s20], [sflag:$0x1] =	stream.indirect.gather [hbm4b:s1+s19], $0x80, s23, s19, $0xb8;
	[tilespmem:$0x1C400] =	vst v63  }
0xb7: {  	_ =	swait.ge [sflag:s29], $0x4000  }
0xb8: {  	[sflag:s29] =	ssyncset.done $0x0  }
0xb9: {  	p1 =	sge.u32 s5, s7;
	[sflag:s29] =	ssyncadd.s32 $0xFFFFC000  }
0xba: {  	[tilespmem:s22], [sflag:$0x2] =	stream.indirect.gather [hbm4b:s1+s19], $0x80, s30, s19, $0xb8;
	[tilespmem:$0x1C400] =	vst v63  }
0xbb: {  	s5 =	ssub.s32 @!p1 $0x0, s9;
	s9 =	simm.s32 @!p1 $0x0  }
0xbc: {  	[tilespmem:s9], [sflag:$0x5] =	stream.linear.gather @!p1 [hbm4b:s5+s9], $0x200, $0x38;
	[tilespmem:$0x1C400] =	vst v63  }
0xbd: {  	s5 =	simm.s32 @!p1 $0x5  }
0xbe: {  	_ =	swait.ge @!p1 [sflag:s5], $0x200  }
0xbf: {  	[sflag:s5] =	ssyncset.done @!p1 $0x0  }
0xc0: {  	[sflag:s5] =	ssyncadd.s32 @!p1 $0xFFFFFE00  }
0xc1: {  	_ =	swait.ge [sflag:s24], $0x4000  }
0xc2: {  	[sflag:s24] =	ssyncset.done $0x0  }
0xc3: {  	[sflag:s24] =	ssyncadd.s32 $0xFFFFC000  }
0xc4: {  	[spmem:s3] =	stream.indirect.scatter.add.f32 [tilespmem:s20], [sflag:$0x3], $0x80, s31, s19, $0xb8;
	[tilespmem:$0x1C400] =	vst v63  }
0xc5: {  	_ =	swait.ge [sflag:s25], $0x4000  }
0xc6: {  	[sflag:s25] =	ssyncset.done $0x0  }
0xc7: {  	[sflag:s25] =	ssyncadd.s32 $0xFFFFC000  }
0xc8: {  	[spmem:s3] =	stream.indirect.scatter.add.f32 [tilespmem:s22], [sflag:$0x4], $0x80, s0, s19, $0xb8;
	[tilespmem:$0x1C400] =	vst v63  }
0xc9: {  	_ =	swait.ge [sflag:s28], $0x4000  }
0xca: {  	[sflag:s28] =	ssyncset.done $0x0  }
0xcb: {  	[sflag:s28] =	ssyncadd.s32 $0xFFFFC000  }
0xcc: {  	_ =	swait.ge [sflag:s29], $0x4000  }
0xcd: {  	[sflag:s29] =	ssyncset.done $0x0  }
0xce: {  	s5 =	simm.s32 @!p0 $0x0;
	s9 =	rddreg [dreg:$0x5];
	[sflag:s29] =	ssyncadd.s32 $0xFFFFC000  }
0xcf: {  	[tilespmem:s5], [sflag:$0x5] =	stream.linear.gather @!p0 [hbm4b:s9+s5], $0x200, $0x38;
	[tilespmem:$0x1C400] =	vst v63  }
0xd0: {  	s9 =	simm.s32 @!p0 $0x5  }
0xd1: {  	_ =	swait.ge @!p0 [sflag:s9], $0x200  }
0xd2: {  	[sflag:s9] =	ssyncset.done @!p0 $0x0  }
0xd3: {  	s10 =	simm.s32 @!p0 $0x400;
	[sflag:s9] =	ssyncadd.s32 @!p0 $0xFFFFFE00;
	s9 =	simm.s32 @!p0 $0x80  }
0xd4: {  	[tilespmem:s10], [sflag:$0x1] =	stream.indirect.gather @!p0 [hbm4b:s1+s9], $0x80, s5, s9, $0xb8;
	[tilespmem:$0x1C400] =	vst v63  }
0xd5: {  	s11 =	simm.s32 @!p0 $0x4400;
	s5 =	simm.s32 @!p0 $0x100  }
0xd6: {  	[tilespmem:s11], [sflag:$0x2] =	stream.indirect.gather @!p0 [hbm4b:s1+s9], $0x80, s5, s9, $0xb8;
	[tilespmem:$0x1C400] =	vst v63  }
0xd7: {  	s5 =	simm.s32 @!p0 $0x1  }
0xd8: {  	_ =	swait.ge @!p0 [sflag:s5], $0x4000  }
0xd9: {  	[sflag:s5] =	ssyncset.done @!p0 $0x0  }
0xda: {  	[sflag:s5] =	ssyncadd.s32 @!p0 $0xFFFFC000;
	s5 =	simm.s32 @!p0 $0x2  }
0xdb: {  	[spmem:s3] =	stream.indirect.scatter.add.f32 @!p0 [tilespmem:s10], [sflag:$0x3], $0x80, s9, s9, $0xb8;
	[tilespmem:$0x1C400] =	vst v63  }
0xdc: {  	_ =	swait.ge @!p0 [sflag:s5], $0x4000  }
0xdd: {  	[sflag:s5] =	ssyncset.done @!p0 $0x0  }
0xde: {  	[sflag:s5] =	ssyncadd.s32 @!p0 $0xFFFFC000;
	s5 =	simm.s32 @!p0 $0x180  }
0xdf: {  	[spmem:s3] =	stream.indirect.scatter.add.f32 @!p0 [tilespmem:s11], [sflag:$0x4], $0x80, s5, s9, $0xb8;
	[tilespmem:$0x1C400] =	vst v63  }
0xe0: {  	s5 =	simm.s32 @!p0 $0x3  }
0xe1: {  	_ =	swait.ge @!p0 [sflag:s5], $0x4000  }
0xe2: {  	[sflag:s5] =	ssyncset.done @!p0 $0x0  }
0xe3: {  	[sflag:s5] =	ssyncadd.s32 @!p0 $0xFFFFC000;
	s5 =	simm.s32 @!p0 $0x4  }
0xe4: {  	_ =	swait.ge @!p0 [sflag:s5], $0x4000  }
0xe5: {  	[sflag:s5] =	ssyncset.done @!p0 $0x0  }
0xe6: {  	[sflag:s5] =	ssyncadd.s32 @!p0 $0xFFFFC000  }
0xe7: {  	[bflag:$0x0] =	sbarrier.arrive $0xFFFF  }
0xe8: {  	s10 =	rddreg [dreg:$0x6]  }
0xe9: {  	[hbm:s10], [sflag:s6] =	dma.local [spmem:s17], $0x2800  }
0xea: {  	_ =	swait.ge [sflag:s18], $0x2800  }
0xeb: {  	s2 =	sadd.s32 $0x1, s2;
	s11 =	rddreg [dreg:$0x7]  }
0xec: {  	p1 =	sne.s32 s2, s11  }
.Ltmp2:
0xed: {  	_ = 	snop;
	(pc) =	sbr.rel @p1 .LBB2_1-.Ltmp2, $3  }
0xee: {  	_ =	sdelay $0x1  }
0xef: {  	[sflag:s18] =	ssyncset.done $0x0  }
0xf0: {  	[sflag:s18] =	ssyncadd.s32 $0xFFFFD800  }
0xf1: {  	_ =	sfence.sel $0x180000  }
0xf2: {  	[bflag:$0x0] =	sbarrier.arrive $0xFFFF  }
0xf3: {  	_ =	strace $0x90000050  }
0xf4: {  	s0 =	stileid.u32;
	[bflag:$0x2] =	sbarrier.arrive $0xFFFF  }
0xf5: {  	p0 =	sne.s32 s0, $0x0;
	s0 =	rddreg [dreg:$0x3]  }
0xf6: {  	s0 =	sadd.s32 @!p0 $0x100000, s0  }
0xf7: {  	[sflag:s0] =	ssyncadd.tile.s32 @!p0 $0x1;
	_ =	shalt  }
.Lfunc_end2:
_tile_overlayer_lowered:
.L_overlay_start_2:
0xf8: {  	(tag) =	ssettag $0x2  }
0xf9: {  	s0 =	rddreg [dreg:$0x0];
	s2 =	stileid.u32  }
0xfa: {  	s1 =	rddreg [dreg:$0x1];
	p0 =	sne.s32 s2, $0x0  }
0xfb: {  	s3 =	rddreg [dreg:$0x2];
	[bflag:$0x3] =	sbarrier.arrive $0xFFFF;
	s2 =	simm.s32 @!p0 $0x1C05  }
0xfc: {  	[timem:s3], [sflag:s2] =	dma.local @!p0 [hbm:s0], s1  }
0xfd: {  	s0 =	simm.s32 @!p0 $0x5  }
0xfe: {  	_ =	swait.ge @!p0 [sflag:s0], s1  }
0xff: {  	s1 =	ssub.s32 @!p0 $0x0, s1;
	[sflag:s0] =	ssyncset.done @!p0 $0x0  }
0x100: {  	[sflag:s0] =	ssyncadd.s32 @!p0 s1  }
0x101: {  	[bflag:$0x3] =	sbarrier.arrive $0xFFFF  }
0x102: {  	_ =	shalt  }

</sc_bundles>
